<compile_context>
chip_gen: v7x
topology: tpu7x:2x2x1
jax: 0.10.2.dev20260603
libtpu: 0.0.44.dev20260713+nightly
codegen_flags: <defaults>
</compile_context>

<pallas_src>
import functools

import jax
import jax.numpy as jnp
from jax import lax
from jax.experimental import pallas as pl
from jax.experimental.pallas import tpu as pltpu
from jax.experimental.pallas import tpu_sc as plsc

OFF = 2600000
NONE_HOT = 26
NMULTI = 200
EMB = 16
PACK = 128 // EMB
CHUNK = 128
PACK_R = 4096
BM = 512



def _pack_body(wt_ref, out_ref):
    cat = jnp.concatenate(
        [wt_ref[:, pl.ds(PACK_R * u, PACK_R)] for u in range(PACK)], axis=0)
    out_ref[...] = cat.T


@functools.cache
def _make_pack(nblk):
    return pl.pallas_call(
        _pack_body,
        grid=(nblk,),
        in_specs=[
            pl.BlockSpec((EMB, PACK * PACK_R), lambda i: (0, i)),
        ],
        out_specs=pl.BlockSpec((PACK_R, 128), lambda i: (i, 0)),
        out_shape=jax.ShapeDtypeStruct((nblk * PACK_R, 128), jnp.float32),
    )



def _sc_gather_body(gidx_hbm, g2_hbm, r_hbm, c_hbm, ftab, emb_hbm, fc_hbm,
                    gid_v, g2_v, r_v, be0, be1, bf0, bf1, ext, fcext,
                    se0, se1, sf0, sf1):
    nch = gidx_hbm.shape[0] // 32
    wid = lax.axis_index("s") * 2 + lax.axis_index("c")
    pltpu.sync_copy(gidx_hbm.at[pl.ds(wid * nch, nch)], gid_v)
    pltpu.sync_copy(g2_hbm.at[pl.ds(wid * nch, nch)], g2_v)
    pltpu.sync_copy(r_hbm.at[pl.ds(wid * nch, nch)], r_v)
    base = wid * nch * CHUNK
    i16 = lax.iota(jnp.int32, 16)

    def start(c, be, bf, se, sf):
        pltpu.make_async_copy(c_hbm.at[gid_v.at[c]], be, se).start()
        pltpu.make_async_copy(ftab.at[g2_v.at[c]], bf, sf).start()

    def wait(c, be, bf, se, sf):
        pltpu.make_async_copy(c_hbm.at[gid_v.at[c]], be, se).wait()
        pltpu.make_async_copy(ftab.at[g2_v.at[c]], bf, sf).wait()

    def process(c, be, bf):
        for g in range(CHUNK // 16):
            r16 = r_v[c, pl.ds(g * 16, 16)]
            rows = g * 16 + i16
            col0 = ((r16 >> (PACK_R.bit_length() - 1)) & (PACK - 1)) * EMB
            for cc in range(EMB):
                v = plsc.load_gather(be, [rows, col0 + cc])
                plsc.store_scatter(ext, [i16 * EMB + (g * 16 * EMB + cc)], v)
            fcv = plsc.load_gather(bf, [rows, r16 & 127])
            plsc.store_scatter(fcext, [c * CHUNK + g * 16 + i16], fcv)
        pltpu.sync_copy(
            ext, emb_hbm.at[pl.ds((base + c * CHUNK) * EMB, CHUNK * EMB)])

    start(0, be0, bf0, se0, sf0)

    def body(k, carry):
        c0 = 2 * k
        start(c0 + 1, be1, bf1, se1, sf1)
        wait(c0, be0, bf0, se0, sf0)
        process(c0, be0, bf0)

        @pl.when(c0 + 2 < nch)
        def _():
            start(c0 + 2, be0, bf0, se0, sf0)

        wait(c0 + 1, be1, bf1, se1, sf1)
        process(c0 + 1, be1, bf1)
        return carry

    lax.fori_loop(0, nch // 2, body, 0)
    pltpu.sync_copy(fcext, fc_hbm.at[pl.ds(base, nch * CHUNK)])


@functools.cache
def _make_sc_gather(n_idx):
    nch = n_idx // CHUNK // 32
    mesh = plsc.VectorSubcoreMesh(core_axis_name="c", subcore_axis_name="s")
    return pl.kernel(
        _sc_gather_body,
        mesh=mesh,
        compiler_params=pltpu.CompilerParams(needs_layout_passes=False),
        out_type=[
            jax.ShapeDtypeStruct((n_idx * EMB,), jnp.float32),
            jax.ShapeDtypeStruct((n_idx,), jnp.float32),
        ],
        scratch_types=[
            pltpu.VMEM((nch, CHUNK), jnp.int32),
            pltpu.VMEM((nch, CHUNK), jnp.int32),
            pltpu.VMEM((nch, CHUNK), jnp.int32),
            pltpu.VMEM((CHUNK, 128), jnp.float32),
            pltpu.VMEM((CHUNK, 128), jnp.float32),
            pltpu.VMEM((CHUNK, 128), jnp.float32),
            pltpu.VMEM((CHUNK, 128), jnp.float32),
            pltpu.VMEM((CHUNK * EMB,), jnp.float32),
            pltpu.VMEM((nch * CHUNK,), jnp.float32),
            pltpu.SemaphoreType.DMA,
            pltpu.SemaphoreType.DMA,
            pltpu.SemaphoreType.DMA,
            pltpu.SemaphoreType.DMA,
        ],
    )



def _tc_body(xm_ref, emb_ref, fc_ref, wm_ref, wf_ref, pe_ref, pf_ref, a_ref,
             w1a_ref, w1b_ref, b1_ref, w2_ref, b2_ref, w3_ref, b3_ref,
             w4_ref, b4_ref, out_ref):
    f32 = jnp.float32
    m = (xm_ref[...] != 0).astype(f32)
    me = jnp.dot(m, wm_ref[...], preferred_element_type=f32)
    mf = jnp.dot(m, wf_ref[...], preferred_element_type=f32)
    npad = float(NMULTI) - jnp.sum(m, axis=1, keepdims=True)
    me = me + npad * pe_ref[...]
    mf = mf + npad * pf_ref[...]

    emb = emb_ref[...]
    a = a_ref[...]
    s = jnp.dot(emb, a, preferred_element_type=f32) + me
    sq = jnp.dot(emb * emb, a, preferred_element_type=f32) + me * me
    fm = (jnp.sum(fc_ref[...], axis=1, keepdims=True) + mf
          + 0.5 * jnp.sum(s * s - sq, axis=1, keepdims=True))

    h = jnp.maximum(jnp.dot(emb, w1a_ref[...], preferred_element_type=f32)
                    + jnp.dot(me, w1b_ref[...], preferred_element_type=f32)
                    + b1_ref[...], 0.0)
    h = jnp.maximum(jnp.dot(h, w2_ref[...], preferred_element_type=f32)
                    + b2_ref[...], 0.0)
    h = jnp.maximum(jnp.dot(h, w3_ref[...], preferred_element_type=f32)
                    + b3_ref[...], 0.0)
    mlp = jnp.dot(h, w4_ref[...], preferred_element_type=f32) + b4_ref[...]
    out_ref[...] = jax.nn.sigmoid(fm + mlp)


@functools.cache
def _make_tc(batch):
    nb = batch // BM
    din = NONE_HOT * EMB
    blk = lambda i: (i, 0)
    fix = lambda i: (0, 0)
    return pl.pallas_call(
        _tc_body,
        grid=(nb,),
        in_specs=[
            pl.BlockSpec((BM, NMULTI), blk),
            pl.BlockSpec((BM, din), blk),
            pl.BlockSpec((BM, NONE_HOT), blk),
            pl.BlockSpec((NMULTI, EMB), fix),
            pl.BlockSpec((NMULTI, 1), fix),
            pl.BlockSpec((1, EMB), fix),
            pl.BlockSpec((1, 1), fix),
            pl.BlockSpec((din, EMB), fix),
            pl.BlockSpec((din, 512), fix),
            pl.BlockSpec((EMB, 512), fix),
            pl.BlockSpec((1, 512), fix),
            pl.BlockSpec((512, 256), fix),
            pl.BlockSpec((1, 256), fix),
            pl.BlockSpec((256, 128), fix),
            pl.BlockSpec((1, 128), fix),
            pl.BlockSpec((128, 1), fix),
            pl.BlockSpec((1, 1), fix),
        ],
        out_specs=pl.BlockSpec((BM, 1), blk),
        out_shape=jax.ShapeDtypeStruct((batch, 1), jnp.float32),
    )



def kernel(x, W_emb, W_fc, bias, w1, b1, w2, b2, w3, b3, w4, b4):
    batch = x.shape[0]
    din = NONE_HOT * EMB
    one_hot = x[:, :NONE_HOT]
    xm = x[:, NONE_HOT:]

    f32 = jnp.float32
    span = PACK * PACK_R
    nblk = (OFF + span - 1) // span
    ctab = _make_pack(nblk)(W_emb.T)

    nf = OFF // 128 + 1
    fflat = W_fc.reshape(-1)
    ftab = fflat[:nf * 128].reshape(nf, 128)

    n_idx = batch * NONE_HOT
    flat = one_hot.reshape(-1)
    gidx = ((flat // span) * PACK_R + flat % PACK_R
            ).reshape(n_idx // CHUNK, CHUNK)
    g2 = (flat // 128).reshape(n_idx // CHUNK, CHUNK)
    rfull = flat.reshape(n_idx // CHUNK, CHUNK)
    emb_flat, fc_flat = _make_sc_gather(n_idx)(gidx, g2, rfull, ctab, ftab)
    emb = emb_flat.reshape(batch, din)
    fc = fc_flat.reshape(batch, NONE_HOT)

    def ctab_at(r):
        return (r // span) * PACK_R + r % PACK_R, EMB * ((r // PACK_R) % PACK)
    p0, c0 = ctab_at(OFF + 1)
    wm = lax.slice(ctab, (p0, c0), (p0 + NMULTI, c0 + EMB))
    p1, c1 = ctab_at(OFF)
    pe_row = lax.slice(ctab, (p1, c1), (p1 + 1, c1 + EMB))
    wf = lax.slice(W_fc, (OFF + 1, 0), (OFF + 1 + NMULTI, 1))
    pf_row = lax.slice(W_fc, (OFF, 0), (OFF + 1, 1))
    a = jnp.tile(jnp.eye(EMB, dtype=f32), (NONE_HOT, 1))

    y = _make_tc(batch)(
        xm, emb, fc, wm, wf, pe_row, pf_row, a,
        w1[:din], w1[din:], b1.reshape(1, -1),
        w2, b2.reshape(1, -1), w3, b3.reshape(1, -1),
        w4, (b4 + bias).reshape(1, -1),
    )
    return y[:, 0]

# --- scband reference (transcript-rebuilt; emitter-appended) ---
"""Pipeline reference for scband-deep-fm-10582799417619 (READ-ONLY COPY).

The authoritative reference and input builder live on the scoring server;
editing this copy changes nothing except your own understanding.
"""

import jax, jax.numpy as jnp
import numpy as np

TOTAL = 26 * 100000 + 200  # 2600200
OFFSET = 26 * 100000      # 2600000, padding row
EMB = 16
FIELDS = 27
BATCH = 16384


def setup_inputs(seed: int = 0) -> dict:
    key = jax.random.key(seed)
    ks = jax.random.split(key, 12)
    x = jax.random.randint(ks[0], (BATCH, 226), 0, 2600000, dtype=jnp.int32)
    W_emb = jax.random.normal(ks[1], (TOTAL + 1, EMB), dtype=jnp.float32) * 0.01
    W_emb = W_emb.at[OFFSET].set(0.0)  # padding_idx row
    W_fc = jax.random.normal(ks[2], (TOTAL + 1, 1), dtype=jnp.float32) * 0.01
    W_fc = W_fc.at[OFFSET].set(0.0)
    bias = jnp.zeros((1,), dtype=jnp.float32)
    din = FIELDS * EMB  # 432
    w1 = jax.random.normal(ks[3], (din, 512), dtype=jnp.float32) * (1.0 / np.sqrt(din))
    b1 = jnp.zeros((512,), dtype=jnp.float32)
    w2 = jax.random.normal(ks[4], (512, 256), dtype=jnp.float32) * (1.0 / np.sqrt(512))
    b2 = jnp.zeros((256,), dtype=jnp.float32)
    w3 = jax.random.normal(ks[5], (256, 128), dtype=jnp.float32) * (1.0 / np.sqrt(256))
    b3 = jnp.zeros((128,), dtype=jnp.float32)
    w4 = jax.random.normal(ks[6], (128, 1), dtype=jnp.float32) * (1.0 / np.sqrt(128))
    b4 = jnp.zeros((1,), dtype=jnp.float32)
    return {"x": x, "W_emb": W_emb, "W_fc": W_fc, "bias": bias,
            "w1": w1, "b1": b1, "w2": w2, "b2": b2,
            "w3": w3, "b3": b3, "w4": w4, "b4": b4}


def reference(x, W_emb, W_fc, bias, w1, b1, w2, b2, w3, b3, w4, b4):
    one_hot = x[:, :FIELDS - 1]                      # [B, 26]
    multi = x[:, FIELDS - 1:]                        # [B, 200]
    col = jnp.arange(multi.shape[1], dtype=multi.dtype) + 1
    midx = jnp.where(multi != 0, col[None, :], 0) + OFFSET  # zeros -> padding row

    # embedding_layer
    emb_one = jnp.take(W_emb, one_hot, axis=0)       # [B, 26, EMB]
    emb_multi_sum = jnp.sum(jnp.take(W_emb, midx, axis=0), axis=1)  # [B, EMB]
    embed_x = jnp.concatenate([emb_one, emb_multi_sum[:, None, :]], axis=1)  # [B, 27, EMB]

    # fc_layer
    fc_one = jnp.take(W_fc, one_hot, axis=0)         # [B, 26, 1]
    fc_multi_sum = jnp.sum(jnp.take(W_fc, midx, axis=0), axis=1)    # [B, 1]
    fc_x = jnp.concatenate([fc_one, fc_multi_sum[:, None, :]], axis=1)  # [B, 27, 1]

    # FM part
    fm_y = bias + jnp.sum(fc_x, axis=1)              # [B, 1]
    square_of_sum = jnp.sum(embed_x, axis=1) ** 2    # [B, EMB]
    sum_of_square = jnp.sum(embed_x ** 2, axis=1)    # [B, EMB]
    fm_y = fm_y + 0.5 * jnp.sum(square_of_sum - sum_of_square, axis=1, keepdims=True)

    # MLP part (dropout is identity at inference)
    h = embed_x.reshape(x.shape[0], -1)              # [B, 432]
    h = jax.nn.relu(h @ w1 + b1)
    h = jax.nn.relu(h @ w2 + b2)
    h = jax.nn.relu(h @ w3 + b3)
    mlp_y = h @ w4 + b4                              # [B, 1]

    y = jax.nn.sigmoid(fm_y[:, 0] + mlp_y[:, 0])     # [B]
    return y

if __name__ == "__main__":
    import jax
    _d = setup_inputs()
    print(jax.jit(kernel)(*tuple(_d.values())))

</pallas_src>

<mosaic_0001>
#map = affine_map<(d0, d1) -> (0, 0)>
#map1 = affine_map<(d0, d1) -> (0)>
module attributes {stable_mosaic.version = 14 : i64} {
  func.func @_sc_gather_body(%arg0: i32, %arg1: i32, %arg2: memref<3328x128xi32, #tpu.memory_space<hbm>>, %arg3: memref<3328x128xi32, #tpu.memory_space<hbm>>, %arg4: memref<3328x128xi32, #tpu.memory_space<hbm>>, %arg5: memref<327680x128xf32, #tpu.memory_space<hbm>>, %arg6: memref<20313x128xf32, #tpu.memory_space<hbm>>, %arg7: memref<6815744xf32, #tpu.memory_space<hbm>>, %arg8: memref<425984xf32, #tpu.memory_space<hbm>>, %arg9: memref<104x128xi32, #tpu.memory_space<vmem>>, %arg10: memref<104x128xi32, #tpu.memory_space<vmem>>, %arg11: memref<104x128xi32, #tpu.memory_space<vmem>>, %arg12: memref<128x128xf32, #tpu.memory_space<vmem>>, %arg13: memref<128x128xf32, #tpu.memory_space<vmem>>, %arg14: memref<128x128xf32, #tpu.memory_space<vmem>>, %arg15: memref<128x128xf32, #tpu.memory_space<vmem>>, %arg16: memref<2048xf32, #tpu.memory_space<vmem>>, %arg17: memref<13312xf32, #tpu.memory_space<vmem>>, %arg18: memref<!tpu.dma_semaphore, #tpu.memory_space<semaphore_mem>>, %arg19: memref<!tpu.dma_semaphore, #tpu.memory_space<semaphore_mem>>, %arg20: memref<!tpu.dma_semaphore, #tpu.memory_space<semaphore_mem>>, %arg21: memref<!tpu.dma_semaphore, #tpu.memory_space<semaphore_mem>>) attributes {dimension_semantics = [#tpu.dimension_semantics<core_parallel>, #tpu.dimension_semantics<subcore_parallel>], iteration_bounds = array<i64: 2, 16>, scalar_prefetch = 0 : i64, scratch_operands = 13 : i64, tpu.core_type = #tpu.core_type<sc_vector_subcore>, window_params = [{transform_indices = #map}, {transform_indices = #map}, {transform_indices = #map}, {transform_indices = #map}, {transform_indices = #map}, {transform_indices = #map1}, {transform_indices = #map1}]} {
    %mul3A = arith.constant 2 : i32
    %mul3A_0 = arith.muli %arg1, %mul3A : i32
    %add3A = arith.addi %mul3A_0, %arg0 : i32
    %mul3A_1 = arith.constant 104 : i32
    %mul3A_2 = arith.muli %add3A, %mul3A_1 : i32
    "tpu.region"() ({
      %run_scoped3A = tpu.sem_alloc : memref<!tpu.dma_semaphore, #tpu.memory_space<semaphore_mem>>
      %dma_start3A_29 = arith.constant 0 : i32
      %dma_start3A_30 = tpu.memref_slice %arg2[%mul3A_2, %dma_start3A_29] : memref<3328x128xi32, #tpu.memory_space<hbm>> -> memref<104x128xi32, #tpu.memory_space<hbm>>
      %dma_start3A_31 = arith.constant 0 : i32
      %dma_start3A_32 = tpu.memref_slice %arg2[%mul3A_2, %dma_start3A_31] : memref<3328x128xi32, #tpu.memory_space<hbm>> -> memref<104x128xi32, #tpu.memory_space<hbm>>
      tpu.enqueue_dma source(%dma_start3A_32 : memref<104x128xi32, #tpu.memory_space<hbm>>) target(%arg9 : memref<104x128xi32, #tpu.memory_space<vmem>>) target_semaphore(%run_scoped3A : memref<!tpu.dma_semaphore, #tpu.memory_space<semaphore_mem>>)
      %dma_wait3A = arith.constant 0 : i32
      %dma_wait3A_33 = tpu.memref_slice %arg2[%mul3A_2, %dma_wait3A] : memref<3328x128xi32, #tpu.memory_space<hbm>> -> memref<104x128xi32, #tpu.memory_space<hbm>>
      %dma_wait3A_34 = arith.constant 0 : i32
      %dma_wait3A_35 = tpu.memref_slice %arg2[%mul3A_2, %dma_wait3A_34] : memref<3328x128xi32, #tpu.memory_space<hbm>> -> memref<104x128xi32, #tpu.memory_space<hbm>>
      tpu.wait_dma2 semaphore(%run_scoped3A : memref<!tpu.dma_semaphore, #tpu.memory_space<semaphore_mem>>) src(%dma_wait3A_35 : memref<104x128xi32, #tpu.memory_space<hbm>>) dst(%arg9 : memref<104x128xi32, #tpu.memory_space<vmem>>)
      tpu.yield
    }) : () -> ()
    %mul3A_3 = arith.constant 104 : i32
    %mul3A_4 = arith.muli %add3A, %mul3A_3 : i32
    "tpu.region"() ({
      %run_scoped3A = tpu.sem_alloc : memref<!tpu.dma_semaphore, #tpu.memory_space<semaphore_mem>>
      %dma_start3A_29 = arith.constant 0 : i32
      %dma_start3A_30 = tpu.memref_slice %arg3[%mul3A_4, %dma_start3A_29] : memref<3328x128xi32, #tpu.memory_space<hbm>> -> memref<104x128xi32, #tpu.memory_space<hbm>>
      %dma_start3A_31 = arith.constant 0 : i32
      %dma_start3A_32 = tpu.memref_slice %arg3[%mul3A_4, %dma_start3A_31] : memref<3328x128xi32, #tpu.memory_space<hbm>> -> memref<104x128xi32, #tpu.memory_space<hbm>>
      tpu.enqueue_dma source(%dma_start3A_32 : memref<104x128xi32, #tpu.memory_space<hbm>>) target(%arg10 : memref<104x128xi32, #tpu.memory_space<vmem>>) target_semaphore(%run_scoped3A : memref<!tpu.dma_semaphore, #tpu.memory_space<semaphore_mem>>)
      %dma_wait3A = arith.constant 0 : i32
      %dma_wait3A_33 = tpu.memref_slice %arg3[%mul3A_4, %dma_wait3A] : memref<3328x128xi32, #tpu.memory_space<hbm>> -> memref<104x128xi32, #tpu.memory_space<hbm>>
      %dma_wait3A_34 = arith.constant 0 : i32
      %dma_wait3A_35 = tpu.memref_slice %arg3[%mul3A_4, %dma_wait3A_34] : memref<3328x128xi32, #tpu.memory_space<hbm>> -> memref<104x128xi32, #tpu.memory_space<hbm>>
      tpu.wait_dma2 semaphore(%run_scoped3A : memref<!tpu.dma_semaphore, #tpu.memory_space<semaphore_mem>>) src(%dma_wait3A_35 : memref<104x128xi32, #tpu.memory_space<hbm>>) dst(%arg10 : memref<104x128xi32, #tpu.memory_space<vmem>>)
      tpu.yield
    }) : () -> ()
    %mul3A_5 = arith.constant 104 : i32
    %mul3A_6 = arith.muli %add3A, %mul3A_5 : i32
    "tpu.region"() ({
      %run_scoped3A = tpu.sem_alloc : memref<!tpu.dma_semaphore, #tpu.memory_space<semaphore_mem>>
      %dma_start3A_29 = arith.constant 0 : i32
      %dma_start3A_30 = tpu.memref_slice %arg4[%mul3A_6, %dma_start3A_29] : memref<3328x128xi32, #tpu.memory_space<hbm>> -> memref<104x128xi32, #tpu.memory_space<hbm>>
      %dma_start3A_31 = arith.constant 0 : i32
      %dma_start3A_32 = tpu.memref_slice %arg4[%mul3A_6, %dma_start3A_31] : memref<3328x128xi32, #tpu.memory_space<hbm>> -> memref<104x128xi32, #tpu.memory_space<hbm>>
      tpu.enqueue_dma source(%dma_start3A_32 : memref<104x128xi32, #tpu.memory_space<hbm>>) target(%arg11 : memref<104x128xi32, #tpu.memory_space<vmem>>) target_semaphore(%run_scoped3A : memref<!tpu.dma_semaphore, #tpu.memory_space<semaphore_mem>>)
      %dma_wait3A = arith.constant 0 : i32
      %dma_wait3A_33 = tpu.memref_slice %arg4[%mul3A_6, %dma_wait3A] : memref<3328x128xi32, #tpu.memory_space<hbm>> -> memref<104x128xi32, #tpu.memory_space<hbm>>
      %dma_wait3A_34 = arith.constant 0 : i32
      %dma_wait3A_35 = tpu.memref_slice %arg4[%mul3A_6, %dma_wait3A_34] : memref<3328x128xi32, #tpu.memory_space<hbm>> -> memref<104x128xi32, #tpu.memory_space<hbm>>
      tpu.wait_dma2 semaphore(%run_scoped3A : memref<!tpu.dma_semaphore, #tpu.memory_space<semaphore_mem>>) src(%dma_wait3A_35 : memref<104x128xi32, #tpu.memory_space<hbm>>) dst(%arg11 : memref<104x128xi32, #tpu.memory_space<vmem>>)
      tpu.yield
    }) : () -> ()
    %mul3A_7 = arith.constant 104 : i32
    %mul3A_8 = arith.muli %add3A, %mul3A_7 : i32
    %mul3A_9 = arith.constant 128 : i32
    %mul3A_10 = arith.muli %mul3A_8, %mul3A_9 : i32
    %iota3A = tpu.iota {dimensions = array<i32: 0>} : vector<16xi32>
    %dma_start3A = arith.constant 0 : i32
    %dma_start3A_11 = arith.constant 0 : i32
    %dma_start3A_12 = tpu.memref_slice %arg9[%dma_start3A, %dma_start3A_11] : memref<104x128xi32, #tpu.memory_space<vmem>> -> memref<1x128xi32, #tpu.memory_space<vmem>>
    %dma_start3A_13 = tpu.memref_squeeze %dma_start3A_12 : memref<1x128xi32, #tpu.memory_space<vmem>> -> memref<128xi32, #tpu.memory_space<vmem>>
    %dma_start3A_14 = arith.constant 0 : i32
    %dma_start3A_15 = arith.constant 0 : i32
    %dma_start3A_16 = tpu.memref_slice %arg5[%dma_start3A_14, %dma_start3A_15] : memref<327680x128xf32, #tpu.memory_space<hbm>> -> memref<327680x128xf32, #tpu.memory_space<hbm>>
    tpu.enqueue_indirect_dma source(%dma_start3A_16 : memref<327680x128xf32, #tpu.memory_space<hbm>>) target(%arg12 : memref<128x128xf32, #tpu.memory_space<vmem>>) offsets(%dma_start3A_13 : memref<128xi32, #tpu.memory_space<vmem>>) semaphore(%arg18 : memref<!tpu.dma_semaphore, #tpu.memory_space<semaphore_mem>>)
    %dma_start3A_17 = arith.constant 0 : i32
    %dma_start3A_18 = arith.constant 0 : i32
    %dma_start3A_19 = tpu.memref_slice %arg10[%dma_start3A_17, %dma_start3A_18] : memref<104x128xi32, #tpu.memory_space<vmem>> -> memref<1x128xi32, #tpu.memory_space<vmem>>
    %dma_start3A_20 = tpu.memref_squeeze %dma_start3A_19 : memref<1x128xi32, #tpu.memory_space<vmem>> -> memref<128xi32, #tpu.memory_space<vmem>>
    %dma_start3A_21 = arith.constant 0 : i32
    %dma_start3A_22 = arith.constant 0 : i32
    %dma_start3A_23 = tpu.memref_slice %arg6[%dma_start3A_21, %dma_start3A_22] : memref<20313x128xf32, #tpu.memory_space<hbm>> -> memref<20313x128xf32, #tpu.memory_space<hbm>>
    tpu.enqueue_indirect_dma source(%dma_start3A_23 : memref<20313x128xf32, #tpu.memory_space<hbm>>) target(%arg14 : memref<128x128xf32, #tpu.memory_space<vmem>>) offsets(%dma_start3A_20 : memref<128xi32, #tpu.memory_space<vmem>>) semaphore(%arg20 : memref<!tpu.dma_semaphore, #tpu.memory_space<semaphore_mem>>)
    %scan3A = arith.constant 0 : i32
    %scan3A_24 = arith.constant 0 : i32
    %scan3A_25 = arith.constant 52 : i32
    %scan3A_26 = arith.addi %scan3A_24, %scan3A_25 : i32
    %scan3A_27 = arith.constant 1 : i32
    scf.for %scan3A_29 = %scan3A_24 to %scan3A_26 step %scan3A_27  : i32 {
      %mul3A_30 = arith.constant 2 : i32
      %mul3A_31 = arith.muli %mul3A_30, %scan3A_29 : i32
      %add3A_32 = arith.constant 1 : i32
      %add3A_33 = arith.addi %mul3A_31, %add3A_32 : i32
      %dma_start3A_34 = arith.constant 0 : i32
      %dma_start3A_35 = tpu.memref_slice %arg9[%add3A_33, %dma_start3A_34] : memref<104x128xi32, #tpu.memory_space<vmem>> -> memref<1x128xi32, #tpu.memory_space<vmem>>
      %dma_start3A_36 = tpu.memref_squeeze %dma_start3A_35 : memref<1x128xi32, #tpu.memory_space<vmem>> -> memref<128xi32, #tpu.memory_space<vmem>>
      %dma_start3A_37 = arith.constant 0 : i32
      %dma_start3A_38 = arith.constant 0 : i32
      %dma_start3A_39 = tpu.memref_slice %arg5[%dma_start3A_37, %dma_start3A_38] : memref<327680x128xf32, #tpu.memory_space<hbm>> -> memref<327680x128xf32, #tpu.memory_space<hbm>>
      tpu.enqueue_indirect_dma source(%dma_start3A_39 : memref<327680x128xf32, #tpu.memory_space<hbm>>) target(%arg13 : memref<128x128xf32, #tpu.memory_space<vmem>>) offsets(%dma_start3A_36 : memref<128xi32, #tpu.memory_space<vmem>>) semaphore(%arg19 : memref<!tpu.dma_semaphore, #tpu.memory_space<semaphore_mem>>)
      %dma_start3A_40 = arith.constant 0 : i32
      %dma_start3A_41 = tpu.memref_slice %arg10[%add3A_33, %dma_start3A_40] : memref<104x128xi32, #tpu.memory_space<vmem>> -> memref<1x128xi32, #tpu.memory_space<vmem>>
      %dma_start3A_42 = tpu.memref_squeeze %dma_start3A_41 : memref<1x128xi32, #tpu.memory_space<vmem>> -> memref<128xi32, #tpu.memory_space<vmem>>
      %dma_start3A_43 = arith.constant 0 : i32
      %dma_start3A_44 = arith.constant 0 : i32
      %dma_start3A_45 = tpu.memref_slice %arg6[%dma_start3A_43, %dma_start3A_44] : memref<20313x128xf32, #tpu.memory_space<hbm>> -> memref<20313x128xf32, #tpu.memory_space<hbm>>
      tpu.enqueue_indirect_dma source(%dma_start3A_45 : memref<20313x128xf32, #tpu.memory_space<hbm>>) target(%arg15 : memref<128x128xf32, #tpu.memory_space<vmem>>) offsets(%dma_start3A_42 : memref<128xi32, #tpu.memory_space<vmem>>) semaphore(%arg21 : memref<!tpu.dma_semaphore, #tpu.memory_space<semaphore_mem>>)
      %dma_wait3A = arith.constant 0 : i32
      %dma_wait3A_46 = tpu.memref_slice %arg9[%mul3A_31, %dma_wait3A] : memref<104x128xi32, #tpu.memory_space<vmem>> -> memref<1x128xi32, #tpu.memory_space<vmem>>
      %dma_wait3A_47 = tpu.memref_squeeze %dma_wait3A_46 : memref<1x128xi32, #tpu.memory_space<vmem>> -> memref<128xi32, #tpu.memory_space<vmem>>
      %dma_wait3A_48 = arith.constant 0 : i32
      %dma_wait3A_49 = arith.constant 0 : i32
      %dma_wait3A_50 = tpu.memref_slice %arg5[%dma_wait3A_48, %dma_wait3A_49] : memref<327680x128xf32, #tpu.memory_space<hbm>> -> memref<327680x128xf32, #tpu.memory_space<hbm>>
      tpu.wait_indirect_dma semaphore(%arg18 : memref<!tpu.dma_semaphore, #tpu.memory_space<semaphore_mem>>) src(%dma_wait3A_50 : memref<327680x128xf32, #tpu.memory_space<hbm>>) dst(%arg12 : memref<128x128xf32, #tpu.memory_space<vmem>>)
      %dma_wait3A_51 = arith.constant 0 : i32
      %dma_wait3A_52 = tpu.memref_slice %arg10[%mul3A_31, %dma_wait3A_51] : memref<104x128xi32, #tpu.memory_space<vmem>> -> memref<1x128xi32, #tpu.memory_space<vmem>>
      %dma_wait3A_53 = tpu.memref_squeeze %dma_wait3A_52 : memref<1x128xi32, #tpu.memory_space<vmem>> -> memref<128xi32, #tpu.memory_space<vmem>>
      %dma_wait3A_54 = arith.constant 0 : i32
      %dma_wait3A_55 = arith.constant 0 : i32
      %dma_wait3A_56 = tpu.memref_slice %arg6[%dma_wait3A_54, %dma_wait3A_55] : memref<20313x128xf32, #tpu.memory_space<hbm>> -> memref<20313x128xf32, #tpu.memory_space<hbm>>
      tpu.wait_indirect_dma semaphore(%arg20 : memref<!tpu.dma_semaphore, #tpu.memory_space<semaphore_mem>>) src(%dma_wait3A_56 : memref<20313x128xf32, #tpu.memory_space<hbm>>) dst(%arg14 : memref<128x128xf32, #tpu.memory_space<vmem>>)
      %get3A = arith.index_cast %mul3A_31 : i32 to index
      %get3A_57 = arith.constant 0 : index
      %get3A_58 = tpu.vector_load %arg11[%get3A, %get3A_57] {strides = array<i32>} : memref<104x128xi32, #tpu.memory_space<vmem>>, vector<16xi32>,
      %add3A_59 = arith.constant 0 : i32
      %add3A_60 = vector.broadcast %add3A_59 : i32 to vector<16xi32>
      %add3A_61 = arith.addi %add3A_60, %iota3A : vector<16xi32>
      %shift_right_arithmetic3A = arith.constant 12 : i32
      %shift_right_arithmetic3A_62 = vector.broadcast %shift_right_arithmetic3A : i32 to vector<16xi32>
      %shift_right_arithmetic3A_63 = arith.shrsi %get3A_58, %shift_right_arithmetic3A_62 : vector<16xi32>
      %and3A = arith.constant 7 : i32
      %and3A_64 = vector.broadcast %and3A : i32 to vector<16xi32>
      %and3A_65 = arith.andi %shift_right_arithmetic3A_63, %and3A_64 : vector<16xi32>
      %mul3A_66 = arith.constant 16 : i32
      %mul3A_67 = vector.broadcast %mul3A_66 : i32 to vector<16xi32>
      %mul3A_68 = arith.muli %and3A_65, %mul3A_67 : vector<16xi32>
      %add3A_69 = arith.constant 0 : i32
      %add3A_70 = vector.broadcast %add3A_69 : i32 to vector<16xi32>
      %add3A_71 = arith.addi %mul3A_68, %add3A_70 : vector<16xi32>
      %gather3A = tpu.vector_load_idx %arg12[%add3A_61, %add3A_71] : memref<128x128xf32, #tpu.memory_space<vmem>>[vector<16xi32>, vector<16xi32>], vector<16xf32>,
      %mul3A_72 = arith.constant 16 : i32
      %mul3A_73 = vector.broadcast %mul3A_72 : i32 to vector<16xi32>
      %mul3A_74 = arith.muli %iota3A, %mul3A_73 : vector<16xi32>
      %add3A_75 = arith.constant 0 : i32
      %add3A_76 = vector.broadcast %add3A_75 : i32 to vector<16xi32>
      %add3A_77 = arith.addi %mul3A_74, %add3A_76 : vector<16xi32>
      tpu.vector_store_idx %arg16[%add3A_77], %gather3A : memref<2048xf32, #tpu.memory_space<vmem>>[vector<16xi32>], vector<16xf32>,
      %add3A_78 = arith.constant 1 : i32
      %add3A_79 = vector.broadcast %add3A_78 : i32 to vector<16xi32>
      %add3A_80 = arith.addi %mul3A_68, %add3A_79 : vector<16xi32>
      %gather3A_81 = tpu.vector_load_idx %arg12[%add3A_61, %add3A_80] : memref<128x128xf32, #tpu.memory_space<vmem>>[vector<16xi32>, vector<16xi32>], vector<16xf32>,
      %mul3A_82 = arith.constant 16 : i32
      %mul3A_83 = vector.broadcast %mul3A_82 : i32 to vector<16xi32>
      %mul3A_84 = arith.muli %iota3A, %mul3A_83 : vector<16xi32>
      %add3A_85 = arith.constant 1 : i32
      %add3A_86 = vector.broadcast %add3A_85 : i32 to vector<16xi32>
      %add3A_87 = arith.addi %mul3A_84, %add3A_86 : vector<16xi32>
      tpu.vector_store_idx %arg16[%add3A_87], %gather3A_81 : memref<2048xf32, #tpu.memory_space<vmem>>[vector<16xi32>], vector<16xf32>,
      %add3A_88 = arith.constant 2 : i32
      %add3A_89 = vector.broadcast %add3A_88 : i32 to vector<16xi32>
      %add3A_90 = arith.addi %mul3A_68, %add3A_89 : vector<16xi32>
      %gather3A_91 = tpu.vector_load_idx %arg12[%add3A_61, %add3A_90] : memref<128x128xf32, #tpu.memory_space<vmem>>[vector<16xi32>, vector<16xi32>], vector<16xf32>,
      %mul3A_92 = arith.constant 16 : i32
      %mul3A_93 = vector.broadcast %mul3A_92 : i32 to vector<16xi32>
      %mul3A_94 = arith.muli %iota3A, %mul3A_93 : vector<16xi32>
      %add3A_95 = arith.constant 2 : i32
      %add3A_96 = vector.broadcast %add3A_95 : i32 to vector<16xi32>
      %add3A_97 = arith.addi %mul3A_94, %add3A_96 : vector<16xi32>
      tpu.vector_store_idx %arg16[%add3A_97], %gather3A_91 : memref<2048xf32, #tpu.memory_space<vmem>>[vector<16xi32>], vector<16xf32>,
      %add3A_98 = arith.constant 3 : i32
      %add3A_99 = vector.broadcast %add3A_98 : i32 to vector<16xi32>
      %add3A_100 = arith.addi %mul3A_68, %add3A_99 : vector<16xi32>
      %gather3A_101 = tpu.vector_load_idx %arg12[%add3A_61, %add3A_100] : memref<128x128xf32, #tpu.memory_space<vmem>>[vector<16xi32>, vector<16xi32>], vector<16xf32>,
      %mul3A_102 = arith.constant 16 : i32
      %mul3A_103 = vector.broadcast %mul3A_102 : i32 to vector<16xi32>
      %mul3A_104 = arith.muli %iota3A, %mul3A_103 : vector<16xi32>
      %add3A_105 = arith.constant 3 : i32
      %add3A_106 = vector.broadcast %add3A_105 : i32 to vector<16xi32>
      %add3A_107 = arith.addi %mul3A_104, %add3A_106 : vector<16xi32>
      tpu.vector_store_idx %arg16[%add3A_107], %gather3A_101 : memref<2048xf32, #tpu.memory_space<vmem>>[vector<16xi32>], vector<16xf32>,
      %add3A_108 = arith.constant 4 : i32
      %add3A_109 = vector.broadcast %add3A_108 : i32 to vector<16xi32>
      %add3A_110 = arith.addi %mul3A_68, %add3A_109 : vector<16xi32>
      %gather3A_111 = tpu.vector_load_idx %arg12[%add3A_61, %add3A_110] : memref<128x128xf32, #tpu.memory_space<vmem>>[vector<16xi32>, vector<16xi32>], vector<16xf32>,
      %mul3A_112 = arith.constant 16 : i32
      %mul3A_113 = vector.broadcast %mul3A_112 : i32 to vector<16xi32>
      %mul3A_114 = arith.muli %iota3A, %mul3A_113 : vector<16xi32>
      %add3A_115 = arith.constant 4 : i32
      %add3A_116 = vector.broadcast %add3A_115 : i32 to vector<16xi32>
      %add3A_117 = arith.addi %mul3A_114, %add3A_116 : vector<16xi32>
      tpu.vector_store_idx %arg16[%add3A_117], %gather3A_111 : memref<2048xf32, #tpu.memory_space<vmem>>[vector<16xi32>], vector<16xf32>,
      %add3A_118 = arith.constant 5 : i32
      %add3A_119 = vector.broadcast %add3A_118 : i32 to vector<16xi32>
      %add3A_120 = arith.addi %mul3A_68, %add3A_119 : vector<16xi32>
      %gather3A_121 = tpu.vector_load_idx %arg12[%add3A_61, %add3A_120] : memref<128x128xf32, #tpu.memory_space<vmem>>[vector<16xi32>, vector<16xi32>], vector<16xf32>,
      %mul3A_122 = arith.constant 16 : i32
      %mul3A_123 = vector.broadcast %mul3A_122 : i32 to vector<16xi32>
      %mul3A_124 = arith.muli %iota3A, %mul3A_123 : vector<16xi32>
      %add3A_125 = arith.constant 5 : i32
      %add3A_126 = vector.broadcast %add3A_125 : i32 to vector<16xi32>
      %add3A_127 = arith.addi %mul3A_124, %add3A_126 : vector<16xi32>
      tpu.vector_store_idx %arg16[%add3A_127], %gather3A_121 : memref<2048xf32, #tpu.memory_space<vmem>>[vector<16xi32>], vector<16xf32>,
      %add3A_128 = arith.constant 6 : i32
      %add3A_129 = vector.broadcast %add3A_128 : i32 to vector<16xi32>
      %add3A_130 = arith.addi %mul3A_68, %add3A_129 : vector<16xi32>
      %gather3A_131 = tpu.vector_load_idx %arg12[%add3A_61, %add3A_130] : memref<128x128xf32, #tpu.memory_space<vmem>>[vector<16xi32>, vector<16xi32>], vector<16xf32>,
      %mul3A_132 = arith.constant 16 : i32
      %mul3A_133 = vector.broadcast %mul3A_132 : i32 to vector<16xi32>
      %mul3A_134 = arith.muli %iota3A, %mul3A_133 : vector<16xi32>
      %add3A_135 = arith.constant 6 : i32
      %add3A_136 = vector.broadcast %add3A_135 : i32 to vector<16xi32>
      %add3A_137 = arith.addi %mul3A_134, %add3A_136 : vector<16xi32>
      tpu.vector_store_idx %arg16[%add3A_137], %gather3A_131 : memref<2048xf32, #tpu.memory_space<vmem>>[vector<16xi32>], vector<16xf32>,
      %add3A_138 = arith.constant 7 : i32
      %add3A_139 = vector.broadcast %add3A_138 : i32 to vector<16xi32>
      %add3A_140 = arith.addi %mul3A_68, %add3A_139 : vector<16xi32>
      %gather3A_141 = tpu.vector_load_idx %arg12[%add3A_61, %add3A_140] : memref<128x128xf32, #tpu.memory_space<vmem>>[vector<16xi32>, vector<16xi32>], vector<16xf32>,
      %mul3A_142 = arith.constant 16 : i32
      %mul3A_143 = vector.broadcast %mul3A_142 : i32 to vector<16xi32>
      %mul3A_144 = arith.muli %iota3A, %mul3A_143 : vector<16xi32>
      %add3A_145 = arith.constant 7 : i32
      %add3A_146 = vector.broadcast %add3A_145 : i32 to vector<16xi32>
      %add3A_147 = arith.addi %mul3A_144, %add3A_146 : vector<16xi32>
      tpu.vector_store_idx %arg16[%add3A_147], %gather3A_141 : memref<2048xf32, #tpu.memory_space<vmem>>[vector<16xi32>], vector<16xf32>,
      %add3A_148 = arith.constant 8 : i32
      %add3A_149 = vector.broadcast %add3A_148 : i32 to vector<16xi32>
      %add3A_150 = arith.addi %mul3A_68, %add3A_149 : vector<16xi32>
      %gather3A_151 = tpu.vector_load_idx %arg12[%add3A_61, %add3A_150] : memref<128x128xf32, #tpu.memory_space<vmem>>[vector<16xi32>, vector<16xi32>], vector<16xf32>,
      %mul3A_152 = arith.constant 16 : i32
      %mul3A_153 = vector.broadcast %mul3A_152 : i32 to vector<16xi32>
      %mul3A_154 = arith.muli %iota3A, %mul3A_153 : vector<16xi32>
      %add3A_155 = arith.constant 8 : i32
      %add3A_156 = vector.broadcast %add3A_155 : i32 to vector<16xi32>
      %add3A_157 = arith.addi %mul3A_154, %add3A_156 : vector<16xi32>
      tpu.vector_store_idx %arg16[%add3A_157], %gather3A_151 : memref<2048xf32, #tpu.memory_space<vmem>>[vector<16xi32>], vector<16xf32>,
      %add3A_158 = arith.constant 9 : i32
      %add3A_159 = vector.broadcast %add3A_158 : i32 to vector<16xi32>
      %add3A_160 = arith.addi %mul3A_68, %add3A_159 : vector<16xi32>
      %gather3A_161 = tpu.vector_load_idx %arg12[%add3A_61, %add3A_160] : memref<128x128xf32, #tpu.memory_space<vmem>>[vector<16xi32>, vector<16xi32>], vector<16xf32>,
      %mul3A_162 = arith.constant 16 : i32
      %mul3A_163 = vector.broadcast %mul3A_162 : i32 to vector<16xi32>
      %mul3A_164 = arith.muli %iota3A, %mul3A_163 : vector<16xi32>
      %add3A_165 = arith.constant 9 : i32
      %add3A_166 = vector.broadcast %add3A_165 : i32 to vector<16xi32>
      %add3A_167 = arith.addi %mul3A_164, %add3A_166 : vector<16xi32>
      tpu.vector_store_idx %arg16[%add3A_167], %gather3A_161 : memref<2048xf32, #tpu.memory_space<vmem>>[vector<16xi32>], vector<16xf32>,
      %add3A_168 = arith.constant 10 : i32
      %add3A_169 = vector.broadcast %add3A_168 : i32 to vector<16xi32>
      %add3A_170 = arith.addi %mul3A_68, %add3A_169 : vector<16xi32>
      %gather3A_171 = tpu.vector_load_idx %arg12[%add3A_61, %add3A_170] : memref<128x128xf32, #tpu.memory_space<vmem>>[vector<16xi32>, vector<16xi32>], vector<16xf32>,
      %mul3A_172 = arith.constant 16 : i32
      %mul3A_173 = vector.broadcast %mul3A_172 : i32 to vector<16xi32>
      %mul3A_174 = arith.muli %iota3A, %mul3A_173 : vector<16xi32>
      %add3A_175 = arith.constant 10 : i32
      %add3A_176 = vector.broadcast %add3A_175 : i32 to vector<16xi32>
      %add3A_177 = arith.addi %mul3A_174, %add3A_176 : vector<16xi32>
      tpu.vector_store_idx %arg16[%add3A_177], %gather3A_171 : memref<2048xf32, #tpu.memory_space<vmem>>[vector<16xi32>], vector<16xf32>,
      %add3A_178 = arith.constant 11 : i32
      %add3A_179 = vector.broadcast %add3A_178 : i32 to vector<16xi32>
      %add3A_180 = arith.addi %mul3A_68, %add3A_179 : vector<16xi32>
      %gather3A_181 = tpu.vector_load_idx %arg12[%add3A_61, %add3A_180] : memref<128x128xf32, #tpu.memory_space<vmem>>[vector<16xi32>, vector<16xi32>], vector<16xf32>,
      %mul3A_182 = arith.constant 16 : i32
      %mul3A_183 = vector.broadcast %mul3A_182 : i32 to vector<16xi32>
      %mul3A_184 = arith.muli %iota3A, %mul3A_183 : vector<16xi32>
      %add3A_185 = arith.constant 11 : i32
      %add3A_186 = vector.broadcast %add3A_185 : i32 to vector<16xi32>
      %add3A_187 = arith.addi %mul3A_184, %add3A_186 : vector<16xi32>
      tpu.vector_store_idx %arg16[%add3A_187], %gather3A_181 : memref<2048xf32, #tpu.memory_space<vmem>>[vector<16xi32>], vector<16xf32>,
      %add3A_188 = arith.constant 12 : i32
      %add3A_189 = vector.broadcast %add3A_188 : i32 to vector<16xi32>
      %add3A_190 = arith.addi %mul3A_68, %add3A_189 : vector<16xi32>
      %gather3A_191 = tpu.vector_load_idx %arg12[%add3A_61, %add3A_190] : memref<128x128xf32, #tpu.memory_space<vmem>>[vector<16xi32>, vector<16xi32>], vector<16xf32>,
      %mul3A_192 = arith.constant 16 : i32
      %mul3A_193 = vector.broadcast %mul3A_192 : i32 to vector<16xi32>
      %mul3A_194 = arith.muli %iota3A, %mul3A_193 : vector<16xi32>
      %add3A_195 = arith.constant 12 : i32
      %add3A_196 = vector.broadcast %add3A_195 : i32 to vector<16xi32>
      %add3A_197 = arith.addi %mul3A_194, %add3A_196 : vector<16xi32>
      tpu.vector_store_idx %arg16[%add3A_197], %gather3A_191 : memref<2048xf32, #tpu.memory_space<vmem>>[vector<16xi32>], vector<16xf32>,
      %add3A_198 = arith.constant 13 : i32
      %add3A_199 = vector.broadcast %add3A_198 : i32 to vector<16xi32>
      %add3A_200 = arith.addi %mul3A_68, %add3A_199 : vector<16xi32>
      %gather3A_201 = tpu.vector_load_idx %arg12[%add3A_61, %add3A_200] : memref<128x128xf32, #tpu.memory_space<vmem>>[vector<16xi32>, vector<16xi32>], vector<16xf32>,
      %mul3A_202 = arith.constant 16 : i32
      %mul3A_203 = vector.broadcast %mul3A_202 : i32 to vector<16xi32>
      %mul3A_204 = arith.muli %iota3A, %mul3A_203 : vector<16xi32>
      %add3A_205 = arith.constant 13 : i32
      %add3A_206 = vector.broadcast %add3A_205 : i32 to vector<16xi32>
      %add3A_207 = arith.addi %mul3A_204, %add3A_206 : vector<16xi32>
      tpu.vector_store_idx %arg16[%add3A_207], %gather3A_201 : memref<2048xf32, #tpu.memory_space<vmem>>[vector<16xi32>], vector<16xf32>,
      %add3A_208 = arith.constant 14 : i32
      %add3A_209 = vector.broadcast %add3A_208 : i32 to vector<16xi32>
      %add3A_210 = arith.addi %mul3A_68, %add3A_209 : vector<16xi32>
      %gather3A_211 = tpu.vector_load_idx %arg12[%add3A_61, %add3A_210] : memref<128x128xf32, #tpu.memory_space<vmem>>[vector<16xi32>, vector<16xi32>], vector<16xf32>,
      %mul3A_212 = arith.constant 16 : i32
      %mul3A_213 = vector.broadcast %mul3A_212 : i32 to vector<16xi32>
      %mul3A_214 = arith.muli %iota3A, %mul3A_213 : vector<16xi32>
      %add3A_215 = arith.constant 14 : i32
      %add3A_216 = vector.broadcast %add3A_215 : i32 to vector<16xi32>
      %add3A_217 = arith.addi %mul3A_214, %add3A_216 : vector<16xi32>
      tpu.vector_store_idx %arg16[%add3A_217], %gather3A_211 : memref<2048xf32, #tpu.memory_space<vmem>>[vector<16xi32>], vector<16xf32>,
      %add3A_218 = arith.constant 15 : i32
      %add3A_219 = vector.broadcast %add3A_218 : i32 to vector<16xi32>
      %add3A_220 = arith.addi %mul3A_68, %add3A_219 : vector<16xi32>
      %gather3A_221 = tpu.vector_load_idx %arg12[%add3A_61, %add3A_220] : memref<128x128xf32, #tpu.memory_space<vmem>>[vector<16xi32>, vector<16xi32>], vector<16xf32>,
      %mul3A_222 = arith.constant 16 : i32
      %mul3A_223 = vector.broadcast %mul3A_222 : i32 to vector<16xi32>
      %mul3A_224 = arith.muli %iota3A, %mul3A_223 : vector<16xi32>
      %add3A_225 = arith.constant 15 : i32
      %add3A_226 = vector.broadcast %add3A_225 : i32 to vector<16xi32>
      %add3A_227 = arith.addi %mul3A_224, %add3A_226 : vector<16xi32>
      tpu.vector_store_idx %arg16[%add3A_227], %gather3A_221 : memref<2048xf32, #tpu.memory_space<vmem>>[vector<16xi32>], vector<16xf32>,
      %and3A_228 = arith.constant 127 : i32
      %and3A_229 = vector.broadcast %and3A_228 : i32 to vector<16xi32>
      %and3A_230 = arith.andi %get3A_58, %and3A_229 : vector<16xi32>
      %gather3A_231 = tpu.vector_load_idx %arg14[%add3A_61, %and3A_230] : memref<128x128xf32, #tpu.memory_space<vmem>>[vector<16xi32>, vector<16xi32>], vector<16xf32>,
      %mul3A_232 = arith.constant 128 : i32
      %mul3A_233 = arith.muli %mul3A_31, %mul3A_232 : i32
      %add3A_234 = arith.constant 0 : i32
      %add3A_235 = arith.addi %mul3A_233, %add3A_234 : i32
      %add3A_236 = vector.broadcast %add3A_235 : i32 to vector<16xi32>
      %add3A_237 = arith.addi %add3A_236, %iota3A : vector<16xi32>
      tpu.vector_store_idx %arg17[%add3A_237], %gather3A_231 : memref<13312xf32, #tpu.memory_space<vmem>>[vector<16xi32>], vector<16xf32>,
      %get3A_238 = arith.index_cast %mul3A_31 : i32 to index
      %get3A_239 = arith.constant 16 : index
      %get3A_240 = tpu.vector_load %arg11[%get3A_238, %get3A_239] {strides = array<i32>} : memref<104x128xi32, #tpu.memory_space<vmem>>, vector<16xi32>,
      %add3A_241 = arith.constant 16 : i32
      %add3A_242 = vector.broadcast %add3A_241 : i32 to vector<16xi32>
      %add3A_243 = arith.addi %add3A_242, %iota3A : vector<16xi32>
      %shift_right_arithmetic3A_244 = arith.constant 12 : i32
      %shift_right_arithmetic3A_245 = vector.broadcast %shift_right_arithmetic3A_244 : i32 to vector<16xi32>
      %shift_right_arithmetic3A_246 = arith.shrsi %get3A_240, %shift_right_arithmetic3A_245 : vector<16xi32>
      %and3A_247 = arith.constant 7 : i32
      %and3A_248 = vector.broadcast %and3A_247 : i32 to vector<16xi32>
      %and3A_249 = arith.andi %shift_right_arithmetic3A_246, %and3A_248 : vector<16xi32>
      %mul3A_250 = arith.constant 16 : i32
      %mul3A_251 = vector.broadcast %mul3A_250 : i32 to vector<16xi32>
      %mul3A_252 = arith.muli %and3A_249, %mul3A_251 : vector<16xi32>
      %add3A_253 = arith.constant 0 : i32
      %add3A_254 = vector.broadcast %add3A_253 : i32 to vector<16xi32>
      %add3A_255 = arith.addi %mul3A_252, %add3A_254 : vector<16xi32>
      %gather3A_256 = tpu.vector_load_idx %arg12[%add3A_243, %add3A_255] : memref<128x128xf32, #tpu.memory_space<vmem>>[vector<16xi32>, vector<16xi32>], vector<16xf32>,
      %mul3A_257 = arith.constant 16 : i32
      %mul3A_258 = vector.broadcast %mul3A_257 : i32 to vector<16xi32>
      %mul3A_259 = arith.muli %iota3A, %mul3A_258 : vector<16xi32>
      %add3A_260 = arith.constant 256 : i32
      %add3A_261 = vector.broadcast %add3A_260 : i32 to vector<16xi32>
      %add3A_262 = arith.addi %mul3A_259, %add3A_261 : vector<16xi32>
      tpu.vector_store_idx %arg16[%add3A_262], %gather3A_256 : memref<2048xf32, #tpu.memory_space<vmem>>[vector<16xi32>], vector<16xf32>,
      %add3A_263 = arith.constant 1 : i32
      %add3A_264 = vector.broadcast %add3A_263 : i32 to vector<16xi32>
      %add3A_265 = arith.addi %mul3A_252, %add3A_264 : vector<16xi32>
      %gather3A_266 = tpu.vector_load_idx %arg12[%add3A_243, %add3A_265] : memref<128x128xf32, #tpu.memory_space<vmem>>[vector<16xi32>, vector<16xi32>], vector<16xf32>,
      %mul3A_267 = arith.constant 16 : i32
      %mul3A_268 = vector.broadcast %mul3A_267 : i32 to vector<16xi32>
      %mul3A_269 = arith.muli %iota3A, %mul3A_268 : vector<16xi32>
      %add3A_270 = arith.constant 257 : i32
      %add3A_271 = vector.broadcast %add3A_270 : i32 to vector<16xi32>
      %add3A_272 = arith.addi %mul3A_269, %add3A_271 : vector<16xi32>
      tpu.vector_store_idx %arg16[%add3A_272], %gather3A_266 : memref<2048xf32, #tpu.memory_space<vmem>>[vector<16xi32>], vector<16xf32>,
      %add3A_273 = arith.constant 2 : i32
      %add3A_274 = vector.broadcast %add3A_273 : i32 to vector<16xi32>
      %add3A_275 = arith.addi %mul3A_252, %add3A_274 : vector<16xi32>
      %gather3A_276 = tpu.vector_load_idx %arg12[%add3A_243, %add3A_275] : memref<128x128xf32, #tpu.memory_space<vmem>>[vector<16xi32>, vector<16xi32>], vector<16xf32>,
      %mul3A_277 = arith.constant 16 : i32
      %mul3A_278 = vector.broadcast %mul3A_277 : i32 to vector<16xi32>
      %mul3A_279 = arith.muli %iota3A, %mul3A_278 : vector<16xi32>
      %add3A_280 = arith.constant 258 : i32
      %add3A_281 = vector.broadcast %add3A_280 : i32 to vector<16xi32>
      %add3A_282 = arith.addi %mul3A_279, %add3A_281 : vector<16xi32>
      tpu.vector_store_idx %arg16[%add3A_282], %gather3A_276 : memref<2048xf32, #tpu.memory_space<vmem>>[vector<16xi32>], vector<16xf32>,
      %add3A_283 = arith.constant 3 : i32
      %add3A_284 = vector.broadcast %add3A_283 : i32 to vector<16xi32>
      %add3A_285 = arith.addi %mul3A_252, %add3A_284 : vector<16xi32>
      %gather3A_286 = tpu.vector_load_idx %arg12[%add3A_243, %add3A_285] : memref<128x128xf32, #tpu.memory_space<vmem>>[vector<16xi32>, vector<16xi32>], vector<16xf32>,
      %mul3A_287 = arith.constant 16 : i32
      %mul3A_288 = vector.broadcast %mul3A_287 : i32 to vector<16xi32>
      %mul3A_289 = arith.muli %iota3A, %mul3A_288 : vector<16xi32>
      %add3A_290 = arith.constant 259 : i32
      %add3A_291 = vector.broadcast %add3A_290 : i32 to vector<16xi32>
      %add3A_292 = arith.addi %mul3A_289, %add3A_291 : vector<16xi32>
      tpu.vector_store_idx %arg16[%add3A_292], %gather3A_286 : memref<2048xf32, #tpu.memory_space<vmem>>[vector<16xi32>], vector<16xf32>,
      %add3A_293 = arith.constant 4 : i32
      %add3A_294 = vector.broadcast %add3A_293 : i32 to vector<16xi32>
      %add3A_295 = arith.addi %mul3A_252, %add3A_294 : vector<16xi32>
      %gather3A_296 = tpu.vector_load_idx %arg12[%add3A_243, %add3A_295] : memref<128x128xf32, #tpu.memory_space<vmem>>[vector<16xi32>, vector<16xi32>], vector<16xf32>,
      %mul3A_297 = arith.constant 16 : i32
      %mul3A_298 = vector.broadcast %mul3A_297 : i32 to vector<16xi32>
      %mul3A_299 = arith.muli %iota3A, %mul3A_298 : vector<16xi32>
      %add3A_300 = arith.constant 260 : i32
      %add3A_301 = vector.broadcast %add3A_300 : i32 to vector<16xi32>
      %add3A_302 = arith.addi %mul3A_299, %add3A_301 : vector<16xi32>
      tpu.vector_store_idx %arg16[%add3A_302], %gather3A_296 : memref<2048xf32, #tpu.memory_space<vmem>>[vector<16xi32>], vector<16xf32>,
      %add3A_303 = arith.constant 5 : i32
      %add3A_304 = vector.broadcast %add3A_303 : i32 to vector<16xi32>
      %add3A_305 = arith.addi %mul3A_252, %add3A_304 : vector<16xi32>
      %gather3A_306 = tpu.vector_load_idx %arg12[%add3A_243, %add3A_305] : memref<128x128xf32, #tpu.memory_space<vmem>>[vector<16xi32>, vector<16xi32>], vector<16xf32>,
      %mul3A_307 = arith.constant 16 : i32
      %mul3A_308 = vector.broadcast %mul3A_307 : i32 to vector<16xi32>
      %mul3A_309 = arith.muli %iota3A, %mul3A_308 : vector<16xi32>
      %add3A_310 = arith.constant 261 : i32
      %add3A_311 = vector.broadcast %add3A_310 : i32 to vector<16xi32>
      %add3A_312 = arith.addi %mul3A_309, %add3A_311 : vector<16xi32>
      tpu.vector_store_idx %arg16[%add3A_312], %gather3A_306 : memref<2048xf32, #tpu.memory_space<vmem>>[vector<16xi32>], vector<16xf32>,
      %add3A_313 = arith.constant 6 : i32
      %add3A_314 = vector.broadcast %add3A_313 : i32 to vector<16xi32>
      %add3A_315 = arith.addi %mul3A_252, %add3A_314 : vector<16xi32>
      %gather3A_316 = tpu.vector_load_idx %arg12[%add3A_243, %add3A_315] : memref<128x128xf32, #tpu.memory_space<vmem>>[vector<16xi32>, vector<16xi32>], vector<16xf32>,
      %mul3A_317 = arith.constant 16 : i32
      %mul3A_318 = vector.broadcast %mul3A_317 : i32 to vector<16xi32>
      %mul3A_319 = arith.muli %iota3A, %mul3A_318 : vector<16xi32>
      %add3A_320 = arith.constant 262 : i32
      %add3A_321 = vector.broadcast %add3A_320 : i32 to vector<16xi32>
      %add3A_322 = arith.addi %mul3A_319, %add3A_321 : vector<16xi32>
      tpu.vector_store_idx %arg16[%add3A_322], %gather3A_316 : memref<2048xf32, #tpu.memory_space<vmem>>[vector<16xi32>], vector<16xf32>,
      %add3A_323 = arith.constant 7 : i32
      %add3A_324 = vector.broadcast %add3A_323 : i32 to vector<16xi32>
      %add3A_325 = arith.addi %mul3A_252, %add3A_324 : vector<16xi32>
      %gather3A_326 = tpu.vector_load_idx %arg12[%add3A_243, %add3A_325] : memref<128x128xf32, #tpu.memory_space<vmem>>[vector<16xi32>, vector<16xi32>], vector<16xf32>,
      %mul3A_327 = arith.constant 16 : i32
      %mul3A_328 = vector.broadcast %mul3A_327 : i32 to vector<16xi32>
      %mul3A_329 = arith.muli %iota3A, %mul3A_328 : vector<16xi32>
      %add3A_330 = arith.constant 263 : i32
      %add3A_331 = vector.broadcast %add3A_330 : i32 to vector<16xi32>
      %add3A_332 = arith.addi %mul3A_329, %add3A_331 : vector<16xi32>
      tpu.vector_store_idx %arg16[%add3A_332], %gather3A_326 : memref<2048xf32, #tpu.memory_space<vmem>>[vector<16xi32>], vector<16xf32>,
      %add3A_333 = arith.constant 8 : i32
      %add3A_334 = vector.broadcast %add3A_333 : i32 to vector<16xi32>
      %add3A_335 = arith.addi %mul3A_252, %add3A_334 : vector<16xi32>
      %gather3A_336 = tpu.vector_load_idx %arg12[%add3A_243, %add3A_335] : memref<128x128xf32, #tpu.memory_space<vmem>>[vector<16xi32>, vector<16xi32>], vector<16xf32>,
      %mul3A_337 = arith.constant 16 : i32
      %mul3A_338 = vector.broadcast %mul3A_337 : i32 to vector<16xi32>
      %mul3A_339 = arith.muli %iota3A, %mul3A_338 : vector<16xi32>
      %add3A_340 = arith.constant 264 : i32
      %add3A_341 = vector.broadcast %add3A_340 : i32 to vector<16xi32>
      %add3A_342 = arith.addi %mul3A_339, %add3A_341 : vector<16xi32>
      tpu.vector_store_idx %arg16[%add3A_342], %gather3A_336 : memref<2048xf32, #tpu.memory_space<vmem>>[vector<16xi32>], vector<16xf32>,
      %add3A_343 = arith.constant 9 : i32
      %add3A_344 = vector.broadcast %add3A_343 : i32 to vector<16xi32>
      %add3A_345 = arith.addi %mul3A_252, %add3A_344 : vector<16xi32>
      %gather3A_346 = tpu.vector_load_idx %arg12[%add3A_243, %add3A_345] : memref<128x128xf32, #tpu.memory_space<vmem>>[vector<16xi32>, vector<16xi32>], vector<16xf32>,
      %mul3A_347 = arith.constant 16 : i32
      %mul3A_348 = vector.broadcast %mul3A_347 : i32 to vector<16xi32>
      %mul3A_349 = arith.muli %iota3A, %mul3A_348 : vector<16xi32>
      %add3A_350 = arith.constant 265 : i32
      %add3A_351 = vector.broadcast %add3A_350 : i32 to vector<16xi32>
      %add3A_352 = arith.addi %mul3A_349, %add3A_351 : vector<16xi32>
      tpu.vector_store_idx %arg16[%add3A_352], %gather3A_346 : memref<2048xf32, #tpu.memory_space<vmem>>[vector<16xi32>], vector<16xf32>,
      %add3A_353 = arith.constant 10 : i32
      %add3A_354 = vector.broadcast %add3A_353 : i32 to vector<16xi32>
      %add3A_355 = arith.addi %mul3A_252, %add3A_354 : vector<16xi32>
      %gather3A_356 = tpu.vector_load_idx %arg12[%add3A_243, %add3A_355] : memref<128x128xf32, #tpu.memory_space<vmem>>[vector<16xi32>, vector<16xi32>], vector<16xf32>,
      %mul3A_357 = arith.constant 16 : i32
      %mul3A_358 = vector.broadcast %mul3A_357 : i32 to vector<16xi32>
      %mul3A_359 = arith.muli %iota3A, %mul3A_358 : vector<16xi32>
      %add3A_360 = arith.constant 266 : i32
      %add3A_361 = vector.broadcast %add3A_360 : i32 to vector<16xi32>
      %add3A_362 = arith.addi %mul3A_359, %add3A_361 : vector<16xi32>
      tpu.vector_store_idx %arg16[%add3A_362], %gather3A_356 : memref<2048xf32, #tpu.memory_space<vmem>>[vector<16xi32>], vector<16xf32>,
      %add3A_363 = arith.constant 11 : i32
      %add3A_364 = vector.broadcast %add3A_363 : i32 to vector<16xi32>
      %add3A_365 = arith.addi %mul3A_252, %add3A_364 : vector<16xi32>
      %gather3A_366 = tpu.vector_load_idx %arg12[%add3A_243, %add3A_365] : memref<128x128xf32, #tpu.memory_space<vmem>>[vector<16xi32>, vector<16xi32>], vector<16xf32>,
      %mul3A_367 = arith.constant 16 : i32
      %mul3A_368 = vector.broadcast %mul3A_367 : i32 to vector<16xi32>
      %mul3A_369 = arith.muli %iota3A, %mul3A_368 : vector<16xi32>
      %add3A_370 = arith.constant 267 : i32
      %add3A_371 = vector.broadcast %add3A_370 : i32 to vector<16xi32>
      %add3A_372 = arith.addi %mul3A_369, %add3A_371 : vector<16xi32>
      tpu.vector_store_idx %arg16[%add3A_372], %gather3A_366 : memref<2048xf32, #tpu.memory_space<vmem>>[vector<16xi32>], vector<16xf32>,
      %add3A_373 = arith.constant 12 : i32
      %add3A_374 = vector.broadcast %add3A_373 : i32 to vector<16xi32>
      %add3A_375 = arith.addi %mul3A_252, %add3A_374 : vector<16xi32>
      %gather3A_376 = tpu.vector_load_idx %arg12[%add3A_243, %add3A_375] : memref<128x128xf32, #tpu.memory_space<vmem>>[vector<16xi32>, vector<16xi32>], vector<16xf32>,
      %mul3A_377 = arith.constant 16 : i32
      %mul3A_378 = vector.broadcast %mul3A_377 : i32 to vector<16xi32>
      %mul3A_379 = arith.muli %iota3A, %mul3A_378 : vector<16xi32>
      %add3A_380 = arith.constant 268 : i32
      %add3A_381 = vector.broadcast %add3A_380 : i32 to vector<16xi32>
      %add3A_382 = arith.addi %mul3A_379, %add3A_381 : vector<16xi32>
      tpu.vector_store_idx %arg16[%add3A_382], %gather3A_376 : memref<2048xf32, #tpu.memory_space<vmem>>[vector<16xi32>], vector<16xf32>,
      %add3A_383 = arith.constant 13 : i32
      %add3A_384 = vector.broadcast %add3A_383 : i32 to vector<16xi32>
      %add3A_385 = arith.addi %mul3A_252, %add3A_384 : vector<16xi32>
      %gather3A_386 = tpu.vector_load_idx %arg12[%add3A_243, %add3A_385] : memref<128x128xf32, #tpu.memory_space<vmem>>[vector<16xi32>, vector<16xi32>], vector<16xf32>,
      %mul3A_387 = arith.constant 16 : i32
      %mul3A_388 = vector.broadcast %mul3A_387 : i32 to vector<16xi32>
      %mul3A_389 = arith.muli %iota3A, %mul3A_388 : vector<16xi32>
      %add3A_390 = arith.constant 269 : i32
      %add3A_391 = vector.broadcast %add3A_390 : i32 to vector<16xi32>
      %add3A_392 = arith.addi %mul3A_389, %add3A_391 : vector<16xi32>
      tpu.vector_store_idx %arg16[%add3A_392], %gather3A_386 : memref<2048xf32, #tpu.memory_space<vmem>>[vector<16xi32>], vector<16xf32>,
      %add3A_393 = arith.constant 14 : i32
      %add3A_394 = vector.broadcast %add3A_393 : i32 to vector<16xi32>
      %add3A_395 = arith.addi %mul3A_252, %add3A_394 : vector<16xi32>
      %gather3A_396 = tpu.vector_load_idx %arg12[%add3A_243, %add3A_395] : memref<128x128xf32, #tpu.memory_space<vmem>>[vector<16xi32>, vector<16xi32>], vector<16xf32>,
      %mul3A_397 = arith.constant 16 : i32
      %mul3A_398 = vector.broadcast %mul3A_397 : i32 to vector<16xi32>
      %mul3A_399 = arith.muli %iota3A, %mul3A_398 : vector<16xi32>
      %add3A_400 = arith.constant 270 : i32
      %add3A_401 = vector.broadcast %add3A_400 : i32 to vector<16xi32>
      %add3A_402 = arith.addi %mul3A_399, %add3A_401 : vector<16xi32>
      tpu.vector_store_idx %arg16[%add3A_402], %gather3A_396 : memref<2048xf32, #tpu.memory_space<vmem>>[vector<16xi32>], vector<16xf32>,
      %add3A_403 = arith.constant 15 : i32
      %add3A_404 = vector.broadcast %add3A_403 : i32 to vector<16xi32>
      %add3A_405 = arith.addi %mul3A_252, %add3A_404 : vector<16xi32>
      %gather3A_406 = tpu.vector_load_idx %arg12[%add3A_243, %add3A_405] : memref<128x128xf32, #tpu.memory_space<vmem>>[vector<16xi32>, vector<16xi32>], vector<16xf32>,
      %mul3A_407 = arith.constant 16 : i32
      %mul3A_408 = vector.broadcast %mul3A_407 : i32 to vector<16xi32>
      %mul3A_409 = arith.muli %iota3A, %mul3A_408 : vector<16xi32>
      %add3A_410 = arith.constant 271 : i32
      %add3A_411 = vector.broadcast %add3A_410 : i32 to vector<16xi32>
      %add3A_412 = arith.addi %mul3A_409, %add3A_411 : vector<16xi32>
      tpu.vector_store_idx %arg16[%add3A_412], %gather3A_406 : memref<2048xf32, #tpu.memory_space<vmem>>[vector<16xi32>], vector<16xf32>,
      %and3A_413 = arith.constant 127 : i32
      %and3A_414 = vector.broadcast %and3A_413 : i32 to vector<16xi32>
      %and3A_415 = arith.andi %get3A_240, %and3A_414 : vector<16xi32>
      %gather3A_416 = tpu.vector_load_idx %arg14[%add3A_243, %and3A_415] : memref<128x128xf32, #tpu.memory_space<vmem>>[vector<16xi32>, vector<16xi32>], vector<16xf32>,
      %mul3A_417 = arith.constant 128 : i32
      %mul3A_418 = arith.muli %mul3A_31, %mul3A_417 : i32
      %add3A_419 = arith.constant 16 : i32
      %add3A_420 = arith.addi %mul3A_418, %add3A_419 : i32
      %add3A_421 = vector.broadcast %add3A_420 : i32 to vector<16xi32>
      %add3A_422 = arith.addi %add3A_421, %iota3A : vector<16xi32>
      tpu.vector_store_idx %arg17[%add3A_422], %gather3A_416 : memref<13312xf32, #tpu.memory_space<vmem>>[vector<16xi32>], vector<16xf32>,
      %get3A_423 = arith.index_cast %mul3A_31 : i32 to index
      %get3A_424 = arith.constant 32 : index
      %get3A_425 = tpu.vector_load %arg11[%get3A_423, %get3A_424] {strides = array<i32>} : memref<104x128xi32, #tpu.memory_space<vmem>>, vector<16xi32>,
      %add3A_426 = arith.constant 32 : i32
      %add3A_427 = vector.broadcast %add3A_426 : i32 to vector<16xi32>
      %add3A_428 = arith.addi %add3A_427, %iota3A : vector<16xi32>
      %shift_right_arithmetic3A_429 = arith.constant 12 : i32
      %shift_right_arithmetic3A_430 = vector.broadcast %shift_right_arithmetic3A_429 : i32 to vector<16xi32>
      %shift_right_arithmetic3A_431 = arith.shrsi %get3A_425, %shift_right_arithmetic3A_430 : vector<16xi32>
      %and3A_432 = arith.constant 7 : i32
      %and3A_433 = vector.broadcast %and3A_432 : i32 to vector<16xi32>
      %and3A_434 = arith.andi %shift_right_arithmetic3A_431, %and3A_433 : vector<16xi32>
      %mul3A_435 = arith.constant 16 : i32
      %mul3A_436 = vector.broadcast %mul3A_435 : i32 to vector<16xi32>
      %mul3A_437 = arith.muli %and3A_434, %mul3A_436 : vector<16xi32>
      %add3A_438 = arith.constant 0 : i32
      %add3A_439 = vector.broadcast %add3A_438 : i32 to vector<16xi32>
      %add3A_440 = arith.addi %mul3A_437, %add3A_439 : vector<16xi32>
      %gather3A_441 = tpu.vector_load_idx %arg12[%add3A_428, %add3A_440] : memref<128x128xf32, #tpu.memory_space<vmem>>[vector<16xi32>, vector<16xi32>], vector<16xf32>,
      %mul3A_442 = arith.constant 16 : i32
      %mul3A_443 = vector.broadcast %mul3A_442 : i32 to vector<16xi32>
      %mul3A_444 = arith.muli %iota3A, %mul3A_443 : vector<16xi32>
      %add3A_445 = arith.constant 512 : i32
      %add3A_446 = vector.broadcast %add3A_445 : i32 to vector<16xi32>
      %add3A_447 = arith.addi %mul3A_444, %add3A_446 : vector<16xi32>
      tpu.vector_store_idx %arg16[%add3A_447], %gather3A_441 : memref<2048xf32, #tpu.memory_space<vmem>>[vector<16xi32>], vector<16xf32>,
      %add3A_448 = arith.constant 1 : i32
      %add3A_449 = vector.broadcast %add3A_448 : i32 to vector<16xi32>
      %add3A_450 = arith.addi %mul3A_437, %add3A_449 : vector<16xi32>
      %gather3A_451 = tpu.vector_load_idx %arg12[%add3A_428, %add3A_450] : memref<128x128xf32, #tpu.memory_space<vmem>>[vector<16xi32>, vector<16xi32>], vector<16xf32>,
      %mul3A_452 = arith.constant 16 : i32
      %mul3A_453 = vector.broadcast %mul3A_452 : i32 to vector<16xi32>
      %mul3A_454 = arith.muli %iota3A, %mul3A_453 : vector<16xi32>
      %add3A_455 = arith.constant 513 : i32
      %add3A_456 = vector.broadcast %add3A_455 : i32 to vector<16xi32>
      %add3A_457 = arith.addi %mul3A_454, %add3A_456 : vector<16xi32>
      tpu.vector_store_idx %arg16[%add3A_457], %gather3A_451 : memref<2048xf32, #tpu.memory_space<vmem>>[vector<16xi32>], vector<16xf32>,
      %add3A_458 = arith.constant 2 : i32
      %add3A_459 = vector.broadcast %add3A_458 : i32 to vector<16xi32>
      %add3A_460 = arith.addi %mul3A_437, %add3A_459 : vector<16xi32>
      %gather3A_461 = tpu.vector_load_idx %arg12[%add3A_428, %add3A_460] : memref<128x128xf32, #tpu.memory_space<vmem>>[vector<16xi32>, vector<16xi32>], vector<16xf32>,
      %mul3A_462 = arith.constant 16 : i32
      %mul3A_463 = vector.broadcast %mul3A_462 : i32 to vector<16xi32>
      %mul3A_464 = arith.muli %iota3A, %mul3A_463 : vector<16xi32>
      %add3A_465 = arith.constant 514 : i32
      %add3A_466 = vector.broadcast %add3A_465 : i32 to vector<16xi32>
      %add3A_467 = arith.addi %mul3A_464, %add3A_466 : vector<16xi32>
      tpu.vector_store_idx %arg16[%add3A_467], %gather3A_461 : memref<2048xf32, #tpu.memory_space<vmem>>[vector<16xi32>], vector<16xf32>,
      %add3A_468 = arith.constant 3 : i32
      %add3A_469 = vector.broadcast %add3A_468 : i32 to vector<16xi32>
      %add3A_470 = arith.addi %mul3A_437, %add3A_469 : vector<16xi32>
      %gather3A_471 = tpu.vector_load_idx %arg12[%add3A_428, %add3A_470] : memref<128x128xf32, #tpu.memory_space<vmem>>[vector<16xi32>, vector<16xi32>], vector<16xf32>,
      %mul3A_472 = arith.constant 16 : i32
      %mul3A_473 = vector.broadcast %mul3A_472 : i32 to vector<16xi32>
      %mul3A_474 = arith.muli %iota3A, %mul3A_473 : vector<16xi32>
      %add3A_475 = arith.constant 515 : i32
      %add3A_476 = vector.broadcast %add3A_475 : i32 to vector<16xi32>
      %add3A_477 = arith.addi %mul3A_474, %add3A_476 : vector<16xi32>
      tpu.vector_store_idx %arg16[%add3A_477], %gather3A_471 : memref<2048xf32, #tpu.memory_space<vmem>>[vector<16xi32>], vector<16xf32>,
      %add3A_478 = arith.constant 4 : i32
      %add3A_479 = vector.broadcast %add3A_478 : i32 to vector<16xi32>
      %add3A_480 = arith.addi %mul3A_437, %add3A_479 : vector<16xi32>
      %gather3A_481 = tpu.vector_load_idx %arg12[%add3A_428, %add3A_480] : memref<128x128xf32, #tpu.memory_space<vmem>>[vector<16xi32>, vector<16xi32>], vector<16xf32>,
      %mul3A_482 = arith.constant 16 : i32
      %mul3A_483 = vector.broadcast %mul3A_482 : i32 to vector<16xi32>
      %mul3A_484 = arith.muli %iota3A, %mul3A_483 : vector<16xi32>
      %add3A_485 = arith.constant 516 : i32
      %add3A_486 = vector.broadcast %add3A_485 : i32 to vector<16xi32>
      %add3A_487 = arith.addi %mul3A_484, %add3A_486 : vector<16xi32>
      tpu.vector_store_idx %arg16[%add3A_487], %gather3A_481 : memref<2048xf32, #tpu.memory_space<vmem>>[vector<16xi32>], vector<16xf32>,
      %add3A_488 = arith.constant 5 : i32
      %add3A_489 = vector.broadcast %add3A_488 : i32 to vector<16xi32>
      %add3A_490 = arith.addi %mul3A_437, %add3A_489 : vector<16xi32>
      %gather3A_491 = tpu.vector_load_idx %arg12[%add3A_428, %add3A_490] : memref<128x128xf32, #tpu.memory_space<vmem>>[vector<16xi32>, vector<16xi32>], vector<16xf32>,
      %mul3A_492 = arith.constant 16 : i32
      %mul3A_493 = vector.broadcast %mul3A_492 : i32 to vector<16xi32>
      %mul3A_494 = arith.muli %iota3A, %mul3A_493 : vector<16xi32>
      %add3A_495 = arith.constant 517 : i32
      %add3A_496 = vector.broadcast %add3A_495 : i32 to vector<16xi32>
      %add3A_497 = arith.addi %mul3A_494, %add3A_496 : vector<16xi32>
      tpu.vector_store_idx %arg16[%add3A_497], %gather3A_491 : memref<2048xf32, #tpu.memory_space<vmem>>[vector<16xi32>], vector<16xf32>,
      %add3A_498 = arith.constant 6 : i32
      %add3A_499 = vector.broadcast %add3A_498 : i32 to vector<16xi32>
      %add3A_500 = arith.addi %mul3A_437, %add3A_499 : vector<16xi32>
      %gather3A_501 = tpu.vector_load_idx %arg12[%add3A_428, %add3A_500] : memref<128x128xf32, #tpu.memory_space<vmem>>[vector<16xi32>, vector<16xi32>], vector<16xf32>,
      %mul3A_502 = arith.constant 16 : i32
      %mul3A_503 = vector.broadcast %mul3A_502 : i32 to vector<16xi32>
      %mul3A_504 = arith.muli %iota3A, %mul3A_503 : vector<16xi32>
      %add3A_505 = arith.constant 518 : i32
      %add3A_506 = vector.broadcast %add3A_505 : i32 to vector<16xi32>
      %add3A_507 = arith.addi %mul3A_504, %add3A_506 : vector<16xi32>
      tpu.vector_store_idx %arg16[%add3A_507], %gather3A_501 : memref<2048xf32, #tpu.memory_space<vmem>>[vector<16xi32>], vector<16xf32>,
      %add3A_508 = arith.constant 7 : i32
      %add3A_509 = vector.broadcast %add3A_508 : i32 to vector<16xi32>
      %add3A_510 = arith.addi %mul3A_437, %add3A_509 : vector<16xi32>
      %gather3A_511 = tpu.vector_load_idx %arg12[%add3A_428, %add3A_510] : memref<128x128xf32, #tpu.memory_space<vmem>>[vector<16xi32>, vector<16xi32>], vector<16xf32>,
      %mul3A_512 = arith.constant 16 : i32
      %mul3A_513 = vector.broadcast %mul3A_512 : i32 to vector<16xi32>
      %mul3A_514 = arith.muli %iota3A, %mul3A_513 : vector<16xi32>
      %add3A_515 = arith.constant 519 : i32
      %add3A_516 = vector.broadcast %add3A_515 : i32 to vector<16xi32>
      %add3A_517 = arith.addi %mul3A_514, %add3A_516 : vector<16xi32>
      tpu.vector_store_idx %arg16[%add3A_517], %gather3A_511 : memref<2048xf32, #tpu.memory_space<vmem>>[vector<16xi32>], vector<16xf32>,
      %add3A_518 = arith.constant 8 : i32
      %add3A_519 = vector.broadcast %add3A_518 : i32 to vector<16xi32>
      %add3A_520 = arith.addi %mul3A_437, %add3A_519 : vector<16xi32>
      %gather3A_521 = tpu.vector_load_idx %arg12[%add3A_428, %add3A_520] : memref<128x128xf32, #tpu.memory_space<vmem>>[vector<16xi32>, vector<16xi32>], vector<16xf32>,
      %mul3A_522 = arith.constant 16 : i32
      %mul3A_523 = vector.broadcast %mul3A_522 : i32 to vector<16xi32>
      %mul3A_524 = arith.muli %iota3A, %mul3A_523 : vector<16xi32>
      %add3A_525 = arith.constant 520 : i32
      %add3A_526 = vector.broadcast %add3A_525 : i32 to vector<16xi32>
      %add3A_527 = arith.addi %mul3A_524, %add3A_526 : vector<16xi32>
      tpu.vector_store_idx %arg16[%add3A_527], %gather3A_521 : memref<2048xf32, #tpu.memory_space<vmem>>[vector<16xi32>], vector<16xf32>,
      %add3A_528 = arith.constant 9 : i32
      %add3A_529 = vector.broadcast %add3A_528 : i32 to vector<16xi32>
      %add3A_530 = arith.addi %mul3A_437, %add3A_529 : vector<16xi32>
      %gather3A_531 = tpu.vector_load_idx %arg12[%add3A_428, %add3A_530] : memref<128x128xf32, #tpu.memory_space<vmem>>[vector<16xi32>, vector<16xi32>], vector<16xf32>,
      %mul3A_532 = arith.constant 16 : i32
      %mul3A_533 = vector.broadcast %mul3A_532 : i32 to vector<16xi32>
      %mul3A_534 = arith.muli %iota3A, %mul3A_533 : vector<16xi32>
      %add3A_535 = arith.constant 521 : i32
      %add3A_536 = vector.broadcast %add3A_535 : i32 to vector<16xi32>
      %add3A_537 = arith.addi %mul3A_534, %add3A_536 : vector<16xi32>
      tpu.vector_store_idx %arg16[%add3A_537], %gather3A_531 : memref<2048xf32, #tpu.memory_space<vmem>>[vector<16xi32>], vector<16xf32>,
      %add3A_538 = arith.constant 10 : i32
      %add3A_539 = vector.broadcast %add3A_538 : i32 to vector<16xi32>
      %add3A_540 = arith.addi %mul3A_437, %add3A_539 : vector<16xi32>
      %gather3A_541 = tpu.vector_load_idx %arg12[%add3A_428, %add3A_540] : memref<128x128xf32, #tpu.memory_space<vmem>>[vector<16xi32>, vector<16xi32>], vector<16xf32>,
      %mul3A_542 = arith.constant 16 : i32
      %mul3A_543 = vector.broadcast %mul3A_542 : i32 to vector<16xi32>
      %mul3A_544 = arith.muli %iota3A, %mul3A_543 : vector<16xi32>
      %add3A_545 = arith.constant 522 : i32
      %add3A_546 = vector.broadcast %add3A_545 : i32 to vector<16xi32>
      %add3A_547 = arith.addi %mul3A_544, %add3A_546 : vector<16xi32>
      tpu.vector_store_idx %arg16[%add3A_547], %gather3A_541 : memref<2048xf32, #tpu.memory_space<vmem>>[vector<16xi32>], vector<16xf32>,
      %add3A_548 = arith.constant 11 : i32
      %add3A_549 = vector.broadcast %add3A_548 : i32 to vector<16xi32>
      %add3A_550 = arith.addi %mul3A_437, %add3A_549 : vector<16xi32>
      %gather3A_551 = tpu.vector_load_idx %arg12[%add3A_428, %add3A_550] : memref<128x128xf32, #tpu.memory_space<vmem>>[vector<16xi32>, vector<16xi32>], vector<16xf32>,
      %mul3A_552 = arith.constant 16 : i32
      %mul3A_553 = vector.broadcast %mul3A_552 : i32 to vector<16xi32>
      %mul3A_554 = arith.muli %iota3A, %mul3A_553 : vector<16xi32>
      %add3A_555 = arith.constant 523 : i32
      %add3A_556 = vector.broadcast %add3A_555 : i32 to vector<16xi32>
      %add3A_557 = arith.addi %mul3A_554, %add3A_556 : vector<16xi32>
      tpu.vector_store_idx %arg16[%add3A_557], %gather3A_551 : memref<2048xf32, #tpu.memory_space<vmem>>[vector<16xi32>], vector<16xf32>,
      %add3A_558 = arith.constant 12 : i32
      %add3A_559 = vector.broadcast %add3A_558 : i32 to vector<16xi32>
      %add3A_560 = arith.addi %mul3A_437, %add3A_559 : vector<16xi32>
      %gather3A_561 = tpu.vector_load_idx %arg12[%add3A_428, %add3A_560] : memref<128x128xf32, #tpu.memory_space<vmem>>[vector<16xi32>, vector<16xi32>], vector<16xf32>,
      %mul3A_562 = arith.constant 16 : i32
      %mul3A_563 = vector.broadcast %mul3A_562 : i32 to vector<16xi32>
      %mul3A_564 = arith.muli %iota3A, %mul3A_563 : vector<16xi32>
      %add3A_565 = arith.constant 524 : i32
      %add3A_566 = vector.broadcast %add3A_565 : i32 to vector<16xi32>
      %add3A_567 = arith.addi %mul3A_564, %add3A_566 : vector<16xi32>
      tpu.vector_store_idx %arg16[%add3A_567], %gather3A_561 : memref<2048xf32, #tpu.memory_space<vmem>>[vector<16xi32>], vector<16xf32>,
      %add3A_568 = arith.constant 13 : i32
      %add3A_569 = vector.broadcast %add3A_568 : i32 to vector<16xi32>
      %add3A_570 = arith.addi %mul3A_437, %add3A_569 : vector<16xi32>
      %gather3A_571 = tpu.vector_load_idx %arg12[%add3A_428, %add3A_570] : memref<128x128xf32, #tpu.memory_space<vmem>>[vector<16xi32>, vector<16xi32>], vector<16xf32>,
      %mul3A_572 = arith.constant 16 : i32
      %mul3A_573 = vector.broadcast %mul3A_572 : i32 to vector<16xi32>
      %mul3A_574 = arith.muli %iota3A, %mul3A_573 : vector<16xi32>
      %add3A_575 = arith.constant 525 : i32
      %add3A_576 = vector.broadcast %add3A_575 : i32 to vector<16xi32>
      %add3A_577 = arith.addi %mul3A_574, %add3A_576 : vector<16xi32>
      tpu.vector_store_idx %arg16[%add3A_577], %gather3A_571 : memref<2048xf32, #tpu.memory_space<vmem>>[vector<16xi32>], vector<16xf32>,
      %add3A_578 = arith.constant 14 : i32
      %add3A_579 = vector.broadcast %add3A_578 : i32 to vector<16xi32>
      %add3A_580 = arith.addi %mul3A_437, %add3A_579 : vector<16xi32>
      %gather3A_581 = tpu.vector_load_idx %arg12[%add3A_428, %add3A_580] : memref<128x128xf32, #tpu.memory_space<vmem>>[vector<16xi32>, vector<16xi32>], vector<16xf32>,
      %mul3A_582 = arith.constant 16 : i32
      %mul3A_583 = vector.broadcast %mul3A_582 : i32 to vector<16xi32>
      %mul3A_584 = arith.muli %iota3A, %mul3A_583 : vector<16xi32>
      %add3A_585 = arith.constant 526 : i32
      %add3A_586 = vector.broadcast %add3A_585 : i32 to vector<16xi32>
      %add3A_587 = arith.addi %mul3A_584, %add3A_586 : vector<16xi32>
      tpu.vector_store_idx %arg16[%add3A_587], %gather3A_581 : memref<2048xf32, #tpu.memory_space<vmem>>[vector<16xi32>], vector<16xf32>,
      %add3A_588 = arith.constant 15 : i32
      %add3A_589 = vector.broadcast %add3A_588 : i32 to vector<16xi32>
      %add3A_590 = arith.addi %mul3A_437, %add3A_589 : vector<16xi32>
      %gather3A_591 = tpu.vector_load_idx %arg12[%add3A_428, %add3A_590] : memref<128x128xf32, #tpu.memory_space<vmem>>[vector<16xi32>, vector<16xi32>], vector<16xf32>,
      %mul3A_592 = arith.constant 16 : i32
      %mul3A_593 = vector.broadcast %mul3A_592 : i32 to vector<16xi32>
      %mul3A_594 = arith.muli %iota3A, %mul3A_593 : vector<16xi32>
      %add3A_595 = arith.constant 527 : i32
      %add3A_596 = vector.broadcast %add3A_595 : i32 to vector<16xi32>
      %add3A_597 = arith.addi %mul3A_594, %add3A_596 : vector<16xi32>
      tpu.vector_store_idx %arg16[%add3A_597], %gather3A_591 : memref<2048xf32, #tpu.memory_space<vmem>>[vector<16xi32>], vector<16xf32>,
      %and3A_598 = arith.constant 127 : i32
      %and3A_599 = vector.broadcast %and3A_598 : i32 to vector<16xi32>
      %and3A_600 = arith.andi %get3A_425, %and3A_599 : vector<16xi32>
      %gather3A_601 = tpu.vector_load_idx %arg14[%add3A_428, %and3A_600] : memref<128x128xf32, #tpu.memory_space<vmem>>[vector<16xi32>, vector<16xi32>], vector<16xf32>,
      %mul3A_602 = arith.constant 128 : i32
      %mul3A_603 = arith.muli %mul3A_31, %mul3A_602 : i32
      %add3A_604 = arith.constant 32 : i32
      %add3A_605 = arith.addi %mul3A_603, %add3A_604 : i32
      %add3A_606 = vector.broadcast %add3A_605 : i32 to vector<16xi32>
      %add3A_607 = arith.addi %add3A_606, %iota3A : vector<16xi32>
      tpu.vector_store_idx %arg17[%add3A_607], %gather3A_601 : memref<13312xf32, #tpu.memory_space<vmem>>[vector<16xi32>], vector<16xf32>,
      %get3A_608 = arith.index_cast %mul3A_31 : i32 to index
      %get3A_609 = arith.constant 48 : index
      %get3A_610 = tpu.vector_load %arg11[%get3A_608, %get3A_609] {strides = array<i32>} : memref<104x128xi32, #tpu.memory_space<vmem>>, vector<16xi32>,
      %add3A_611 = arith.constant 48 : i32
      %add3A_612 = vector.broadcast %add3A_611 : i32 to vector<16xi32>
      %add3A_613 = arith.addi %add3A_612, %iota3A : vector<16xi32>
      %shift_right_arithmetic3A_614 = arith.constant 12 : i32
      %shift_right_arithmetic3A_615 = vector.broadcast %shift_right_arithmetic3A_614 : i32 to vector<16xi32>
      %shift_right_arithmetic3A_616 = arith.shrsi %get3A_610, %shift_right_arithmetic3A_615 : vector<16xi32>
      %and3A_617 = arith.constant 7 : i32
      %and3A_618 = vector.broadcast %and3A_617 : i32 to vector<16xi32>
      %and3A_619 = arith.andi %shift_right_arithmetic3A_616, %and3A_618 : vector<16xi32>
      %mul3A_620 = arith.constant 16 : i32
      %mul3A_621 = vector.broadcast %mul3A_620 : i32 to vector<16xi32>
      %mul3A_622 = arith.muli %and3A_619, %mul3A_621 : vector<16xi32>
      %add3A_623 = arith.constant 0 : i32
      %add3A_624 = vector.broadcast %add3A_623 : i32 to vector<16xi32>
      %add3A_625 = arith.addi %mul3A_622, %add3A_624 : vector<16xi32>
      %gather3A_626 = tpu.vector_load_idx %arg12[%add3A_613, %add3A_625] : memref<128x128xf32, #tpu.memory_space<vmem>>[vector<16xi32>, vector<16xi32>], vector<16xf32>,
      %mul3A_627 = arith.constant 16 : i32
      %mul3A_628 = vector.broadcast %mul3A_627 : i32 to vector<16xi32>
      %mul3A_629 = arith.muli %iota3A, %mul3A_628 : vector<16xi32>
      %add3A_630 = arith.constant 768 : i32
      %add3A_631 = vector.broadcast %add3A_630 : i32 to vector<16xi32>
      %add3A_632 = arith.addi %mul3A_629, %add3A_631 : vector<16xi32>
      tpu.vector_store_idx %arg16[%add3A_632], %gather3A_626 : memref<2048xf32, #tpu.memory_space<vmem>>[vector<16xi32>], vector<16xf32>,
      %add3A_633 = arith.constant 1 : i32
      %add3A_634 = vector.broadcast %add3A_633 : i32 to vector<16xi32>
      %add3A_635 = arith.addi %mul3A_622, %add3A_634 : vector<16xi32>
      %gather3A_636 = tpu.vector_load_idx %arg12[%add3A_613, %add3A_635] : memref<128x128xf32, #tpu.memory_space<vmem>>[vector<16xi32>, vector<16xi32>], vector<16xf32>,
      %mul3A_637 = arith.constant 16 : i32
      %mul3A_638 = vector.broadcast %mul3A_637 : i32 to vector<16xi32>
      %mul3A_639 = arith.muli %iota3A, %mul3A_638 : vector<16xi32>
      %add3A_640 = arith.constant 769 : i32
      %add3A_641 = vector.broadcast %add3A_640 : i32 to vector<16xi32>
      %add3A_642 = arith.addi %mul3A_639, %add3A_641 : vector<16xi32>
      tpu.vector_store_idx %arg16[%add3A_642], %gather3A_636 : memref<2048xf32, #tpu.memory_space<vmem>>[vector<16xi32>], vector<16xf32>,
      %add3A_643 = arith.constant 2 : i32
      %add3A_644 = vector.broadcast %add3A_643 : i32 to vector<16xi32>
      %add3A_645 = arith.addi %mul3A_622, %add3A_644 : vector<16xi32>
      %gather3A_646 = tpu.vector_load_idx %arg12[%add3A_613, %add3A_645] : memref<128x128xf32, #tpu.memory_space<vmem>>[vector<16xi32>, vector<16xi32>], vector<16xf32>,
      %mul3A_647 = arith.constant 16 : i32
      %mul3A_648 = vector.broadcast %mul3A_647 : i32 to vector<16xi32>
      %mul3A_649 = arith.muli %iota3A, %mul3A_648 : vector<16xi32>
      %add3A_650 = arith.constant 770 : i32
      %add3A_651 = vector.broadcast %add3A_650 : i32 to vector<16xi32>
      %add3A_652 = arith.addi %mul3A_649, %add3A_651 : vector<16xi32>
      tpu.vector_store_idx %arg16[%add3A_652], %gather3A_646 : memref<2048xf32, #tpu.memory_space<vmem>>[vector<16xi32>], vector<16xf32>,
      %add3A_653 = arith.constant 3 : i32
      %add3A_654 = vector.broadcast %add3A_653 : i32 to vector<16xi32>
      %add3A_655 = arith.addi %mul3A_622, %add3A_654 : vector<16xi32>
      %gather3A_656 = tpu.vector_load_idx %arg12[%add3A_613, %add3A_655] : memref<128x128xf32, #tpu.memory_space<vmem>>[vector<16xi32>, vector<16xi32>], vector<16xf32>,
      %mul3A_657 = arith.constant 16 : i32
      %mul3A_658 = vector.broadcast %mul3A_657 : i32 to vector<16xi32>
      %mul3A_659 = arith.muli %iota3A, %mul3A_658 : vector<16xi32>
      %add3A_660 = arith.constant 771 : i32
      %add3A_661 = vector.broadcast %add3A_660 : i32 to vector<16xi32>
      %add3A_662 = arith.addi %mul3A_659, %add3A_661 : vector<16xi32>
      tpu.vector_store_idx %arg16[%add3A_662], %gather3A_656 : memref<2048xf32, #tpu.memory_space<vmem>>[vector<16xi32>], vector<16xf32>,
      %add3A_663 = arith.constant 4 : i32
      %add3A_664 = vector.broadcast %add3A_663 : i32 to vector<16xi32>
      %add3A_665 = arith.addi %mul3A_622, %add3A_664 : vector<16xi32>
      %gather3A_666 = tpu.vector_load_idx %arg12[%add3A_613, %add3A_665] : memref<128x128xf32, #tpu.memory_space<vmem>>[vector<16xi32>, vector<16xi32>], vector<16xf32>,
      %mul3A_667 = arith.constant 16 : i32
      %mul3A_668 = vector.broadcast %mul3A_667 : i32 to vector<16xi32>
      %mul3A_669 = arith.muli %iota3A, %mul3A_668 : vector<16xi32>
      %add3A_670 = arith.constant 772 : i32
      %add3A_671 = vector.broadcast %add3A_670 : i32 to vector<16xi32>
      %add3A_672 = arith.addi %mul3A_669, %add3A_671 : vector<16xi32>
      tpu.vector_store_idx %arg16[%add3A_672], %gather3A_666 : memref<2048xf32, #tpu.memory_space<vmem>>[vector<16xi32>], vector<16xf32>,
      %add3A_673 = arith.constant 5 : i32
      %add3A_674 = vector.broadcast %add3A_673 : i32 to vector<16xi32>
      %add3A_675 = arith.addi %mul3A_622, %add3A_674 : vector<16xi32>
      %gather3A_676 = tpu.vector_load_idx %arg12[%add3A_613, %add3A_675] : memref<128x128xf32, #tpu.memory_space<vmem>>[vector<16xi32>, vector<16xi32>], vector<16xf32>,
      %mul3A_677 = arith.constant 16 : i32
      %mul3A_678 = vector.broadcast %mul3A_677 : i32 to vector<16xi32>
      %mul3A_679 = arith.muli %iota3A, %mul3A_678 : vector<16xi32>
      %add3A_680 = arith.constant 773 : i32
      %add3A_681 = vector.broadcast %add3A_680 : i32 to vector<16xi32>
      %add3A_682 = arith.addi %mul3A_679, %add3A_681 : vector<16xi32>
      tpu.vector_store_idx %arg16[%add3A_682], %gather3A_676 : memref<2048xf32, #tpu.memory_space<vmem>>[vector<16xi32>], vector<16xf32>,
      %add3A_683 = arith.constant 6 : i32
      %add3A_684 = vector.broadcast %add3A_683 : i32 to vector<16xi32>
      %add3A_685 = arith.addi %mul3A_622, %add3A_684 : vector<16xi32>
      %gather3A_686 = tpu.vector_load_idx %arg12[%add3A_613, %add3A_685] : memref<128x128xf32, #tpu.memory_space<vmem>>[vector<16xi32>, vector<16xi32>], vector<16xf32>,
      %mul3A_687 = arith.constant 16 : i32
      %mul3A_688 = vector.broadcast %mul3A_687 : i32 to vector<16xi32>
      %mul3A_689 = arith.muli %iota3A, %mul3A_688 : vector<16xi32>
      %add3A_690 = arith.constant 774 : i32
      %add3A_691 = vector.broadcast %add3A_690 : i32 to vector<16xi32>
      %add3A_692 = arith.addi %mul3A_689, %add3A_691 : vector<16xi32>
      tpu.vector_store_idx %arg16[%add3A_692], %gather3A_686 : memref<2048xf32, #tpu.memory_space<vmem>>[vector<16xi32>], vector<16xf32>,
      %add3A_693 = arith.constant 7 : i32
      %add3A_694 = vector.broadcast %add3A_693 : i32 to vector<16xi32>
      %add3A_695 = arith.addi %mul3A_622, %add3A_694 : vector<16xi32>
      %gather3A_696 = tpu.vector_load_idx %arg12[%add3A_613, %add3A_695] : memref<128x128xf32, #tpu.memory_space<vmem>>[vector<16xi32>, vector<16xi32>], vector<16xf32>,
      %mul3A_697 = arith.constant 16 : i32
      %mul3A_698 = vector.broadcast %mul3A_697 : i32 to vector<16xi32>
      %mul3A_699 = arith.muli %iota3A, %mul3A_698 : vector<16xi32>
      %add3A_700 = arith.constant 775 : i32
      %add3A_701 = vector.broadcast %add3A_700 : i32 to vector<16xi32>
      %add3A_702 = arith.addi %mul3A_699, %add3A_701 : vector<16xi32>
      tpu.vector_store_idx %arg16[%add3A_702], %gather3A_696 : memref<2048xf32, #tpu.memory_space<vmem>>[vector<16xi32>], vector<16xf32>,
      %add3A_703 = arith.constant 8 : i32
      %add3A_704 = vector.broadcast %add3A_703 : i32 to vector<16xi32>
      %add3A_705 = arith.addi %mul3A_622, %add3A_704 : vector<16xi32>
      %gather3A_706 = tpu.vector_load_idx %arg12[%add3A_613, %add3A_705] : memref<128x128xf32, #tpu.memory_space<vmem>>[vector<16xi32>, vector<16xi32>], vector<16xf32>,
      %mul3A_707 = arith.constant 16 : i32
      %mul3A_708 = vector.broadcast %mul3A_707 : i32 to vector<16xi32>
      %mul3A_709 = arith.muli %iota3A, %mul3A_708 : vector<16xi32>
      %add3A_710 = arith.constant 776 : i32
      %add3A_711 = vector.broadcast %add3A_710 : i32 to vector<16xi32>
      %add3A_712 = arith.addi %mul3A_709, %add3A_711 : vector<16xi32>
      tpu.vector_store_idx %arg16[%add3A_712], %gather3A_706 : memref<2048xf32, #tpu.memory_space<vmem>>[vector<16xi32>], vector<16xf32>,
      %add3A_713 = arith.constant 9 : i32
      %add3A_714 = vector.broadcast %add3A_713 : i32 to vector<16xi32>
      %add3A_715 = arith.addi %mul3A_622, %add3A_714 : vector<16xi32>
      %gather3A_716 = tpu.vector_load_idx %arg12[%add3A_613, %add3A_715] : memref<128x128xf32, #tpu.memory_space<vmem>>[vector<16xi32>, vector<16xi32>], vector<16xf32>,
      %mul3A_717 = arith.constant 16 : i32
      %mul3A_718 = vector.broadcast %mul3A_717 : i32 to vector<16xi32>
      %mul3A_719 = arith.muli %iota3A, %mul3A_718 : vector<16xi32>
      %add3A_720 = arith.constant 777 : i32
      %add3A_721 = vector.broadcast %add3A_720 : i32 to vector<16xi32>
      %add3A_722 = arith.addi %mul3A_719, %add3A_721 : vector<16xi32>
      tpu.vector_store_idx %arg16[%add3A_722], %gather3A_716 : memref<2048xf32, #tpu.memory_space<vmem>>[vector<16xi32>], vector<16xf32>,
      %add3A_723 = arith.constant 10 : i32
      %add3A_724 = vector.broadcast %add3A_723 : i32 to vector<16xi32>
      %add3A_725 = arith.addi %mul3A_622, %add3A_724 : vector<16xi32>
      %gather3A_726 = tpu.vector_load_idx %arg12[%add3A_613, %add3A_725] : memref<128x128xf32, #tpu.memory_space<vmem>>[vector<16xi32>, vector<16xi32>], vector<16xf32>,
      %mul3A_727 = arith.constant 16 : i32
      %mul3A_728 = vector.broadcast %mul3A_727 : i32 to vector<16xi32>
      %mul3A_729 = arith.muli %iota3A, %mul3A_728 : vector<16xi32>
      %add3A_730 = arith.constant 778 : i32
      %add3A_731 = vector.broadcast %add3A_730 : i32 to vector<16xi32>
      %add3A_732 = arith.addi %mul3A_729, %add3A_731 : vector<16xi32>
      tpu.vector_store_idx %arg16[%add3A_732], %gather3A_726 : memref<2048xf32, #tpu.memory_space<vmem>>[vector<16xi32>], vector<16xf32>,
      %add3A_733 = arith.constant 11 : i32
      %add3A_734 = vector.broadcast %add3A_733 : i32 to vector<16xi32>
      %add3A_735 = arith.addi %mul3A_622, %add3A_734 : vector<16xi32>
      %gather3A_736 = tpu.vector_load_idx %arg12[%add3A_613, %add3A_735] : memref<128x128xf32, #tpu.memory_space<vmem>>[vector<16xi32>, vector<16xi32>], vector<16xf32>,
      %mul3A_737 = arith.constant 16 : i32
      %mul3A_738 = vector.broadcast %mul3A_737 : i32 to vector<16xi32>
      %mul3A_739 = arith.muli %iota3A, %mul3A_738 : vector<16xi32>
      %add3A_740 = arith.constant 779 : i32
      %add3A_741 = vector.broadcast %add3A_740 : i32 to vector<16xi32>
      %add3A_742 = arith.addi %mul3A_739, %add3A_741 : vector<16xi32>
      tpu.vector_store_idx %arg16[%add3A_742], %gather3A_736 : memref<2048xf32, #tpu.memory_space<vmem>>[vector<16xi32>], vector<16xf32>,
      %add3A_743 = arith.constant 12 : i32
      %add3A_744 = vector.broadcast %add3A_743 : i32 to vector<16xi32>
      %add3A_745 = arith.addi %mul3A_622, %add3A_744 : vector<16xi32>
      %gather3A_746 = tpu.vector_load_idx %arg12[%add3A_613, %add3A_745] : memref<128x128xf32, #tpu.memory_space<vmem>>[vector<16xi32>, vector<16xi32>], vector<16xf32>,
      %mul3A_747 = arith.constant 16 : i32
      %mul3A_748 = vector.broadcast %mul3A_747 : i32 to vector<16xi32>
      %mul3A_749 = arith.muli %iota3A, %mul3A_748 : vector<16xi32>
      %add3A_750 = arith.constant 780 : i32
      %add3A_751 = vector.broadcast %add3A_750 : i32 to vector<16xi32>
      %add3A_752 = arith.addi %mul3A_749, %add3A_751 : vector<16xi32>
      tpu.vector_store_idx %arg16[%add3A_752], %gather3A_746 : memref<2048xf32, #tpu.memory_space<vmem>>[vector<16xi32>], vector<16xf32>,
      %add3A_753 = arith.constant 13 : i32
      %add3A_754 = vector.broadcast %add3A_753 : i32 to vector<16xi32>
      %add3A_755 = arith.addi %mul3A_622, %add3A_754 : vector<16xi32>
      %gather3A_756 = tpu.vector_load_idx %arg12[%add3A_613, %add3A_755] : memref<128x128xf32, #tpu.memory_space<vmem>>[vector<16xi32>, vector<16xi32>], vector<16xf32>,
      %mul3A_757 = arith.constant 16 : i32
      %mul3A_758 = vector.broadcast %mul3A_757 : i32 to vector<16xi32>
      %mul3A_759 = arith.muli %iota3A, %mul3A_758 : vector<16xi32>
      %add3A_760 = arith.constant 781 : i32
      %add3A_761 = vector.broadcast %add3A_760 : i32 to vector<16xi32>
      %add3A_762 = arith.addi %mul3A_759, %add3A_761 : vector<16xi32>
      tpu.vector_store_idx %arg16[%add3A_762], %gather3A_756 : memref<2048xf32, #tpu.memory_space<vmem>>[vector<16xi32>], vector<16xf32>,
      %add3A_763 = arith.constant 14 : i32
      %add3A_764 = vector.broadcast %add3A_763 : i32 to vector<16xi32>
      %add3A_765 = arith.addi %mul3A_622, %add3A_764 : vector<16xi32>
      %gather3A_766 = tpu.vector_load_idx %arg12[%add3A_613, %add3A_765] : memref<128x128xf32, #tpu.memory_space<vmem>>[vector<16xi32>, vector<16xi32>], vector<16xf32>,
      %mul3A_767 = arith.constant 16 : i32
      %mul3A_768 = vector.broadcast %mul3A_767 : i32 to vector<16xi32>
      %mul3A_769 = arith.muli %iota3A, %mul3A_768 : vector<16xi32>
      %add3A_770 = arith.constant 782 : i32
      %add3A_771 = vector.broadcast %add3A_770 : i32 to vector<16xi32>
      %add3A_772 = arith.addi %mul3A_769, %add3A_771 : vector<16xi32>
      tpu.vector_store_idx %arg16[%add3A_772], %gather3A_766 : memref<2048xf32, #tpu.memory_space<vmem>>[vector<16xi32>], vector<16xf32>,
      %add3A_773 = arith.constant 15 : i32
      %add3A_774 = vector.broadcast %add3A_773 : i32 to vector<16xi32>
      %add3A_775 = arith.addi %mul3A_622, %add3A_774 : vector<16xi32>
      %gather3A_776 = tpu.vector_load_idx %arg12[%add3A_613, %add3A_775] : memref<128x128xf32, #tpu.memory_space<vmem>>[vector<16xi32>, vector<16xi32>], vector<16xf32>,
      %mul3A_777 = arith.constant 16 : i32
      %mul3A_778 = vector.broadcast %mul3A_777 : i32 to vector<16xi32>
      %mul3A_779 = arith.muli %iota3A, %mul3A_778 : vector<16xi32>
      %add3A_780 = arith.constant 783 : i32
      %add3A_781 = vector.broadcast %add3A_780 : i32 to vector<16xi32>
      %add3A_782 = arith.addi %mul3A_779, %add3A_781 : vector<16xi32>
      tpu.vector_store_idx %arg16[%add3A_782], %gather3A_776 : memref<2048xf32, #tpu.memory_space<vmem>>[vector<16xi32>], vector<16xf32>,
      %and3A_783 = arith.constant 127 : i32
      %and3A_784 = vector.broadcast %and3A_783 : i32 to vector<16xi32>
      %and3A_785 = arith.andi %get3A_610, %and3A_784 : vector<16xi32>
      %gather3A_786 = tpu.vector_load_idx %arg14[%add3A_613, %and3A_785] : memref<128x128xf32, #tpu.memory_space<vmem>>[vector<16xi32>, vector<16xi32>], vector<16xf32>,
      %mul3A_787 = arith.constant 128 : i32
      %mul3A_788 = arith.muli %mul3A_31, %mul3A_787 : i32
      %add3A_789 = arith.constant 48 : i32
      %add3A_790 = arith.addi %mul3A_788, %add3A_789 : i32
      %add3A_791 = vector.broadcast %add3A_790 : i32 to vector<16xi32>
      %add3A_792 = arith.addi %add3A_791, %iota3A : vector<16xi32>
      tpu.vector_store_idx %arg17[%add3A_792], %gather3A_786 : memref<13312xf32, #tpu.memory_space<vmem>>[vector<16xi32>], vector<16xf32>,
      %get3A_793 = arith.index_cast %mul3A_31 : i32 to index
      %get3A_794 = arith.constant 64 : index
      %get3A_795 = tpu.vector_load %arg11[%get3A_793, %get3A_794] {strides = array<i32>} : memref<104x128xi32, #tpu.memory_space<vmem>>, vector<16xi32>,
      %add3A_796 = arith.constant 64 : i32
      %add3A_797 = vector.broadcast %add3A_796 : i32 to vector<16xi32>
      %add3A_798 = arith.addi %add3A_797, %iota3A : vector<16xi32>
      %shift_right_arithmetic3A_799 = arith.constant 12 : i32
      %shift_right_arithmetic3A_800 = vector.broadcast %shift_right_arithmetic3A_799 : i32 to vector<16xi32>
      %shift_right_arithmetic3A_801 = arith.shrsi %get3A_795, %shift_right_arithmetic3A_800 : vector<16xi32>
      %and3A_802 = arith.constant 7 : i32
      %and3A_803 = vector.broadcast %and3A_802 : i32 to vector<16xi32>
      %and3A_804 = arith.andi %shift_right_arithmetic3A_801, %and3A_803 : vector<16xi32>
      %mul3A_805 = arith.constant 16 : i32
      %mul3A_806 = vector.broadcast %mul3A_805 : i32 to vector<16xi32>
      %mul3A_807 = arith.muli %and3A_804, %mul3A_806 : vector<16xi32>
      %add3A_808 = arith.constant 0 : i32
      %add3A_809 = vector.broadcast %add3A_808 : i32 to vector<16xi32>
      %add3A_810 = arith.addi %mul3A_807, %add3A_809 : vector<16xi32>
      %gather3A_811 = tpu.vector_load_idx %arg12[%add3A_798, %add3A_810] : memref<128x128xf32, #tpu.memory_space<vmem>>[vector<16xi32>, vector<16xi32>], vector<16xf32>,
      %mul3A_812 = arith.constant 16 : i32
      %mul3A_813 = vector.broadcast %mul3A_812 : i32 to vector<16xi32>
      %mul3A_814 = arith.muli %iota3A, %mul3A_813 : vector<16xi32>
      %add3A_815 = arith.constant 1024 : i32
      %add3A_816 = vector.broadcast %add3A_815 : i32 to vector<16xi32>
      %add3A_817 = arith.addi %mul3A_814, %add3A_816 : vector<16xi32>
      tpu.vector_store_idx %arg16[%add3A_817], %gather3A_811 : memref<2048xf32, #tpu.memory_space<vmem>>[vector<16xi32>], vector<16xf32>,
      %add3A_818 = arith.constant 1 : i32
      %add3A_819 = vector.broadcast %add3A_818 : i32 to vector<16xi32>
      %add3A_820 = arith.addi %mul3A_807, %add3A_819 : vector<16xi32>
      %gather3A_821 = tpu.vector_load_idx %arg12[%add3A_798, %add3A_820] : memref<128x128xf32, #tpu.memory_space<vmem>>[vector<16xi32>, vector<16xi32>], vector<16xf32>,
      %mul3A_822 = arith.constant 16 : i32
      %mul3A_823 = vector.broadcast %mul3A_822 : i32 to vector<16xi32>
      %mul3A_824 = arith.muli %iota3A, %mul3A_823 : vector<16xi32>
      %add3A_825 = arith.constant 1025 : i32
      %add3A_826 = vector.broadcast %add3A_825 : i32 to vector<16xi32>
      %add3A_827 = arith.addi %mul3A_824, %add3A_826 : vector<16xi32>
      tpu.vector_store_idx %arg16[%add3A_827], %gather3A_821 : memref<2048xf32, #tpu.memory_space<vmem>>[vector<16xi32>], vector<16xf32>,
      %add3A_828 = arith.constant 2 : i32
      %add3A_829 = vector.broadcast %add3A_828 : i32 to vector<16xi32>
      %add3A_830 = arith.addi %mul3A_807, %add3A_829 : vector<16xi32>
      %gather3A_831 = tpu.vector_load_idx %arg12[%add3A_798, %add3A_830] : memref<128x128xf32, #tpu.memory_space<vmem>>[vector<16xi32>, vector<16xi32>], vector<16xf32>,
      %mul3A_832 = arith.constant 16 : i32
      %mul3A_833 = vector.broadcast %mul3A_832 : i32 to vector<16xi32>
      %mul3A_834 = arith.muli %iota3A, %mul3A_833 : vector<16xi32>
      %add3A_835 = arith.constant 1026 : i32
      %add3A_836 = vector.broadcast %add3A_835 : i32 to vector<16xi32>
      %add3A_837 = arith.addi %mul3A_834, %add3A_836 : vector<16xi32>
      tpu.vector_store_idx %arg16[%add3A_837], %gather3A_831 : memref<2048xf32, #tpu.memory_space<vmem>>[vector<16xi32>], vector<16xf32>,
      %add3A_838 = arith.constant 3 : i32
      %add3A_839 = vector.broadcast %add3A_838 : i32 to vector<16xi32>
      %add3A_840 = arith.addi %mul3A_807, %add3A_839 : vector<16xi32>
      %gather3A_841 = tpu.vector_load_idx %arg12[%add3A_798, %add3A_840] : memref<128x128xf32, #tpu.memory_space<vmem>>[vector<16xi32>, vector<16xi32>], vector<16xf32>,
      %mul3A_842 = arith.constant 16 : i32
      %mul3A_843 = vector.broadcast %mul3A_842 : i32 to vector<16xi32>
      %mul3A_844 = arith.muli %iota3A, %mul3A_843 : vector<16xi32>
      %add3A_845 = arith.constant 1027 : i32
      %add3A_846 = vector.broadcast %add3A_845 : i32 to vector<16xi32>
      %add3A_847 = arith.addi %mul3A_844, %add3A_846 : vector<16xi32>
      tpu.vector_store_idx %arg16[%add3A_847], %gather3A_841 : memref<2048xf32, #tpu.memory_space<vmem>>[vector<16xi32>], vector<16xf32>,
      %add3A_848 = arith.constant 4 : i32
      %add3A_849 = vector.broadcast %add3A_848 : i32 to vector<16xi32>
      %add3A_850 = arith.addi %mul3A_807, %add3A_849 : vector<16xi32>
      %gather3A_851 = tpu.vector_load_idx %arg12[%add3A_798, %add3A_850] : memref<128x128xf32, #tpu.memory_space<vmem>>[vector<16xi32>, vector<16xi32>], vector<16xf32>,
      %mul3A_852 = arith.constant 16 : i32
      %mul3A_853 = vector.broadcast %mul3A_852 : i32 to vector<16xi32>
      %mul3A_854 = arith.muli %iota3A, %mul3A_853 : vector<16xi32>
      %add3A_855 = arith.constant 1028 : i32
      %add3A_856 = vector.broadcast %add3A_855 : i32 to vector<16xi32>
      %add3A_857 = arith.addi %mul3A_854, %add3A_856 : vector<16xi32>
      tpu.vector_store_idx %arg16[%add3A_857], %gather3A_851 : memref<2048xf32, #tpu.memory_space<vmem>>[vector<16xi32>], vector<16xf32>,
      %add3A_858 = arith.constant 5 : i32
      %add3A_859 = vector.broadcast %add3A_858 : i32 to vector<16xi32>
      %add3A_860 = arith.addi %mul3A_807, %add3A_859 : vector<16xi32>
      %gather3A_861 = tpu.vector_load_idx %arg12[%add3A_798, %add3A_860] : memref<128x128xf32, #tpu.memory_space<vmem>>[vector<16xi32>, vector<16xi32>], vector<16xf32>,
      %mul3A_862 = arith.constant 16 : i32
      %mul3A_863 = vector.broadcast %mul3A_862 : i32 to vector<16xi32>
      %mul3A_864 = arith.muli %iota3A, %mul3A_863 : vector<16xi32>
      %add3A_865 = arith.constant 1029 : i32
      %add3A_866 = vector.broadcast %add3A_865 : i32 to vector<16xi32>
      %add3A_867 = arith.addi %mul3A_864, %add3A_866 : vector<16xi32>
      tpu.vector_store_idx %arg16[%add3A_867], %gather3A_861 : memref<2048xf32, #tpu.memory_space<vmem>>[vector<16xi32>], vector<16xf32>,
      %add3A_868 = arith.constant 6 : i32
      %add3A_869 = vector.broadcast %add3A_868 : i32 to vector<16xi32>
      %add3A_870 = arith.addi %mul3A_807, %add3A_869 : vector<16xi32>
      %gather3A_871 = tpu.vector_load_idx %arg12[%add3A_798, %add3A_870] : memref<128x128xf32, #tpu.memory_space<vmem>>[vector<16xi32>, vector<16xi32>], vector<16xf32>,
      %mul3A_872 = arith.constant 16 : i32
      %mul3A_873 = vector.broadcast %mul3A_872 : i32 to vector<16xi32>
      %mul3A_874 = arith.muli %iota3A, %mul3A_873 : vector<16xi32>
      %add3A_875 = arith.constant 1030 : i32
      %add3A_876 = vector.broadcast %add3A_875 : i32 to vector<16xi32>
      %add3A_877 = arith.addi %mul3A_874, %add3A_876 : vector<16xi32>
      tpu.vector_store_idx %arg16[%add3A_877], %gather3A_871 : memref<2048xf32, #tpu.memory_space<vmem>>[vector<16xi32>], vector<16xf32>,
      %add3A_878 = arith.constant 7 : i32
      %add3A_879 = vector.broadcast %add3A_878 : i32 to vector<16xi32>
      %add3A_880 = arith.addi %mul3A_807, %add3A_879 : vector<16xi32>
      %gather3A_881 = tpu.vector_load_idx %arg12[%add3A_798, %add3A_880] : memref<128x128xf32, #tpu.memory_space<vmem>>[vector<16xi32>, vector<16xi32>], vector<16xf32>,
      %mul3A_882 = arith.constant 16 : i32
      %mul3A_883 = vector.broadcast %mul3A_882 : i32 to vector<16xi32>
      %mul3A_884 = arith.muli %iota3A, %mul3A_883 : vector<16xi32>
      %add3A_885 = arith.constant 1031 : i32
      %add3A_886 = vector.broadcast %add3A_885 : i32 to vector<16xi32>
      %add3A_887 = arith.addi %mul3A_884, %add3A_886 : vector<16xi32>
      tpu.vector_store_idx %arg16[%add3A_887], %gather3A_881 : memref<2048xf32, #tpu.memory_space<vmem>>[vector<16xi32>], vector<16xf32>,
      %add3A_888 = arith.constant 8 : i32
      %add3A_889 = vector.broadcast %add3A_888 : i32 to vector<16xi32>
      %add3A_890 = arith.addi %mul3A_807, %add3A_889 : vector<16xi32>
      %gather3A_891 = tpu.vector_load_idx %arg12[%add3A_798, %add3A_890] : memref<128x128xf32, #tpu.memory_space<vmem>>[vector<16xi32>, vector<16xi32>], vector<16xf32>,
      %mul3A_892 = arith.constant 16 : i32
      %mul3A_893 = vector.broadcast %mul3A_892 : i32 to vector<16xi32>
      %mul3A_894 = arith.muli %iota3A, %mul3A_893 : vector<16xi32>
      %add3A_895 = arith.constant 1032 : i32
      %add3A_896 = vector.broadcast %add3A_895 : i32 to vector<16xi32>
      %add3A_897 = arith.addi %mul3A_894, %add3A_896 : vector<16xi32>
      tpu.vector_store_idx %arg16[%add3A_897], %gather3A_891 : memref<2048xf32, #tpu.memory_space<vmem>>[vector<16xi32>], vector<16xf32>,
      %add3A_898 = arith.constant 9 : i32
      %add3A_899 = vector.broadcast %add3A_898 : i32 to vector<16xi32>
      %add3A_900 = arith.addi %mul3A_807, %add3A_899 : vector<16xi32>
      %gather3A_901 = tpu.vector_load_idx %arg12[%add3A_798, %add3A_900] : memref<128x128xf32, #tpu.memory_space<vmem>>[vector<16xi32>, vector<16xi32>], vector<16xf32>,
      %mul3A_902 = arith.constant 16 : i32
      %mul3A_903 = vector.broadcast %mul3A_902 : i32 to vector<16xi32>
      %mul3A_904 = arith.muli %iota3A, %mul3A_903 : vector<16xi32>
      %add3A_905 = arith.constant 1033 : i32
      %add3A_906 = vector.broadcast %add3A_905 : i32 to vector<16xi32>
      %add3A_907 = arith.addi %mul3A_904, %add3A_906 : vector<16xi32>
      tpu.vector_store_idx %arg16[%add3A_907], %gather3A_901 : memref<2048xf32, #tpu.memory_space<vmem>>[vector<16xi32>], vector<16xf32>,
      %add3A_908 = arith.constant 10 : i32
      %add3A_909 = vector.broadcast %add3A_908 : i32 to vector<16xi32>
      %add3A_910 = arith.addi %mul3A_807, %add3A_909 : vector<16xi32>
      %gather3A_911 = tpu.vector_load_idx %arg12[%add3A_798, %add3A_910] : memref<128x128xf32, #tpu.memory_space<vmem>>[vector<16xi32>, vector<16xi32>], vector<16xf32>,
      %mul3A_912 = arith.constant 16 : i32
      %mul3A_913 = vector.broadcast %mul3A_912 : i32 to vector<16xi32>
      %mul3A_914 = arith.muli %iota3A, %mul3A_913 : vector<16xi32>
      %add3A_915 = arith.constant 1034 : i32
      %add3A_916 = vector.broadcast %add3A_915 : i32 to vector<16xi32>
      %add3A_917 = arith.addi %mul3A_914, %add3A_916 : vector<16xi32>
      tpu.vector_store_idx %arg16[%add3A_917], %gather3A_911 : memref<2048xf32, #tpu.memory_space<vmem>>[vector<16xi32>], vector<16xf32>,
      %add3A_918 = arith.constant 11 : i32
      %add3A_919 = vector.broadcast %add3A_918 : i32 to vector<16xi32>
      %add3A_920 = arith.addi %mul3A_807, %add3A_919 : vector<16xi32>
      %gather3A_921 = tpu.vector_load_idx %arg12[%add3A_798, %add3A_920] : memref<128x128xf32, #tpu.memory_space<vmem>>[vector<16xi32>, vector<16xi32>], vector<16xf32>,
      %mul3A_922 = arith.constant 16 : i32
      %mul3A_923 = vector.broadcast %mul3A_922 : i32 to vector<16xi32>
      %mul3A_924 = arith.muli %iota3A, %mul3A_923 : vector<16xi32>
      %add3A_925 = arith.constant 1035 : i32
      %add3A_926 = vector.broadcast %add3A_925 : i32 to vector<16xi32>
      %add3A_927 = arith.addi %mul3A_924, %add3A_926 : vector<16xi32>
      tpu.vector_store_idx %arg16[%add3A_927], %gather3A_921 : memref<2048xf32, #tpu.memory_space<vmem>>[vector<16xi32>], vector<16xf32>,
      %add3A_928 = arith.constant 12 : i32
      %add3A_929 = vector.broadcast %add3A_928 : i32 to vector<16xi32>
      %add3A_930 = arith.addi %mul3A_807, %add3A_929 : vector<16xi32>
      %gather3A_931 = tpu.vector_load_idx %arg12[%add3A_798, %add3A_930] : memref<128x128xf32, #tpu.memory_space<vmem>>[vector<16xi32>, vector<16xi32>], vector<16xf32>,
      %mul3A_932 = arith.constant 16 : i32
      %mul3A_933 = vector.broadcast %mul3A_932 : i32 to vector<16xi32>
      %mul3A_934 = arith.muli %iota3A, %mul3A_933 : vector<16xi32>
      %add3A_935 = arith.constant 1036 : i32
      %add3A_936 = vector.broadcast %add3A_935 : i32 to vector<16xi32>
      %add3A_937 = arith.addi %mul3A_934, %add3A_936 : vector<16xi32>
      tpu.vector_store_idx %arg16[%add3A_937], %gather3A_931 : memref<2048xf32, #tpu.memory_space<vmem>>[vector<16xi32>], vector<16xf32>,
      %add3A_938 = arith.constant 13 : i32
      %add3A_939 = vector.broadcast %add3A_938 : i32 to vector<16xi32>
      %add3A_940 = arith.addi %mul3A_807, %add3A_939 : vector<16xi32>
      %gather3A_941 = tpu.vector_load_idx %arg12[%add3A_798, %add3A_940] : memref<128x128xf32, #tpu.memory_space<vmem>>[vector<16xi32>, vector<16xi32>], vector<16xf32>,
      %mul3A_942 = arith.constant 16 : i32
      %mul3A_943 = vector.broadcast %mul3A_942 : i32 to vector<16xi32>
      %mul3A_944 = arith.muli %iota3A, %mul3A_943 : vector<16xi32>
      %add3A_945 = arith.constant 1037 : i32
      %add3A_946 = vector.broadcast %add3A_945 : i32 to vector<16xi32>
      %add3A_947 = arith.addi %mul3A_944, %add3A_946 : vector<16xi32>
      tpu.vector_store_idx %arg16[%add3A_947], %gather3A_941 : memref<2048xf32, #tpu.memory_space<vmem>>[vector<16xi32>], vector<16xf32>,
      %add3A_948 = arith.constant 14 : i32
      %add3A_949 = vector.broadcast %add3A_948 : i32 to vector<16xi32>
      %add3A_950 = arith.addi %mul3A_807, %add3A_949 : vector<16xi32>
      %gather3A_951 = tpu.vector_load_idx %arg12[%add3A_798, %add3A_950] : memref<128x128xf32, #tpu.memory_space<vmem>>[vector<16xi32>, vector<16xi32>], vector<16xf32>,
      %mul3A_952 = arith.constant 16 : i32
      %mul3A_953 = vector.broadcast %mul3A_952 : i32 to vector<16xi32>
      %mul3A_954 = arith.muli %iota3A, %mul3A_953 : vector<16xi32>
      %add3A_955 = arith.constant 1038 : i32
      %add3A_956 = vector.broadcast %add3A_955 : i32 to vector<16xi32>
      %add3A_957 = arith.addi %mul3A_954, %add3A_956 : vector<16xi32>
      tpu.vector_store_idx %arg16[%add3A_957], %gather3A_951 : memref<2048xf32, #tpu.memory_space<vmem>>[vector<16xi32>], vector<16xf32>,
      %add3A_958 = arith.constant 15 : i32
      %add3A_959 = vector.broadcast %add3A_958 : i32 to vector<16xi32>
      %add3A_960 = arith.addi %mul3A_807, %add3A_959 : vector<16xi32>
      %gather3A_961 = tpu.vector_load_idx %arg12[%add3A_798, %add3A_960] : memref<128x128xf32, #tpu.memory_space<vmem>>[vector<16xi32>, vector<16xi32>], vector<16xf32>,
      %mul3A_962 = arith.constant 16 : i32
      %mul3A_963 = vector.broadcast %mul3A_962 : i32 to vector<16xi32>
      %mul3A_964 = arith.muli %iota3A, %mul3A_963 : vector<16xi32>
      %add3A_965 = arith.constant 1039 : i32
      %add3A_966 = vector.broadcast %add3A_965 : i32 to vector<16xi32>
      %add3A_967 = arith.addi %mul3A_964, %add3A_966 : vector<16xi32>
      tpu.vector_store_idx %arg16[%add3A_967], %gather3A_961 : memref<2048xf32, #tpu.memory_space<vmem>>[vector<16xi32>], vector<16xf32>,
      %and3A_968 = arith.constant 127 : i32
      %and3A_969 = vector.broadcast %and3A_968 : i32 to vector<16xi32>
      %and3A_970 = arith.andi %get3A_795, %and3A_969 : vector<16xi32>
      %gather3A_971 = tpu.vector_load_idx %arg14[%add3A_798, %and3A_970] : memref<128x128xf32, #tpu.memory_space<vmem>>[vector<16xi32>, vector<16xi32>], vector<16xf32>,
      %mul3A_972 = arith.constant 128 : i32
      %mul3A_973 = arith.muli %mul3A_31, %mul3A_972 : i32
      %add3A_974 = arith.constant 64 : i32
      %add3A_975 = arith.addi %mul3A_973, %add3A_974 : i32
      %add3A_976 = vector.broadcast %add3A_975 : i32 to vector<16xi32>
      %add3A_977 = arith.addi %add3A_976, %iota3A : vector<16xi32>
      tpu.vector_store_idx %arg17[%add3A_977], %gather3A_971 : memref<13312xf32, #tpu.memory_space<vmem>>[vector<16xi32>], vector<16xf32>,
      %get3A_978 = arith.index_cast %mul3A_31 : i32 to index
      %get3A_979 = arith.constant 80 : index
      %get3A_980 = tpu.vector_load %arg11[%get3A_978, %get3A_979] {strides = array<i32>} : memref<104x128xi32, #tpu.memory_space<vmem>>, vector<16xi32>,
      %add3A_981 = arith.constant 80 : i32
      %add3A_982 = vector.broadcast %add3A_981 : i32 to vector<16xi32>
      %add3A_983 = arith.addi %add3A_982, %iota3A : vector<16xi32>
      %shift_right_arithmetic3A_984 = arith.constant 12 : i32
      %shift_right_arithmetic3A_985 = vector.broadcast %shift_right_arithmetic3A_984 : i32 to vector<16xi32>
      %shift_right_arithmetic3A_986 = arith.shrsi %get3A_980, %shift_right_arithmetic3A_985 : vector<16xi32>
      %and3A_987 = arith.constant 7 : i32
      %and3A_988 = vector.broadcast %and3A_987 : i32 to vector<16xi32>
      %and3A_989 = arith.andi %shift_right_arithmetic3A_986, %and3A_988 : vector<16xi32>
      %mul3A_990 = arith.constant 16 : i32
      %mul3A_991 = vector.broadcast %mul3A_990 : i32 to vector<16xi32>
      %mul3A_992 = arith.muli %and3A_989, %mul3A_991 : vector<16xi32>
      %add3A_993 = arith.constant 0 : i32
      %add3A_994 = vector.broadcast %add3A_993 : i32 to vector<16xi32>
      %add3A_995 = arith.addi %mul3A_992, %add3A_994 : vector<16xi32>
      %gather3A_996 = tpu.vector_load_idx %arg12[%add3A_983, %add3A_995] : memref<128x128xf32, #tpu.memory_space<vmem>>[vector<16xi32>, vector<16xi32>], vector<16xf32>,
      %mul3A_997 = arith.constant 16 : i32
      %mul3A_998 = vector.broadcast %mul3A_997 : i32 to vector<16xi32>
      %mul3A_999 = arith.muli %iota3A, %mul3A_998 : vector<16xi32>
      %add3A_1000 = arith.constant 1280 : i32
      %add3A_1001 = vector.broadcast %add3A_1000 : i32 to vector<16xi32>
      %add3A_1002 = arith.addi %mul3A_999, %add3A_1001 : vector<16xi32>
      tpu.vector_store_idx %arg16[%add3A_1002], %gather3A_996 : memref<2048xf32, #tpu.memory_space<vmem>>[vector<16xi32>], vector<16xf32>,
      %add3A_1003 = arith.constant 1 : i32
      %add3A_1004 = vector.broadcast %add3A_1003 : i32 to vector<16xi32>
      %add3A_1005 = arith.addi %mul3A_992, %add3A_1004 : vector<16xi32>
      %gather3A_1006 = tpu.vector_load_idx %arg12[%add3A_983, %add3A_1005] : memref<128x128xf32, #tpu.memory_space<vmem>>[vector<16xi32>, vector<16xi32>], vector<16xf32>,
      %mul3A_1007 = arith.constant 16 : i32
      %mul3A_1008 = vector.broadcast %mul3A_1007 : i32 to vector<16xi32>
      %mul3A_1009 = arith.muli %iota3A, %mul3A_1008 : vector<16xi32>
      %add3A_1010 = arith.constant 1281 : i32
      %add3A_1011 = vector.broadcast %add3A_1010 : i32 to vector<16xi32>
      %add3A_1012 = arith.addi %mul3A_1009, %add3A_1011 : vector<16xi32>
      tpu.vector_store_idx %arg16[%add3A_1012], %gather3A_1006 : memref<2048xf32, #tpu.memory_space<vmem>>[vector<16xi32>], vector<16xf32>,
      %add3A_1013 = arith.constant 2 : i32
      %add3A_1014 = vector.broadcast %add3A_1013 : i32 to vector<16xi32>
      %add3A_1015 = arith.addi %mul3A_992, %add3A_1014 : vector<16xi32>
      %gather3A_1016 = tpu.vector_load_idx %arg12[%add3A_983, %add3A_1015] : memref<128x128xf32, #tpu.memory_space<vmem>>[vector<16xi32>, vector<16xi32>], vector<16xf32>,
      %mul3A_1017 = arith.constant 16 : i32
      %mul3A_1018 = vector.broadcast %mul3A_1017 : i32 to vector<16xi32>
      %mul3A_1019 = arith.muli %iota3A, %mul3A_1018 : vector<16xi32>
      %add3A_1020 = arith.constant 1282 : i32
      %add3A_1021 = vector.broadcast %add3A_1020 : i32 to vector<16xi32>
      %add3A_1022 = arith.addi %mul3A_1019, %add3A_1021 : vector<16xi32>
      tpu.vector_store_idx %arg16[%add3A_1022], %gather3A_1016 : memref<2048xf32, #tpu.memory_space<vmem>>[vector<16xi32>], vector<16xf32>,
      %add3A_1023 = arith.constant 3 : i32
      %add3A_1024 = vector.broadcast %add3A_1023 : i32 to vector<16xi32>
      %add3A_1025 = arith.addi %mul3A_992, %add3A_1024 : vector<16xi32>
      %gather3A_1026 = tpu.vector_load_idx %arg12[%add3A_983, %add3A_1025] : memref<128x128xf32, #tpu.memory_space<vmem>>[vector<16xi32>, vector<16xi32>], vector<16xf32>,
      %mul3A_1027 = arith.constant 16 : i32
      %mul3A_1028 = vector.broadcast %mul3A_1027 : i32 to vector<16xi32>
      %mul3A_1029 = arith.muli %iota3A, %mul3A_1028 : vector<16xi32>
      %add3A_1030 = arith.constant 1283 : i32
      %add3A_1031 = vector.broadcast %add3A_1030 : i32 to vector<16xi32>
      %add3A_1032 = arith.addi %mul3A_1029, %add3A_1031 : vector<16xi32>
      tpu.vector_store_idx %arg16[%add3A_1032], %gather3A_1026 : memref<2048xf32, #tpu.memory_space<vmem>>[vector<16xi32>], vector<16xf32>,
      %add3A_1033 = arith.constant 4 : i32
      %add3A_1034 = vector.broadcast %add3A_1033 : i32 to vector<16xi32>
      %add3A_1035 = arith.addi %mul3A_992, %add3A_1034 : vector<16xi32>
      %gather3A_1036 = tpu.vector_load_idx %arg12[%add3A_983, %add3A_1035] : memref<128x128xf32, #tpu.memory_space<vmem>>[vector<16xi32>, vector<16xi32>], vector<16xf32>,
      %mul3A_1037 = arith.constant 16 : i32
      %mul3A_1038 = vector.broadcast %mul3A_1037 : i32 to vector<16xi32>
      %mul3A_1039 = arith.muli %iota3A, %mul3A_1038 : vector<16xi32>
      %add3A_1040 = arith.constant 1284 : i32
      %add3A_1041 = vector.broadcast %add3A_1040 : i32 to vector<16xi32>
      %add3A_1042 = arith.addi %mul3A_1039, %add3A_1041 : vector<16xi32>
      tpu.vector_store_idx %arg16[%add3A_1042], %gather3A_1036 : memref<2048xf32, #tpu.memory_space<vmem>>[vector<16xi32>], vector<16xf32>,
      %add3A_1043 = arith.constant 5 : i32
      %add3A_1044 = vector.broadcast %add3A_1043 : i32 to vector<16xi32>
      %add3A_1045 = arith.addi %mul3A_992, %add3A_1044 : vector<16xi32>
      %gather3A_1046 = tpu.vector_load_idx %arg12[%add3A_983, %add3A_1045] : memref<128x128xf32, #tpu.memory_space<vmem>>[vector<16xi32>, vector<16xi32>], vector<16xf32>,
      %mul3A_1047 = arith.constant 16 : i32
      %mul3A_1048 = vector.broadcast %mul3A_1047 : i32 to vector<16xi32>
      %mul3A_1049 = arith.muli %iota3A, %mul3A_1048 : vector<16xi32>
      %add3A_1050 = arith.constant 1285 : i32
      %add3A_1051 = vector.broadcast %add3A_1050 : i32 to vector<16xi32>
      %add3A_1052 = arith.addi %mul3A_1049, %add3A_1051 : vector<16xi32>
      tpu.vector_store_idx %arg16[%add3A_1052], %gather3A_1046 : memref<2048xf32, #tpu.memory_space<vmem>>[vector<16xi32>], vector<16xf32>,
      %add3A_1053 = arith.constant 6 : i32
      %add3A_1054 = vector.broadcast %add3A_1053 : i32 to vector<16xi32>
      %add3A_1055 = arith.addi %mul3A_992, %add3A_1054 : vector<16xi32>
      %gather3A_1056 = tpu.vector_load_idx %arg12[%add3A_983, %add3A_1055] : memref<128x128xf32, #tpu.memory_space<vmem>>[vector<16xi32>, vector<16xi32>], vector<16xf32>,
      %mul3A_1057 = arith.constant 16 : i32
      %mul3A_1058 = vector.broadcast %mul3A_1057 : i32 to vector<16xi32>
      %mul3A_1059 = arith.muli %iota3A, %mul3A_1058 : vector<16xi32>
      %add3A_1060 = arith.constant 1286 : i32
      %add3A_1061 = vector.broadcast %add3A_1060 : i32 to vector<16xi32>
      %add3A_1062 = arith.addi %mul3A_1059, %add3A_1061 : vector<16xi32>
      tpu.vector_store_idx %arg16[%add3A_1062], %gather3A_1056 : memref<2048xf32, #tpu.memory_space<vmem>>[vector<16xi32>], vector<16xf32>,
      %add3A_1063 = arith.constant 7 : i32
      %add3A_1064 = vector.broadcast %add3A_1063 : i32 to vector<16xi32>
      %add3A_1065 = arith.addi %mul3A_992, %add3A_1064 : vector<16xi32>
      %gather3A_1066 = tpu.vector_load_idx %arg12[%add3A_983, %add3A_1065] : memref<128x128xf32, #tpu.memory_space<vmem>>[vector<16xi32>, vector<16xi32>], vector<16xf32>,
      %mul3A_1067 = arith.constant 16 : i32
      %mul3A_1068 = vector.broadcast %mul3A_1067 : i32 to vector<16xi32>
      %mul3A_1069 = arith.muli %iota3A, %mul3A_1068 : vector<16xi32>
      %add3A_1070 = arith.constant 1287 : i32
      %add3A_1071 = vector.broadcast %add3A_1070 : i32 to vector<16xi32>
      %add3A_1072 = arith.addi %mul3A_1069, %add3A_1071 : vector<16xi32>
      tpu.vector_store_idx %arg16[%add3A_1072], %gather3A_1066 : memref<2048xf32, #tpu.memory_space<vmem>>[vector<16xi32>], vector<16xf32>,
      %add3A_1073 = arith.constant 8 : i32
      %add3A_1074 = vector.broadcast %add3A_1073 : i32 to vector<16xi32>
      %add3A_1075 = arith.addi %mul3A_992, %add3A_1074 : vector<16xi32>
      %gather3A_1076 = tpu.vector_load_idx %arg12[%add3A_983, %add3A_1075] : memref<128x128xf32, #tpu.memory_space<vmem>>[vector<16xi32>, vector<16xi32>], vector<16xf32>,
      %mul3A_1077 = arith.constant 16 : i32
      %mul3A_1078 = vector.broadcast %mul3A_1077 : i32 to vector<16xi32>
      %mul3A_1079 = arith.muli %iota3A, %mul3A_1078 : vector<16xi32>
      %add3A_1080 = arith.constant 1288 : i32
      %add3A_1081 = vector.broadcast %add3A_1080 : i32 to vector<16xi32>
      %add3A_1082 = arith.addi %mul3A_1079, %add3A_1081 : vector<16xi32>
      tpu.vector_store_idx %arg16[%add3A_1082], %gather3A_1076 : memref<2048xf32, #tpu.memory_space<vmem>>[vector<16xi32>], vector<16xf32>,
      %add3A_1083 = arith.constant 9 : i32
      %add3A_1084 = vector.broadcast %add3A_1083 : i32 to vector<16xi32>
      %add3A_1085 = arith.addi %mul3A_992, %add3A_1084 : vector<16xi32>
      %gather3A_1086 = tpu.vector_load_idx %arg12[%add3A_983, %add3A_1085] : memref<128x128xf32, #tpu.memory_space<vmem>>[vector<16xi32>, vector<16xi32>], vector<16xf32>,
      %mul3A_1087 = arith.constant 16 : i32
      %mul3A_1088 = vector.broadcast %mul3A_1087 : i32 to vector<16xi32>
      %mul3A_1089 = arith.muli %iota3A, %mul3A_1088 : vector<16xi32>
      %add3A_1090 = arith.constant 1289 : i32
      %add3A_1091 = vector.broadcast %add3A_1090 : i32 to vector<16xi32>
      %add3A_1092 = arith.addi %mul3A_1089, %add3A_1091 : vector<16xi32>
      tpu.vector_store_idx %arg16[%add3A_1092], %gather3A_1086 : memref<2048xf32, #tpu.memory_space<vmem>>[vector<16xi32>], vector<16xf32>,
      %add3A_1093 = arith.constant 10 : i32
      %add3A_1094 = vector.broadcast %add3A_1093 : i32 to vector<16xi32>
      %add3A_1095 = arith.addi %mul3A_992, %add3A_1094 : vector<16xi32>
      %gather3A_1096 = tpu.vector_load_idx %arg12[%add3A_983, %add3A_1095] : memref<128x128xf32, #tpu.memory_space<vmem>>[vector<16xi32>, vector<16xi32>], vector<16xf32>,
      %mul3A_1097 = arith.constant 16 : i32
      %mul3A_1098 = vector.broadcast %mul3A_1097 : i32 to vector<16xi32>
      %mul3A_1099 = arith.muli %iota3A, %mul3A_1098 : vector<16xi32>
      %add3A_1100 = arith.constant 1290 : i32
      %add3A_1101 = vector.broadcast %add3A_1100 : i32 to vector<16xi32>
      %add3A_1102 = arith.addi %mul3A_1099, %add3A_1101 : vector<16xi32>
      tpu.vector_store_idx %arg16[%add3A_1102], %gather3A_1096 : memref<2048xf32, #tpu.memory_space<vmem>>[vector<16xi32>], vector<16xf32>,
      %add3A_1103 = arith.constant 11 : i32
      %add3A_1104 = vector.broadcast %add3A_1103 : i32 to vector<16xi32>
      %add3A_1105 = arith.addi %mul3A_992, %add3A_1104 : vector<16xi32>
      %gather3A_1106 = tpu.vector_load_idx %arg12[%add3A_983, %add3A_1105] : memref<128x128xf32, #tpu.memory_space<vmem>>[vector<16xi32>, vector<16xi32>], vector<16xf32>,
      %mul3A_1107 = arith.constant 16 : i32
      %mul3A_1108 = vector.broadcast %mul3A_1107 : i32 to vector<16xi32>
      %mul3A_1109 = arith.muli %iota3A, %mul3A_1108 : vector<16xi32>
      %add3A_1110 = arith.constant 1291 : i32
      %add3A_1111 = vector.broadcast %add3A_1110 : i32 to vector<16xi32>
      %add3A_1112 = arith.addi %mul3A_1109, %add3A_1111 : vector<16xi32>
      tpu.vector_store_idx %arg16[%add3A_1112], %gather3A_1106 : memref<2048xf32, #tpu.memory_space<vmem>>[vector<16xi32>], vector<16xf32>,
      %add3A_1113 = arith.constant 12 : i32
      %add3A_1114 = vector.broadcast %add3A_1113 : i32 to vector<16xi32>
      %add3A_1115 = arith.addi %mul3A_992, %add3A_1114 : vector<16xi32>
      %gather3A_1116 = tpu.vector_load_idx %arg12[%add3A_983, %add3A_1115] : memref<128x128xf32, #tpu.memory_space<vmem>>[vector<16xi32>, vector<16xi32>], vector<16xf32>,
      %mul3A_1117 = arith.constant 16 : i32
      %mul3A_1118 = vector.broadcast %mul3A_1117 : i32 to vector<16xi32>
      %mul3A_1119 = arith.muli %iota3A, %mul3A_1118 : vector<16xi32>
      %add3A_1120 = arith.constant 1292 : i32
      %add3A_1121 = vector.broadcast %add3A_1120 : i32 to vector<16xi32>
      %add3A_1122 = arith.addi %mul3A_1119, %add3A_1121 : vector<16xi32>
      tpu.vector_store_idx %arg16[%add3A_1122], %gather3A_1116 : memref<2048xf32, #tpu.memory_space<vmem>>[vector<16xi32>], vector<16xf32>,
      %add3A_1123 = arith.constant 13 : i32
      %add3A_1124 = vector.broadcast %add3A_1123 : i32 to vector<16xi32>
      %add3A_1125 = arith.addi %mul3A_992, %add3A_1124 : vector<16xi32>
      %gather3A_1126 = tpu.vector_load_idx %arg12[%add3A_983, %add3A_1125] : memref<128x128xf32, #tpu.memory_space<vmem>>[vector<16xi32>, vector<16xi32>], vector<16xf32>,
      %mul3A_1127 = arith.constant 16 : i32
      %mul3A_1128 = vector.broadcast %mul3A_1127 : i32 to vector<16xi32>
      %mul3A_1129 = arith.muli %iota3A, %mul3A_1128 : vector<16xi32>
      %add3A_1130 = arith.constant 1293 : i32
      %add3A_1131 = vector.broadcast %add3A_1130 : i32 to vector<16xi32>
      %add3A_1132 = arith.addi %mul3A_1129, %add3A_1131 : vector<16xi32>
      tpu.vector_store_idx %arg16[%add3A_1132], %gather3A_1126 : memref<2048xf32, #tpu.memory_space<vmem>>[vector<16xi32>], vector<16xf32>,
      %add3A_1133 = arith.constant 14 : i32
      %add3A_1134 = vector.broadcast %add3A_1133 : i32 to vector<16xi32>
      %add3A_1135 = arith.addi %mul3A_992, %add3A_1134 : vector<16xi32>
      %gather3A_1136 = tpu.vector_load_idx %arg12[%add3A_983, %add3A_1135] : memref<128x128xf32, #tpu.memory_space<vmem>>[vector<16xi32>, vector<16xi32>], vector<16xf32>,
      %mul3A_1137 = arith.constant 16 : i32
      %mul3A_1138 = vector.broadcast %mul3A_1137 : i32 to vector<16xi32>
      %mul3A_1139 = arith.muli %iota3A, %mul3A_1138 : vector<16xi32>
      %add3A_1140 = arith.constant 1294 : i32
      %add3A_1141 = vector.broadcast %add3A_1140 : i32 to vector<16xi32>
      %add3A_1142 = arith.addi %mul3A_1139, %add3A_1141 : vector<16xi32>
      tpu.vector_store_idx %arg16[%add3A_1142], %gather3A_1136 : memref<2048xf32, #tpu.memory_space<vmem>>[vector<16xi32>], vector<16xf32>,
      %add3A_1143 = arith.constant 15 : i32
      %add3A_1144 = vector.broadcast %add3A_1143 : i32 to vector<16xi32>
      %add3A_1145 = arith.addi %mul3A_992, %add3A_1144 : vector<16xi32>
      %gather3A_1146 = tpu.vector_load_idx %arg12[%add3A_983, %add3A_1145] : memref<128x128xf32, #tpu.memory_space<vmem>>[vector<16xi32>, vector<16xi32>], vector<16xf32>,
      %mul3A_1147 = arith.constant 16 : i32
      %mul3A_1148 = vector.broadcast %mul3A_1147 : i32 to vector<16xi32>
      %mul3A_1149 = arith.muli %iota3A, %mul3A_1148 : vector<16xi32>
      %add3A_1150 = arith.constant 1295 : i32
      %add3A_1151 = vector.broadcast %add3A_1150 : i32 to vector<16xi32>
      %add3A_1152 = arith.addi %mul3A_1149, %add3A_1151 : vector<16xi32>
      tpu.vector_store_idx %arg16[%add3A_1152], %gather3A_1146 : memref<2048xf32, #tpu.memory_space<vmem>>[vector<16xi32>], vector<16xf32>,
      %and3A_1153 = arith.constant 127 : i32
      %and3A_1154 = vector.broadcast %and3A_1153 : i32 to vector<16xi32>
      %and3A_1155 = arith.andi %get3A_980, %and3A_1154 : vector<16xi32>
      %gather3A_1156 = tpu.vector_load_idx %arg14[%add3A_983, %and3A_1155] : memref<128x128xf32, #tpu.memory_space<vmem>>[vector<16xi32>, vector<16xi32>], vector<16xf32>,
      %mul3A_1157 = arith.constant 128 : i32
      %mul3A_1158 = arith.muli %mul3A_31, %mul3A_1157 : i32
      %add3A_1159 = arith.constant 80 : i32
      %add3A_1160 = arith.addi %mul3A_1158, %add3A_1159 : i32
      %add3A_1161 = vector.broadcast %add3A_1160 : i32 to vector<16xi32>
      %add3A_1162 = arith.addi %add3A_1161, %iota3A : vector<16xi32>
      tpu.vector_store_idx %arg17[%add3A_1162], %gather3A_1156 : memref<13312xf32, #tpu.memory_space<vmem>>[vector<16xi32>], vector<16xf32>,
      %get3A_1163 = arith.index_cast %mul3A_31 : i32 to index
      %get3A_1164 = arith.constant 96 : index
      %get3A_1165 = tpu.vector_load %arg11[%get3A_1163, %get3A_1164] {strides = array<i32>} : memref<104x128xi32, #tpu.memory_space<vmem>>, vector<16xi32>,
      %add3A_1166 = arith.constant 96 : i32
      %add3A_1167 = vector.broadcast %add3A_1166 : i32 to vector<16xi32>
      %add3A_1168 = arith.addi %add3A_1167, %iota3A : vector<16xi32>
      %shift_right_arithmetic3A_1169 = arith.constant 12 : i32
      %shift_right_arithmetic3A_1170 = vector.broadcast %shift_right_arithmetic3A_1169 : i32 to vector<16xi32>
      %shift_right_arithmetic3A_1171 = arith.shrsi %get3A_1165, %shift_right_arithmetic3A_1170 : vector<16xi32>
      %and3A_1172 = arith.constant 7 : i32
      %and3A_1173 = vector.broadcast %and3A_1172 : i32 to vector<16xi32>
      %and3A_1174 = arith.andi %shift_right_arithmetic3A_1171, %and3A_1173 : vector<16xi32>
      %mul3A_1175 = arith.constant 16 : i32
      %mul3A_1176 = vector.broadcast %mul3A_1175 : i32 to vector<16xi32>
      %mul3A_1177 = arith.muli %and3A_1174, %mul3A_1176 : vector<16xi32>
      %add3A_1178 = arith.constant 0 : i32
      %add3A_1179 = vector.broadcast %add3A_1178 : i32 to vector<16xi32>
      %add3A_1180 = arith.addi %mul3A_1177, %add3A_1179 : vector<16xi32>
      %gather3A_1181 = tpu.vector_load_idx %arg12[%add3A_1168, %add3A_1180] : memref<128x128xf32, #tpu.memory_space<vmem>>[vector<16xi32>, vector<16xi32>], vector<16xf32>,
      %mul3A_1182 = arith.constant 16 : i32
      %mul3A_1183 = vector.broadcast %mul3A_1182 : i32 to vector<16xi32>
      %mul3A_1184 = arith.muli %iota3A, %mul3A_1183 : vector<16xi32>
      %add3A_1185 = arith.constant 1536 : i32
      %add3A_1186 = vector.broadcast %add3A_1185 : i32 to vector<16xi32>
      %add3A_1187 = arith.addi %mul3A_1184, %add3A_1186 : vector<16xi32>
      tpu.vector_store_idx %arg16[%add3A_1187], %gather3A_1181 : memref<2048xf32, #tpu.memory_space<vmem>>[vector<16xi32>], vector<16xf32>,
      %add3A_1188 = arith.constant 1 : i32
      %add3A_1189 = vector.broadcast %add3A_1188 : i32 to vector<16xi32>
      %add3A_1190 = arith.addi %mul3A_1177, %add3A_1189 : vector<16xi32>
      %gather3A_1191 = tpu.vector_load_idx %arg12[%add3A_1168, %add3A_1190] : memref<128x128xf32, #tpu.memory_space<vmem>>[vector<16xi32>, vector<16xi32>], vector<16xf32>,
      %mul3A_1192 = arith.constant 16 : i32
      %mul3A_1193 = vector.broadcast %mul3A_1192 : i32 to vector<16xi32>
      %mul3A_1194 = arith.muli %iota3A, %mul3A_1193 : vector<16xi32>
      %add3A_1195 = arith.constant 1537 : i32
      %add3A_1196 = vector.broadcast %add3A_1195 : i32 to vector<16xi32>
      %add3A_1197 = arith.addi %mul3A_1194, %add3A_1196 : vector<16xi32>
      tpu.vector_store_idx %arg16[%add3A_1197], %gather3A_1191 : memref<2048xf32, #tpu.memory_space<vmem>>[vector<16xi32>], vector<16xf32>,
      %add3A_1198 = arith.constant 2 : i32
      %add3A_1199 = vector.broadcast %add3A_1198 : i32 to vector<16xi32>
      %add3A_1200 = arith.addi %mul3A_1177, %add3A_1199 : vector<16xi32>
      %gather3A_1201 = tpu.vector_load_idx %arg12[%add3A_1168, %add3A_1200] : memref<128x128xf32, #tpu.memory_space<vmem>>[vector<16xi32>, vector<16xi32>], vector<16xf32>,
      %mul3A_1202 = arith.constant 16 : i32
      %mul3A_1203 = vector.broadcast %mul3A_1202 : i32 to vector<16xi32>
      %mul3A_1204 = arith.muli %iota3A, %mul3A_1203 : vector<16xi32>
      %add3A_1205 = arith.constant 1538 : i32
      %add3A_1206 = vector.broadcast %add3A_1205 : i32 to vector<16xi32>
      %add3A_1207 = arith.addi %mul3A_1204, %add3A_1206 : vector<16xi32>
      tpu.vector_store_idx %arg16[%add3A_1207], %gather3A_1201 : memref<2048xf32, #tpu.memory_space<vmem>>[vector<16xi32>], vector<16xf32>,
      %add3A_1208 = arith.constant 3 : i32
      %add3A_1209 = vector.broadcast %add3A_1208 : i32 to vector<16xi32>
      %add3A_1210 = arith.addi %mul3A_1177, %add3A_1209 : vector<16xi32>
      %gather3A_1211 = tpu.vector_load_idx %arg12[%add3A_1168, %add3A_1210] : memref<128x128xf32, #tpu.memory_space<vmem>>[vector<16xi32>, vector<16xi32>], vector<16xf32>,
      %mul3A_1212 = arith.constant 16 : i32
      %mul3A_1213 = vector.broadcast %mul3A_1212 : i32 to vector<16xi32>
      %mul3A_1214 = arith.muli %iota3A, %mul3A_1213 : vector<16xi32>
      %add3A_1215 = arith.constant 1539 : i32
      %add3A_1216 = vector.broadcast %add3A_1215 : i32 to vector<16xi32>
      %add3A_1217 = arith.addi %mul3A_1214, %add3A_1216 : vector<16xi32>
      tpu.vector_store_idx %arg16[%add3A_1217], %gather3A_1211 : memref<2048xf32, #tpu.memory_space<vmem>>[vector<16xi32>], vector<16xf32>,
      %add3A_1218 = arith.constant 4 : i32
      %add3A_1219 = vector.broadcast %add3A_1218 : i32 to vector<16xi32>
      %add3A_1220 = arith.addi %mul3A_1177, %add3A_1219 : vector<16xi32>
      %gather3A_1221 = tpu.vector_load_idx %arg12[%add3A_1168, %add3A_1220] : memref<128x128xf32, #tpu.memory_space<vmem>>[vector<16xi32>, vector<16xi32>], vector<16xf32>,
      %mul3A_1222 = arith.constant 16 : i32
      %mul3A_1223 = vector.broadcast %mul3A_1222 : i32 to vector<16xi32>
      %mul3A_1224 = arith.muli %iota3A, %mul3A_1223 : vector<16xi32>
      %add3A_1225 = arith.constant 1540 : i32
      %add3A_1226 = vector.broadcast %add3A_1225 : i32 to vector<16xi32>
      %add3A_1227 = arith.addi %mul3A_1224, %add3A_1226 : vector<16xi32>
      tpu.vector_store_idx %arg16[%add3A_1227], %gather3A_1221 : memref<2048xf32, #tpu.memory_space<vmem>>[vector<16xi32>], vector<16xf32>,
      %add3A_1228 = arith.constant 5 : i32
      %add3A_1229 = vector.broadcast %add3A_1228 : i32 to vector<16xi32>
      %add3A_1230 = arith.addi %mul3A_1177, %add3A_1229 : vector<16xi32>
      %gather3A_1231 = tpu.vector_load_idx %arg12[%add3A_1168, %add3A_1230] : memref<128x128xf32, #tpu.memory_space<vmem>>[vector<16xi32>, vector<16xi32>], vector<16xf32>,
      %mul3A_1232 = arith.constant 16 : i32
      %mul3A_1233 = vector.broadcast %mul3A_1232 : i32 to vector<16xi32>
      %mul3A_1234 = arith.muli %iota3A, %mul3A_1233 : vector<16xi32>
      %add3A_1235 = arith.constant 1541 : i32
      %add3A_1236 = vector.broadcast %add3A_1235 : i32 to vector<16xi32>
      %add3A_1237 = arith.addi %mul3A_1234, %add3A_1236 : vector<16xi32>
      tpu.vector_store_idx %arg16[%add3A_1237], %gather3A_1231 : memref<2048xf32, #tpu.memory_space<vmem>>[vector<16xi32>], vector<16xf32>,
      %add3A_1238 = arith.constant 6 : i32
      %add3A_1239 = vector.broadcast %add3A_1238 : i32 to vector<16xi32>
      %add3A_1240 = arith.addi %mul3A_1177, %add3A_1239 : vector<16xi32>
      %gather3A_1241 = tpu.vector_load_idx %arg12[%add3A_1168, %add3A_1240] : memref<128x128xf32, #tpu.memory_space<vmem>>[vector<16xi32>, vector<16xi32>], vector<16xf32>,
      %mul3A_1242 = arith.constant 16 : i32
      %mul3A_1243 = vector.broadcast %mul3A_1242 : i32 to vector<16xi32>
      %mul3A_1244 = arith.muli %iota3A, %mul3A_1243 : vector<16xi32>
      %add3A_1245 = arith.constant 1542 : i32
      %add3A_1246 = vector.broadcast %add3A_1245 : i32 to vector<16xi32>
      %add3A_1247 = arith.addi %mul3A_1244, %add3A_1246 : vector<16xi32>
      tpu.vector_store_idx %arg16[%add3A_1247], %gather3A_1241 : memref<2048xf32, #tpu.memory_space<vmem>>[vector<16xi32>], vector<16xf32>,
      %add3A_1248 = arith.constant 7 : i32
      %add3A_1249 = vector.broadcast %add3A_1248 : i32 to vector<16xi32>
      %add3A_1250 = arith.addi %mul3A_1177, %add3A_1249 : vector<16xi32>
      %gather3A_1251 = tpu.vector_load_idx %arg12[%add3A_1168, %add3A_1250] : memref<128x128xf32, #tpu.memory_space<vmem>>[vector<16xi32>, vector<16xi32>], vector<16xf32>,
      %mul3A_1252 = arith.constant 16 : i32
      %mul3A_1253 = vector.broadcast %mul3A_1252 : i32 to vector<16xi32>
      %mul3A_1254 = arith.muli %iota3A, %mul3A_1253 : vector<16xi32>
      %add3A_1255 = arith.constant 1543 : i32
      %add3A_1256 = vector.broadcast %add3A_1255 : i32 to vector<16xi32>
      %add3A_1257 = arith.addi %mul3A_1254, %add3A_1256 : vector<16xi32>
      tpu.vector_store_idx %arg16[%add3A_1257], %gather3A_1251 : memref<2048xf32, #tpu.memory_space<vmem>>[vector<16xi32>], vector<16xf32>,
      %add3A_1258 = arith.constant 8 : i32
      %add3A_1259 = vector.broadcast %add3A_1258 : i32 to vector<16xi32>
      %add3A_1260 = arith.addi %mul3A_1177, %add3A_1259 : vector<16xi32>
      %gather3A_1261 = tpu.vector_load_idx %arg12[%add3A_1168, %add3A_1260] : memref<128x128xf32, #tpu.memory_space<vmem>>[vector<16xi32>, vector<16xi32>], vector<16xf32>,
      %mul3A_1262 = arith.constant 16 : i32
      %mul3A_1263 = vector.broadcast %mul3A_1262 : i32 to vector<16xi32>
      %mul3A_1264 = arith.muli %iota3A, %mul3A_1263 : vector<16xi32>
      %add3A_1265 = arith.constant 1544 : i32
      %add3A_1266 = vector.broadcast %add3A_1265 : i32 to vector<16xi32>
      %add3A_1267 = arith.addi %mul3A_1264, %add3A_1266 : vector<16xi32>
      tpu.vector_store_idx %arg16[%add3A_1267], %gather3A_1261 : memref<2048xf32, #tpu.memory_space<vmem>>[vector<16xi32>], vector<16xf32>,
      %add3A_1268 = arith.constant 9 : i32
      %add3A_1269 = vector.broadcast %add3A_1268 : i32 to vector<16xi32>
      %add3A_1270 = arith.addi %mul3A_1177, %add3A_1269 : vector<16xi32>
      %gather3A_1271 = tpu.vector_load_idx %arg12[%add3A_1168, %add3A_1270] : memref<128x128xf32, #tpu.memory_space<vmem>>[vector<16xi32>, vector<16xi32>], vector<16xf32>,
      %mul3A_1272 = arith.constant 16 : i32
      %mul3A_1273 = vector.broadcast %mul3A_1272 : i32 to vector<16xi32>
      %mul3A_1274 = arith.muli %iota3A, %mul3A_1273 : vector<16xi32>
      %add3A_1275 = arith.constant 1545 : i32
      %add3A_1276 = vector.broadcast %add3A_1275 : i32 to vector<16xi32>
      %add3A_1277 = arith.addi %mul3A_1274, %add3A_1276 : vector<16xi32>
      tpu.vector_store_idx %arg16[%add3A_1277], %gather3A_1271 : memref<2048xf32, #tpu.memory_space<vmem>>[vector<16xi32>], vector<16xf32>,
      %add3A_1278 = arith.constant 10 : i32
      %add3A_1279 = vector.broadcast %add3A_1278 : i32 to vector<16xi32>
      %add3A_1280 = arith.addi %mul3A_1177, %add3A_1279 : vector<16xi32>
      %gather3A_1281 = tpu.vector_load_idx %arg12[%add3A_1168, %add3A_1280] : memref<128x128xf32, #tpu.memory_space<vmem>>[vector<16xi32>, vector<16xi32>], vector<16xf32>,
      %mul3A_1282 = arith.constant 16 : i32
      %mul3A_1283 = vector.broadcast %mul3A_1282 : i32 to vector<16xi32>
      %mul3A_1284 = arith.muli %iota3A, %mul3A_1283 : vector<16xi32>
      %add3A_1285 = arith.constant 1546 : i32
      %add3A_1286 = vector.broadcast %add3A_1285 : i32 to vector<16xi32>
      %add3A_1287 = arith.addi %mul3A_1284, %add3A_1286 : vector<16xi32>
      tpu.vector_store_idx %arg16[%add3A_1287], %gather3A_1281 : memref<2048xf32, #tpu.memory_space<vmem>>[vector<16xi32>], vector<16xf32>,
      %add3A_1288 = arith.constant 11 : i32
      %add3A_1289 = vector.broadcast %add3A_1288 : i32 to vector<16xi32>
      %add3A_1290 = arith.addi %mul3A_1177, %add3A_1289 : vector<16xi32>
      %gather3A_1291 = tpu.vector_load_idx %arg12[%add3A_1168, %add3A_1290] : memref<128x128xf32, #tpu.memory_space<vmem>>[vector<16xi32>, vector<16xi32>], vector<16xf32>,
      %mul3A_1292 = arith.constant 16 : i32
      %mul3A_1293 = vector.broadcast %mul3A_1292 : i32 to vector<16xi32>
      %mul3A_1294 = arith.muli %iota3A, %mul3A_1293 : vector<16xi32>
      %add3A_1295 = arith.constant 1547 : i32
      %add3A_1296 = vector.broadcast %add3A_1295 : i32 to vector<16xi32>
      %add3A_1297 = arith.addi %mul3A_1294, %add3A_1296 : vector<16xi32>
      tpu.vector_store_idx %arg16[%add3A_1297], %gather3A_1291 : memref<2048xf32, #tpu.memory_space<vmem>>[vector<16xi32>], vector<16xf32>,
      %add3A_1298 = arith.constant 12 : i32
      %add3A_1299 = vector.broadcast %add3A_1298 : i32 to vector<16xi32>
      %add3A_1300 = arith.addi %mul3A_1177, %add3A_1299 : vector<16xi32>
      %gather3A_1301 = tpu.vector_load_idx %arg12[%add3A_1168, %add3A_1300] : memref<128x128xf32, #tpu.memory_space<vmem>>[vector<16xi32>, vector<16xi32>], vector<16xf32>,
      %mul3A_1302 = arith.constant 16 : i32
      %mul3A_1303 = vector.broadcast %mul3A_1302 : i32 to vector<16xi32>
      %mul3A_1304 = arith.muli %iota3A, %mul3A_1303 : vector<16xi32>
      %add3A_1305 = arith.constant 1548 : i32
      %add3A_1306 = vector.broadcast %add3A_1305 : i32 to vector<16xi32>
      %add3A_1307 = arith.addi %mul3A_1304, %add3A_1306 : vector<16xi32>
      tpu.vector_store_idx %arg16[%add3A_1307], %gather3A_1301 : memref<2048xf32, #tpu.memory_space<vmem>>[vector<16xi32>], vector<16xf32>,
      %add3A_1308 = arith.constant 13 : i32
      %add3A_1309 = vector.broadcast %add3A_1308 : i32 to vector<16xi32>
      %add3A_1310 = arith.addi %mul3A_1177, %add3A_1309 : vector<16xi32>
      %gather3A_1311 = tpu.vector_load_idx %arg12[%add3A_1168, %add3A_1310] : memref<128x128xf32, #tpu.memory_space<vmem>>[vector<16xi32>, vector<16xi32>], vector<16xf32>,
      %mul3A_1312 = arith.constant 16 : i32
      %mul3A_1313 = vector.broadcast %mul3A_1312 : i32 to vector<16xi32>
      %mul3A_1314 = arith.muli %iota3A, %mul3A_1313 : vector<16xi32>
      %add3A_1315 = arith.constant 1549 : i32
      %add3A_1316 = vector.broadcast %add3A_1315 : i32 to vector<16xi32>
      %add3A_1317 = arith.addi %mul3A_1314, %add3A_1316 : vector<16xi32>
      tpu.vector_store_idx %arg16[%add3A_1317], %gather3A_1311 : memref<2048xf32, #tpu.memory_space<vmem>>[vector<16xi32>], vector<16xf32>,
      %add3A_1318 = arith.constant 14 : i32
      %add3A_1319 = vector.broadcast %add3A_1318 : i32 to vector<16xi32>
      %add3A_1320 = arith.addi %mul3A_1177, %add3A_1319 : vector<16xi32>
      %gather3A_1321 = tpu.vector_load_idx %arg12[%add3A_1168, %add3A_1320] : memref<128x128xf32, #tpu.memory_space<vmem>>[vector<16xi32>, vector<16xi32>], vector<16xf32>,
      %mul3A_1322 = arith.constant 16 : i32
      %mul3A_1323 = vector.broadcast %mul3A_1322 : i32 to vector<16xi32>
      %mul3A_1324 = arith.muli %iota3A, %mul3A_1323 : vector<16xi32>
      %add3A_1325 = arith.constant 1550 : i32
      %add3A_1326 = vector.broadcast %add3A_1325 : i32 to vector<16xi32>
      %add3A_1327 = arith.addi %mul3A_1324, %add3A_1326 : vector<16xi32>
      tpu.vector_store_idx %arg16[%add3A_1327], %gather3A_1321 : memref<2048xf32, #tpu.memory_space<vmem>>[vector<16xi32>], vector<16xf32>,
      %add3A_1328 = arith.constant 15 : i32
      %add3A_1329 = vector.broadcast %add3A_1328 : i32 to vector<16xi32>
      %add3A_1330 = arith.addi %mul3A_1177, %add3A_1329 : vector<16xi32>
      %gather3A_1331 = tpu.vector_load_idx %arg12[%add3A_1168, %add3A_1330] : memref<128x128xf32, #tpu.memory_space<vmem>>[vector<16xi32>, vector<16xi32>], vector<16xf32>,
      %mul3A_1332 = arith.constant 16 : i32
      %mul3A_1333 = vector.broadcast %mul3A_1332 : i32 to vector<16xi32>
      %mul3A_1334 = arith.muli %iota3A, %mul3A_1333 : vector<16xi32>
      %add3A_1335 = arith.constant 1551 : i32
      %add3A_1336 = vector.broadcast %add3A_1335 : i32 to vector<16xi32>
      %add3A_1337 = arith.addi %mul3A_1334, %add3A_1336 : vector<16xi32>
      tpu.vector_store_idx %arg16[%add3A_1337], %gather3A_1331 : memref<2048xf32, #tpu.memory_space<vmem>>[vector<16xi32>], vector<16xf32>,
      %and3A_1338 = arith.constant 127 : i32
      %and3A_1339 = vector.broadcast %and3A_1338 : i32 to vector<16xi32>
      %and3A_1340 = arith.andi %get3A_1165, %and3A_1339 : vector<16xi32>
      %gather3A_1341 = tpu.vector_load_idx %arg14[%add3A_1168, %and3A_1340] : memref<128x128xf32, #tpu.memory_space<vmem>>[vector<16xi32>, vector<16xi32>], vector<16xf32>,
      %mul3A_1342 = arith.constant 128 : i32
      %mul3A_1343 = arith.muli %mul3A_31, %mul3A_1342 : i32
      %add3A_1344 = arith.constant 96 : i32
      %add3A_1345 = arith.addi %mul3A_1343, %add3A_1344 : i32
      %add3A_1346 = vector.broadcast %add3A_1345 : i32 to vector<16xi32>
      %add3A_1347 = arith.addi %add3A_1346, %iota3A : vector<16xi32>
      tpu.vector_store_idx %arg17[%add3A_1347], %gather3A_1341 : memref<13312xf32, #tpu.memory_space<vmem>>[vector<16xi32>], vector<16xf32>,
      %get3A_1348 = arith.index_cast %mul3A_31 : i32 to index
      %get3A_1349 = arith.constant 112 : index
      %get3A_1350 = tpu.vector_load %arg11[%get3A_1348, %get3A_1349] {strides = array<i32>} : memref<104x128xi32, #tpu.memory_space<vmem>>, vector<16xi32>,
      %add3A_1351 = arith.constant 112 : i32
      %add3A_1352 = vector.broadcast %add3A_1351 : i32 to vector<16xi32>
      %add3A_1353 = arith.addi %add3A_1352, %iota3A : vector<16xi32>
      %shift_right_arithmetic3A_1354 = arith.constant 12 : i32
      %shift_right_arithmetic3A_1355 = vector.broadcast %shift_right_arithmetic3A_1354 : i32 to vector<16xi32>
      %shift_right_arithmetic3A_1356 = arith.shrsi %get3A_1350, %shift_right_arithmetic3A_1355 : vector<16xi32>
      %and3A_1357 = arith.constant 7 : i32
      %and3A_1358 = vector.broadcast %and3A_1357 : i32 to vector<16xi32>
      %and3A_1359 = arith.andi %shift_right_arithmetic3A_1356, %and3A_1358 : vector<16xi32>
      %mul3A_1360 = arith.constant 16 : i32
      %mul3A_1361 = vector.broadcast %mul3A_1360 : i32 to vector<16xi32>
      %mul3A_1362 = arith.muli %and3A_1359, %mul3A_1361 : vector<16xi32>
      %add3A_1363 = arith.constant 0 : i32
      %add3A_1364 = vector.broadcast %add3A_1363 : i32 to vector<16xi32>
      %add3A_1365 = arith.addi %mul3A_1362, %add3A_1364 : vector<16xi32>
      %gather3A_1366 = tpu.vector_load_idx %arg12[%add3A_1353, %add3A_1365] : memref<128x128xf32, #tpu.memory_space<vmem>>[vector<16xi32>, vector<16xi32>], vector<16xf32>,
      %mul3A_1367 = arith.constant 16 : i32
      %mul3A_1368 = vector.broadcast %mul3A_1367 : i32 to vector<16xi32>
      %mul3A_1369 = arith.muli %iota3A, %mul3A_1368 : vector<16xi32>
      %add3A_1370 = arith.constant 1792 : i32
      %add3A_1371 = vector.broadcast %add3A_1370 : i32 to vector<16xi32>
      %add3A_1372 = arith.addi %mul3A_1369, %add3A_1371 : vector<16xi32>
      tpu.vector_store_idx %arg16[%add3A_1372], %gather3A_1366 : memref<2048xf32, #tpu.memory_space<vmem>>[vector<16xi32>], vector<16xf32>,
      %add3A_1373 = arith.constant 1 : i32
      %add3A_1374 = vector.broadcast %add3A_1373 : i32 to vector<16xi32>
      %add3A_1375 = arith.addi %mul3A_1362, %add3A_1374 : vector<16xi32>
      %gather3A_1376 = tpu.vector_load_idx %arg12[%add3A_1353, %add3A_1375] : memref<128x128xf32, #tpu.memory_space<vmem>>[vector<16xi32>, vector<16xi32>], vector<16xf32>,
      %mul3A_1377 = arith.constant 16 : i32
      %mul3A_1378 = vector.broadcast %mul3A_1377 : i32 to vector<16xi32>
      %mul3A_1379 = arith.muli %iota3A, %mul3A_1378 : vector<16xi32>
      %add3A_1380 = arith.constant 1793 : i32
      %add3A_1381 = vector.broadcast %add3A_1380 : i32 to vector<16xi32>
      %add3A_1382 = arith.addi %mul3A_1379, %add3A_1381 : vector<16xi32>
      tpu.vector_store_idx %arg16[%add3A_1382], %gather3A_1376 : memref<2048xf32, #tpu.memory_space<vmem>>[vector<16xi32>], vector<16xf32>,
      %add3A_1383 = arith.constant 2 : i32
      %add3A_1384 = vector.broadcast %add3A_1383 : i32 to vector<16xi32>
      %add3A_1385 = arith.addi %mul3A_1362, %add3A_1384 : vector<16xi32>
      %gather3A_1386 = tpu.vector_load_idx %arg12[%add3A_1353, %add3A_1385] : memref<128x128xf32, #tpu.memory_space<vmem>>[vector<16xi32>, vector<16xi32>], vector<16xf32>,
      %mul3A_1387 = arith.constant 16 : i32
      %mul3A_1388 = vector.broadcast %mul3A_1387 : i32 to vector<16xi32>
      %mul3A_1389 = arith.muli %iota3A, %mul3A_1388 : vector<16xi32>
      %add3A_1390 = arith.constant 1794 : i32
      %add3A_1391 = vector.broadcast %add3A_1390 : i32 to vector<16xi32>
      %add3A_1392 = arith.addi %mul3A_1389, %add3A_1391 : vector<16xi32>
      tpu.vector_store_idx %arg16[%add3A_1392], %gather3A_1386 : memref<2048xf32, #tpu.memory_space<vmem>>[vector<16xi32>], vector<16xf32>,
      %add3A_1393 = arith.constant 3 : i32
      %add3A_1394 = vector.broadcast %add3A_1393 : i32 to vector<16xi32>
      %add3A_1395 = arith.addi %mul3A_1362, %add3A_1394 : vector<16xi32>
      %gather3A_1396 = tpu.vector_load_idx %arg12[%add3A_1353, %add3A_1395] : memref<128x128xf32, #tpu.memory_space<vmem>>[vector<16xi32>, vector<16xi32>], vector<16xf32>,
      %mul3A_1397 = arith.constant 16 : i32
      %mul3A_1398 = vector.broadcast %mul3A_1397 : i32 to vector<16xi32>
      %mul3A_1399 = arith.muli %iota3A, %mul3A_1398 : vector<16xi32>
      %add3A_1400 = arith.constant 1795 : i32
      %add3A_1401 = vector.broadcast %add3A_1400 : i32 to vector<16xi32>
      %add3A_1402 = arith.addi %mul3A_1399, %add3A_1401 : vector<16xi32>
      tpu.vector_store_idx %arg16[%add3A_1402], %gather3A_1396 : memref<2048xf32, #tpu.memory_space<vmem>>[vector<16xi32>], vector<16xf32>,
      %add3A_1403 = arith.constant 4 : i32
      %add3A_1404 = vector.broadcast %add3A_1403 : i32 to vector<16xi32>
      %add3A_1405 = arith.addi %mul3A_1362, %add3A_1404 : vector<16xi32>
      %gather3A_1406 = tpu.vector_load_idx %arg12[%add3A_1353, %add3A_1405] : memref<128x128xf32, #tpu.memory_space<vmem>>[vector<16xi32>, vector<16xi32>], vector<16xf32>,
      %mul3A_1407 = arith.constant 16 : i32
      %mul3A_1408 = vector.broadcast %mul3A_1407 : i32 to vector<16xi32>
      %mul3A_1409 = arith.muli %iota3A, %mul3A_1408 : vector<16xi32>
      %add3A_1410 = arith.constant 1796 : i32
      %add3A_1411 = vector.broadcast %add3A_1410 : i32 to vector<16xi32>
      %add3A_1412 = arith.addi %mul3A_1409, %add3A_1411 : vector<16xi32>
      tpu.vector_store_idx %arg16[%add3A_1412], %gather3A_1406 : memref<2048xf32, #tpu.memory_space<vmem>>[vector<16xi32>], vector<16xf32>,
      %add3A_1413 = arith.constant 5 : i32
      %add3A_1414 = vector.broadcast %add3A_1413 : i32 to vector<16xi32>
      %add3A_1415 = arith.addi %mul3A_1362, %add3A_1414 : vector<16xi32>
      %gather3A_1416 = tpu.vector_load_idx %arg12[%add3A_1353, %add3A_1415] : memref<128x128xf32, #tpu.memory_space<vmem>>[vector<16xi32>, vector<16xi32>], vector<16xf32>,
      %mul3A_1417 = arith.constant 16 : i32
      %mul3A_1418 = vector.broadcast %mul3A_1417 : i32 to vector<16xi32>
      %mul3A_1419 = arith.muli %iota3A, %mul3A_1418 : vector<16xi32>
      %add3A_1420 = arith.constant 1797 : i32
      %add3A_1421 = vector.broadcast %add3A_1420 : i32 to vector<16xi32>
      %add3A_1422 = arith.addi %mul3A_1419, %add3A_1421 : vector<16xi32>
      tpu.vector_store_idx %arg16[%add3A_1422], %gather3A_1416 : memref<2048xf32, #tpu.memory_space<vmem>>[vector<16xi32>], vector<16xf32>,
      %add3A_1423 = arith.constant 6 : i32
      %add3A_1424 = vector.broadcast %add3A_1423 : i32 to vector<16xi32>
      %add3A_1425 = arith.addi %mul3A_1362, %add3A_1424 : vector<16xi32>
      %gather3A_1426 = tpu.vector_load_idx %arg12[%add3A_1353, %add3A_1425] : memref<128x128xf32, #tpu.memory_space<vmem>>[vector<16xi32>, vector<16xi32>], vector<16xf32>,
      %mul3A_1427 = arith.constant 16 : i32
      %mul3A_1428 = vector.broadcast %mul3A_1427 : i32 to vector<16xi32>
      %mul3A_1429 = arith.muli %iota3A, %mul3A_1428 : vector<16xi32>
      %add3A_1430 = arith.constant 1798 : i32
      %add3A_1431 = vector.broadcast %add3A_1430 : i32 to vector<16xi32>
      %add3A_1432 = arith.addi %mul3A_1429, %add3A_1431 : vector<16xi32>
      tpu.vector_store_idx %arg16[%add3A_1432], %gather3A_1426 : memref<2048xf32, #tpu.memory_space<vmem>>[vector<16xi32>], vector<16xf32>,
      %add3A_1433 = arith.constant 7 : i32
      %add3A_1434 = vector.broadcast %add3A_1433 : i32 to vector<16xi32>
      %add3A_1435 = arith.addi %mul3A_1362, %add3A_1434 : vector<16xi32>
      %gather3A_1436 = tpu.vector_load_idx %arg12[%add3A_1353, %add3A_1435] : memref<128x128xf32, #tpu.memory_space<vmem>>[vector<16xi32>, vector<16xi32>], vector<16xf32>,
      %mul3A_1437 = arith.constant 16 : i32
      %mul3A_1438 = vector.broadcast %mul3A_1437 : i32 to vector<16xi32>
      %mul3A_1439 = arith.muli %iota3A, %mul3A_1438 : vector<16xi32>
      %add3A_1440 = arith.constant 1799 : i32
      %add3A_1441 = vector.broadcast %add3A_1440 : i32 to vector<16xi32>
      %add3A_1442 = arith.addi %mul3A_1439, %add3A_1441 : vector<16xi32>
      tpu.vector_store_idx %arg16[%add3A_1442], %gather3A_1436 : memref<2048xf32, #tpu.memory_space<vmem>>[vector<16xi32>], vector<16xf32>,
      %add3A_1443 = arith.constant 8 : i32
      %add3A_1444 = vector.broadcast %add3A_1443 : i32 to vector<16xi32>
      %add3A_1445 = arith.addi %mul3A_1362, %add3A_1444 : vector<16xi32>
      %gather3A_1446 = tpu.vector_load_idx %arg12[%add3A_1353, %add3A_1445] : memref<128x128xf32, #tpu.memory_space<vmem>>[vector<16xi32>, vector<16xi32>], vector<16xf32>,
      %mul3A_1447 = arith.constant 16 : i32
      %mul3A_1448 = vector.broadcast %mul3A_1447 : i32 to vector<16xi32>
      %mul3A_1449 = arith.muli %iota3A, %mul3A_1448 : vector<16xi32>
      %add3A_1450 = arith.constant 1800 : i32
      %add3A_1451 = vector.broadcast %add3A_1450 : i32 to vector<16xi32>
      %add3A_1452 = arith.addi %mul3A_1449, %add3A_1451 : vector<16xi32>
      tpu.vector_store_idx %arg16[%add3A_1452], %gather3A_1446 : memref<2048xf32, #tpu.memory_space<vmem>>[vector<16xi32>], vector<16xf32>,
      %add3A_1453 = arith.constant 9 : i32
      %add3A_1454 = vector.broadcast %add3A_1453 : i32 to vector<16xi32>
      %add3A_1455 = arith.addi %mul3A_1362, %add3A_1454 : vector<16xi32>
      %gather3A_1456 = tpu.vector_load_idx %arg12[%add3A_1353, %add3A_1455] : memref<128x128xf32, #tpu.memory_space<vmem>>[vector<16xi32>, vector<16xi32>], vector<16xf32>,
      %mul3A_1457 = arith.constant 16 : i32
      %mul3A_1458 = vector.broadcast %mul3A_1457 : i32 to vector<16xi32>
      %mul3A_1459 = arith.muli %iota3A, %mul3A_1458 : vector<16xi32>
      %add3A_1460 = arith.constant 1801 : i32
      %add3A_1461 = vector.broadcast %add3A_1460 : i32 to vector<16xi32>
      %add3A_1462 = arith.addi %mul3A_1459, %add3A_1461 : vector<16xi32>
      tpu.vector_store_idx %arg16[%add3A_1462], %gather3A_1456 : memref<2048xf32, #tpu.memory_space<vmem>>[vector<16xi32>], vector<16xf32>,
      %add3A_1463 = arith.constant 10 : i32
      %add3A_1464 = vector.broadcast %add3A_1463 : i32 to vector<16xi32>
      %add3A_1465 = arith.addi %mul3A_1362, %add3A_1464 : vector<16xi32>
      %gather3A_1466 = tpu.vector_load_idx %arg12[%add3A_1353, %add3A_1465] : memref<128x128xf32, #tpu.memory_space<vmem>>[vector<16xi32>, vector<16xi32>], vector<16xf32>,
      %mul3A_1467 = arith.constant 16 : i32
      %mul3A_1468 = vector.broadcast %mul3A_1467 : i32 to vector<16xi32>
      %mul3A_1469 = arith.muli %iota3A, %mul3A_1468 : vector<16xi32>
      %add3A_1470 = arith.constant 1802 : i32
      %add3A_1471 = vector.broadcast %add3A_1470 : i32 to vector<16xi32>
      %add3A_1472 = arith.addi %mul3A_1469, %add3A_1471 : vector<16xi32>
      tpu.vector_store_idx %arg16[%add3A_1472], %gather3A_1466 : memref<2048xf32, #tpu.memory_space<vmem>>[vector<16xi32>], vector<16xf32>,
      %add3A_1473 = arith.constant 11 : i32
      %add3A_1474 = vector.broadcast %add3A_1473 : i32 to vector<16xi32>
      %add3A_1475 = arith.addi %mul3A_1362, %add3A_1474 : vector<16xi32>
      %gather3A_1476 = tpu.vector_load_idx %arg12[%add3A_1353, %add3A_1475] : memref<128x128xf32, #tpu.memory_space<vmem>>[vector<16xi32>, vector<16xi32>], vector<16xf32>,
      %mul3A_1477 = arith.constant 16 : i32
      %mul3A_1478 = vector.broadcast %mul3A_1477 : i32 to vector<16xi32>
      %mul3A_1479 = arith.muli %iota3A, %mul3A_1478 : vector<16xi32>
      %add3A_1480 = arith.constant 1803 : i32
      %add3A_1481 = vector.broadcast %add3A_1480 : i32 to vector<16xi32>
      %add3A_1482 = arith.addi %mul3A_1479, %add3A_1481 : vector<16xi32>
      tpu.vector_store_idx %arg16[%add3A_1482], %gather3A_1476 : memref<2048xf32, #tpu.memory_space<vmem>>[vector<16xi32>], vector<16xf32>,
      %add3A_1483 = arith.constant 12 : i32
      %add3A_1484 = vector.broadcast %add3A_1483 : i32 to vector<16xi32>
      %add3A_1485 = arith.addi %mul3A_1362, %add3A_1484 : vector<16xi32>
      %gather3A_1486 = tpu.vector_load_idx %arg12[%add3A_1353, %add3A_1485] : memref<128x128xf32, #tpu.memory_space<vmem>>[vector<16xi32>, vector<16xi32>], vector<16xf32>,
      %mul3A_1487 = arith.constant 16 : i32
      %mul3A_1488 = vector.broadcast %mul3A_1487 : i32 to vector<16xi32>
      %mul3A_1489 = arith.muli %iota3A, %mul3A_1488 : vector<16xi32>
      %add3A_1490 = arith.constant 1804 : i32
      %add3A_1491 = vector.broadcast %add3A_1490 : i32 to vector<16xi32>
      %add3A_1492 = arith.addi %mul3A_1489, %add3A_1491 : vector<16xi32>
      tpu.vector_store_idx %arg16[%add3A_1492], %gather3A_1486 : memref<2048xf32, #tpu.memory_space<vmem>>[vector<16xi32>], vector<16xf32>,
      %add3A_1493 = arith.constant 13 : i32
      %add3A_1494 = vector.broadcast %add3A_1493 : i32 to vector<16xi32>
      %add3A_1495 = arith.addi %mul3A_1362, %add3A_1494 : vector<16xi32>
      %gather3A_1496 = tpu.vector_load_idx %arg12[%add3A_1353, %add3A_1495] : memref<128x128xf32, #tpu.memory_space<vmem>>[vector<16xi32>, vector<16xi32>], vector<16xf32>,
      %mul3A_1497 = arith.constant 16 : i32
      %mul3A_1498 = vector.broadcast %mul3A_1497 : i32 to vector<16xi32>
      %mul3A_1499 = arith.muli %iota3A, %mul3A_1498 : vector<16xi32>
      %add3A_1500 = arith.constant 1805 : i32
      %add3A_1501 = vector.broadcast %add3A_1500 : i32 to vector<16xi32>
      %add3A_1502 = arith.addi %mul3A_1499, %add3A_1501 : vector<16xi32>
      tpu.vector_store_idx %arg16[%add3A_1502], %gather3A_1496 : memref<2048xf32, #tpu.memory_space<vmem>>[vector<16xi32>], vector<16xf32>,
      %add3A_1503 = arith.constant 14 : i32
      %add3A_1504 = vector.broadcast %add3A_1503 : i32 to vector<16xi32>
      %add3A_1505 = arith.addi %mul3A_1362, %add3A_1504 : vector<16xi32>
      %gather3A_1506 = tpu.vector_load_idx %arg12[%add3A_1353, %add3A_1505] : memref<128x128xf32, #tpu.memory_space<vmem>>[vector<16xi32>, vector<16xi32>], vector<16xf32>,
      %mul3A_1507 = arith.constant 16 : i32
      %mul3A_1508 = vector.broadcast %mul3A_1507 : i32 to vector<16xi32>
      %mul3A_1509 = arith.muli %iota3A, %mul3A_1508 : vector<16xi32>
      %add3A_1510 = arith.constant 1806 : i32
      %add3A_1511 = vector.broadcast %add3A_1510 : i32 to vector<16xi32>
      %add3A_1512 = arith.addi %mul3A_1509, %add3A_1511 : vector<16xi32>
      tpu.vector_store_idx %arg16[%add3A_1512], %gather3A_1506 : memref<2048xf32, #tpu.memory_space<vmem>>[vector<16xi32>], vector<16xf32>,
      %add3A_1513 = arith.constant 15 : i32
      %add3A_1514 = vector.broadcast %add3A_1513 : i32 to vector<16xi32>
      %add3A_1515 = arith.addi %mul3A_1362, %add3A_1514 : vector<16xi32>
      %gather3A_1516 = tpu.vector_load_idx %arg12[%add3A_1353, %add3A_1515] : memref<128x128xf32, #tpu.memory_space<vmem>>[vector<16xi32>, vector<16xi32>], vector<16xf32>,
      %mul3A_1517 = arith.constant 16 : i32
      %mul3A_1518 = vector.broadcast %mul3A_1517 : i32 to vector<16xi32>
      %mul3A_1519 = arith.muli %iota3A, %mul3A_1518 : vector<16xi32>
      %add3A_1520 = arith.constant 1807 : i32
      %add3A_1521 = vector.broadcast %add3A_1520 : i32 to vector<16xi32>
      %add3A_1522 = arith.addi %mul3A_1519, %add3A_1521 : vector<16xi32>
      tpu.vector_store_idx %arg16[%add3A_1522], %gather3A_1516 : memref<2048xf32, #tpu.memory_space<vmem>>[vector<16xi32>], vector<16xf32>,
      %and3A_1523 = arith.constant 127 : i32
      %and3A_1524 = vector.broadcast %and3A_1523 : i32 to vector<16xi32>
      %and3A_1525 = arith.andi %get3A_1350, %and3A_1524 : vector<16xi32>
      %gather3A_1526 = tpu.vector_load_idx %arg14[%add3A_1353, %and3A_1525] : memref<128x128xf32, #tpu.memory_space<vmem>>[vector<16xi32>, vector<16xi32>], vector<16xf32>,
      %mul3A_1527 = arith.constant 128 : i32
      %mul3A_1528 = arith.muli %mul3A_31, %mul3A_1527 : i32
      %add3A_1529 = arith.constant 112 : i32
      %add3A_1530 = arith.addi %mul3A_1528, %add3A_1529 : i32
      %add3A_1531 = vector.broadcast %add3A_1530 : i32 to vector<16xi32>
      %add3A_1532 = arith.addi %add3A_1531, %iota3A : vector<16xi32>
      tpu.vector_store_idx %arg17[%add3A_1532], %gather3A_1526 : memref<13312xf32, #tpu.memory_space<vmem>>[vector<16xi32>], vector<16xf32>,
      %mul3A_1533 = arith.constant 128 : i32
      %mul3A_1534 = arith.muli %mul3A_31, %mul3A_1533 : i32
      %add3A_1535 = arith.addi %mul3A_10, %mul3A_1534 : i32
      %mul3A_1536 = arith.constant 16 : i32
      %mul3A_1537 = arith.muli %add3A_1535, %mul3A_1536 : i32
      "tpu.region"() ({
        %run_scoped3A = tpu.sem_alloc : memref<!tpu.dma_semaphore, #tpu.memory_space<semaphore_mem>>
        %dma_start3A_3043 = tpu.memref_slice %arg7[%mul3A_1537] : memref<6815744xf32, #tpu.memory_space<hbm>> -> memref<2048xf32, #tpu.memory_space<hbm>>
        %dma_start3A_3044 = tpu.memref_slice %arg7[%mul3A_1537] : memref<6815744xf32, #tpu.memory_space<hbm>> -> memref<2048xf32, #tpu.memory_space<hbm>>
        tpu.enqueue_dma source(%arg16 : memref<2048xf32, #tpu.memory_space<vmem>>) target(%dma_start3A_3044 : memref<2048xf32, #tpu.memory_space<hbm>>) target_semaphore(%run_scoped3A : memref<!tpu.dma_semaphore, #tpu.memory_space<semaphore_mem>>)
        %dma_wait3A_3045 = tpu.memref_slice %arg7[%mul3A_1537] : memref<6815744xf32, #tpu.memory_space<hbm>> -> memref<2048xf32, #tpu.memory_space<hbm>>
        %dma_wait3A_3046 = tpu.memref_slice %arg7[%mul3A_1537] : memref<6815744xf32, #tpu.memory_space<hbm>> -> memref<2048xf32, #tpu.memory_space<hbm>>
        tpu.wait_dma2 semaphore(%run_scoped3A : memref<!tpu.dma_semaphore, #tpu.memory_space<semaphore_mem>>) src(%arg16 : memref<2048xf32, #tpu.memory_space<vmem>>) dst(%dma_wait3A_3046 : memref<2048xf32, #tpu.memory_space<hbm>>)
        tpu.yield
      }) : () -> ()
      %add3A_1538 = arith.constant 2 : i32
      %add3A_1539 = arith.addi %mul3A_31, %add3A_1538 : i32
      %lt3A = arith.constant 104 : i32
      %lt3A_1540 = arith.cmpi slt, %add3A_1539, %lt3A : i32
      %convert_element_type3A = arith.extui %lt3A_1540 : i1 to i32
      %cond3A = arith.constant 0 : i32
      %cond3A_1541 = arith.cmpi ne, %convert_element_type3A, %cond3A : i32
      scf.if %cond3A_1541 {
        %add3A_3043 = arith.constant 2 : i32
        %add3A_3044 = arith.addi %mul3A_31, %add3A_3043 : i32
        %dma_start3A_3045 = arith.constant 0 : i32
        %dma_start3A_3046 = tpu.memref_slice %arg9[%add3A_3044, %dma_start3A_3045] : memref<104x128xi32, #tpu.memory_space<vmem>> -> memref<1x128xi32, #tpu.memory_space<vmem>>
        %dma_start3A_3047 = tpu.memref_squeeze %dma_start3A_3046 : memref<1x128xi32, #tpu.memory_space<vmem>> -> memref<128xi32, #tpu.memory_space<vmem>>
        %dma_start3A_3048 = arith.constant 0 : i32
        %dma_start3A_3049 = arith.constant 0 : i32
        %dma_start3A_3050 = tpu.memref_slice %arg5[%dma_start3A_3048, %dma_start3A_3049] : memref<327680x128xf32, #tpu.memory_space<hbm>> -> memref<327680x128xf32, #tpu.memory_space<hbm>>
        tpu.enqueue_indirect_dma source(%dma_start3A_3050 : memref<327680x128xf32, #tpu.memory_space<hbm>>) target(%arg12 : memref<128x128xf32, #tpu.memory_space<vmem>>) offsets(%dma_start3A_3047 : memref<128xi32, #tpu.memory_space<vmem>>) semaphore(%arg18 : memref<!tpu.dma_semaphore, #tpu.memory_space<semaphore_mem>>)
        %dma_start3A_3051 = arith.constant 0 : i32
        %dma_start3A_3052 = tpu.memref_slice %arg10[%add3A_3044, %dma_start3A_3051] : memref<104x128xi32, #tpu.memory_space<vmem>> -> memref<1x128xi32, #tpu.memory_space<vmem>>
        %dma_start3A_3053 = tpu.memref_squeeze %dma_start3A_3052 : memref<1x128xi32, #tpu.memory_space<vmem>> -> memref<128xi32, #tpu.memory_space<vmem>>
        %dma_start3A_3054 = arith.constant 0 : i32
        %dma_start3A_3055 = arith.constant 0 : i32
        %dma_start3A_3056 = tpu.memref_slice %arg6[%dma_start3A_3054, %dma_start3A_3055] : memref<20313x128xf32, #tpu.memory_space<hbm>> -> memref<20313x128xf32, #tpu.memory_space<hbm>>
        tpu.enqueue_indirect_dma source(%dma_start3A_3056 : memref<20313x128xf32, #tpu.memory_space<hbm>>) target(%arg14 : memref<128x128xf32, #tpu.memory_space<vmem>>) offsets(%dma_start3A_3053 : memref<128xi32, #tpu.memory_space<vmem>>) semaphore(%arg20 : memref<!tpu.dma_semaphore, #tpu.memory_space<semaphore_mem>>)
      } else {
      }
      %add3A_1542 = arith.constant 1 : i32
      %add3A_1543 = arith.addi %mul3A_31, %add3A_1542 : i32
      %dma_wait3A_1544 = arith.constant 0 : i32
      %dma_wait3A_1545 = tpu.memref_slice %arg9[%add3A_1543, %dma_wait3A_1544] : memref<104x128xi32, #tpu.memory_space<vmem>> -> memref<1x128xi32, #tpu.memory_space<vmem>>
      %dma_wait3A_1546 = tpu.memref_squeeze %dma_wait3A_1545 : memref<1x128xi32, #tpu.memory_space<vmem>> -> memref<128xi32, #tpu.memory_space<vmem>>
      %dma_wait3A_1547 = arith.constant 0 : i32
      %dma_wait3A_1548 = arith.constant 0 : i32
      %dma_wait3A_1549 = tpu.memref_slice %arg5[%dma_wait3A_1547, %dma_wait3A_1548] : memref<327680x128xf32, #tpu.memory_space<hbm>> -> memref<327680x128xf32, #tpu.memory_space<hbm>>
      tpu.wait_indirect_dma semaphore(%arg19 : memref<!tpu.dma_semaphore, #tpu.memory_space<semaphore_mem>>) src(%dma_wait3A_1549 : memref<327680x128xf32, #tpu.memory_space<hbm>>) dst(%arg13 : memref<128x128xf32, #tpu.memory_space<vmem>>)
      %dma_wait3A_1550 = arith.constant 0 : i32
      %dma_wait3A_1551 = tpu.memref_slice %arg10[%add3A_1543, %dma_wait3A_1550] : memref<104x128xi32, #tpu.memory_space<vmem>> -> memref<1x128xi32, #tpu.memory_space<vmem>>
      %dma_wait3A_1552 = tpu.memref_squeeze %dma_wait3A_1551 : memref<1x128xi32, #tpu.memory_space<vmem>> -> memref<128xi32, #tpu.memory_space<vmem>>
      %dma_wait3A_1553 = arith.constant 0 : i32
      %dma_wait3A_1554 = arith.constant 0 : i32
      %dma_wait3A_1555 = tpu.memref_slice %arg6[%dma_wait3A_1553, %dma_wait3A_1554] : memref<20313x128xf32, #tpu.memory_space<hbm>> -> memref<20313x128xf32, #tpu.memory_space<hbm>>
      tpu.wait_indirect_dma semaphore(%arg21 : memref<!tpu.dma_semaphore, #tpu.memory_space<semaphore_mem>>) src(%dma_wait3A_1555 : memref<20313x128xf32, #tpu.memory_space<hbm>>) dst(%arg15 : memref<128x128xf32, #tpu.memory_space<vmem>>)
      %add3A_1556 = arith.constant 1 : i32
      %add3A_1557 = arith.addi %mul3A_31, %add3A_1556 : i32
      %get3A_1558 = arith.index_cast %add3A_1557 : i32 to index
      %get3A_1559 = arith.constant 0 : index
      %get3A_1560 = tpu.vector_load %arg11[%get3A_1558, %get3A_1559] {strides = array<i32>} : memref<104x128xi32, #tpu.memory_space<vmem>>, vector<16xi32>,
      %add3A_1561 = arith.constant 0 : i32
      %add3A_1562 = vector.broadcast %add3A_1561 : i32 to vector<16xi32>
      %add3A_1563 = arith.addi %add3A_1562, %iota3A : vector<16xi32>
      %shift_right_arithmetic3A_1564 = arith.constant 12 : i32
      %shift_right_arithmetic3A_1565 = vector.broadcast %shift_right_arithmetic3A_1564 : i32 to vector<16xi32>
      %shift_right_arithmetic3A_1566 = arith.shrsi %get3A_1560, %shift_right_arithmetic3A_1565 : vector<16xi32>
      %and3A_1567 = arith.constant 7 : i32
      %and3A_1568 = vector.broadcast %and3A_1567 : i32 to vector<16xi32>
      %and3A_1569 = arith.andi %shift_right_arithmetic3A_1566, %and3A_1568 : vector<16xi32>
      %mul3A_1570 = arith.constant 16 : i32
      %mul3A_1571 = vector.broadcast %mul3A_1570 : i32 to vector<16xi32>
      %mul3A_1572 = arith.muli %and3A_1569, %mul3A_1571 : vector<16xi32>
      %add3A_1573 = arith.constant 0 : i32
      %add3A_1574 = vector.broadcast %add3A_1573 : i32 to vector<16xi32>
      %add3A_1575 = arith.addi %mul3A_1572, %add3A_1574 : vector<16xi32>
      %gather3A_1576 = tpu.vector_load_idx %arg13[%add3A_1563, %add3A_1575] : memref<128x128xf32, #tpu.memory_space<vmem>>[vector<16xi32>, vector<16xi32>], vector<16xf32>,
      %mul3A_1577 = arith.constant 16 : i32
      %mul3A_1578 = vector.broadcast %mul3A_1577 : i32 to vector<16xi32>
      %mul3A_1579 = arith.muli %iota3A, %mul3A_1578 : vector<16xi32>
      %add3A_1580 = arith.constant 0 : i32
      %add3A_1581 = vector.broadcast %add3A_1580 : i32 to vector<16xi32>
      %add3A_1582 = arith.addi %mul3A_1579, %add3A_1581 : vector<16xi32>
      tpu.vector_store_idx %arg16[%add3A_1582], %gather3A_1576 : memref<2048xf32, #tpu.memory_space<vmem>>[vector<16xi32>], vector<16xf32>,
      %add3A_1583 = arith.constant 1 : i32
      %add3A_1584 = vector.broadcast %add3A_1583 : i32 to vector<16xi32>
      %add3A_1585 = arith.addi %mul3A_1572, %add3A_1584 : vector<16xi32>
      %gather3A_1586 = tpu.vector_load_idx %arg13[%add3A_1563, %add3A_1585] : memref<128x128xf32, #tpu.memory_space<vmem>>[vector<16xi32>, vector<16xi32>], vector<16xf32>,
      %mul3A_1587 = arith.constant 16 : i32
      %mul3A_1588 = vector.broadcast %mul3A_1587 : i32 to vector<16xi32>
      %mul3A_1589 = arith.muli %iota3A, %mul3A_1588 : vector<16xi32>
      %add3A_1590 = arith.constant 1 : i32
      %add3A_1591 = vector.broadcast %add3A_1590 : i32 to vector<16xi32>
      %add3A_1592 = arith.addi %mul3A_1589, %add3A_1591 : vector<16xi32>
      tpu.vector_store_idx %arg16[%add3A_1592], %gather3A_1586 : memref<2048xf32, #tpu.memory_space<vmem>>[vector<16xi32>], vector<16xf32>,
      %add3A_1593 = arith.constant 2 : i32
      %add3A_1594 = vector.broadcast %add3A_1593 : i32 to vector<16xi32>
      %add3A_1595 = arith.addi %mul3A_1572, %add3A_1594 : vector<16xi32>
      %gather3A_1596 = tpu.vector_load_idx %arg13[%add3A_1563, %add3A_1595] : memref<128x128xf32, #tpu.memory_space<vmem>>[vector<16xi32>, vector<16xi32>], vector<16xf32>,
      %mul3A_1597 = arith.constant 16 : i32
      %mul3A_1598 = vector.broadcast %mul3A_1597 : i32 to vector<16xi32>
      %mul3A_1599 = arith.muli %iota3A, %mul3A_1598 : vector<16xi32>
      %add3A_1600 = arith.constant 2 : i32
      %add3A_1601 = vector.broadcast %add3A_1600 : i32 to vector<16xi32>
      %add3A_1602 = arith.addi %mul3A_1599, %add3A_1601 : vector<16xi32>
      tpu.vector_store_idx %arg16[%add3A_1602], %gather3A_1596 : memref<2048xf32, #tpu.memory_space<vmem>>[vector<16xi32>], vector<16xf32>,
      %add3A_1603 = arith.constant 3 : i32
      %add3A_1604 = vector.broadcast %add3A_1603 : i32 to vector<16xi32>
      %add3A_1605 = arith.addi %mul3A_1572, %add3A_1604 : vector<16xi32>
      %gather3A_1606 = tpu.vector_load_idx %arg13[%add3A_1563, %add3A_1605] : memref<128x128xf32, #tpu.memory_space<vmem>>[vector<16xi32>, vector<16xi32>], vector<16xf32>,
      %mul3A_1607 = arith.constant 16 : i32
      %mul3A_1608 = vector.broadcast %mul3A_1607 : i32 to vector<16xi32>
      %mul3A_1609 = arith.muli %iota3A, %mul3A_1608 : vector<16xi32>
      %add3A_1610 = arith.constant 3 : i32
      %add3A_1611 = vector.broadcast %add3A_1610 : i32 to vector<16xi32>
      %add3A_1612 = arith.addi %mul3A_1609, %add3A_1611 : vector<16xi32>
      tpu.vector_store_idx %arg16[%add3A_1612], %gather3A_1606 : memref<2048xf32, #tpu.memory_space<vmem>>[vector<16xi32>], vector<16xf32>,
      %add3A_1613 = arith.constant 4 : i32
      %add3A_1614 = vector.broadcast %add3A_1613 : i32 to vector<16xi32>
      %add3A_1615 = arith.addi %mul3A_1572, %add3A_1614 : vector<16xi32>
      %gather3A_1616 = tpu.vector_load_idx %arg13[%add3A_1563, %add3A_1615] : memref<128x128xf32, #tpu.memory_space<vmem>>[vector<16xi32>, vector<16xi32>], vector<16xf32>,
      %mul3A_1617 = arith.constant 16 : i32
      %mul3A_1618 = vector.broadcast %mul3A_1617 : i32 to vector<16xi32>
      %mul3A_1619 = arith.muli %iota3A, %mul3A_1618 : vector<16xi32>
      %add3A_1620 = arith.constant 4 : i32
      %add3A_1621 = vector.broadcast %add3A_1620 : i32 to vector<16xi32>
      %add3A_1622 = arith.addi %mul3A_1619, %add3A_1621 : vector<16xi32>
      tpu.vector_store_idx %arg16[%add3A_1622], %gather3A_1616 : memref<2048xf32, #tpu.memory_space<vmem>>[vector<16xi32>], vector<16xf32>,
      %add3A_1623 = arith.constant 5 : i32
      %add3A_1624 = vector.broadcast %add3A_1623 : i32 to vector<16xi32>
      %add3A_1625 = arith.addi %mul3A_1572, %add3A_1624 : vector<16xi32>
      %gather3A_1626 = tpu.vector_load_idx %arg13[%add3A_1563, %add3A_1625] : memref<128x128xf32, #tpu.memory_space<vmem>>[vector<16xi32>, vector<16xi32>], vector<16xf32>,
      %mul3A_1627 = arith.constant 16 : i32
      %mul3A_1628 = vector.broadcast %mul3A_1627 : i32 to vector<16xi32>
      %mul3A_1629 = arith.muli %iota3A, %mul3A_1628 : vector<16xi32>
      %add3A_1630 = arith.constant 5 : i32
      %add3A_1631 = vector.broadcast %add3A_1630 : i32 to vector<16xi32>
      %add3A_1632 = arith.addi %mul3A_1629, %add3A_1631 : vector<16xi32>
      tpu.vector_store_idx %arg16[%add3A_1632], %gather3A_1626 : memref<2048xf32, #tpu.memory_space<vmem>>[vector<16xi32>], vector<16xf32>,
      %add3A_1633 = arith.constant 6 : i32
      %add3A_1634 = vector.broadcast %add3A_1633 : i32 to vector<16xi32>
      %add3A_1635 = arith.addi %mul3A_1572, %add3A_1634 : vector<16xi32>
      %gather3A_1636 = tpu.vector_load_idx %arg13[%add3A_1563, %add3A_1635] : memref<128x128xf32, #tpu.memory_space<vmem>>[vector<16xi32>, vector<16xi32>], vector<16xf32>,
      %mul3A_1637 = arith.constant 16 : i32
      %mul3A_1638 = vector.broadcast %mul3A_1637 : i32 to vector<16xi32>
      %mul3A_1639 = arith.muli %iota3A, %mul3A_1638 : vector<16xi32>
      %add3A_1640 = arith.constant 6 : i32
      %add3A_1641 = vector.broadcast %add3A_1640 : i32 to vector<16xi32>
      %add3A_1642 = arith.addi %mul3A_1639, %add3A_1641 : vector<16xi32>
      tpu.vector_store_idx %arg16[%add3A_1642], %gather3A_1636 : memref<2048xf32, #tpu.memory_space<vmem>>[vector<16xi32>], vector<16xf32>,
      %add3A_1643 = arith.constant 7 : i32
      %add3A_1644 = vector.broadcast %add3A_1643 : i32 to vector<16xi32>
      %add3A_1645 = arith.addi %mul3A_1572, %add3A_1644 : vector<16xi32>
      %gather3A_1646 = tpu.vector_load_idx %arg13[%add3A_1563, %add3A_1645] : memref<128x128xf32, #tpu.memory_space<vmem>>[vector<16xi32>, vector<16xi32>], vector<16xf32>,
      %mul3A_1647 = arith.constant 16 : i32
      %mul3A_1648 = vector.broadcast %mul3A_1647 : i32 to vector<16xi32>
      %mul3A_1649 = arith.muli %iota3A, %mul3A_1648 : vector<16xi32>
      %add3A_1650 = arith.constant 7 : i32
      %add3A_1651 = vector.broadcast %add3A_1650 : i32 to vector<16xi32>
      %add3A_1652 = arith.addi %mul3A_1649, %add3A_1651 : vector<16xi32>
      tpu.vector_store_idx %arg16[%add3A_1652], %gather3A_1646 : memref<2048xf32, #tpu.memory_space<vmem>>[vector<16xi32>], vector<16xf32>,
      %add3A_1653 = arith.constant 8 : i32
      %add3A_1654 = vector.broadcast %add3A_1653 : i32 to vector<16xi32>
      %add3A_1655 = arith.addi %mul3A_1572, %add3A_1654 : vector<16xi32>
      %gather3A_1656 = tpu.vector_load_idx %arg13[%add3A_1563, %add3A_1655] : memref<128x128xf32, #tpu.memory_space<vmem>>[vector<16xi32>, vector<16xi32>], vector<16xf32>,
      %mul3A_1657 = arith.constant 16 : i32
      %mul3A_1658 = vector.broadcast %mul3A_1657 : i32 to vector<16xi32>
      %mul3A_1659 = arith.muli %iota3A, %mul3A_1658 : vector<16xi32>
      %add3A_1660 = arith.constant 8 : i32
      %add3A_1661 = vector.broadcast %add3A_1660 : i32 to vector<16xi32>
      %add3A_1662 = arith.addi %mul3A_1659, %add3A_1661 : vector<16xi32>
      tpu.vector_store_idx %arg16[%add3A_1662], %gather3A_1656 : memref<2048xf32, #tpu.memory_space<vmem>>[vector<16xi32>], vector<16xf32>,
      %add3A_1663 = arith.constant 9 : i32
      %add3A_1664 = vector.broadcast %add3A_1663 : i32 to vector<16xi32>
      %add3A_1665 = arith.addi %mul3A_1572, %add3A_1664 : vector<16xi32>
      %gather3A_1666 = tpu.vector_load_idx %arg13[%add3A_1563, %add3A_1665] : memref<128x128xf32, #tpu.memory_space<vmem>>[vector<16xi32>, vector<16xi32>], vector<16xf32>,
      %mul3A_1667 = arith.constant 16 : i32
      %mul3A_1668 = vector.broadcast %mul3A_1667 : i32 to vector<16xi32>
      %mul3A_1669 = arith.muli %iota3A, %mul3A_1668 : vector<16xi32>
      %add3A_1670 = arith.constant 9 : i32
      %add3A_1671 = vector.broadcast %add3A_1670 : i32 to vector<16xi32>
      %add3A_1672 = arith.addi %mul3A_1669, %add3A_1671 : vector<16xi32>
      tpu.vector_store_idx %arg16[%add3A_1672], %gather3A_1666 : memref<2048xf32, #tpu.memory_space<vmem>>[vector<16xi32>], vector<16xf32>,
      %add3A_1673 = arith.constant 10 : i32
      %add3A_1674 = vector.broadcast %add3A_1673 : i32 to vector<16xi32>
      %add3A_1675 = arith.addi %mul3A_1572, %add3A_1674 : vector<16xi32>
      %gather3A_1676 = tpu.vector_load_idx %arg13[%add3A_1563, %add3A_1675] : memref<128x128xf32, #tpu.memory_space<vmem>>[vector<16xi32>, vector<16xi32>], vector<16xf32>,
      %mul3A_1677 = arith.constant 16 : i32
      %mul3A_1678 = vector.broadcast %mul3A_1677 : i32 to vector<16xi32>
      %mul3A_1679 = arith.muli %iota3A, %mul3A_1678 : vector<16xi32>
      %add3A_1680 = arith.constant 10 : i32
      %add3A_1681 = vector.broadcast %add3A_1680 : i32 to vector<16xi32>
      %add3A_1682 = arith.addi %mul3A_1679, %add3A_1681 : vector<16xi32>
      tpu.vector_store_idx %arg16[%add3A_1682], %gather3A_1676 : memref<2048xf32, #tpu.memory_space<vmem>>[vector<16xi32>], vector<16xf32>,
      %add3A_1683 = arith.constant 11 : i32
      %add3A_1684 = vector.broadcast %add3A_1683 : i32 to vector<16xi32>
      %add3A_1685 = arith.addi %mul3A_1572, %add3A_1684 : vector<16xi32>
      %gather3A_1686 = tpu.vector_load_idx %arg13[%add3A_1563, %add3A_1685] : memref<128x128xf32, #tpu.memory_space<vmem>>[vector<16xi32>, vector<16xi32>], vector<16xf32>,
      %mul3A_1687 = arith.constant 16 : i32
      %mul3A_1688 = vector.broadcast %mul3A_1687 : i32 to vector<16xi32>
      %mul3A_1689 = arith.muli %iota3A, %mul3A_1688 : vector<16xi32>
      %add3A_1690 = arith.constant 11 : i32
      %add3A_1691 = vector.broadcast %add3A_1690 : i32 to vector<16xi32>
      %add3A_1692 = arith.addi %mul3A_1689, %add3A_1691 : vector<16xi32>
      tpu.vector_store_idx %arg16[%add3A_1692], %gather3A_1686 : memref<2048xf32, #tpu.memory_space<vmem>>[vector<16xi32>], vector<16xf32>,
      %add3A_1693 = arith.constant 12 : i32
      %add3A_1694 = vector.broadcast %add3A_1693 : i32 to vector<16xi32>
      %add3A_1695 = arith.addi %mul3A_1572, %add3A_1694 : vector<16xi32>
      %gather3A_1696 = tpu.vector_load_idx %arg13[%add3A_1563, %add3A_1695] : memref<128x128xf32, #tpu.memory_space<vmem>>[vector<16xi32>, vector<16xi32>], vector<16xf32>,
      %mul3A_1697 = arith.constant 16 : i32
      %mul3A_1698 = vector.broadcast %mul3A_1697 : i32 to vector<16xi32>
      %mul3A_1699 = arith.muli %iota3A, %mul3A_1698 : vector<16xi32>
      %add3A_1700 = arith.constant 12 : i32
      %add3A_1701 = vector.broadcast %add3A_1700 : i32 to vector<16xi32>
      %add3A_1702 = arith.addi %mul3A_1699, %add3A_1701 : vector<16xi32>
      tpu.vector_store_idx %arg16[%add3A_1702], %gather3A_1696 : memref<2048xf32, #tpu.memory_space<vmem>>[vector<16xi32>], vector<16xf32>,
      %add3A_1703 = arith.constant 13 : i32
      %add3A_1704 = vector.broadcast %add3A_1703 : i32 to vector<16xi32>
      %add3A_1705 = arith.addi %mul3A_1572, %add3A_1704 : vector<16xi32>
      %gather3A_1706 = tpu.vector_load_idx %arg13[%add3A_1563, %add3A_1705] : memref<128x128xf32, #tpu.memory_space<vmem>>[vector<16xi32>, vector<16xi32>], vector<16xf32>,
      %mul3A_1707 = arith.constant 16 : i32
      %mul3A_1708 = vector.broadcast %mul3A_1707 : i32 to vector<16xi32>
      %mul3A_1709 = arith.muli %iota3A, %mul3A_1708 : vector<16xi32>
      %add3A_1710 = arith.constant 13 : i32
      %add3A_1711 = vector.broadcast %add3A_1710 : i32 to vector<16xi32>
      %add3A_1712 = arith.addi %mul3A_1709, %add3A_1711 : vector<16xi32>
      tpu.vector_store_idx %arg16[%add3A_1712], %gather3A_1706 : memref<2048xf32, #tpu.memory_space<vmem>>[vector<16xi32>], vector<16xf32>,
      %add3A_1713 = arith.constant 14 : i32
      %add3A_1714 = vector.broadcast %add3A_1713 : i32 to vector<16xi32>
      %add3A_1715 = arith.addi %mul3A_1572, %add3A_1714 : vector<16xi32>
      %gather3A_1716 = tpu.vector_load_idx %arg13[%add3A_1563, %add3A_1715] : memref<128x128xf32, #tpu.memory_space<vmem>>[vector<16xi32>, vector<16xi32>], vector<16xf32>,
      %mul3A_1717 = arith.constant 16 : i32
      %mul3A_1718 = vector.broadcast %mul3A_1717 : i32 to vector<16xi32>
      %mul3A_1719 = arith.muli %iota3A, %mul3A_1718 : vector<16xi32>
      %add3A_1720 = arith.constant 14 : i32
      %add3A_1721 = vector.broadcast %add3A_1720 : i32 to vector<16xi32>
      %add3A_1722 = arith.addi %mul3A_1719, %add3A_1721 : vector<16xi32>
      tpu.vector_store_idx %arg16[%add3A_1722], %gather3A_1716 : memref<2048xf32, #tpu.memory_space<vmem>>[vector<16xi32>], vector<16xf32>,
      %add3A_1723 = arith.constant 15 : i32
      %add3A_1724 = vector.broadcast %add3A_1723 : i32 to vector<16xi32>
      %add3A_1725 = arith.addi %mul3A_1572, %add3A_1724 : vector<16xi32>
      %gather3A_1726 = tpu.vector_load_idx %arg13[%add3A_1563, %add3A_1725] : memref<128x128xf32, #tpu.memory_space<vmem>>[vector<16xi32>, vector<16xi32>], vector<16xf32>,
      %mul3A_1727 = arith.constant 16 : i32
      %mul3A_1728 = vector.broadcast %mul3A_1727 : i32 to vector<16xi32>
      %mul3A_1729 = arith.muli %iota3A, %mul3A_1728 : vector<16xi32>
      %add3A_1730 = arith.constant 15 : i32
      %add3A_1731 = vector.broadcast %add3A_1730 : i32 to vector<16xi32>
      %add3A_1732 = arith.addi %mul3A_1729, %add3A_1731 : vector<16xi32>
      tpu.vector_store_idx %arg16[%add3A_1732], %gather3A_1726 : memref<2048xf32, #tpu.memory_space<vmem>>[vector<16xi32>], vector<16xf32>,
      %and3A_1733 = arith.constant 127 : i32
      %and3A_1734 = vector.broadcast %and3A_1733 : i32 to vector<16xi32>
      %and3A_1735 = arith.andi %get3A_1560, %and3A_1734 : vector<16xi32>
      %gather3A_1736 = tpu.vector_load_idx %arg15[%add3A_1563, %and3A_1735] : memref<128x128xf32, #tpu.memory_space<vmem>>[vector<16xi32>, vector<16xi32>], vector<16xf32>,
      %mul3A_1737 = arith.constant 128 : i32
      %mul3A_1738 = arith.muli %add3A_1557, %mul3A_1737 : i32
      %add3A_1739 = arith.constant 0 : i32
      %add3A_1740 = arith.addi %mul3A_1738, %add3A_1739 : i32
      %add3A_1741 = vector.broadcast %add3A_1740 : i32 to vector<16xi32>
      %add3A_1742 = arith.addi %add3A_1741, %iota3A : vector<16xi32>
      tpu.vector_store_idx %arg17[%add3A_1742], %gather3A_1736 : memref<13312xf32, #tpu.memory_space<vmem>>[vector<16xi32>], vector<16xf32>,
      %get3A_1743 = arith.index_cast %add3A_1557 : i32 to index
      %get3A_1744 = arith.constant 16 : index
      %get3A_1745 = tpu.vector_load %arg11[%get3A_1743, %get3A_1744] {strides = array<i32>} : memref<104x128xi32, #tpu.memory_space<vmem>>, vector<16xi32>,
      %add3A_1746 = arith.constant 16 : i32
      %add3A_1747 = vector.broadcast %add3A_1746 : i32 to vector<16xi32>
      %add3A_1748 = arith.addi %add3A_1747, %iota3A : vector<16xi32>
      %shift_right_arithmetic3A_1749 = arith.constant 12 : i32
      %shift_right_arithmetic3A_1750 = vector.broadcast %shift_right_arithmetic3A_1749 : i32 to vector<16xi32>
      %shift_right_arithmetic3A_1751 = arith.shrsi %get3A_1745, %shift_right_arithmetic3A_1750 : vector<16xi32>
      %and3A_1752 = arith.constant 7 : i32
      %and3A_1753 = vector.broadcast %and3A_1752 : i32 to vector<16xi32>
      %and3A_1754 = arith.andi %shift_right_arithmetic3A_1751, %and3A_1753 : vector<16xi32>
      %mul3A_1755 = arith.constant 16 : i32
      %mul3A_1756 = vector.broadcast %mul3A_1755 : i32 to vector<16xi32>
      %mul3A_1757 = arith.muli %and3A_1754, %mul3A_1756 : vector<16xi32>
      %add3A_1758 = arith.constant 0 : i32
      %add3A_1759 = vector.broadcast %add3A_1758 : i32 to vector<16xi32>
      %add3A_1760 = arith.addi %mul3A_1757, %add3A_1759 : vector<16xi32>
      %gather3A_1761 = tpu.vector_load_idx %arg13[%add3A_1748, %add3A_1760] : memref<128x128xf32, #tpu.memory_space<vmem>>[vector<16xi32>, vector<16xi32>], vector<16xf32>,
      %mul3A_1762 = arith.constant 16 : i32
      %mul3A_1763 = vector.broadcast %mul3A_1762 : i32 to vector<16xi32>
      %mul3A_1764 = arith.muli %iota3A, %mul3A_1763 : vector<16xi32>
      %add3A_1765 = arith.constant 256 : i32
      %add3A_1766 = vector.broadcast %add3A_1765 : i32 to vector<16xi32>
      %add3A_1767 = arith.addi %mul3A_1764, %add3A_1766 : vector<16xi32>
      tpu.vector_store_idx %arg16[%add3A_1767], %gather3A_1761 : memref<2048xf32, #tpu.memory_space<vmem>>[vector<16xi32>], vector<16xf32>,
      %add3A_1768 = arith.constant 1 : i32
      %add3A_1769 = vector.broadcast %add3A_1768 : i32 to vector<16xi32>
      %add3A_1770 = arith.addi %mul3A_1757, %add3A_1769 : vector<16xi32>
      %gather3A_1771 = tpu.vector_load_idx %arg13[%add3A_1748, %add3A_1770] : memref<128x128xf32, #tpu.memory_space<vmem>>[vector<16xi32>, vector<16xi32>], vector<16xf32>,
      %mul3A_1772 = arith.constant 16 : i32
      %mul3A_1773 = vector.broadcast %mul3A_1772 : i32 to vector<16xi32>
      %mul3A_1774 = arith.muli %iota3A, %mul3A_1773 : vector<16xi32>
      %add3A_1775 = arith.constant 257 : i32
      %add3A_1776 = vector.broadcast %add3A_1775 : i32 to vector<16xi32>
      %add3A_1777 = arith.addi %mul3A_1774, %add3A_1776 : vector<16xi32>
      tpu.vector_store_idx %arg16[%add3A_1777], %gather3A_1771 : memref<2048xf32, #tpu.memory_space<vmem>>[vector<16xi32>], vector<16xf32>,
      %add3A_1778 = arith.constant 2 : i32
      %add3A_1779 = vector.broadcast %add3A_1778 : i32 to vector<16xi32>
      %add3A_1780 = arith.addi %mul3A_1757, %add3A_1779 : vector<16xi32>
      %gather3A_1781 = tpu.vector_load_idx %arg13[%add3A_1748, %add3A_1780] : memref<128x128xf32, #tpu.memory_space<vmem>>[vector<16xi32>, vector<16xi32>], vector<16xf32>,
      %mul3A_1782 = arith.constant 16 : i32
      %mul3A_1783 = vector.broadcast %mul3A_1782 : i32 to vector<16xi32>
      %mul3A_1784 = arith.muli %iota3A, %mul3A_1783 : vector<16xi32>
      %add3A_1785 = arith.constant 258 : i32
      %add3A_1786 = vector.broadcast %add3A_1785 : i32 to vector<16xi32>
      %add3A_1787 = arith.addi %mul3A_1784, %add3A_1786 : vector<16xi32>
      tpu.vector_store_idx %arg16[%add3A_1787], %gather3A_1781 : memref<2048xf32, #tpu.memory_space<vmem>>[vector<16xi32>], vector<16xf32>,
      %add3A_1788 = arith.constant 3 : i32
      %add3A_1789 = vector.broadcast %add3A_1788 : i32 to vector<16xi32>
      %add3A_1790 = arith.addi %mul3A_1757, %add3A_1789 : vector<16xi32>
      %gather3A_1791 = tpu.vector_load_idx %arg13[%add3A_1748, %add3A_1790] : memref<128x128xf32, #tpu.memory_space<vmem>>[vector<16xi32>, vector<16xi32>], vector<16xf32>,
      %mul3A_1792 = arith.constant 16 : i32
      %mul3A_1793 = vector.broadcast %mul3A_1792 : i32 to vector<16xi32>
      %mul3A_1794 = arith.muli %iota3A, %mul3A_1793 : vector<16xi32>
      %add3A_1795 = arith.constant 259 : i32
      %add3A_1796 = vector.broadcast %add3A_1795 : i32 to vector<16xi32>
      %add3A_1797 = arith.addi %mul3A_1794, %add3A_1796 : vector<16xi32>
      tpu.vector_store_idx %arg16[%add3A_1797], %gather3A_1791 : memref<2048xf32, #tpu.memory_space<vmem>>[vector<16xi32>], vector<16xf32>,
      %add3A_1798 = arith.constant 4 : i32
      %add3A_1799 = vector.broadcast %add3A_1798 : i32 to vector<16xi32>
      %add3A_1800 = arith.addi %mul3A_1757, %add3A_1799 : vector<16xi32>
      %gather3A_1801 = tpu.vector_load_idx %arg13[%add3A_1748, %add3A_1800] : memref<128x128xf32, #tpu.memory_space<vmem>>[vector<16xi32>, vector<16xi32>], vector<16xf32>,
      %mul3A_1802 = arith.constant 16 : i32
      %mul3A_1803 = vector.broadcast %mul3A_1802 : i32 to vector<16xi32>
      %mul3A_1804 = arith.muli %iota3A, %mul3A_1803 : vector<16xi32>
      %add3A_1805 = arith.constant 260 : i32
      %add3A_1806 = vector.broadcast %add3A_1805 : i32 to vector<16xi32>
      %add3A_1807 = arith.addi %mul3A_1804, %add3A_1806 : vector<16xi32>
      tpu.vector_store_idx %arg16[%add3A_1807], %gather3A_1801 : memref<2048xf32, #tpu.memory_space<vmem>>[vector<16xi32>], vector<16xf32>,
      %add3A_1808 = arith.constant 5 : i32
      %add3A_1809 = vector.broadcast %add3A_1808 : i32 to vector<16xi32>
      %add3A_1810 = arith.addi %mul3A_1757, %add3A_1809 : vector<16xi32>
      %gather3A_1811 = tpu.vector_load_idx %arg13[%add3A_1748, %add3A_1810] : memref<128x128xf32, #tpu.memory_space<vmem>>[vector<16xi32>, vector<16xi32>], vector<16xf32>,
      %mul3A_1812 = arith.constant 16 : i32
      %mul3A_1813 = vector.broadcast %mul3A_1812 : i32 to vector<16xi32>
      %mul3A_1814 = arith.muli %iota3A, %mul3A_1813 : vector<16xi32>
      %add3A_1815 = arith.constant 261 : i32
      %add3A_1816 = vector.broadcast %add3A_1815 : i32 to vector<16xi32>
      %add3A_1817 = arith.addi %mul3A_1814, %add3A_1816 : vector<16xi32>
      tpu.vector_store_idx %arg16[%add3A_1817], %gather3A_1811 : memref<2048xf32, #tpu.memory_space<vmem>>[vector<16xi32>], vector<16xf32>,
      %add3A_1818 = arith.constant 6 : i32
      %add3A_1819 = vector.broadcast %add3A_1818 : i32 to vector<16xi32>
      %add3A_1820 = arith.addi %mul3A_1757, %add3A_1819 : vector<16xi32>
      %gather3A_1821 = tpu.vector_load_idx %arg13[%add3A_1748, %add3A_1820] : memref<128x128xf32, #tpu.memory_space<vmem>>[vector<16xi32>, vector<16xi32>], vector<16xf32>,
      %mul3A_1822 = arith.constant 16 : i32
      %mul3A_1823 = vector.broadcast %mul3A_1822 : i32 to vector<16xi32>
      %mul3A_1824 = arith.muli %iota3A, %mul3A_1823 : vector<16xi32>
      %add3A_1825 = arith.constant 262 : i32
      %add3A_1826 = vector.broadcast %add3A_1825 : i32 to vector<16xi32>
      %add3A_1827 = arith.addi %mul3A_1824, %add3A_1826 : vector<16xi32>
      tpu.vector_store_idx %arg16[%add3A_1827], %gather3A_1821 : memref<2048xf32, #tpu.memory_space<vmem>>[vector<16xi32>], vector<16xf32>,
      %add3A_1828 = arith.constant 7 : i32
      %add3A_1829 = vector.broadcast %add3A_1828 : i32 to vector<16xi32>
      %add3A_1830 = arith.addi %mul3A_1757, %add3A_1829 : vector<16xi32>
      %gather3A_1831 = tpu.vector_load_idx %arg13[%add3A_1748, %add3A_1830] : memref<128x128xf32, #tpu.memory_space<vmem>>[vector<16xi32>, vector<16xi32>], vector<16xf32>,
      %mul3A_1832 = arith.constant 16 : i32
      %mul3A_1833 = vector.broadcast %mul3A_1832 : i32 to vector<16xi32>
      %mul3A_1834 = arith.muli %iota3A, %mul3A_1833 : vector<16xi32>
      %add3A_1835 = arith.constant 263 : i32
      %add3A_1836 = vector.broadcast %add3A_1835 : i32 to vector<16xi32>
      %add3A_1837 = arith.addi %mul3A_1834, %add3A_1836 : vector<16xi32>
      tpu.vector_store_idx %arg16[%add3A_1837], %gather3A_1831 : memref<2048xf32, #tpu.memory_space<vmem>>[vector<16xi32>], vector<16xf32>,
      %add3A_1838 = arith.constant 8 : i32
      %add3A_1839 = vector.broadcast %add3A_1838 : i32 to vector<16xi32>
      %add3A_1840 = arith.addi %mul3A_1757, %add3A_1839 : vector<16xi32>
      %gather3A_1841 = tpu.vector_load_idx %arg13[%add3A_1748, %add3A_1840] : memref<128x128xf32, #tpu.memory_space<vmem>>[vector<16xi32>, vector<16xi32>], vector<16xf32>,
      %mul3A_1842 = arith.constant 16 : i32
      %mul3A_1843 = vector.broadcast %mul3A_1842 : i32 to vector<16xi32>
      %mul3A_1844 = arith.muli %iota3A, %mul3A_1843 : vector<16xi32>
      %add3A_1845 = arith.constant 264 : i32
      %add3A_1846 = vector.broadcast %add3A_1845 : i32 to vector<16xi32>
      %add3A_1847 = arith.addi %mul3A_1844, %add3A_1846 : vector<16xi32>
      tpu.vector_store_idx %arg16[%add3A_1847], %gather3A_1841 : memref<2048xf32, #tpu.memory_space<vmem>>[vector<16xi32>], vector<16xf32>,
      %add3A_1848 = arith.constant 9 : i32
      %add3A_1849 = vector.broadcast %add3A_1848 : i32 to vector<16xi32>
      %add3A_1850 = arith.addi %mul3A_1757, %add3A_1849 : vector<16xi32>
      %gather3A_1851 = tpu.vector_load_idx %arg13[%add3A_1748, %add3A_1850] : memref<128x128xf32, #tpu.memory_space<vmem>>[vector<16xi32>, vector<16xi32>], vector<16xf32>,
      %mul3A_1852 = arith.constant 16 : i32
      %mul3A_1853 = vector.broadcast %mul3A_1852 : i32 to vector<16xi32>
      %mul3A_1854 = arith.muli %iota3A, %mul3A_1853 : vector<16xi32>
      %add3A_1855 = arith.constant 265 : i32
      %add3A_1856 = vector.broadcast %add3A_1855 : i32 to vector<16xi32>
      %add3A_1857 = arith.addi %mul3A_1854, %add3A_1856 : vector<16xi32>
      tpu.vector_store_idx %arg16[%add3A_1857], %gather3A_1851 : memref<2048xf32, #tpu.memory_space<vmem>>[vector<16xi32>], vector<16xf32>,
      %add3A_1858 = arith.constant 10 : i32
      %add3A_1859 = vector.broadcast %add3A_1858 : i32 to vector<16xi32>
      %add3A_1860 = arith.addi %mul3A_1757, %add3A_1859 : vector<16xi32>
      %gather3A_1861 = tpu.vector_load_idx %arg13[%add3A_1748, %add3A_1860] : memref<128x128xf32, #tpu.memory_space<vmem>>[vector<16xi32>, vector<16xi32>], vector<16xf32>,
      %mul3A_1862 = arith.constant 16 : i32
      %mul3A_1863 = vector.broadcast %mul3A_1862 : i32 to vector<16xi32>
      %mul3A_1864 = arith.muli %iota3A, %mul3A_1863 : vector<16xi32>
      %add3A_1865 = arith.constant 266 : i32
      %add3A_1866 = vector.broadcast %add3A_1865 : i32 to vector<16xi32>
      %add3A_1867 = arith.addi %mul3A_1864, %add3A_1866 : vector<16xi32>
      tpu.vector_store_idx %arg16[%add3A_1867], %gather3A_1861 : memref<2048xf32, #tpu.memory_space<vmem>>[vector<16xi32>], vector<16xf32>,
      %add3A_1868 = arith.constant 11 : i32
      %add3A_1869 = vector.broadcast %add3A_1868 : i32 to vector<16xi32>
      %add3A_1870 = arith.addi %mul3A_1757, %add3A_1869 : vector<16xi32>
      %gather3A_1871 = tpu.vector_load_idx %arg13[%add3A_1748, %add3A_1870] : memref<128x128xf32, #tpu.memory_space<vmem>>[vector<16xi32>, vector<16xi32>], vector<16xf32>,
      %mul3A_1872 = arith.constant 16 : i32
      %mul3A_1873 = vector.broadcast %mul3A_1872 : i32 to vector<16xi32>
      %mul3A_1874 = arith.muli %iota3A, %mul3A_1873 : vector<16xi32>
      %add3A_1875 = arith.constant 267 : i32
      %add3A_1876 = vector.broadcast %add3A_1875 : i32 to vector<16xi32>
      %add3A_1877 = arith.addi %mul3A_1874, %add3A_1876 : vector<16xi32>
      tpu.vector_store_idx %arg16[%add3A_1877], %gather3A_1871 : memref<2048xf32, #tpu.memory_space<vmem>>[vector<16xi32>], vector<16xf32>,
      %add3A_1878 = arith.constant 12 : i32
      %add3A_1879 = vector.broadcast %add3A_1878 : i32 to vector<16xi32>
      %add3A_1880 = arith.addi %mul3A_1757, %add3A_1879 : vector<16xi32>
      %gather3A_1881 = tpu.vector_load_idx %arg13[%add3A_1748, %add3A_1880] : memref<128x128xf32, #tpu.memory_space<vmem>>[vector<16xi32>, vector<16xi32>], vector<16xf32>,
      %mul3A_1882 = arith.constant 16 : i32
      %mul3A_1883 = vector.broadcast %mul3A_1882 : i32 to vector<16xi32>
      %mul3A_1884 = arith.muli %iota3A, %mul3A_1883 : vector<16xi32>
      %add3A_1885 = arith.constant 268 : i32
      %add3A_1886 = vector.broadcast %add3A_1885 : i32 to vector<16xi32>
      %add3A_1887 = arith.addi %mul3A_1884, %add3A_1886 : vector<16xi32>
      tpu.vector_store_idx %arg16[%add3A_1887], %gather3A_1881 : memref<2048xf32, #tpu.memory_space<vmem>>[vector<16xi32>], vector<16xf32>,
      %add3A_1888 = arith.constant 13 : i32
      %add3A_1889 = vector.broadcast %add3A_1888 : i32 to vector<16xi32>
      %add3A_1890 = arith.addi %mul3A_1757, %add3A_1889 : vector<16xi32>
      %gather3A_1891 = tpu.vector_load_idx %arg13[%add3A_1748, %add3A_1890] : memref<128x128xf32, #tpu.memory_space<vmem>>[vector<16xi32>, vector<16xi32>], vector<16xf32>,
      %mul3A_1892 = arith.constant 16 : i32
      %mul3A_1893 = vector.broadcast %mul3A_1892 : i32 to vector<16xi32>
      %mul3A_1894 = arith.muli %iota3A, %mul3A_1893 : vector<16xi32>
      %add3A_1895 = arith.constant 269 : i32
      %add3A_1896 = vector.broadcast %add3A_1895 : i32 to vector<16xi32>
      %add3A_1897 = arith.addi %mul3A_1894, %add3A_1896 : vector<16xi32>
      tpu.vector_store_idx %arg16[%add3A_1897], %gather3A_1891 : memref<2048xf32, #tpu.memory_space<vmem>>[vector<16xi32>], vector<16xf32>,
      %add3A_1898 = arith.constant 14 : i32
      %add3A_1899 = vector.broadcast %add3A_1898 : i32 to vector<16xi32>
      %add3A_1900 = arith.addi %mul3A_1757, %add3A_1899 : vector<16xi32>
      %gather3A_1901 = tpu.vector_load_idx %arg13[%add3A_1748, %add3A_1900] : memref<128x128xf32, #tpu.memory_space<vmem>>[vector<16xi32>, vector<16xi32>], vector<16xf32>,
      %mul3A_1902 = arith.constant 16 : i32
      %mul3A_1903 = vector.broadcast %mul3A_1902 : i32 to vector<16xi32>
      %mul3A_1904 = arith.muli %iota3A, %mul3A_1903 : vector<16xi32>
      %add3A_1905 = arith.constant 270 : i32
      %add3A_1906 = vector.broadcast %add3A_1905 : i32 to vector<16xi32>
      %add3A_1907 = arith.addi %mul3A_1904, %add3A_1906 : vector<16xi32>
      tpu.vector_store_idx %arg16[%add3A_1907], %gather3A_1901 : memref<2048xf32, #tpu.memory_space<vmem>>[vector<16xi32>], vector<16xf32>,
      %add3A_1908 = arith.constant 15 : i32
      %add3A_1909 = vector.broadcast %add3A_1908 : i32 to vector<16xi32>
      %add3A_1910 = arith.addi %mul3A_1757, %add3A_1909 : vector<16xi32>
      %gather3A_1911 = tpu.vector_load_idx %arg13[%add3A_1748, %add3A_1910] : memref<128x128xf32, #tpu.memory_space<vmem>>[vector<16xi32>, vector<16xi32>], vector<16xf32>,
      %mul3A_1912 = arith.constant 16 : i32
      %mul3A_1913 = vector.broadcast %mul3A_1912 : i32 to vector<16xi32>
      %mul3A_1914 = arith.muli %iota3A, %mul3A_1913 : vector<16xi32>
      %add3A_1915 = arith.constant 271 : i32
      %add3A_1916 = vector.broadcast %add3A_1915 : i32 to vector<16xi32>
      %add3A_1917 = arith.addi %mul3A_1914, %add3A_1916 : vector<16xi32>
      tpu.vector_store_idx %arg16[%add3A_1917], %gather3A_1911 : memref<2048xf32, #tpu.memory_space<vmem>>[vector<16xi32>], vector<16xf32>,
      %and3A_1918 = arith.constant 127 : i32
      %and3A_1919 = vector.broadcast %and3A_1918 : i32 to vector<16xi32>
      %and3A_1920 = arith.andi %get3A_1745, %and3A_1919 : vector<16xi32>
      %gather3A_1921 = tpu.vector_load_idx %arg15[%add3A_1748, %and3A_1920] : memref<128x128xf32, #tpu.memory_space<vmem>>[vector<16xi32>, vector<16xi32>], vector<16xf32>,
      %mul3A_1922 = arith.constant 128 : i32
      %mul3A_1923 = arith.muli %add3A_1557, %mul3A_1922 : i32
      %add3A_1924 = arith.constant 16 : i32
      %add3A_1925 = arith.addi %mul3A_1923, %add3A_1924 : i32
      %add3A_1926 = vector.broadcast %add3A_1925 : i32 to vector<16xi32>
      %add3A_1927 = arith.addi %add3A_1926, %iota3A : vector<16xi32>
      tpu.vector_store_idx %arg17[%add3A_1927], %gather3A_1921 : memref<13312xf32, #tpu.memory_space<vmem>>[vector<16xi32>], vector<16xf32>,
      %get3A_1928 = arith.index_cast %add3A_1557 : i32 to index
      %get3A_1929 = arith.constant 32 : index
      %get3A_1930 = tpu.vector_load %arg11[%get3A_1928, %get3A_1929] {strides = array<i32>} : memref<104x128xi32, #tpu.memory_space<vmem>>, vector<16xi32>,
      %add3A_1931 = arith.constant 32 : i32
      %add3A_1932 = vector.broadcast %add3A_1931 : i32 to vector<16xi32>
      %add3A_1933 = arith.addi %add3A_1932, %iota3A : vector<16xi32>
      %shift_right_arithmetic3A_1934 = arith.constant 12 : i32
      %shift_right_arithmetic3A_1935 = vector.broadcast %shift_right_arithmetic3A_1934 : i32 to vector<16xi32>
      %shift_right_arithmetic3A_1936 = arith.shrsi %get3A_1930, %shift_right_arithmetic3A_1935 : vector<16xi32>
      %and3A_1937 = arith.constant 7 : i32
      %and3A_1938 = vector.broadcast %and3A_1937 : i32 to vector<16xi32>
      %and3A_1939 = arith.andi %shift_right_arithmetic3A_1936, %and3A_1938 : vector<16xi32>
      %mul3A_1940 = arith.constant 16 : i32
      %mul3A_1941 = vector.broadcast %mul3A_1940 : i32 to vector<16xi32>
      %mul3A_1942 = arith.muli %and3A_1939, %mul3A_1941 : vector<16xi32>
      %add3A_1943 = arith.constant 0 : i32
      %add3A_1944 = vector.broadcast %add3A_1943 : i32 to vector<16xi32>
      %add3A_1945 = arith.addi %mul3A_1942, %add3A_1944 : vector<16xi32>
      %gather3A_1946 = tpu.vector_load_idx %arg13[%add3A_1933, %add3A_1945] : memref<128x128xf32, #tpu.memory_space<vmem>>[vector<16xi32>, vector<16xi32>], vector<16xf32>,
      %mul3A_1947 = arith.constant 16 : i32
      %mul3A_1948 = vector.broadcast %mul3A_1947 : i32 to vector<16xi32>
      %mul3A_1949 = arith.muli %iota3A, %mul3A_1948 : vector<16xi32>
      %add3A_1950 = arith.constant 512 : i32
      %add3A_1951 = vector.broadcast %add3A_1950 : i32 to vector<16xi32>
      %add3A_1952 = arith.addi %mul3A_1949, %add3A_1951 : vector<16xi32>
      tpu.vector_store_idx %arg16[%add3A_1952], %gather3A_1946 : memref<2048xf32, #tpu.memory_space<vmem>>[vector<16xi32>], vector<16xf32>,
      %add3A_1953 = arith.constant 1 : i32
      %add3A_1954 = vector.broadcast %add3A_1953 : i32 to vector<16xi32>
      %add3A_1955 = arith.addi %mul3A_1942, %add3A_1954 : vector<16xi32>
      %gather3A_1956 = tpu.vector_load_idx %arg13[%add3A_1933, %add3A_1955] : memref<128x128xf32, #tpu.memory_space<vmem>>[vector<16xi32>, vector<16xi32>], vector<16xf32>,
      %mul3A_1957 = arith.constant 16 : i32
      %mul3A_1958 = vector.broadcast %mul3A_1957 : i32 to vector<16xi32>
      %mul3A_1959 = arith.muli %iota3A, %mul3A_1958 : vector<16xi32>
      %add3A_1960 = arith.constant 513 : i32
      %add3A_1961 = vector.broadcast %add3A_1960 : i32 to vector<16xi32>
      %add3A_1962 = arith.addi %mul3A_1959, %add3A_1961 : vector<16xi32>
      tpu.vector_store_idx %arg16[%add3A_1962], %gather3A_1956 : memref<2048xf32, #tpu.memory_space<vmem>>[vector<16xi32>], vector<16xf32>,
      %add3A_1963 = arith.constant 2 : i32
      %add3A_1964 = vector.broadcast %add3A_1963 : i32 to vector<16xi32>
      %add3A_1965 = arith.addi %mul3A_1942, %add3A_1964 : vector<16xi32>
      %gather3A_1966 = tpu.vector_load_idx %arg13[%add3A_1933, %add3A_1965] : memref<128x128xf32, #tpu.memory_space<vmem>>[vector<16xi32>, vector<16xi32>], vector<16xf32>,
      %mul3A_1967 = arith.constant 16 : i32
      %mul3A_1968 = vector.broadcast %mul3A_1967 : i32 to vector<16xi32>
      %mul3A_1969 = arith.muli %iota3A, %mul3A_1968 : vector<16xi32>
      %add3A_1970 = arith.constant 514 : i32
      %add3A_1971 = vector.broadcast %add3A_1970 : i32 to vector<16xi32>
      %add3A_1972 = arith.addi %mul3A_1969, %add3A_1971 : vector<16xi32>
      tpu.vector_store_idx %arg16[%add3A_1972], %gather3A_1966 : memref<2048xf32, #tpu.memory_space<vmem>>[vector<16xi32>], vector<16xf32>,
      %add3A_1973 = arith.constant 3 : i32
      %add3A_1974 = vector.broadcast %add3A_1973 : i32 to vector<16xi32>
      %add3A_1975 = arith.addi %mul3A_1942, %add3A_1974 : vector<16xi32>
      %gather3A_1976 = tpu.vector_load_idx %arg13[%add3A_1933, %add3A_1975] : memref<128x128xf32, #tpu.memory_space<vmem>>[vector<16xi32>, vector<16xi32>], vector<16xf32>,
      %mul3A_1977 = arith.constant 16 : i32
      %mul3A_1978 = vector.broadcast %mul3A_1977 : i32 to vector<16xi32>
      %mul3A_1979 = arith.muli %iota3A, %mul3A_1978 : vector<16xi32>
      %add3A_1980 = arith.constant 515 : i32
      %add3A_1981 = vector.broadcast %add3A_1980 : i32 to vector<16xi32>
      %add3A_1982 = arith.addi %mul3A_1979, %add3A_1981 : vector<16xi32>
      tpu.vector_store_idx %arg16[%add3A_1982], %gather3A_1976 : memref<2048xf32, #tpu.memory_space<vmem>>[vector<16xi32>], vector<16xf32>,
      %add3A_1983 = arith.constant 4 : i32
      %add3A_1984 = vector.broadcast %add3A_1983 : i32 to vector<16xi32>
      %add3A_1985 = arith.addi %mul3A_1942, %add3A_1984 : vector<16xi32>
      %gather3A_1986 = tpu.vector_load_idx %arg13[%add3A_1933, %add3A_1985] : memref<128x128xf32, #tpu.memory_space<vmem>>[vector<16xi32>, vector<16xi32>], vector<16xf32>,
      %mul3A_1987 = arith.constant 16 : i32
      %mul3A_1988 = vector.broadcast %mul3A_1987 : i32 to vector<16xi32>
      %mul3A_1989 = arith.muli %iota3A, %mul3A_1988 : vector<16xi32>
      %add3A_1990 = arith.constant 516 : i32
      %add3A_1991 = vector.broadcast %add3A_1990 : i32 to vector<16xi32>
      %add3A_1992 = arith.addi %mul3A_1989, %add3A_1991 : vector<16xi32>
      tpu.vector_store_idx %arg16[%add3A_1992], %gather3A_1986 : memref<2048xf32, #tpu.memory_space<vmem>>[vector<16xi32>], vector<16xf32>,
      %add3A_1993 = arith.constant 5 : i32
      %add3A_1994 = vector.broadcast %add3A_1993 : i32 to vector<16xi32>
      %add3A_1995 = arith.addi %mul3A_1942, %add3A_1994 : vector<16xi32>
      %gather3A_1996 = tpu.vector_load_idx %arg13[%add3A_1933, %add3A_1995] : memref<128x128xf32, #tpu.memory_space<vmem>>[vector<16xi32>, vector<16xi32>], vector<16xf32>,
      %mul3A_1997 = arith.constant 16 : i32
      %mul3A_1998 = vector.broadcast %mul3A_1997 : i32 to vector<16xi32>
      %mul3A_1999 = arith.muli %iota3A, %mul3A_1998 : vector<16xi32>
      %add3A_2000 = arith.constant 517 : i32
      %add3A_2001 = vector.broadcast %add3A_2000 : i32 to vector<16xi32>
      %add3A_2002 = arith.addi %mul3A_1999, %add3A_2001 : vector<16xi32>
      tpu.vector_store_idx %arg16[%add3A_2002], %gather3A_1996 : memref<2048xf32, #tpu.memory_space<vmem>>[vector<16xi32>], vector<16xf32>,
      %add3A_2003 = arith.constant 6 : i32
      %add3A_2004 = vector.broadcast %add3A_2003 : i32 to vector<16xi32>
      %add3A_2005 = arith.addi %mul3A_1942, %add3A_2004 : vector<16xi32>
      %gather3A_2006 = tpu.vector_load_idx %arg13[%add3A_1933, %add3A_2005] : memref<128x128xf32, #tpu.memory_space<vmem>>[vector<16xi32>, vector<16xi32>], vector<16xf32>,
      %mul3A_2007 = arith.constant 16 : i32
      %mul3A_2008 = vector.broadcast %mul3A_2007 : i32 to vector<16xi32>
      %mul3A_2009 = arith.muli %iota3A, %mul3A_2008 : vector<16xi32>
      %add3A_2010 = arith.constant 518 : i32
      %add3A_2011 = vector.broadcast %add3A_2010 : i32 to vector<16xi32>
      %add3A_2012 = arith.addi %mul3A_2009, %add3A_2011 : vector<16xi32>
      tpu.vector_store_idx %arg16[%add3A_2012], %gather3A_2006 : memref<2048xf32, #tpu.memory_space<vmem>>[vector<16xi32>], vector<16xf32>,
      %add3A_2013 = arith.constant 7 : i32
      %add3A_2014 = vector.broadcast %add3A_2013 : i32 to vector<16xi32>
      %add3A_2015 = arith.addi %mul3A_1942, %add3A_2014 : vector<16xi32>
      %gather3A_2016 = tpu.vector_load_idx %arg13[%add3A_1933, %add3A_2015] : memref<128x128xf32, #tpu.memory_space<vmem>>[vector<16xi32>, vector<16xi32>], vector<16xf32>,
      %mul3A_2017 = arith.constant 16 : i32
      %mul3A_2018 = vector.broadcast %mul3A_2017 : i32 to vector<16xi32>
      %mul3A_2019 = arith.muli %iota3A, %mul3A_2018 : vector<16xi32>
      %add3A_2020 = arith.constant 519 : i32
      %add3A_2021 = vector.broadcast %add3A_2020 : i32 to vector<16xi32>
      %add3A_2022 = arith.addi %mul3A_2019, %add3A_2021 : vector<16xi32>
      tpu.vector_store_idx %arg16[%add3A_2022], %gather3A_2016 : memref<2048xf32, #tpu.memory_space<vmem>>[vector<16xi32>], vector<16xf32>,
      %add3A_2023 = arith.constant 8 : i32
      %add3A_2024 = vector.broadcast %add3A_2023 : i32 to vector<16xi32>
      %add3A_2025 = arith.addi %mul3A_1942, %add3A_2024 : vector<16xi32>
      %gather3A_2026 = tpu.vector_load_idx %arg13[%add3A_1933, %add3A_2025] : memref<128x128xf32, #tpu.memory_space<vmem>>[vector<16xi32>, vector<16xi32>], vector<16xf32>,
      %mul3A_2027 = arith.constant 16 : i32
      %mul3A_2028 = vector.broadcast %mul3A_2027 : i32 to vector<16xi32>
      %mul3A_2029 = arith.muli %iota3A, %mul3A_2028 : vector<16xi32>
      %add3A_2030 = arith.constant 520 : i32
      %add3A_2031 = vector.broadcast %add3A_2030 : i32 to vector<16xi32>
      %add3A_2032 = arith.addi %mul3A_2029, %add3A_2031 : vector<16xi32>
      tpu.vector_store_idx %arg16[%add3A_2032], %gather3A_2026 : memref<2048xf32, #tpu.memory_space<vmem>>[vector<16xi32>], vector<16xf32>,
      %add3A_2033 = arith.constant 9 : i32
      %add3A_2034 = vector.broadcast %add3A_2033 : i32 to vector<16xi32>
      %add3A_2035 = arith.addi %mul3A_1942, %add3A_2034 : vector<16xi32>
      %gather3A_2036 = tpu.vector_load_idx %arg13[%add3A_1933, %add3A_2035] : memref<128x128xf32, #tpu.memory_space<vmem>>[vector<16xi32>, vector<16xi32>], vector<16xf32>,
      %mul3A_2037 = arith.constant 16 : i32
      %mul3A_2038 = vector.broadcast %mul3A_2037 : i32 to vector<16xi32>
      %mul3A_2039 = arith.muli %iota3A, %mul3A_2038 : vector<16xi32>
      %add3A_2040 = arith.constant 521 : i32
      %add3A_2041 = vector.broadcast %add3A_2040 : i32 to vector<16xi32>
      %add3A_2042 = arith.addi %mul3A_2039, %add3A_2041 : vector<16xi32>
      tpu.vector_store_idx %arg16[%add3A_2042], %gather3A_2036 : memref<2048xf32, #tpu.memory_space<vmem>>[vector<16xi32>], vector<16xf32>,
      %add3A_2043 = arith.constant 10 : i32
      %add3A_2044 = vector.broadcast %add3A_2043 : i32 to vector<16xi32>
      %add3A_2045 = arith.addi %mul3A_1942, %add3A_2044 : vector<16xi32>
      %gather3A_2046 = tpu.vector_load_idx %arg13[%add3A_1933, %add3A_2045] : memref<128x128xf32, #tpu.memory_space<vmem>>[vector<16xi32>, vector<16xi32>], vector<16xf32>,
      %mul3A_2047 = arith.constant 16 : i32
      %mul3A_2048 = vector.broadcast %mul3A_2047 : i32 to vector<16xi32>
      %mul3A_2049 = arith.muli %iota3A, %mul3A_2048 : vector<16xi32>
      %add3A_2050 = arith.constant 522 : i32
      %add3A_2051 = vector.broadcast %add3A_2050 : i32 to vector<16xi32>
      %add3A_2052 = arith.addi %mul3A_2049, %add3A_2051 : vector<16xi32>
      tpu.vector_store_idx %arg16[%add3A_2052], %gather3A_2046 : memref<2048xf32, #tpu.memory_space<vmem>>[vector<16xi32>], vector<16xf32>,
      %add3A_2053 = arith.constant 11 : i32
      %add3A_2054 = vector.broadcast %add3A_2053 : i32 to vector<16xi32>
      %add3A_2055 = arith.addi %mul3A_1942, %add3A_2054 : vector<16xi32>
      %gather3A_2056 = tpu.vector_load_idx %arg13[%add3A_1933, %add3A_2055] : memref<128x128xf32, #tpu.memory_space<vmem>>[vector<16xi32>, vector<16xi32>], vector<16xf32>,
      %mul3A_2057 = arith.constant 16 : i32
      %mul3A_2058 = vector.broadcast %mul3A_2057 : i32 to vector<16xi32>
      %mul3A_2059 = arith.muli %iota3A, %mul3A_2058 : vector<16xi32>
      %add3A_2060 = arith.constant 523 : i32
      %add3A_2061 = vector.broadcast %add3A_2060 : i32 to vector<16xi32>
      %add3A_2062 = arith.addi %mul3A_2059, %add3A_2061 : vector<16xi32>
      tpu.vector_store_idx %arg16[%add3A_2062], %gather3A_2056 : memref<2048xf32, #tpu.memory_space<vmem>>[vector<16xi32>], vector<16xf32>,
      %add3A_2063 = arith.constant 12 : i32
      %add3A_2064 = vector.broadcast %add3A_2063 : i32 to vector<16xi32>
      %add3A_2065 = arith.addi %mul3A_1942, %add3A_2064 : vector<16xi32>
      %gather3A_2066 = tpu.vector_load_idx %arg13[%add3A_1933, %add3A_2065] : memref<128x128xf32, #tpu.memory_space<vmem>>[vector<16xi32>, vector<16xi32>], vector<16xf32>,
      %mul3A_2067 = arith.constant 16 : i32
      %mul3A_2068 = vector.broadcast %mul3A_2067 : i32 to vector<16xi32>
      %mul3A_2069 = arith.muli %iota3A, %mul3A_2068 : vector<16xi32>
      %add3A_2070 = arith.constant 524 : i32
      %add3A_2071 = vector.broadcast %add3A_2070 : i32 to vector<16xi32>
      %add3A_2072 = arith.addi %mul3A_2069, %add3A_2071 : vector<16xi32>
      tpu.vector_store_idx %arg16[%add3A_2072], %gather3A_2066 : memref<2048xf32, #tpu.memory_space<vmem>>[vector<16xi32>], vector<16xf32>,
      %add3A_2073 = arith.constant 13 : i32
      %add3A_2074 = vector.broadcast %add3A_2073 : i32 to vector<16xi32>
      %add3A_2075 = arith.addi %mul3A_1942, %add3A_2074 : vector<16xi32>
      %gather3A_2076 = tpu.vector_load_idx %arg13[%add3A_1933, %add3A_2075] : memref<128x128xf32, #tpu.memory_space<vmem>>[vector<16xi32>, vector<16xi32>], vector<16xf32>,
      %mul3A_2077 = arith.constant 16 : i32
      %mul3A_2078 = vector.broadcast %mul3A_2077 : i32 to vector<16xi32>
      %mul3A_2079 = arith.muli %iota3A, %mul3A_2078 : vector<16xi32>
      %add3A_2080 = arith.constant 525 : i32
      %add3A_2081 = vector.broadcast %add3A_2080 : i32 to vector<16xi32>
      %add3A_2082 = arith.addi %mul3A_2079, %add3A_2081 : vector<16xi32>
      tpu.vector_store_idx %arg16[%add3A_2082], %gather3A_2076 : memref<2048xf32, #tpu.memory_space<vmem>>[vector<16xi32>], vector<16xf32>,
      %add3A_2083 = arith.constant 14 : i32
      %add3A_2084 = vector.broadcast %add3A_2083 : i32 to vector<16xi32>
      %add3A_2085 = arith.addi %mul3A_1942, %add3A_2084 : vector<16xi32>
      %gather3A_2086 = tpu.vector_load_idx %arg13[%add3A_1933, %add3A_2085] : memref<128x128xf32, #tpu.memory_space<vmem>>[vector<16xi32>, vector<16xi32>], vector<16xf32>,
      %mul3A_2087 = arith.constant 16 : i32
      %mul3A_2088 = vector.broadcast %mul3A_2087 : i32 to vector<16xi32>
      %mul3A_2089 = arith.muli %iota3A, %mul3A_2088 : vector<16xi32>
      %add3A_2090 = arith.constant 526 : i32
      %add3A_2091 = vector.broadcast %add3A_2090 : i32 to vector<16xi32>
      %add3A_2092 = arith.addi %mul3A_2089, %add3A_2091 : vector<16xi32>
      tpu.vector_store_idx %arg16[%add3A_2092], %gather3A_2086 : memref<2048xf32, #tpu.memory_space<vmem>>[vector<16xi32>], vector<16xf32>,
      %add3A_2093 = arith.constant 15 : i32
      %add3A_2094 = vector.broadcast %add3A_2093 : i32 to vector<16xi32>
      %add3A_2095 = arith.addi %mul3A_1942, %add3A_2094 : vector<16xi32>
      %gather3A_2096 = tpu.vector_load_idx %arg13[%add3A_1933, %add3A_2095] : memref<128x128xf32, #tpu.memory_space<vmem>>[vector<16xi32>, vector<16xi32>], vector<16xf32>,
      %mul3A_2097 = arith.constant 16 : i32
      %mul3A_2098 = vector.broadcast %mul3A_2097 : i32 to vector<16xi32>
      %mul3A_2099 = arith.muli %iota3A, %mul3A_2098 : vector<16xi32>
      %add3A_2100 = arith.constant 527 : i32
      %add3A_2101 = vector.broadcast %add3A_2100 : i32 to vector<16xi32>
      %add3A_2102 = arith.addi %mul3A_2099, %add3A_2101 : vector<16xi32>
      tpu.vector_store_idx %arg16[%add3A_2102], %gather3A_2096 : memref<2048xf32, #tpu.memory_space<vmem>>[vector<16xi32>], vector<16xf32>,
      %and3A_2103 = arith.constant 127 : i32
      %and3A_2104 = vector.broadcast %and3A_2103 : i32 to vector<16xi32>
      %and3A_2105 = arith.andi %get3A_1930, %and3A_2104 : vector<16xi32>
      %gather3A_2106 = tpu.vector_load_idx %arg15[%add3A_1933, %and3A_2105] : memref<128x128xf32, #tpu.memory_space<vmem>>[vector<16xi32>, vector<16xi32>], vector<16xf32>,
      %mul3A_2107 = arith.constant 128 : i32
      %mul3A_2108 = arith.muli %add3A_1557, %mul3A_2107 : i32
      %add3A_2109 = arith.constant 32 : i32
      %add3A_2110 = arith.addi %mul3A_2108, %add3A_2109 : i32
      %add3A_2111 = vector.broadcast %add3A_2110 : i32 to vector<16xi32>
      %add3A_2112 = arith.addi %add3A_2111, %iota3A : vector<16xi32>
      tpu.vector_store_idx %arg17[%add3A_2112], %gather3A_2106 : memref<13312xf32, #tpu.memory_space<vmem>>[vector<16xi32>], vector<16xf32>,
      %get3A_2113 = arith.index_cast %add3A_1557 : i32 to index
      %get3A_2114 = arith.constant 48 : index
      %get3A_2115 = tpu.vector_load %arg11[%get3A_2113, %get3A_2114] {strides = array<i32>} : memref<104x128xi32, #tpu.memory_space<vmem>>, vector<16xi32>,
      %add3A_2116 = arith.constant 48 : i32
      %add3A_2117 = vector.broadcast %add3A_2116 : i32 to vector<16xi32>
      %add3A_2118 = arith.addi %add3A_2117, %iota3A : vector<16xi32>
      %shift_right_arithmetic3A_2119 = arith.constant 12 : i32
      %shift_right_arithmetic3A_2120 = vector.broadcast %shift_right_arithmetic3A_2119 : i32 to vector<16xi32>
      %shift_right_arithmetic3A_2121 = arith.shrsi %get3A_2115, %shift_right_arithmetic3A_2120 : vector<16xi32>
      %and3A_2122 = arith.constant 7 : i32
      %and3A_2123 = vector.broadcast %and3A_2122 : i32 to vector<16xi32>
      %and3A_2124 = arith.andi %shift_right_arithmetic3A_2121, %and3A_2123 : vector<16xi32>
      %mul3A_2125 = arith.constant 16 : i32
      %mul3A_2126 = vector.broadcast %mul3A_2125 : i32 to vector<16xi32>
      %mul3A_2127 = arith.muli %and3A_2124, %mul3A_2126 : vector<16xi32>
      %add3A_2128 = arith.constant 0 : i32
      %add3A_2129 = vector.broadcast %add3A_2128 : i32 to vector<16xi32>
      %add3A_2130 = arith.addi %mul3A_2127, %add3A_2129 : vector<16xi32>
      %gather3A_2131 = tpu.vector_load_idx %arg13[%add3A_2118, %add3A_2130] : memref<128x128xf32, #tpu.memory_space<vmem>>[vector<16xi32>, vector<16xi32>], vector<16xf32>,
      %mul3A_2132 = arith.constant 16 : i32
      %mul3A_2133 = vector.broadcast %mul3A_2132 : i32 to vector<16xi32>
      %mul3A_2134 = arith.muli %iota3A, %mul3A_2133 : vector<16xi32>
      %add3A_2135 = arith.constant 768 : i32
      %add3A_2136 = vector.broadcast %add3A_2135 : i32 to vector<16xi32>
      %add3A_2137 = arith.addi %mul3A_2134, %add3A_2136 : vector<16xi32>
      tpu.vector_store_idx %arg16[%add3A_2137], %gather3A_2131 : memref<2048xf32, #tpu.memory_space<vmem>>[vector<16xi32>], vector<16xf32>,
      %add3A_2138 = arith.constant 1 : i32
      %add3A_2139 = vector.broadcast %add3A_2138 : i32 to vector<16xi32>
      %add3A_2140 = arith.addi %mul3A_2127, %add3A_2139 : vector<16xi32>
      %gather3A_2141 = tpu.vector_load_idx %arg13[%add3A_2118, %add3A_2140] : memref<128x128xf32, #tpu.memory_space<vmem>>[vector<16xi32>, vector<16xi32>], vector<16xf32>,
      %mul3A_2142 = arith.constant 16 : i32
      %mul3A_2143 = vector.broadcast %mul3A_2142 : i32 to vector<16xi32>
      %mul3A_2144 = arith.muli %iota3A, %mul3A_2143 : vector<16xi32>
      %add3A_2145 = arith.constant 769 : i32
      %add3A_2146 = vector.broadcast %add3A_2145 : i32 to vector<16xi32>
      %add3A_2147 = arith.addi %mul3A_2144, %add3A_2146 : vector<16xi32>
      tpu.vector_store_idx %arg16[%add3A_2147], %gather3A_2141 : memref<2048xf32, #tpu.memory_space<vmem>>[vector<16xi32>], vector<16xf32>,
      %add3A_2148 = arith.constant 2 : i32
      %add3A_2149 = vector.broadcast %add3A_2148 : i32 to vector<16xi32>
      %add3A_2150 = arith.addi %mul3A_2127, %add3A_2149 : vector<16xi32>
      %gather3A_2151 = tpu.vector_load_idx %arg13[%add3A_2118, %add3A_2150] : memref<128x128xf32, #tpu.memory_space<vmem>>[vector<16xi32>, vector<16xi32>], vector<16xf32>,
      %mul3A_2152 = arith.constant 16 : i32
      %mul3A_2153 = vector.broadcast %mul3A_2152 : i32 to vector<16xi32>
      %mul3A_2154 = arith.muli %iota3A, %mul3A_2153 : vector<16xi32>
      %add3A_2155 = arith.constant 770 : i32
      %add3A_2156 = vector.broadcast %add3A_2155 : i32 to vector<16xi32>
      %add3A_2157 = arith.addi %mul3A_2154, %add3A_2156 : vector<16xi32>
      tpu.vector_store_idx %arg16[%add3A_2157], %gather3A_2151 : memref<2048xf32, #tpu.memory_space<vmem>>[vector<16xi32>], vector<16xf32>,
      %add3A_2158 = arith.constant 3 : i32
      %add3A_2159 = vector.broadcast %add3A_2158 : i32 to vector<16xi32>
      %add3A_2160 = arith.addi %mul3A_2127, %add3A_2159 : vector<16xi32>
      %gather3A_2161 = tpu.vector_load_idx %arg13[%add3A_2118, %add3A_2160] : memref<128x128xf32, #tpu.memory_space<vmem>>[vector<16xi32>, vector<16xi32>], vector<16xf32>,
      %mul3A_2162 = arith.constant 16 : i32
      %mul3A_2163 = vector.broadcast %mul3A_2162 : i32 to vector<16xi32>
      %mul3A_2164 = arith.muli %iota3A, %mul3A_2163 : vector<16xi32>
      %add3A_2165 = arith.constant 771 : i32
      %add3A_2166 = vector.broadcast %add3A_2165 : i32 to vector<16xi32>
      %add3A_2167 = arith.addi %mul3A_2164, %add3A_2166 : vector<16xi32>
      tpu.vector_store_idx %arg16[%add3A_2167], %gather3A_2161 : memref<2048xf32, #tpu.memory_space<vmem>>[vector<16xi32>], vector<16xf32>,
      %add3A_2168 = arith.constant 4 : i32
      %add3A_2169 = vector.broadcast %add3A_2168 : i32 to vector<16xi32>
      %add3A_2170 = arith.addi %mul3A_2127, %add3A_2169 : vector<16xi32>
      %gather3A_2171 = tpu.vector_load_idx %arg13[%add3A_2118, %add3A_2170] : memref<128x128xf32, #tpu.memory_space<vmem>>[vector<16xi32>, vector<16xi32>], vector<16xf32>,
      %mul3A_2172 = arith.constant 16 : i32
      %mul3A_2173 = vector.broadcast %mul3A_2172 : i32 to vector<16xi32>
      %mul3A_2174 = arith.muli %iota3A, %mul3A_2173 : vector<16xi32>
      %add3A_2175 = arith.constant 772 : i32
      %add3A_2176 = vector.broadcast %add3A_2175 : i32 to vector<16xi32>
      %add3A_2177 = arith.addi %mul3A_2174, %add3A_2176 : vector<16xi32>
      tpu.vector_store_idx %arg16[%add3A_2177], %gather3A_2171 : memref<2048xf32, #tpu.memory_space<vmem>>[vector<16xi32>], vector<16xf32>,
      %add3A_2178 = arith.constant 5 : i32
      %add3A_2179 = vector.broadcast %add3A_2178 : i32 to vector<16xi32>
      %add3A_2180 = arith.addi %mul3A_2127, %add3A_2179 : vector<16xi32>
      %gather3A_2181 = tpu.vector_load_idx %arg13[%add3A_2118, %add3A_2180] : memref<128x128xf32, #tpu.memory_space<vmem>>[vector<16xi32>, vector<16xi32>], vector<16xf32>,
      %mul3A_2182 = arith.constant 16 : i32
      %mul3A_2183 = vector.broadcast %mul3A_2182 : i32 to vector<16xi32>
      %mul3A_2184 = arith.muli %iota3A, %mul3A_2183 : vector<16xi32>
      %add3A_2185 = arith.constant 773 : i32
      %add3A_2186 = vector.broadcast %add3A_2185 : i32 to vector<16xi32>
      %add3A_2187 = arith.addi %mul3A_2184, %add3A_2186 : vector<16xi32>
      tpu.vector_store_idx %arg16[%add3A_2187], %gather3A_2181 : memref<2048xf32, #tpu.memory_space<vmem>>[vector<16xi32>], vector<16xf32>,
      %add3A_2188 = arith.constant 6 : i32
      %add3A_2189 = vector.broadcast %add3A_2188 : i32 to vector<16xi32>
      %add3A_2190 = arith.addi %mul3A_2127, %add3A_2189 : vector<16xi32>
      %gather3A_2191 = tpu.vector_load_idx %arg13[%add3A_2118, %add3A_2190] : memref<128x128xf32, #tpu.memory_space<vmem>>[vector<16xi32>, vector<16xi32>], vector<16xf32>,
      %mul3A_2192 = arith.constant 16 : i32
      %mul3A_2193 = vector.broadcast %mul3A_2192 : i32 to vector<16xi32>
      %mul3A_2194 = arith.muli %iota3A, %mul3A_2193 : vector<16xi32>
      %add3A_2195 = arith.constant 774 : i32
      %add3A_2196 = vector.broadcast %add3A_2195 : i32 to vector<16xi32>
      %add3A_2197 = arith.addi %mul3A_2194, %add3A_2196 : vector<16xi32>
      tpu.vector_store_idx %arg16[%add3A_2197], %gather3A_2191 : memref<2048xf32, #tpu.memory_space<vmem>>[vector<16xi32>], vector<16xf32>,
      %add3A_2198 = arith.constant 7 : i32
      %add3A_2199 = vector.broadcast %add3A_2198 : i32 to vector<16xi32>
      %add3A_2200 = arith.addi %mul3A_2127, %add3A_2199 : vector<16xi32>
      %gather3A_2201 = tpu.vector_load_idx %arg13[%add3A_2118, %add3A_2200] : memref<128x128xf32, #tpu.memory_space<vmem>>[vector<16xi32>, vector<16xi32>], vector<16xf32>,
      %mul3A_2202 = arith.constant 16 : i32
      %mul3A_2203 = vector.broadcast %mul3A_2202 : i32 to vector<16xi32>
      %mul3A_2204 = arith.muli %iota3A, %mul3A_2203 : vector<16xi32>
      %add3A_2205 = arith.constant 775 : i32
      %add3A_2206 = vector.broadcast %add3A_2205 : i32 to vector<16xi32>
      %add3A_2207 = arith.addi %mul3A_2204, %add3A_2206 : vector<16xi32>
      tpu.vector_store_idx %arg16[%add3A_2207], %gather3A_2201 : memref<2048xf32, #tpu.memory_space<vmem>>[vector<16xi32>], vector<16xf32>,
      %add3A_2208 = arith.constant 8 : i32
      %add3A_2209 = vector.broadcast %add3A_2208 : i32 to vector<16xi32>
      %add3A_2210 = arith.addi %mul3A_2127, %add3A_2209 : vector<16xi32>
      %gather3A_2211 = tpu.vector_load_idx %arg13[%add3A_2118, %add3A_2210] : memref<128x128xf32, #tpu.memory_space<vmem>>[vector<16xi32>, vector<16xi32>], vector<16xf32>,
      %mul3A_2212 = arith.constant 16 : i32
      %mul3A_2213 = vector.broadcast %mul3A_2212 : i32 to vector<16xi32>
      %mul3A_2214 = arith.muli %iota3A, %mul3A_2213 : vector<16xi32>
      %add3A_2215 = arith.constant 776 : i32
      %add3A_2216 = vector.broadcast %add3A_2215 : i32 to vector<16xi32>
      %add3A_2217 = arith.addi %mul3A_2214, %add3A_2216 : vector<16xi32>
      tpu.vector_store_idx %arg16[%add3A_2217], %gather3A_2211 : memref<2048xf32, #tpu.memory_space<vmem>>[vector<16xi32>], vector<16xf32>,
      %add3A_2218 = arith.constant 9 : i32
      %add3A_2219 = vector.broadcast %add3A_2218 : i32 to vector<16xi32>
      %add3A_2220 = arith.addi %mul3A_2127, %add3A_2219 : vector<16xi32>
      %gather3A_2221 = tpu.vector_load_idx %arg13[%add3A_2118, %add3A_2220] : memref<128x128xf32, #tpu.memory_space<vmem>>[vector<16xi32>, vector<16xi32>], vector<16xf32>,
      %mul3A_2222 = arith.constant 16 : i32
      %mul3A_2223 = vector.broadcast %mul3A_2222 : i32 to vector<16xi32>
      %mul3A_2224 = arith.muli %iota3A, %mul3A_2223 : vector<16xi32>
      %add3A_2225 = arith.constant 777 : i32
      %add3A_2226 = vector.broadcast %add3A_2225 : i32 to vector<16xi32>
      %add3A_2227 = arith.addi %mul3A_2224, %add3A_2226 : vector<16xi32>
      tpu.vector_store_idx %arg16[%add3A_2227], %gather3A_2221 : memref<2048xf32, #tpu.memory_space<vmem>>[vector<16xi32>], vector<16xf32>,
      %add3A_2228 = arith.constant 10 : i32
      %add3A_2229 = vector.broadcast %add3A_2228 : i32 to vector<16xi32>
      %add3A_2230 = arith.addi %mul3A_2127, %add3A_2229 : vector<16xi32>
      %gather3A_2231 = tpu.vector_load_idx %arg13[%add3A_2118, %add3A_2230] : memref<128x128xf32, #tpu.memory_space<vmem>>[vector<16xi32>, vector<16xi32>], vector<16xf32>,
      %mul3A_2232 = arith.constant 16 : i32
      %mul3A_2233 = vector.broadcast %mul3A_2232 : i32 to vector<16xi32>
      %mul3A_2234 = arith.muli %iota3A, %mul3A_2233 : vector<16xi32>
      %add3A_2235 = arith.constant 778 : i32
      %add3A_2236 = vector.broadcast %add3A_2235 : i32 to vector<16xi32>
      %add3A_2237 = arith.addi %mul3A_2234, %add3A_2236 : vector<16xi32>
      tpu.vector_store_idx %arg16[%add3A_2237], %gather3A_2231 : memref<2048xf32, #tpu.memory_space<vmem>>[vector<16xi32>], vector<16xf32>,
      %add3A_2238 = arith.constant 11 : i32
      %add3A_2239 = vector.broadcast %add3A_2238 : i32 to vector<16xi32>
      %add3A_2240 = arith.addi %mul3A_2127, %add3A_2239 : vector<16xi32>
      %gather3A_2241 = tpu.vector_load_idx %arg13[%add3A_2118, %add3A_2240] : memref<128x128xf32, #tpu.memory_space<vmem>>[vector<16xi32>, vector<16xi32>], vector<16xf32>,
      %mul3A_2242 = arith.constant 16 : i32
      %mul3A_2243 = vector.broadcast %mul3A_2242 : i32 to vector<16xi32>
      %mul3A_2244 = arith.muli %iota3A, %mul3A_2243 : vector<16xi32>
      %add3A_2245 = arith.constant 779 : i32
      %add3A_2246 = vector.broadcast %add3A_2245 : i32 to vector<16xi32>
      %add3A_2247 = arith.addi %mul3A_2244, %add3A_2246 : vector<16xi32>
      tpu.vector_store_idx %arg16[%add3A_2247], %gather3A_2241 : memref<2048xf32, #tpu.memory_space<vmem>>[vector<16xi32>], vector<16xf32>,
      %add3A_2248 = arith.constant 12 : i32
      %add3A_2249 = vector.broadcast %add3A_2248 : i32 to vector<16xi32>
      %add3A_2250 = arith.addi %mul3A_2127, %add3A_2249 : vector<16xi32>
      %gather3A_2251 = tpu.vector_load_idx %arg13[%add3A_2118, %add3A_2250] : memref<128x128xf32, #tpu.memory_space<vmem>>[vector<16xi32>, vector<16xi32>], vector<16xf32>,
      %mul3A_2252 = arith.constant 16 : i32
      %mul3A_2253 = vector.broadcast %mul3A_2252 : i32 to vector<16xi32>
      %mul3A_2254 = arith.muli %iota3A, %mul3A_2253 : vector<16xi32>
      %add3A_2255 = arith.constant 780 : i32
      %add3A_2256 = vector.broadcast %add3A_2255 : i32 to vector<16xi32>
      %add3A_2257 = arith.addi %mul3A_2254, %add3A_2256 : vector<16xi32>
      tpu.vector_store_idx %arg16[%add3A_2257], %gather3A_2251 : memref<2048xf32, #tpu.memory_space<vmem>>[vector<16xi32>], vector<16xf32>,
      %add3A_2258 = arith.constant 13 : i32
      %add3A_2259 = vector.broadcast %add3A_2258 : i32 to vector<16xi32>
      %add3A_2260 = arith.addi %mul3A_2127, %add3A_2259 : vector<16xi32>
      %gather3A_2261 = tpu.vector_load_idx %arg13[%add3A_2118, %add3A_2260] : memref<128x128xf32, #tpu.memory_space<vmem>>[vector<16xi32>, vector<16xi32>], vector<16xf32>,
      %mul3A_2262 = arith.constant 16 : i32
      %mul3A_2263 = vector.broadcast %mul3A_2262 : i32 to vector<16xi32>
      %mul3A_2264 = arith.muli %iota3A, %mul3A_2263 : vector<16xi32>
      %add3A_2265 = arith.constant 781 : i32
      %add3A_2266 = vector.broadcast %add3A_2265 : i32 to vector<16xi32>
      %add3A_2267 = arith.addi %mul3A_2264, %add3A_2266 : vector<16xi32>
      tpu.vector_store_idx %arg16[%add3A_2267], %gather3A_2261 : memref<2048xf32, #tpu.memory_space<vmem>>[vector<16xi32>], vector<16xf32>,
      %add3A_2268 = arith.constant 14 : i32
      %add3A_2269 = vector.broadcast %add3A_2268 : i32 to vector<16xi32>
      %add3A_2270 = arith.addi %mul3A_2127, %add3A_2269 : vector<16xi32>
      %gather3A_2271 = tpu.vector_load_idx %arg13[%add3A_2118, %add3A_2270] : memref<128x128xf32, #tpu.memory_space<vmem>>[vector<16xi32>, vector<16xi32>], vector<16xf32>,
      %mul3A_2272 = arith.constant 16 : i32
      %mul3A_2273 = vector.broadcast %mul3A_2272 : i32 to vector<16xi32>
      %mul3A_2274 = arith.muli %iota3A, %mul3A_2273 : vector<16xi32>
      %add3A_2275 = arith.constant 782 : i32
      %add3A_2276 = vector.broadcast %add3A_2275 : i32 to vector<16xi32>
      %add3A_2277 = arith.addi %mul3A_2274, %add3A_2276 : vector<16xi32>
      tpu.vector_store_idx %arg16[%add3A_2277], %gather3A_2271 : memref<2048xf32, #tpu.memory_space<vmem>>[vector<16xi32>], vector<16xf32>,
      %add3A_2278 = arith.constant 15 : i32
      %add3A_2279 = vector.broadcast %add3A_2278 : i32 to vector<16xi32>
      %add3A_2280 = arith.addi %mul3A_2127, %add3A_2279 : vector<16xi32>
      %gather3A_2281 = tpu.vector_load_idx %arg13[%add3A_2118, %add3A_2280] : memref<128x128xf32, #tpu.memory_space<vmem>>[vector<16xi32>, vector<16xi32>], vector<16xf32>,
      %mul3A_2282 = arith.constant 16 : i32
      %mul3A_2283 = vector.broadcast %mul3A_2282 : i32 to vector<16xi32>
      %mul3A_2284 = arith.muli %iota3A, %mul3A_2283 : vector<16xi32>
      %add3A_2285 = arith.constant 783 : i32
      %add3A_2286 = vector.broadcast %add3A_2285 : i32 to vector<16xi32>
      %add3A_2287 = arith.addi %mul3A_2284, %add3A_2286 : vector<16xi32>
      tpu.vector_store_idx %arg16[%add3A_2287], %gather3A_2281 : memref<2048xf32, #tpu.memory_space<vmem>>[vector<16xi32>], vector<16xf32>,
      %and3A_2288 = arith.constant 127 : i32
      %and3A_2289 = vector.broadcast %and3A_2288 : i32 to vector<16xi32>
      %and3A_2290 = arith.andi %get3A_2115, %and3A_2289 : vector<16xi32>
      %gather3A_2291 = tpu.vector_load_idx %arg15[%add3A_2118, %and3A_2290] : memref<128x128xf32, #tpu.memory_space<vmem>>[vector<16xi32>, vector<16xi32>], vector<16xf32>,
      %mul3A_2292 = arith.constant 128 : i32
      %mul3A_2293 = arith.muli %add3A_1557, %mul3A_2292 : i32
      %add3A_2294 = arith.constant 48 : i32
      %add3A_2295 = arith.addi %mul3A_2293, %add3A_2294 : i32
      %add3A_2296 = vector.broadcast %add3A_2295 : i32 to vector<16xi32>
      %add3A_2297 = arith.addi %add3A_2296, %iota3A : vector<16xi32>
      tpu.vector_store_idx %arg17[%add3A_2297], %gather3A_2291 : memref<13312xf32, #tpu.memory_space<vmem>>[vector<16xi32>], vector<16xf32>,
      %get3A_2298 = arith.index_cast %add3A_1557 : i32 to index
      %get3A_2299 = arith.constant 64 : index
      %get3A_2300 = tpu.vector_load %arg11[%get3A_2298, %get3A_2299] {strides = array<i32>} : memref<104x128xi32, #tpu.memory_space<vmem>>, vector<16xi32>,
      %add3A_2301 = arith.constant 64 : i32
      %add3A_2302 = vector.broadcast %add3A_2301 : i32 to vector<16xi32>
      %add3A_2303 = arith.addi %add3A_2302, %iota3A : vector<16xi32>
      %shift_right_arithmetic3A_2304 = arith.constant 12 : i32
      %shift_right_arithmetic3A_2305 = vector.broadcast %shift_right_arithmetic3A_2304 : i32 to vector<16xi32>
      %shift_right_arithmetic3A_2306 = arith.shrsi %get3A_2300, %shift_right_arithmetic3A_2305 : vector<16xi32>
      %and3A_2307 = arith.constant 7 : i32
      %and3A_2308 = vector.broadcast %and3A_2307 : i32 to vector<16xi32>
      %and3A_2309 = arith.andi %shift_right_arithmetic3A_2306, %and3A_2308 : vector<16xi32>
      %mul3A_2310 = arith.constant 16 : i32
      %mul3A_2311 = vector.broadcast %mul3A_2310 : i32 to vector<16xi32>
      %mul3A_2312 = arith.muli %and3A_2309, %mul3A_2311 : vector<16xi32>
      %add3A_2313 = arith.constant 0 : i32
      %add3A_2314 = vector.broadcast %add3A_2313 : i32 to vector<16xi32>
      %add3A_2315 = arith.addi %mul3A_2312, %add3A_2314 : vector<16xi32>
      %gather3A_2316 = tpu.vector_load_idx %arg13[%add3A_2303, %add3A_2315] : memref<128x128xf32, #tpu.memory_space<vmem>>[vector<16xi32>, vector<16xi32>], vector<16xf32>,
      %mul3A_2317 = arith.constant 16 : i32
      %mul3A_2318 = vector.broadcast %mul3A_2317 : i32 to vector<16xi32>
      %mul3A_2319 = arith.muli %iota3A, %mul3A_2318 : vector<16xi32>
      %add3A_2320 = arith.constant 1024 : i32
      %add3A_2321 = vector.broadcast %add3A_2320 : i32 to vector<16xi32>
      %add3A_2322 = arith.addi %mul3A_2319, %add3A_2321 : vector<16xi32>
      tpu.vector_store_idx %arg16[%add3A_2322], %gather3A_2316 : memref<2048xf32, #tpu.memory_space<vmem>>[vector<16xi32>], vector<16xf32>,
      %add3A_2323 = arith.constant 1 : i32
      %add3A_2324 = vector.broadcast %add3A_2323 : i32 to vector<16xi32>
      %add3A_2325 = arith.addi %mul3A_2312, %add3A_2324 : vector<16xi32>
      %gather3A_2326 = tpu.vector_load_idx %arg13[%add3A_2303, %add3A_2325] : memref<128x128xf32, #tpu.memory_space<vmem>>[vector<16xi32>, vector<16xi32>], vector<16xf32>,
      %mul3A_2327 = arith.constant 16 : i32
      %mul3A_2328 = vector.broadcast %mul3A_2327 : i32 to vector<16xi32>
      %mul3A_2329 = arith.muli %iota3A, %mul3A_2328 : vector<16xi32>
      %add3A_2330 = arith.constant 1025 : i32
      %add3A_2331 = vector.broadcast %add3A_2330 : i32 to vector<16xi32>
      %add3A_2332 = arith.addi %mul3A_2329, %add3A_2331 : vector<16xi32>
      tpu.vector_store_idx %arg16[%add3A_2332], %gather3A_2326 : memref<2048xf32, #tpu.memory_space<vmem>>[vector<16xi32>], vector<16xf32>,
      %add3A_2333 = arith.constant 2 : i32
      %add3A_2334 = vector.broadcast %add3A_2333 : i32 to vector<16xi32>
      %add3A_2335 = arith.addi %mul3A_2312, %add3A_2334 : vector<16xi32>
      %gather3A_2336 = tpu.vector_load_idx %arg13[%add3A_2303, %add3A_2335] : memref<128x128xf32, #tpu.memory_space<vmem>>[vector<16xi32>, vector<16xi32>], vector<16xf32>,
      %mul3A_2337 = arith.constant 16 : i32
      %mul3A_2338 = vector.broadcast %mul3A_2337 : i32 to vector<16xi32>
      %mul3A_2339 = arith.muli %iota3A, %mul3A_2338 : vector<16xi32>
      %add3A_2340 = arith.constant 1026 : i32
      %add3A_2341 = vector.broadcast %add3A_2340 : i32 to vector<16xi32>
      %add3A_2342 = arith.addi %mul3A_2339, %add3A_2341 : vector<16xi32>
      tpu.vector_store_idx %arg16[%add3A_2342], %gather3A_2336 : memref<2048xf32, #tpu.memory_space<vmem>>[vector<16xi32>], vector<16xf32>,
      %add3A_2343 = arith.constant 3 : i32
      %add3A_2344 = vector.broadcast %add3A_2343 : i32 to vector<16xi32>
      %add3A_2345 = arith.addi %mul3A_2312, %add3A_2344 : vector<16xi32>
      %gather3A_2346 = tpu.vector_load_idx %arg13[%add3A_2303, %add3A_2345] : memref<128x128xf32, #tpu.memory_space<vmem>>[vector<16xi32>, vector<16xi32>], vector<16xf32>,
      %mul3A_2347 = arith.constant 16 : i32
      %mul3A_2348 = vector.broadcast %mul3A_2347 : i32 to vector<16xi32>
      %mul3A_2349 = arith.muli %iota3A, %mul3A_2348 : vector<16xi32>
      %add3A_2350 = arith.constant 1027 : i32
      %add3A_2351 = vector.broadcast %add3A_2350 : i32 to vector<16xi32>
      %add3A_2352 = arith.addi %mul3A_2349, %add3A_2351 : vector<16xi32>
      tpu.vector_store_idx %arg16[%add3A_2352], %gather3A_2346 : memref<2048xf32, #tpu.memory_space<vmem>>[vector<16xi32>], vector<16xf32>,
      %add3A_2353 = arith.constant 4 : i32
      %add3A_2354 = vector.broadcast %add3A_2353 : i32 to vector<16xi32>
      %add3A_2355 = arith.addi %mul3A_2312, %add3A_2354 : vector<16xi32>
      %gather3A_2356 = tpu.vector_load_idx %arg13[%add3A_2303, %add3A_2355] : memref<128x128xf32, #tpu.memory_space<vmem>>[vector<16xi32>, vector<16xi32>], vector<16xf32>,
      %mul3A_2357 = arith.constant 16 : i32
      %mul3A_2358 = vector.broadcast %mul3A_2357 : i32 to vector<16xi32>
      %mul3A_2359 = arith.muli %iota3A, %mul3A_2358 : vector<16xi32>
      %add3A_2360 = arith.constant 1028 : i32
      %add3A_2361 = vector.broadcast %add3A_2360 : i32 to vector<16xi32>
      %add3A_2362 = arith.addi %mul3A_2359, %add3A_2361 : vector<16xi32>
      tpu.vector_store_idx %arg16[%add3A_2362], %gather3A_2356 : memref<2048xf32, #tpu.memory_space<vmem>>[vector<16xi32>], vector<16xf32>,
      %add3A_2363 = arith.constant 5 : i32
      %add3A_2364 = vector.broadcast %add3A_2363 : i32 to vector<16xi32>
      %add3A_2365 = arith.addi %mul3A_2312, %add3A_2364 : vector<16xi32>
      %gather3A_2366 = tpu.vector_load_idx %arg13[%add3A_2303, %add3A_2365] : memref<128x128xf32, #tpu.memory_space<vmem>>[vector<16xi32>, vector<16xi32>], vector<16xf32>,
      %mul3A_2367 = arith.constant 16 : i32
      %mul3A_2368 = vector.broadcast %mul3A_2367 : i32 to vector<16xi32>
      %mul3A_2369 = arith.muli %iota3A, %mul3A_2368 : vector<16xi32>
      %add3A_2370 = arith.constant 1029 : i32
      %add3A_2371 = vector.broadcast %add3A_2370 : i32 to vector<16xi32>
      %add3A_2372 = arith.addi %mul3A_2369, %add3A_2371 : vector<16xi32>
      tpu.vector_store_idx %arg16[%add3A_2372], %gather3A_2366 : memref<2048xf32, #tpu.memory_space<vmem>>[vector<16xi32>], vector<16xf32>,
      %add3A_2373 = arith.constant 6 : i32
      %add3A_2374 = vector.broadcast %add3A_2373 : i32 to vector<16xi32>
      %add3A_2375 = arith.addi %mul3A_2312, %add3A_2374 : vector<16xi32>
      %gather3A_2376 = tpu.vector_load_idx %arg13[%add3A_2303, %add3A_2375] : memref<128x128xf32, #tpu.memory_space<vmem>>[vector<16xi32>, vector<16xi32>], vector<16xf32>,
      %mul3A_2377 = arith.constant 16 : i32
      %mul3A_2378 = vector.broadcast %mul3A_2377 : i32 to vector<16xi32>
      %mul3A_2379 = arith.muli %iota3A, %mul3A_2378 : vector<16xi32>
      %add3A_2380 = arith.constant 1030 : i32
      %add3A_2381 = vector.broadcast %add3A_2380 : i32 to vector<16xi32>
      %add3A_2382 = arith.addi %mul3A_2379, %add3A_2381 : vector<16xi32>
      tpu.vector_store_idx %arg16[%add3A_2382], %gather3A_2376 : memref<2048xf32, #tpu.memory_space<vmem>>[vector<16xi32>], vector<16xf32>,
      %add3A_2383 = arith.constant 7 : i32
      %add3A_2384 = vector.broadcast %add3A_2383 : i32 to vector<16xi32>
      %add3A_2385 = arith.addi %mul3A_2312, %add3A_2384 : vector<16xi32>
      %gather3A_2386 = tpu.vector_load_idx %arg13[%add3A_2303, %add3A_2385] : memref<128x128xf32, #tpu.memory_space<vmem>>[vector<16xi32>, vector<16xi32>], vector<16xf32>,
      %mul3A_2387 = arith.constant 16 : i32
      %mul3A_2388 = vector.broadcast %mul3A_2387 : i32 to vector<16xi32>
      %mul3A_2389 = arith.muli %iota3A, %mul3A_2388 : vector<16xi32>
      %add3A_2390 = arith.constant 1031 : i32
      %add3A_2391 = vector.broadcast %add3A_2390 : i32 to vector<16xi32>
      %add3A_2392 = arith.addi %mul3A_2389, %add3A_2391 : vector<16xi32>
      tpu.vector_store_idx %arg16[%add3A_2392], %gather3A_2386 : memref<2048xf32, #tpu.memory_space<vmem>>[vector<16xi32>], vector<16xf32>,
      %add3A_2393 = arith.constant 8 : i32
      %add3A_2394 = vector.broadcast %add3A_2393 : i32 to vector<16xi32>
      %add3A_2395 = arith.addi %mul3A_2312, %add3A_2394 : vector<16xi32>
      %gather3A_2396 = tpu.vector_load_idx %arg13[%add3A_2303, %add3A_2395] : memref<128x128xf32, #tpu.memory_space<vmem>>[vector<16xi32>, vector<16xi32>], vector<16xf32>,
      %mul3A_2397 = arith.constant 16 : i32
      %mul3A_2398 = vector.broadcast %mul3A_2397 : i32 to vector<16xi32>
      %mul3A_2399 = arith.muli %iota3A, %mul3A_2398 : vector<16xi32>
      %add3A_2400 = arith.constant 1032 : i32
      %add3A_2401 = vector.broadcast %add3A_2400 : i32 to vector<16xi32>
      %add3A_2402 = arith.addi %mul3A_2399, %add3A_2401 : vector<16xi32>
      tpu.vector_store_idx %arg16[%add3A_2402], %gather3A_2396 : memref<2048xf32, #tpu.memory_space<vmem>>[vector<16xi32>], vector<16xf32>,
      %add3A_2403 = arith.constant 9 : i32
      %add3A_2404 = vector.broadcast %add3A_2403 : i32 to vector<16xi32>
      %add3A_2405 = arith.addi %mul3A_2312, %add3A_2404 : vector<16xi32>
      %gather3A_2406 = tpu.vector_load_idx %arg13[%add3A_2303, %add3A_2405] : memref<128x128xf32, #tpu.memory_space<vmem>>[vector<16xi32>, vector<16xi32>], vector<16xf32>,
      %mul3A_2407 = arith.constant 16 : i32
      %mul3A_2408 = vector.broadcast %mul3A_2407 : i32 to vector<16xi32>
      %mul3A_2409 = arith.muli %iota3A, %mul3A_2408 : vector<16xi32>
      %add3A_2410 = arith.constant 1033 : i32
      %add3A_2411 = vector.broadcast %add3A_2410 : i32 to vector<16xi32>
      %add3A_2412 = arith.addi %mul3A_2409, %add3A_2411 : vector<16xi32>
      tpu.vector_store_idx %arg16[%add3A_2412], %gather3A_2406 : memref<2048xf32, #tpu.memory_space<vmem>>[vector<16xi32>], vector<16xf32>,
      %add3A_2413 = arith.constant 10 : i32
      %add3A_2414 = vector.broadcast %add3A_2413 : i32 to vector<16xi32>
      %add3A_2415 = arith.addi %mul3A_2312, %add3A_2414 : vector<16xi32>
      %gather3A_2416 = tpu.vector_load_idx %arg13[%add3A_2303, %add3A_2415] : memref<128x128xf32, #tpu.memory_space<vmem>>[vector<16xi32>, vector<16xi32>], vector<16xf32>,
      %mul3A_2417 = arith.constant 16 : i32
      %mul3A_2418 = vector.broadcast %mul3A_2417 : i32 to vector<16xi32>
      %mul3A_2419 = arith.muli %iota3A, %mul3A_2418 : vector<16xi32>
      %add3A_2420 = arith.constant 1034 : i32
      %add3A_2421 = vector.broadcast %add3A_2420 : i32 to vector<16xi32>
      %add3A_2422 = arith.addi %mul3A_2419, %add3A_2421 : vector<16xi32>
      tpu.vector_store_idx %arg16[%add3A_2422], %gather3A_2416 : memref<2048xf32, #tpu.memory_space<vmem>>[vector<16xi32>], vector<16xf32>,
      %add3A_2423 = arith.constant 11 : i32
      %add3A_2424 = vector.broadcast %add3A_2423 : i32 to vector<16xi32>
      %add3A_2425 = arith.addi %mul3A_2312, %add3A_2424 : vector<16xi32>
      %gather3A_2426 = tpu.vector_load_idx %arg13[%add3A_2303, %add3A_2425] : memref<128x128xf32, #tpu.memory_space<vmem>>[vector<16xi32>, vector<16xi32>], vector<16xf32>,
      %mul3A_2427 = arith.constant 16 : i32
      %mul3A_2428 = vector.broadcast %mul3A_2427 : i32 to vector<16xi32>
      %mul3A_2429 = arith.muli %iota3A, %mul3A_2428 : vector<16xi32>
      %add3A_2430 = arith.constant 1035 : i32
      %add3A_2431 = vector.broadcast %add3A_2430 : i32 to vector<16xi32>
      %add3A_2432 = arith.addi %mul3A_2429, %add3A_2431 : vector<16xi32>
      tpu.vector_store_idx %arg16[%add3A_2432], %gather3A_2426 : memref<2048xf32, #tpu.memory_space<vmem>>[vector<16xi32>], vector<16xf32>,
      %add3A_2433 = arith.constant 12 : i32
      %add3A_2434 = vector.broadcast %add3A_2433 : i32 to vector<16xi32>
      %add3A_2435 = arith.addi %mul3A_2312, %add3A_2434 : vector<16xi32>
      %gather3A_2436 = tpu.vector_load_idx %arg13[%add3A_2303, %add3A_2435] : memref<128x128xf32, #tpu.memory_space<vmem>>[vector<16xi32>, vector<16xi32>], vector<16xf32>,
      %mul3A_2437 = arith.constant 16 : i32
      %mul3A_2438 = vector.broadcast %mul3A_2437 : i32 to vector<16xi32>
      %mul3A_2439 = arith.muli %iota3A, %mul3A_2438 : vector<16xi32>
      %add3A_2440 = arith.constant 1036 : i32
      %add3A_2441 = vector.broadcast %add3A_2440 : i32 to vector<16xi32>
      %add3A_2442 = arith.addi %mul3A_2439, %add3A_2441 : vector<16xi32>
      tpu.vector_store_idx %arg16[%add3A_2442], %gather3A_2436 : memref<2048xf32, #tpu.memory_space<vmem>>[vector<16xi32>], vector<16xf32>,
      %add3A_2443 = arith.constant 13 : i32
      %add3A_2444 = vector.broadcast %add3A_2443 : i32 to vector<16xi32>
      %add3A_2445 = arith.addi %mul3A_2312, %add3A_2444 : vector<16xi32>
      %gather3A_2446 = tpu.vector_load_idx %arg13[%add3A_2303, %add3A_2445] : memref<128x128xf32, #tpu.memory_space<vmem>>[vector<16xi32>, vector<16xi32>], vector<16xf32>,
      %mul3A_2447 = arith.constant 16 : i32
      %mul3A_2448 = vector.broadcast %mul3A_2447 : i32 to vector<16xi32>
      %mul3A_2449 = arith.muli %iota3A, %mul3A_2448 : vector<16xi32>
      %add3A_2450 = arith.constant 1037 : i32
      %add3A_2451 = vector.broadcast %add3A_2450 : i32 to vector<16xi32>
      %add3A_2452 = arith.addi %mul3A_2449, %add3A_2451 : vector<16xi32>
      tpu.vector_store_idx %arg16[%add3A_2452], %gather3A_2446 : memref<2048xf32, #tpu.memory_space<vmem>>[vector<16xi32>], vector<16xf32>,
      %add3A_2453 = arith.constant 14 : i32
      %add3A_2454 = vector.broadcast %add3A_2453 : i32 to vector<16xi32>
      %add3A_2455 = arith.addi %mul3A_2312, %add3A_2454 : vector<16xi32>
      %gather3A_2456 = tpu.vector_load_idx %arg13[%add3A_2303, %add3A_2455] : memref<128x128xf32, #tpu.memory_space<vmem>>[vector<16xi32>, vector<16xi32>], vector<16xf32>,
      %mul3A_2457 = arith.constant 16 : i32
      %mul3A_2458 = vector.broadcast %mul3A_2457 : i32 to vector<16xi32>
      %mul3A_2459 = arith.muli %iota3A, %mul3A_2458 : vector<16xi32>
      %add3A_2460 = arith.constant 1038 : i32
      %add3A_2461 = vector.broadcast %add3A_2460 : i32 to vector<16xi32>
      %add3A_2462 = arith.addi %mul3A_2459, %add3A_2461 : vector<16xi32>
      tpu.vector_store_idx %arg16[%add3A_2462], %gather3A_2456 : memref<2048xf32, #tpu.memory_space<vmem>>[vector<16xi32>], vector<16xf32>,
      %add3A_2463 = arith.constant 15 : i32
      %add3A_2464 = vector.broadcast %add3A_2463 : i32 to vector<16xi32>
      %add3A_2465 = arith.addi %mul3A_2312, %add3A_2464 : vector<16xi32>
      %gather3A_2466 = tpu.vector_load_idx %arg13[%add3A_2303, %add3A_2465] : memref<128x128xf32, #tpu.memory_space<vmem>>[vector<16xi32>, vector<16xi32>], vector<16xf32>,
      %mul3A_2467 = arith.constant 16 : i32
      %mul3A_2468 = vector.broadcast %mul3A_2467 : i32 to vector<16xi32>
      %mul3A_2469 = arith.muli %iota3A, %mul3A_2468 : vector<16xi32>
      %add3A_2470 = arith.constant 1039 : i32
      %add3A_2471 = vector.broadcast %add3A_2470 : i32 to vector<16xi32>
      %add3A_2472 = arith.addi %mul3A_2469, %add3A_2471 : vector<16xi32>
      tpu.vector_store_idx %arg16[%add3A_2472], %gather3A_2466 : memref<2048xf32, #tpu.memory_space<vmem>>[vector<16xi32>], vector<16xf32>,
      %and3A_2473 = arith.constant 127 : i32
      %and3A_2474 = vector.broadcast %and3A_2473 : i32 to vector<16xi32>
      %and3A_2475 = arith.andi %get3A_2300, %and3A_2474 : vector<16xi32>
      %gather3A_2476 = tpu.vector_load_idx %arg15[%add3A_2303, %and3A_2475] : memref<128x128xf32, #tpu.memory_space<vmem>>[vector<16xi32>, vector<16xi32>], vector<16xf32>,
      %mul3A_2477 = arith.constant 128 : i32
      %mul3A_2478 = arith.muli %add3A_1557, %mul3A_2477 : i32
      %add3A_2479 = arith.constant 64 : i32
      %add3A_2480 = arith.addi %mul3A_2478, %add3A_2479 : i32
      %add3A_2481 = vector.broadcast %add3A_2480 : i32 to vector<16xi32>
      %add3A_2482 = arith.addi %add3A_2481, %iota3A : vector<16xi32>
      tpu.vector_store_idx %arg17[%add3A_2482], %gather3A_2476 : memref<13312xf32, #tpu.memory_space<vmem>>[vector<16xi32>], vector<16xf32>,
      %get3A_2483 = arith.index_cast %add3A_1557 : i32 to index
      %get3A_2484 = arith.constant 80 : index
      %get3A_2485 = tpu.vector_load %arg11[%get3A_2483, %get3A_2484] {strides = array<i32>} : memref<104x128xi32, #tpu.memory_space<vmem>>, vector<16xi32>,
      %add3A_2486 = arith.constant 80 : i32
      %add3A_2487 = vector.broadcast %add3A_2486 : i32 to vector<16xi32>
      %add3A_2488 = arith.addi %add3A_2487, %iota3A : vector<16xi32>
      %shift_right_arithmetic3A_2489 = arith.constant 12 : i32
      %shift_right_arithmetic3A_2490 = vector.broadcast %shift_right_arithmetic3A_2489 : i32 to vector<16xi32>
      %shift_right_arithmetic3A_2491 = arith.shrsi %get3A_2485, %shift_right_arithmetic3A_2490 : vector<16xi32>
      %and3A_2492 = arith.constant 7 : i32
      %and3A_2493 = vector.broadcast %and3A_2492 : i32 to vector<16xi32>
      %and3A_2494 = arith.andi %shift_right_arithmetic3A_2491, %and3A_2493 : vector<16xi32>
      %mul3A_2495 = arith.constant 16 : i32
      %mul3A_2496 = vector.broadcast %mul3A_2495 : i32 to vector<16xi32>
      %mul3A_2497 = arith.muli %and3A_2494, %mul3A_2496 : vector<16xi32>
      %add3A_2498 = arith.constant 0 : i32
      %add3A_2499 = vector.broadcast %add3A_2498 : i32 to vector<16xi32>
      %add3A_2500 = arith.addi %mul3A_2497, %add3A_2499 : vector<16xi32>
      %gather3A_2501 = tpu.vector_load_idx %arg13[%add3A_2488, %add3A_2500] : memref<128x128xf32, #tpu.memory_space<vmem>>[vector<16xi32>, vector<16xi32>], vector<16xf32>,
      %mul3A_2502 = arith.constant 16 : i32
      %mul3A_2503 = vector.broadcast %mul3A_2502 : i32 to vector<16xi32>
      %mul3A_2504 = arith.muli %iota3A, %mul3A_2503 : vector<16xi32>
      %add3A_2505 = arith.constant 1280 : i32
      %add3A_2506 = vector.broadcast %add3A_2505 : i32 to vector<16xi32>
      %add3A_2507 = arith.addi %mul3A_2504, %add3A_2506 : vector<16xi32>
      tpu.vector_store_idx %arg16[%add3A_2507], %gather3A_2501 : memref<2048xf32, #tpu.memory_space<vmem>>[vector<16xi32>], vector<16xf32>,
      %add3A_2508 = arith.constant 1 : i32
      %add3A_2509 = vector.broadcast %add3A_2508 : i32 to vector<16xi32>
      %add3A_2510 = arith.addi %mul3A_2497, %add3A_2509 : vector<16xi32>
      %gather3A_2511 = tpu.vector_load_idx %arg13[%add3A_2488, %add3A_2510] : memref<128x128xf32, #tpu.memory_space<vmem>>[vector<16xi32>, vector<16xi32>], vector<16xf32>,
      %mul3A_2512 = arith.constant 16 : i32
      %mul3A_2513 = vector.broadcast %mul3A_2512 : i32 to vector<16xi32>
      %mul3A_2514 = arith.muli %iota3A, %mul3A_2513 : vector<16xi32>
      %add3A_2515 = arith.constant 1281 : i32
      %add3A_2516 = vector.broadcast %add3A_2515 : i32 to vector<16xi32>
      %add3A_2517 = arith.addi %mul3A_2514, %add3A_2516 : vector<16xi32>
      tpu.vector_store_idx %arg16[%add3A_2517], %gather3A_2511 : memref<2048xf32, #tpu.memory_space<vmem>>[vector<16xi32>], vector<16xf32>,
      %add3A_2518 = arith.constant 2 : i32
      %add3A_2519 = vector.broadcast %add3A_2518 : i32 to vector<16xi32>
      %add3A_2520 = arith.addi %mul3A_2497, %add3A_2519 : vector<16xi32>
      %gather3A_2521 = tpu.vector_load_idx %arg13[%add3A_2488, %add3A_2520] : memref<128x128xf32, #tpu.memory_space<vmem>>[vector<16xi32>, vector<16xi32>], vector<16xf32>,
      %mul3A_2522 = arith.constant 16 : i32
      %mul3A_2523 = vector.broadcast %mul3A_2522 : i32 to vector<16xi32>
      %mul3A_2524 = arith.muli %iota3A, %mul3A_2523 : vector<16xi32>
      %add3A_2525 = arith.constant 1282 : i32
      %add3A_2526 = vector.broadcast %add3A_2525 : i32 to vector<16xi32>
      %add3A_2527 = arith.addi %mul3A_2524, %add3A_2526 : vector<16xi32>
      tpu.vector_store_idx %arg16[%add3A_2527], %gather3A_2521 : memref<2048xf32, #tpu.memory_space<vmem>>[vector<16xi32>], vector<16xf32>,
      %add3A_2528 = arith.constant 3 : i32
      %add3A_2529 = vector.broadcast %add3A_2528 : i32 to vector<16xi32>
      %add3A_2530 = arith.addi %mul3A_2497, %add3A_2529 : vector<16xi32>
      %gather3A_2531 = tpu.vector_load_idx %arg13[%add3A_2488, %add3A_2530] : memref<128x128xf32, #tpu.memory_space<vmem>>[vector<16xi32>, vector<16xi32>], vector<16xf32>,
      %mul3A_2532 = arith.constant 16 : i32
      %mul3A_2533 = vector.broadcast %mul3A_2532 : i32 to vector<16xi32>
      %mul3A_2534 = arith.muli %iota3A, %mul3A_2533 : vector<16xi32>
      %add3A_2535 = arith.constant 1283 : i32
      %add3A_2536 = vector.broadcast %add3A_2535 : i32 to vector<16xi32>
      %add3A_2537 = arith.addi %mul3A_2534, %add3A_2536 : vector<16xi32>
      tpu.vector_store_idx %arg16[%add3A_2537], %gather3A_2531 : memref<2048xf32, #tpu.memory_space<vmem>>[vector<16xi32>], vector<16xf32>,
      %add3A_2538 = arith.constant 4 : i32
      %add3A_2539 = vector.broadcast %add3A_2538 : i32 to vector<16xi32>
      %add3A_2540 = arith.addi %mul3A_2497, %add3A_2539 : vector<16xi32>
      %gather3A_2541 = tpu.vector_load_idx %arg13[%add3A_2488, %add3A_2540] : memref<128x128xf32, #tpu.memory_space<vmem>>[vector<16xi32>, vector<16xi32>], vector<16xf32>,
      %mul3A_2542 = arith.constant 16 : i32
      %mul3A_2543 = vector.broadcast %mul3A_2542 : i32 to vector<16xi32>
      %mul3A_2544 = arith.muli %iota3A, %mul3A_2543 : vector<16xi32>
      %add3A_2545 = arith.constant 1284 : i32
      %add3A_2546 = vector.broadcast %add3A_2545 : i32 to vector<16xi32>
      %add3A_2547 = arith.addi %mul3A_2544, %add3A_2546 : vector<16xi32>
      tpu.vector_store_idx %arg16[%add3A_2547], %gather3A_2541 : memref<2048xf32, #tpu.memory_space<vmem>>[vector<16xi32>], vector<16xf32>,
      %add3A_2548 = arith.constant 5 : i32
      %add3A_2549 = vector.broadcast %add3A_2548 : i32 to vector<16xi32>
      %add3A_2550 = arith.addi %mul3A_2497, %add3A_2549 : vector<16xi32>
      %gather3A_2551 = tpu.vector_load_idx %arg13[%add3A_2488, %add3A_2550] : memref<128x128xf32, #tpu.memory_space<vmem>>[vector<16xi32>, vector<16xi32>], vector<16xf32>,
      %mul3A_2552 = arith.constant 16 : i32
      %mul3A_2553 = vector.broadcast %mul3A_2552 : i32 to vector<16xi32>
      %mul3A_2554 = arith.muli %iota3A, %mul3A_2553 : vector<16xi32>
      %add3A_2555 = arith.constant 1285 : i32
      %add3A_2556 = vector.broadcast %add3A_2555 : i32 to vector<16xi32>
      %add3A_2557 = arith.addi %mul3A_2554, %add3A_2556 : vector<16xi32>
      tpu.vector_store_idx %arg16[%add3A_2557], %gather3A_2551 : memref<2048xf32, #tpu.memory_space<vmem>>[vector<16xi32>], vector<16xf32>,
      %add3A_2558 = arith.constant 6 : i32
      %add3A_2559 = vector.broadcast %add3A_2558 : i32 to vector<16xi32>
      %add3A_2560 = arith.addi %mul3A_2497, %add3A_2559 : vector<16xi32>
      %gather3A_2561 = tpu.vector_load_idx %arg13[%add3A_2488, %add3A_2560] : memref<128x128xf32, #tpu.memory_space<vmem>>[vector<16xi32>, vector<16xi32>], vector<16xf32>,
      %mul3A_2562 = arith.constant 16 : i32
      %mul3A_2563 = vector.broadcast %mul3A_2562 : i32 to vector<16xi32>
      %mul3A_2564 = arith.muli %iota3A, %mul3A_2563 : vector<16xi32>
      %add3A_2565 = arith.constant 1286 : i32
      %add3A_2566 = vector.broadcast %add3A_2565 : i32 to vector<16xi32>
      %add3A_2567 = arith.addi %mul3A_2564, %add3A_2566 : vector<16xi32>
      tpu.vector_store_idx %arg16[%add3A_2567], %gather3A_2561 : memref<2048xf32, #tpu.memory_space<vmem>>[vector<16xi32>], vector<16xf32>,
      %add3A_2568 = arith.constant 7 : i32
      %add3A_2569 = vector.broadcast %add3A_2568 : i32 to vector<16xi32>
      %add3A_2570 = arith.addi %mul3A_2497, %add3A_2569 : vector<16xi32>
      %gather3A_2571 = tpu.vector_load_idx %arg13[%add3A_2488, %add3A_2570] : memref<128x128xf32, #tpu.memory_space<vmem>>[vector<16xi32>, vector<16xi32>], vector<16xf32>,
      %mul3A_2572 = arith.constant 16 : i32
      %mul3A_2573 = vector.broadcast %mul3A_2572 : i32 to vector<16xi32>
      %mul3A_2574 = arith.muli %iota3A, %mul3A_2573 : vector<16xi32>
      %add3A_2575 = arith.constant 1287 : i32
      %add3A_2576 = vector.broadcast %add3A_2575 : i32 to vector<16xi32>
      %add3A_2577 = arith.addi %mul3A_2574, %add3A_2576 : vector<16xi32>
      tpu.vector_store_idx %arg16[%add3A_2577], %gather3A_2571 : memref<2048xf32, #tpu.memory_space<vmem>>[vector<16xi32>], vector<16xf32>,
      %add3A_2578 = arith.constant 8 : i32
      %add3A_2579 = vector.broadcast %add3A_2578 : i32 to vector<16xi32>
      %add3A_2580 = arith.addi %mul3A_2497, %add3A_2579 : vector<16xi32>
      %gather3A_2581 = tpu.vector_load_idx %arg13[%add3A_2488, %add3A_2580] : memref<128x128xf32, #tpu.memory_space<vmem>>[vector<16xi32>, vector<16xi32>], vector<16xf32>,
      %mul3A_2582 = arith.constant 16 : i32
      %mul3A_2583 = vector.broadcast %mul3A_2582 : i32 to vector<16xi32>
      %mul3A_2584 = arith.muli %iota3A, %mul3A_2583 : vector<16xi32>
      %add3A_2585 = arith.constant 1288 : i32
      %add3A_2586 = vector.broadcast %add3A_2585 : i32 to vector<16xi32>
      %add3A_2587 = arith.addi %mul3A_2584, %add3A_2586 : vector<16xi32>
      tpu.vector_store_idx %arg16[%add3A_2587], %gather3A_2581 : memref<2048xf32, #tpu.memory_space<vmem>>[vector<16xi32>], vector<16xf32>,
      %add3A_2588 = arith.constant 9 : i32
      %add3A_2589 = vector.broadcast %add3A_2588 : i32 to vector<16xi32>
      %add3A_2590 = arith.addi %mul3A_2497, %add3A_2589 : vector<16xi32>
      %gather3A_2591 = tpu.vector_load_idx %arg13[%add3A_2488, %add3A_2590] : memref<128x128xf32, #tpu.memory_space<vmem>>[vector<16xi32>, vector<16xi32>], vector<16xf32>,
      %mul3A_2592 = arith.constant 16 : i32
      %mul3A_2593 = vector.broadcast %mul3A_2592 : i32 to vector<16xi32>
      %mul3A_2594 = arith.muli %iota3A, %mul3A_2593 : vector<16xi32>
      %add3A_2595 = arith.constant 1289 : i32
      %add3A_2596 = vector.broadcast %add3A_2595 : i32 to vector<16xi32>
      %add3A_2597 = arith.addi %mul3A_2594, %add3A_2596 : vector<16xi32>
      tpu.vector_store_idx %arg16[%add3A_2597], %gather3A_2591 : memref<2048xf32, #tpu.memory_space<vmem>>[vector<16xi32>], vector<16xf32>,
      %add3A_2598 = arith.constant 10 : i32
      %add3A_2599 = vector.broadcast %add3A_2598 : i32 to vector<16xi32>
      %add3A_2600 = arith.addi %mul3A_2497, %add3A_2599 : vector<16xi32>
      %gather3A_2601 = tpu.vector_load_idx %arg13[%add3A_2488, %add3A_2600] : memref<128x128xf32, #tpu.memory_space<vmem>>[vector<16xi32>, vector<16xi32>], vector<16xf32>,
      %mul3A_2602 = arith.constant 16 : i32
      %mul3A_2603 = vector.broadcast %mul3A_2602 : i32 to vector<16xi32>
      %mul3A_2604 = arith.muli %iota3A, %mul3A_2603 : vector<16xi32>
      %add3A_2605 = arith.constant 1290 : i32
      %add3A_2606 = vector.broadcast %add3A_2605 : i32 to vector<16xi32>
      %add3A_2607 = arith.addi %mul3A_2604, %add3A_2606 : vector<16xi32>
      tpu.vector_store_idx %arg16[%add3A_2607], %gather3A_2601 : memref<2048xf32, #tpu.memory_space<vmem>>[vector<16xi32>], vector<16xf32>,
      %add3A_2608 = arith.constant 11 : i32
      %add3A_2609 = vector.broadcast %add3A_2608 : i32 to vector<16xi32>
      %add3A_2610 = arith.addi %mul3A_2497, %add3A_2609 : vector<16xi32>
      %gather3A_2611 = tpu.vector_load_idx %arg13[%add3A_2488, %add3A_2610] : memref<128x128xf32, #tpu.memory_space<vmem>>[vector<16xi32>, vector<16xi32>], vector<16xf32>,
      %mul3A_2612 = arith.constant 16 : i32
      %mul3A_2613 = vector.broadcast %mul3A_2612 : i32 to vector<16xi32>
      %mul3A_2614 = arith.muli %iota3A, %mul3A_2613 : vector<16xi32>
      %add3A_2615 = arith.constant 1291 : i32
      %add3A_2616 = vector.broadcast %add3A_2615 : i32 to vector<16xi32>
      %add3A_2617 = arith.addi %mul3A_2614, %add3A_2616 : vector<16xi32>
      tpu.vector_store_idx %arg16[%add3A_2617], %gather3A_2611 : memref<2048xf32, #tpu.memory_space<vmem>>[vector<16xi32>], vector<16xf32>,
      %add3A_2618 = arith.constant 12 : i32
      %add3A_2619 = vector.broadcast %add3A_2618 : i32 to vector<16xi32>
      %add3A_2620 = arith.addi %mul3A_2497, %add3A_2619 : vector<16xi32>
      %gather3A_2621 = tpu.vector_load_idx %arg13[%add3A_2488, %add3A_2620] : memref<128x128xf32, #tpu.memory_space<vmem>>[vector<16xi32>, vector<16xi32>], vector<16xf32>,
      %mul3A_2622 = arith.constant 16 : i32
      %mul3A_2623 = vector.broadcast %mul3A_2622 : i32 to vector<16xi32>
      %mul3A_2624 = arith.muli %iota3A, %mul3A_2623 : vector<16xi32>
      %add3A_2625 = arith.constant 1292 : i32
      %add3A_2626 = vector.broadcast %add3A_2625 : i32 to vector<16xi32>
      %add3A_2627 = arith.addi %mul3A_2624, %add3A_2626 : vector<16xi32>
      tpu.vector_store_idx %arg16[%add3A_2627], %gather3A_2621 : memref<2048xf32, #tpu.memory_space<vmem>>[vector<16xi32>], vector<16xf32>,
      %add3A_2628 = arith.constant 13 : i32
      %add3A_2629 = vector.broadcast %add3A_2628 : i32 to vector<16xi32>
      %add3A_2630 = arith.addi %mul3A_2497, %add3A_2629 : vector<16xi32>
      %gather3A_2631 = tpu.vector_load_idx %arg13[%add3A_2488, %add3A_2630] : memref<128x128xf32, #tpu.memory_space<vmem>>[vector<16xi32>, vector<16xi32>], vector<16xf32>,
      %mul3A_2632 = arith.constant 16 : i32
      %mul3A_2633 = vector.broadcast %mul3A_2632 : i32 to vector<16xi32>
      %mul3A_2634 = arith.muli %iota3A, %mul3A_2633 : vector<16xi32>
      %add3A_2635 = arith.constant 1293 : i32
      %add3A_2636 = vector.broadcast %add3A_2635 : i32 to vector<16xi32>
      %add3A_2637 = arith.addi %mul3A_2634, %add3A_2636 : vector<16xi32>
      tpu.vector_store_idx %arg16[%add3A_2637], %gather3A_2631 : memref<2048xf32, #tpu.memory_space<vmem>>[vector<16xi32>], vector<16xf32>,
      %add3A_2638 = arith.constant 14 : i32
      %add3A_2639 = vector.broadcast %add3A_2638 : i32 to vector<16xi32>
      %add3A_2640 = arith.addi %mul3A_2497, %add3A_2639 : vector<16xi32>
      %gather3A_2641 = tpu.vector_load_idx %arg13[%add3A_2488, %add3A_2640] : memref<128x128xf32, #tpu.memory_space<vmem>>[vector<16xi32>, vector<16xi32>], vector<16xf32>,
      %mul3A_2642 = arith.constant 16 : i32
      %mul3A_2643 = vector.broadcast %mul3A_2642 : i32 to vector<16xi32>
      %mul3A_2644 = arith.muli %iota3A, %mul3A_2643 : vector<16xi32>
      %add3A_2645 = arith.constant 1294 : i32
      %add3A_2646 = vector.broadcast %add3A_2645 : i32 to vector<16xi32>
      %add3A_2647 = arith.addi %mul3A_2644, %add3A_2646 : vector<16xi32>
      tpu.vector_store_idx %arg16[%add3A_2647], %gather3A_2641 : memref<2048xf32, #tpu.memory_space<vmem>>[vector<16xi32>], vector<16xf32>,
      %add3A_2648 = arith.constant 15 : i32
      %add3A_2649 = vector.broadcast %add3A_2648 : i32 to vector<16xi32>
      %add3A_2650 = arith.addi %mul3A_2497, %add3A_2649 : vector<16xi32>
      %gather3A_2651 = tpu.vector_load_idx %arg13[%add3A_2488, %add3A_2650] : memref<128x128xf32, #tpu.memory_space<vmem>>[vector<16xi32>, vector<16xi32>], vector<16xf32>,
      %mul3A_2652 = arith.constant 16 : i32
      %mul3A_2653 = vector.broadcast %mul3A_2652 : i32 to vector<16xi32>
      %mul3A_2654 = arith.muli %iota3A, %mul3A_2653 : vector<16xi32>
      %add3A_2655 = arith.constant 1295 : i32
      %add3A_2656 = vector.broadcast %add3A_2655 : i32 to vector<16xi32>
      %add3A_2657 = arith.addi %mul3A_2654, %add3A_2656 : vector<16xi32>
      tpu.vector_store_idx %arg16[%add3A_2657], %gather3A_2651 : memref<2048xf32, #tpu.memory_space<vmem>>[vector<16xi32>], vector<16xf32>,
      %and3A_2658 = arith.constant 127 : i32
      %and3A_2659 = vector.broadcast %and3A_2658 : i32 to vector<16xi32>
      %and3A_2660 = arith.andi %get3A_2485, %and3A_2659 : vector<16xi32>
      %gather3A_2661 = tpu.vector_load_idx %arg15[%add3A_2488, %and3A_2660] : memref<128x128xf32, #tpu.memory_space<vmem>>[vector<16xi32>, vector<16xi32>], vector<16xf32>,
      %mul3A_2662 = arith.constant 128 : i32
      %mul3A_2663 = arith.muli %add3A_1557, %mul3A_2662 : i32
      %add3A_2664 = arith.constant 80 : i32
      %add3A_2665 = arith.addi %mul3A_2663, %add3A_2664 : i32
      %add3A_2666 = vector.broadcast %add3A_2665 : i32 to vector<16xi32>
      %add3A_2667 = arith.addi %add3A_2666, %iota3A : vector<16xi32>
      tpu.vector_store_idx %arg17[%add3A_2667], %gather3A_2661 : memref<13312xf32, #tpu.memory_space<vmem>>[vector<16xi32>], vector<16xf32>,
      %get3A_2668 = arith.index_cast %add3A_1557 : i32 to index
      %get3A_2669 = arith.constant 96 : index
      %get3A_2670 = tpu.vector_load %arg11[%get3A_2668, %get3A_2669] {strides = array<i32>} : memref<104x128xi32, #tpu.memory_space<vmem>>, vector<16xi32>,
      %add3A_2671 = arith.constant 96 : i32
      %add3A_2672 = vector.broadcast %add3A_2671 : i32 to vector<16xi32>
      %add3A_2673 = arith.addi %add3A_2672, %iota3A : vector<16xi32>
      %shift_right_arithmetic3A_2674 = arith.constant 12 : i32
      %shift_right_arithmetic3A_2675 = vector.broadcast %shift_right_arithmetic3A_2674 : i32 to vector<16xi32>
      %shift_right_arithmetic3A_2676 = arith.shrsi %get3A_2670, %shift_right_arithmetic3A_2675 : vector<16xi32>
      %and3A_2677 = arith.constant 7 : i32
      %and3A_2678 = vector.broadcast %and3A_2677 : i32 to vector<16xi32>
      %and3A_2679 = arith.andi %shift_right_arithmetic3A_2676, %and3A_2678 : vector<16xi32>
      %mul3A_2680 = arith.constant 16 : i32
      %mul3A_2681 = vector.broadcast %mul3A_2680 : i32 to vector<16xi32>
      %mul3A_2682 = arith.muli %and3A_2679, %mul3A_2681 : vector<16xi32>
      %add3A_2683 = arith.constant 0 : i32
      %add3A_2684 = vector.broadcast %add3A_2683 : i32 to vector<16xi32>
      %add3A_2685 = arith.addi %mul3A_2682, %add3A_2684 : vector<16xi32>
      %gather3A_2686 = tpu.vector_load_idx %arg13[%add3A_2673, %add3A_2685] : memref<128x128xf32, #tpu.memory_space<vmem>>[vector<16xi32>, vector<16xi32>], vector<16xf32>,
      %mul3A_2687 = arith.constant 16 : i32
      %mul3A_2688 = vector.broadcast %mul3A_2687 : i32 to vector<16xi32>
      %mul3A_2689 = arith.muli %iota3A, %mul3A_2688 : vector<16xi32>
      %add3A_2690 = arith.constant 1536 : i32
      %add3A_2691 = vector.broadcast %add3A_2690 : i32 to vector<16xi32>
      %add3A_2692 = arith.addi %mul3A_2689, %add3A_2691 : vector<16xi32>
      tpu.vector_store_idx %arg16[%add3A_2692], %gather3A_2686 : memref<2048xf32, #tpu.memory_space<vmem>>[vector<16xi32>], vector<16xf32>,
      %add3A_2693 = arith.constant 1 : i32
      %add3A_2694 = vector.broadcast %add3A_2693 : i32 to vector<16xi32>
      %add3A_2695 = arith.addi %mul3A_2682, %add3A_2694 : vector<16xi32>
      %gather3A_2696 = tpu.vector_load_idx %arg13[%add3A_2673, %add3A_2695] : memref<128x128xf32, #tpu.memory_space<vmem>>[vector<16xi32>, vector<16xi32>], vector<16xf32>,
      %mul3A_2697 = arith.constant 16 : i32
      %mul3A_2698 = vector.broadcast %mul3A_2697 : i32 to vector<16xi32>
      %mul3A_2699 = arith.muli %iota3A, %mul3A_2698 : vector<16xi32>
      %add3A_2700 = arith.constant 1537 : i32
      %add3A_2701 = vector.broadcast %add3A_2700 : i32 to vector<16xi32>
      %add3A_2702 = arith.addi %mul3A_2699, %add3A_2701 : vector<16xi32>
      tpu.vector_store_idx %arg16[%add3A_2702], %gather3A_2696 : memref<2048xf32, #tpu.memory_space<vmem>>[vector<16xi32>], vector<16xf32>,
      %add3A_2703 = arith.constant 2 : i32
      %add3A_2704 = vector.broadcast %add3A_2703 : i32 to vector<16xi32>
      %add3A_2705 = arith.addi %mul3A_2682, %add3A_2704 : vector<16xi32>
      %gather3A_2706 = tpu.vector_load_idx %arg13[%add3A_2673, %add3A_2705] : memref<128x128xf32, #tpu.memory_space<vmem>>[vector<16xi32>, vector<16xi32>], vector<16xf32>,
      %mul3A_2707 = arith.constant 16 : i32
      %mul3A_2708 = vector.broadcast %mul3A_2707 : i32 to vector<16xi32>
      %mul3A_2709 = arith.muli %iota3A, %mul3A_2708 : vector<16xi32>
      %add3A_2710 = arith.constant 1538 : i32
      %add3A_2711 = vector.broadcast %add3A_2710 : i32 to vector<16xi32>
      %add3A_2712 = arith.addi %mul3A_2709, %add3A_2711 : vector<16xi32>
      tpu.vector_store_idx %arg16[%add3A_2712], %gather3A_2706 : memref<2048xf32, #tpu.memory_space<vmem>>[vector<16xi32>], vector<16xf32>,
      %add3A_2713 = arith.constant 3 : i32
      %add3A_2714 = vector.broadcast %add3A_2713 : i32 to vector<16xi32>
      %add3A_2715 = arith.addi %mul3A_2682, %add3A_2714 : vector<16xi32>
      %gather3A_2716 = tpu.vector_load_idx %arg13[%add3A_2673, %add3A_2715] : memref<128x128xf32, #tpu.memory_space<vmem>>[vector<16xi32>, vector<16xi32>], vector<16xf32>,
      %mul3A_2717 = arith.constant 16 : i32
      %mul3A_2718 = vector.broadcast %mul3A_2717 : i32 to vector<16xi32>
      %mul3A_2719 = arith.muli %iota3A, %mul3A_2718 : vector<16xi32>
      %add3A_2720 = arith.constant 1539 : i32
      %add3A_2721 = vector.broadcast %add3A_2720 : i32 to vector<16xi32>
      %add3A_2722 = arith.addi %mul3A_2719, %add3A_2721 : vector<16xi32>
      tpu.vector_store_idx %arg16[%add3A_2722], %gather3A_2716 : memref<2048xf32, #tpu.memory_space<vmem>>[vector<16xi32>], vector<16xf32>,
      %add3A_2723 = arith.constant 4 : i32
      %add3A_2724 = vector.broadcast %add3A_2723 : i32 to vector<16xi32>
      %add3A_2725 = arith.addi %mul3A_2682, %add3A_2724 : vector<16xi32>
      %gather3A_2726 = tpu.vector_load_idx %arg13[%add3A_2673, %add3A_2725] : memref<128x128xf32, #tpu.memory_space<vmem>>[vector<16xi32>, vector<16xi32>], vector<16xf32>,
      %mul3A_2727 = arith.constant 16 : i32
      %mul3A_2728 = vector.broadcast %mul3A_2727 : i32 to vector<16xi32>
      %mul3A_2729 = arith.muli %iota3A, %mul3A_2728 : vector<16xi32>
      %add3A_2730 = arith.constant 1540 : i32
      %add3A_2731 = vector.broadcast %add3A_2730 : i32 to vector<16xi32>
      %add3A_2732 = arith.addi %mul3A_2729, %add3A_2731 : vector<16xi32>
      tpu.vector_store_idx %arg16[%add3A_2732], %gather3A_2726 : memref<2048xf32, #tpu.memory_space<vmem>>[vector<16xi32>], vector<16xf32>,
      %add3A_2733 = arith.constant 5 : i32
      %add3A_2734 = vector.broadcast %add3A_2733 : i32 to vector<16xi32>
      %add3A_2735 = arith.addi %mul3A_2682, %add3A_2734 : vector<16xi32>
      %gather3A_2736 = tpu.vector_load_idx %arg13[%add3A_2673, %add3A_2735] : memref<128x128xf32, #tpu.memory_space<vmem>>[vector<16xi32>, vector<16xi32>], vector<16xf32>,
      %mul3A_2737 = arith.constant 16 : i32
      %mul3A_2738 = vector.broadcast %mul3A_2737 : i32 to vector<16xi32>
      %mul3A_2739 = arith.muli %iota3A, %mul3A_2738 : vector<16xi32>
      %add3A_2740 = arith.constant 1541 : i32
      %add3A_2741 = vector.broadcast %add3A_2740 : i32 to vector<16xi32>
      %add3A_2742 = arith.addi %mul3A_2739, %add3A_2741 : vector<16xi32>
      tpu.vector_store_idx %arg16[%add3A_2742], %gather3A_2736 : memref<2048xf32, #tpu.memory_space<vmem>>[vector<16xi32>], vector<16xf32>,
      %add3A_2743 = arith.constant 6 : i32
      %add3A_2744 = vector.broadcast %add3A_2743 : i32 to vector<16xi32>
      %add3A_2745 = arith.addi %mul3A_2682, %add3A_2744 : vector<16xi32>
      %gather3A_2746 = tpu.vector_load_idx %arg13[%add3A_2673, %add3A_2745] : memref<128x128xf32, #tpu.memory_space<vmem>>[vector<16xi32>, vector<16xi32>], vector<16xf32>,
      %mul3A_2747 = arith.constant 16 : i32
      %mul3A_2748 = vector.broadcast %mul3A_2747 : i32 to vector<16xi32>
      %mul3A_2749 = arith.muli %iota3A, %mul3A_2748 : vector<16xi32>
      %add3A_2750 = arith.constant 1542 : i32
      %add3A_2751 = vector.broadcast %add3A_2750 : i32 to vector<16xi32>
      %add3A_2752 = arith.addi %mul3A_2749, %add3A_2751 : vector<16xi32>
      tpu.vector_store_idx %arg16[%add3A_2752], %gather3A_2746 : memref<2048xf32, #tpu.memory_space<vmem>>[vector<16xi32>], vector<16xf32>,
      %add3A_2753 = arith.constant 7 : i32
      %add3A_2754 = vector.broadcast %add3A_2753 : i32 to vector<16xi32>
      %add3A_2755 = arith.addi %mul3A_2682, %add3A_2754 : vector<16xi32>
      %gather3A_2756 = tpu.vector_load_idx %arg13[%add3A_2673, %add3A_2755] : memref<128x128xf32, #tpu.memory_space<vmem>>[vector<16xi32>, vector<16xi32>], vector<16xf32>,
      %mul3A_2757 = arith.constant 16 : i32
      %mul3A_2758 = vector.broadcast %mul3A_2757 : i32 to vector<16xi32>
      %mul3A_2759 = arith.muli %iota3A, %mul3A_2758 : vector<16xi32>
      %add3A_2760 = arith.constant 1543 : i32
      %add3A_2761 = vector.broadcast %add3A_2760 : i32 to vector<16xi32>
      %add3A_2762 = arith.addi %mul3A_2759, %add3A_2761 : vector<16xi32>
      tpu.vector_store_idx %arg16[%add3A_2762], %gather3A_2756 : memref<2048xf32, #tpu.memory_space<vmem>>[vector<16xi32>], vector<16xf32>,
      %add3A_2763 = arith.constant 8 : i32
      %add3A_2764 = vector.broadcast %add3A_2763 : i32 to vector<16xi32>
      %add3A_2765 = arith.addi %mul3A_2682, %add3A_2764 : vector<16xi32>
      %gather3A_2766 = tpu.vector_load_idx %arg13[%add3A_2673, %add3A_2765] : memref<128x128xf32, #tpu.memory_space<vmem>>[vector<16xi32>, vector<16xi32>], vector<16xf32>,
      %mul3A_2767 = arith.constant 16 : i32
      %mul3A_2768 = vector.broadcast %mul3A_2767 : i32 to vector<16xi32>
      %mul3A_2769 = arith.muli %iota3A, %mul3A_2768 : vector<16xi32>
      %add3A_2770 = arith.constant 1544 : i32
      %add3A_2771 = vector.broadcast %add3A_2770 : i32 to vector<16xi32>
      %add3A_2772 = arith.addi %mul3A_2769, %add3A_2771 : vector<16xi32>
      tpu.vector_store_idx %arg16[%add3A_2772], %gather3A_2766 : memref<2048xf32, #tpu.memory_space<vmem>>[vector<16xi32>], vector<16xf32>,
      %add3A_2773 = arith.constant 9 : i32
      %add3A_2774 = vector.broadcast %add3A_2773 : i32 to vector<16xi32>
      %add3A_2775 = arith.addi %mul3A_2682, %add3A_2774 : vector<16xi32>
      %gather3A_2776 = tpu.vector_load_idx %arg13[%add3A_2673, %add3A_2775] : memref<128x128xf32, #tpu.memory_space<vmem>>[vector<16xi32>, vector<16xi32>], vector<16xf32>,
      %mul3A_2777 = arith.constant 16 : i32
      %mul3A_2778 = vector.broadcast %mul3A_2777 : i32 to vector<16xi32>
      %mul3A_2779 = arith.muli %iota3A, %mul3A_2778 : vector<16xi32>
      %add3A_2780 = arith.constant 1545 : i32
      %add3A_2781 = vector.broadcast %add3A_2780 : i32 to vector<16xi32>
      %add3A_2782 = arith.addi %mul3A_2779, %add3A_2781 : vector<16xi32>
      tpu.vector_store_idx %arg16[%add3A_2782], %gather3A_2776 : memref<2048xf32, #tpu.memory_space<vmem>>[vector<16xi32>], vector<16xf32>,
      %add3A_2783 = arith.constant 10 : i32
      %add3A_2784 = vector.broadcast %add3A_2783 : i32 to vector<16xi32>
      %add3A_2785 = arith.addi %mul3A_2682, %add3A_2784 : vector<16xi32>
      %gather3A_2786 = tpu.vector_load_idx %arg13[%add3A_2673, %add3A_2785] : memref<128x128xf32, #tpu.memory_space<vmem>>[vector<16xi32>, vector<16xi32>], vector<16xf32>,
      %mul3A_2787 = arith.constant 16 : i32
      %mul3A_2788 = vector.broadcast %mul3A_2787 : i32 to vector<16xi32>
      %mul3A_2789 = arith.muli %iota3A, %mul3A_2788 : vector<16xi32>
      %add3A_2790 = arith.constant 1546 : i32
      %add3A_2791 = vector.broadcast %add3A_2790 : i32 to vector<16xi32>
      %add3A_2792 = arith.addi %mul3A_2789, %add3A_2791 : vector<16xi32>
      tpu.vector_store_idx %arg16[%add3A_2792], %gather3A_2786 : memref<2048xf32, #tpu.memory_space<vmem>>[vector<16xi32>], vector<16xf32>,
      %add3A_2793 = arith.constant 11 : i32
      %add3A_2794 = vector.broadcast %add3A_2793 : i32 to vector<16xi32>
      %add3A_2795 = arith.addi %mul3A_2682, %add3A_2794 : vector<16xi32>
      %gather3A_2796 = tpu.vector_load_idx %arg13[%add3A_2673, %add3A_2795] : memref<128x128xf32, #tpu.memory_space<vmem>>[vector<16xi32>, vector<16xi32>], vector<16xf32>,
      %mul3A_2797 = arith.constant 16 : i32
      %mul3A_2798 = vector.broadcast %mul3A_2797 : i32 to vector<16xi32>
      %mul3A_2799 = arith.muli %iota3A, %mul3A_2798 : vector<16xi32>
      %add3A_2800 = arith.constant 1547 : i32
      %add3A_2801 = vector.broadcast %add3A_2800 : i32 to vector<16xi32>
      %add3A_2802 = arith.addi %mul3A_2799, %add3A_2801 : vector<16xi32>
      tpu.vector_store_idx %arg16[%add3A_2802], %gather3A_2796 : memref<2048xf32, #tpu.memory_space<vmem>>[vector<16xi32>], vector<16xf32>,
      %add3A_2803 = arith.constant 12 : i32
      %add3A_2804 = vector.broadcast %add3A_2803 : i32 to vector<16xi32>
      %add3A_2805 = arith.addi %mul3A_2682, %add3A_2804 : vector<16xi32>
      %gather3A_2806 = tpu.vector_load_idx %arg13[%add3A_2673, %add3A_2805] : memref<128x128xf32, #tpu.memory_space<vmem>>[vector<16xi32>, vector<16xi32>], vector<16xf32>,
      %mul3A_2807 = arith.constant 16 : i32
      %mul3A_2808 = vector.broadcast %mul3A_2807 : i32 to vector<16xi32>
      %mul3A_2809 = arith.muli %iota3A, %mul3A_2808 : vector<16xi32>
      %add3A_2810 = arith.constant 1548 : i32
      %add3A_2811 = vector.broadcast %add3A_2810 : i32 to vector<16xi32>
      %add3A_2812 = arith.addi %mul3A_2809, %add3A_2811 : vector<16xi32>
      tpu.vector_store_idx %arg16[%add3A_2812], %gather3A_2806 : memref<2048xf32, #tpu.memory_space<vmem>>[vector<16xi32>], vector<16xf32>,
      %add3A_2813 = arith.constant 13 : i32
      %add3A_2814 = vector.broadcast %add3A_2813 : i32 to vector<16xi32>
      %add3A_2815 = arith.addi %mul3A_2682, %add3A_2814 : vector<16xi32>
      %gather3A_2816 = tpu.vector_load_idx %arg13[%add3A_2673, %add3A_2815] : memref<128x128xf32, #tpu.memory_space<vmem>>[vector<16xi32>, vector<16xi32>], vector<16xf32>,
      %mul3A_2817 = arith.constant 16 : i32
      %mul3A_2818 = vector.broadcast %mul3A_2817 : i32 to vector<16xi32>
      %mul3A_2819 = arith.muli %iota3A, %mul3A_2818 : vector<16xi32>
      %add3A_2820 = arith.constant 1549 : i32
      %add3A_2821 = vector.broadcast %add3A_2820 : i32 to vector<16xi32>
      %add3A_2822 = arith.addi %mul3A_2819, %add3A_2821 : vector<16xi32>
      tpu.vector_store_idx %arg16[%add3A_2822], %gather3A_2816 : memref<2048xf32, #tpu.memory_space<vmem>>[vector<16xi32>], vector<16xf32>,
      %add3A_2823 = arith.constant 14 : i32
      %add3A_2824 = vector.broadcast %add3A_2823 : i32 to vector<16xi32>
      %add3A_2825 = arith.addi %mul3A_2682, %add3A_2824 : vector<16xi32>
      %gather3A_2826 = tpu.vector_load_idx %arg13[%add3A_2673, %add3A_2825] : memref<128x128xf32, #tpu.memory_space<vmem>>[vector<16xi32>, vector<16xi32>], vector<16xf32>,
      %mul3A_2827 = arith.constant 16 : i32
      %mul3A_2828 = vector.broadcast %mul3A_2827 : i32 to vector<16xi32>
      %mul3A_2829 = arith.muli %iota3A, %mul3A_2828 : vector<16xi32>
      %add3A_2830 = arith.constant 1550 : i32
      %add3A_2831 = vector.broadcast %add3A_2830 : i32 to vector<16xi32>
      %add3A_2832 = arith.addi %mul3A_2829, %add3A_2831 : vector<16xi32>
      tpu.vector_store_idx %arg16[%add3A_2832], %gather3A_2826 : memref<2048xf32, #tpu.memory_space<vmem>>[vector<16xi32>], vector<16xf32>,
      %add3A_2833 = arith.constant 15 : i32
      %add3A_2834 = vector.broadcast %add3A_2833 : i32 to vector<16xi32>
      %add3A_2835 = arith.addi %mul3A_2682, %add3A_2834 : vector<16xi32>
      %gather3A_2836 = tpu.vector_load_idx %arg13[%add3A_2673, %add3A_2835] : memref<128x128xf32, #tpu.memory_space<vmem>>[vector<16xi32>, vector<16xi32>], vector<16xf32>,
      %mul3A_2837 = arith.constant 16 : i32
      %mul3A_2838 = vector.broadcast %mul3A_2837 : i32 to vector<16xi32>
      %mul3A_2839 = arith.muli %iota3A, %mul3A_2838 : vector<16xi32>
      %add3A_2840 = arith.constant 1551 : i32
      %add3A_2841 = vector.broadcast %add3A_2840 : i32 to vector<16xi32>
      %add3A_2842 = arith.addi %mul3A_2839, %add3A_2841 : vector<16xi32>
      tpu.vector_store_idx %arg16[%add3A_2842], %gather3A_2836 : memref<2048xf32, #tpu.memory_space<vmem>>[vector<16xi32>], vector<16xf32>,
      %and3A_2843 = arith.constant 127 : i32
      %and3A_2844 = vector.broadcast %and3A_2843 : i32 to vector<16xi32>
      %and3A_2845 = arith.andi %get3A_2670, %and3A_2844 : vector<16xi32>
      %gather3A_2846 = tpu.vector_load_idx %arg15[%add3A_2673, %and3A_2845] : memref<128x128xf32, #tpu.memory_space<vmem>>[vector<16xi32>, vector<16xi32>], vector<16xf32>,
      %mul3A_2847 = arith.constant 128 : i32
      %mul3A_2848 = arith.muli %add3A_1557, %mul3A_2847 : i32
      %add3A_2849 = arith.constant 96 : i32
      %add3A_2850 = arith.addi %mul3A_2848, %add3A_2849 : i32
      %add3A_2851 = vector.broadcast %add3A_2850 : i32 to vector<16xi32>
      %add3A_2852 = arith.addi %add3A_2851, %iota3A : vector<16xi32>
      tpu.vector_store_idx %arg17[%add3A_2852], %gather3A_2846 : memref<13312xf32, #tpu.memory_space<vmem>>[vector<16xi32>], vector<16xf32>,
      %get3A_2853 = arith.index_cast %add3A_1557 : i32 to index
      %get3A_2854 = arith.constant 112 : index
      %get3A_2855 = tpu.vector_load %arg11[%get3A_2853, %get3A_2854] {strides = array<i32>} : memref<104x128xi32, #tpu.memory_space<vmem>>, vector<16xi32>,
      %add3A_2856 = arith.constant 112 : i32
      %add3A_2857 = vector.broadcast %add3A_2856 : i32 to vector<16xi32>
      %add3A_2858 = arith.addi %add3A_2857, %iota3A : vector<16xi32>
      %shift_right_arithmetic3A_2859 = arith.constant 12 : i32
      %shift_right_arithmetic3A_2860 = vector.broadcast %shift_right_arithmetic3A_2859 : i32 to vector<16xi32>
      %shift_right_arithmetic3A_2861 = arith.shrsi %get3A_2855, %shift_right_arithmetic3A_2860 : vector<16xi32>
      %and3A_2862 = arith.constant 7 : i32
      %and3A_2863 = vector.broadcast %and3A_2862 : i32 to vector<16xi32>
      %and3A_2864 = arith.andi %shift_right_arithmetic3A_2861, %and3A_2863 : vector<16xi32>
      %mul3A_2865 = arith.constant 16 : i32
      %mul3A_2866 = vector.broadcast %mul3A_2865 : i32 to vector<16xi32>
      %mul3A_2867 = arith.muli %and3A_2864, %mul3A_2866 : vector<16xi32>
      %add3A_2868 = arith.constant 0 : i32
      %add3A_2869 = vector.broadcast %add3A_2868 : i32 to vector<16xi32>
      %add3A_2870 = arith.addi %mul3A_2867, %add3A_2869 : vector<16xi32>
      %gather3A_2871 = tpu.vector_load_idx %arg13[%add3A_2858, %add3A_2870] : memref<128x128xf32, #tpu.memory_space<vmem>>[vector<16xi32>, vector<16xi32>], vector<16xf32>,
      %mul3A_2872 = arith.constant 16 : i32
      %mul3A_2873 = vector.broadcast %mul3A_2872 : i32 to vector<16xi32>
      %mul3A_2874 = arith.muli %iota3A, %mul3A_2873 : vector<16xi32>
      %add3A_2875 = arith.constant 1792 : i32
      %add3A_2876 = vector.broadcast %add3A_2875 : i32 to vector<16xi32>
      %add3A_2877 = arith.addi %mul3A_2874, %add3A_2876 : vector<16xi32>
      tpu.vector_store_idx %arg16[%add3A_2877], %gather3A_2871 : memref<2048xf32, #tpu.memory_space<vmem>>[vector<16xi32>], vector<16xf32>,
      %add3A_2878 = arith.constant 1 : i32
      %add3A_2879 = vector.broadcast %add3A_2878 : i32 to vector<16xi32>
      %add3A_2880 = arith.addi %mul3A_2867, %add3A_2879 : vector<16xi32>
      %gather3A_2881 = tpu.vector_load_idx %arg13[%add3A_2858, %add3A_2880] : memref<128x128xf32, #tpu.memory_space<vmem>>[vector<16xi32>, vector<16xi32>], vector<16xf32>,
      %mul3A_2882 = arith.constant 16 : i32
      %mul3A_2883 = vector.broadcast %mul3A_2882 : i32 to vector<16xi32>
      %mul3A_2884 = arith.muli %iota3A, %mul3A_2883 : vector<16xi32>
      %add3A_2885 = arith.constant 1793 : i32
      %add3A_2886 = vector.broadcast %add3A_2885 : i32 to vector<16xi32>
      %add3A_2887 = arith.addi %mul3A_2884, %add3A_2886 : vector<16xi32>
      tpu.vector_store_idx %arg16[%add3A_2887], %gather3A_2881 : memref<2048xf32, #tpu.memory_space<vmem>>[vector<16xi32>], vector<16xf32>,
      %add3A_2888 = arith.constant 2 : i32
      %add3A_2889 = vector.broadcast %add3A_2888 : i32 to vector<16xi32>
      %add3A_2890 = arith.addi %mul3A_2867, %add3A_2889 : vector<16xi32>
      %gather3A_2891 = tpu.vector_load_idx %arg13[%add3A_2858, %add3A_2890] : memref<128x128xf32, #tpu.memory_space<vmem>>[vector<16xi32>, vector<16xi32>], vector<16xf32>,
      %mul3A_2892 = arith.constant 16 : i32
      %mul3A_2893 = vector.broadcast %mul3A_2892 : i32 to vector<16xi32>
      %mul3A_2894 = arith.muli %iota3A, %mul3A_2893 : vector<16xi32>
      %add3A_2895 = arith.constant 1794 : i32
      %add3A_2896 = vector.broadcast %add3A_2895 : i32 to vector<16xi32>
      %add3A_2897 = arith.addi %mul3A_2894, %add3A_2896 : vector<16xi32>
      tpu.vector_store_idx %arg16[%add3A_2897], %gather3A_2891 : memref<2048xf32, #tpu.memory_space<vmem>>[vector<16xi32>], vector<16xf32>,
      %add3A_2898 = arith.constant 3 : i32
      %add3A_2899 = vector.broadcast %add3A_2898 : i32 to vector<16xi32>
      %add3A_2900 = arith.addi %mul3A_2867, %add3A_2899 : vector<16xi32>
      %gather3A_2901 = tpu.vector_load_idx %arg13[%add3A_2858, %add3A_2900] : memref<128x128xf32, #tpu.memory_space<vmem>>[vector<16xi32>, vector<16xi32>], vector<16xf32>,
      %mul3A_2902 = arith.constant 16 : i32
      %mul3A_2903 = vector.broadcast %mul3A_2902 : i32 to vector<16xi32>
      %mul3A_2904 = arith.muli %iota3A, %mul3A_2903 : vector<16xi32>
      %add3A_2905 = arith.constant 1795 : i32
      %add3A_2906 = vector.broadcast %add3A_2905 : i32 to vector<16xi32>
      %add3A_2907 = arith.addi %mul3A_2904, %add3A_2906 : vector<16xi32>
      tpu.vector_store_idx %arg16[%add3A_2907], %gather3A_2901 : memref<2048xf32, #tpu.memory_space<vmem>>[vector<16xi32>], vector<16xf32>,
      %add3A_2908 = arith.constant 4 : i32
      %add3A_2909 = vector.broadcast %add3A_2908 : i32 to vector<16xi32>
      %add3A_2910 = arith.addi %mul3A_2867, %add3A_2909 : vector<16xi32>
      %gather3A_2911 = tpu.vector_load_idx %arg13[%add3A_2858, %add3A_2910] : memref<128x128xf32, #tpu.memory_space<vmem>>[vector<16xi32>, vector<16xi32>], vector<16xf32>,
      %mul3A_2912 = arith.constant 16 : i32
      %mul3A_2913 = vector.broadcast %mul3A_2912 : i32 to vector<16xi32>
      %mul3A_2914 = arith.muli %iota3A, %mul3A_2913 : vector<16xi32>
      %add3A_2915 = arith.constant 1796 : i32
      %add3A_2916 = vector.broadcast %add3A_2915 : i32 to vector<16xi32>
      %add3A_2917 = arith.addi %mul3A_2914, %add3A_2916 : vector<16xi32>
      tpu.vector_store_idx %arg16[%add3A_2917], %gather3A_2911 : memref<2048xf32, #tpu.memory_space<vmem>>[vector<16xi32>], vector<16xf32>,
      %add3A_2918 = arith.constant 5 : i32
      %add3A_2919 = vector.broadcast %add3A_2918 : i32 to vector<16xi32>
      %add3A_2920 = arith.addi %mul3A_2867, %add3A_2919 : vector<16xi32>
      %gather3A_2921 = tpu.vector_load_idx %arg13[%add3A_2858, %add3A_2920] : memref<128x128xf32, #tpu.memory_space<vmem>>[vector<16xi32>, vector<16xi32>], vector<16xf32>,
      %mul3A_2922 = arith.constant 16 : i32
      %mul3A_2923 = vector.broadcast %mul3A_2922 : i32 to vector<16xi32>
      %mul3A_2924 = arith.muli %iota3A, %mul3A_2923 : vector<16xi32>
      %add3A_2925 = arith.constant 1797 : i32
      %add3A_2926 = vector.broadcast %add3A_2925 : i32 to vector<16xi32>
      %add3A_2927 = arith.addi %mul3A_2924, %add3A_2926 : vector<16xi32>
      tpu.vector_store_idx %arg16[%add3A_2927], %gather3A_2921 : memref<2048xf32, #tpu.memory_space<vmem>>[vector<16xi32>], vector<16xf32>,
      %add3A_2928 = arith.constant 6 : i32
      %add3A_2929 = vector.broadcast %add3A_2928 : i32 to vector<16xi32>
      %add3A_2930 = arith.addi %mul3A_2867, %add3A_2929 : vector<16xi32>
      %gather3A_2931 = tpu.vector_load_idx %arg13[%add3A_2858, %add3A_2930] : memref<128x128xf32, #tpu.memory_space<vmem>>[vector<16xi32>, vector<16xi32>], vector<16xf32>,
      %mul3A_2932 = arith.constant 16 : i32
      %mul3A_2933 = vector.broadcast %mul3A_2932 : i32 to vector<16xi32>
      %mul3A_2934 = arith.muli %iota3A, %mul3A_2933 : vector<16xi32>
      %add3A_2935 = arith.constant 1798 : i32
      %add3A_2936 = vector.broadcast %add3A_2935 : i32 to vector<16xi32>
      %add3A_2937 = arith.addi %mul3A_2934, %add3A_2936 : vector<16xi32>
      tpu.vector_store_idx %arg16[%add3A_2937], %gather3A_2931 : memref<2048xf32, #tpu.memory_space<vmem>>[vector<16xi32>], vector<16xf32>,
      %add3A_2938 = arith.constant 7 : i32
      %add3A_2939 = vector.broadcast %add3A_2938 : i32 to vector<16xi32>
      %add3A_2940 = arith.addi %mul3A_2867, %add3A_2939 : vector<16xi32>
      %gather3A_2941 = tpu.vector_load_idx %arg13[%add3A_2858, %add3A_2940] : memref<128x128xf32, #tpu.memory_space<vmem>>[vector<16xi32>, vector<16xi32>], vector<16xf32>,
      %mul3A_2942 = arith.constant 16 : i32
      %mul3A_2943 = vector.broadcast %mul3A_2942 : i32 to vector<16xi32>
      %mul3A_2944 = arith.muli %iota3A, %mul3A_2943 : vector<16xi32>
      %add3A_2945 = arith.constant 1799 : i32
      %add3A_2946 = vector.broadcast %add3A_2945 : i32 to vector<16xi32>
      %add3A_2947 = arith.addi %mul3A_2944, %add3A_2946 : vector<16xi32>
      tpu.vector_store_idx %arg16[%add3A_2947], %gather3A_2941 : memref<2048xf32, #tpu.memory_space<vmem>>[vector<16xi32>], vector<16xf32>,
      %add3A_2948 = arith.constant 8 : i32
      %add3A_2949 = vector.broadcast %add3A_2948 : i32 to vector<16xi32>
      %add3A_2950 = arith.addi %mul3A_2867, %add3A_2949 : vector<16xi32>
      %gather3A_2951 = tpu.vector_load_idx %arg13[%add3A_2858, %add3A_2950] : memref<128x128xf32, #tpu.memory_space<vmem>>[vector<16xi32>, vector<16xi32>], vector<16xf32>,
      %mul3A_2952 = arith.constant 16 : i32
      %mul3A_2953 = vector.broadcast %mul3A_2952 : i32 to vector<16xi32>
      %mul3A_2954 = arith.muli %iota3A, %mul3A_2953 : vector<16xi32>
      %add3A_2955 = arith.constant 1800 : i32
      %add3A_2956 = vector.broadcast %add3A_2955 : i32 to vector<16xi32>
      %add3A_2957 = arith.addi %mul3A_2954, %add3A_2956 : vector<16xi32>
      tpu.vector_store_idx %arg16[%add3A_2957], %gather3A_2951 : memref<2048xf32, #tpu.memory_space<vmem>>[vector<16xi32>], vector<16xf32>,
      %add3A_2958 = arith.constant 9 : i32
      %add3A_2959 = vector.broadcast %add3A_2958 : i32 to vector<16xi32>
      %add3A_2960 = arith.addi %mul3A_2867, %add3A_2959 : vector<16xi32>
      %gather3A_2961 = tpu.vector_load_idx %arg13[%add3A_2858, %add3A_2960] : memref<128x128xf32, #tpu.memory_space<vmem>>[vector<16xi32>, vector<16xi32>], vector<16xf32>,
      %mul3A_2962 = arith.constant 16 : i32
      %mul3A_2963 = vector.broadcast %mul3A_2962 : i32 to vector<16xi32>
      %mul3A_2964 = arith.muli %iota3A, %mul3A_2963 : vector<16xi32>
      %add3A_2965 = arith.constant 1801 : i32
      %add3A_2966 = vector.broadcast %add3A_2965 : i32 to vector<16xi32>
      %add3A_2967 = arith.addi %mul3A_2964, %add3A_2966 : vector<16xi32>
      tpu.vector_store_idx %arg16[%add3A_2967], %gather3A_2961 : memref<2048xf32, #tpu.memory_space<vmem>>[vector<16xi32>], vector<16xf32>,
      %add3A_2968 = arith.constant 10 : i32
      %add3A_2969 = vector.broadcast %add3A_2968 : i32 to vector<16xi32>
      %add3A_2970 = arith.addi %mul3A_2867, %add3A_2969 : vector<16xi32>
      %gather3A_2971 = tpu.vector_load_idx %arg13[%add3A_2858, %add3A_2970] : memref<128x128xf32, #tpu.memory_space<vmem>>[vector<16xi32>, vector<16xi32>], vector<16xf32>,
      %mul3A_2972 = arith.constant 16 : i32
      %mul3A_2973 = vector.broadcast %mul3A_2972 : i32 to vector<16xi32>
      %mul3A_2974 = arith.muli %iota3A, %mul3A_2973 : vector<16xi32>
      %add3A_2975 = arith.constant 1802 : i32
      %add3A_2976 = vector.broadcast %add3A_2975 : i32 to vector<16xi32>
      %add3A_2977 = arith.addi %mul3A_2974, %add3A_2976 : vector<16xi32>
      tpu.vector_store_idx %arg16[%add3A_2977], %gather3A_2971 : memref<2048xf32, #tpu.memory_space<vmem>>[vector<16xi32>], vector<16xf32>,
      %add3A_2978 = arith.constant 11 : i32
      %add3A_2979 = vector.broadcast %add3A_2978 : i32 to vector<16xi32>
      %add3A_2980 = arith.addi %mul3A_2867, %add3A_2979 : vector<16xi32>
      %gather3A_2981 = tpu.vector_load_idx %arg13[%add3A_2858, %add3A_2980] : memref<128x128xf32, #tpu.memory_space<vmem>>[vector<16xi32>, vector<16xi32>], vector<16xf32>,
      %mul3A_2982 = arith.constant 16 : i32
      %mul3A_2983 = vector.broadcast %mul3A_2982 : i32 to vector<16xi32>
      %mul3A_2984 = arith.muli %iota3A, %mul3A_2983 : vector<16xi32>
      %add3A_2985 = arith.constant 1803 : i32
      %add3A_2986 = vector.broadcast %add3A_2985 : i32 to vector<16xi32>
      %add3A_2987 = arith.addi %mul3A_2984, %add3A_2986 : vector<16xi32>
      tpu.vector_store_idx %arg16[%add3A_2987], %gather3A_2981 : memref<2048xf32, #tpu.memory_space<vmem>>[vector<16xi32>], vector<16xf32>,
      %add3A_2988 = arith.constant 12 : i32
      %add3A_2989 = vector.broadcast %add3A_2988 : i32 to vector<16xi32>
      %add3A_2990 = arith.addi %mul3A_2867, %add3A_2989 : vector<16xi32>
      %gather3A_2991 = tpu.vector_load_idx %arg13[%add3A_2858, %add3A_2990] : memref<128x128xf32, #tpu.memory_space<vmem>>[vector<16xi32>, vector<16xi32>], vector<16xf32>,
      %mul3A_2992 = arith.constant 16 : i32
      %mul3A_2993 = vector.broadcast %mul3A_2992 : i32 to vector<16xi32>
      %mul3A_2994 = arith.muli %iota3A, %mul3A_2993 : vector<16xi32>
      %add3A_2995 = arith.constant 1804 : i32
      %add3A_2996 = vector.broadcast %add3A_2995 : i32 to vector<16xi32>
      %add3A_2997 = arith.addi %mul3A_2994, %add3A_2996 : vector<16xi32>
      tpu.vector_store_idx %arg16[%add3A_2997], %gather3A_2991 : memref<2048xf32, #tpu.memory_space<vmem>>[vector<16xi32>], vector<16xf32>,
      %add3A_2998 = arith.constant 13 : i32
      %add3A_2999 = vector.broadcast %add3A_2998 : i32 to vector<16xi32>
      %add3A_3000 = arith.addi %mul3A_2867, %add3A_2999 : vector<16xi32>
      %gather3A_3001 = tpu.vector_load_idx %arg13[%add3A_2858, %add3A_3000] : memref<128x128xf32, #tpu.memory_space<vmem>>[vector<16xi32>, vector<16xi32>], vector<16xf32>,
      %mul3A_3002 = arith.constant 16 : i32
      %mul3A_3003 = vector.broadcast %mul3A_3002 : i32 to vector<16xi32>
      %mul3A_3004 = arith.muli %iota3A, %mul3A_3003 : vector<16xi32>
      %add3A_3005 = arith.constant 1805 : i32
      %add3A_3006 = vector.broadcast %add3A_3005 : i32 to vector<16xi32>
      %add3A_3007 = arith.addi %mul3A_3004, %add3A_3006 : vector<16xi32>
      tpu.vector_store_idx %arg16[%add3A_3007], %gather3A_3001 : memref<2048xf32, #tpu.memory_space<vmem>>[vector<16xi32>], vector<16xf32>,
      %add3A_3008 = arith.constant 14 : i32
      %add3A_3009 = vector.broadcast %add3A_3008 : i32 to vector<16xi32>
      %add3A_3010 = arith.addi %mul3A_2867, %add3A_3009 : vector<16xi32>
      %gather3A_3011 = tpu.vector_load_idx %arg13[%add3A_2858, %add3A_3010] : memref<128x128xf32, #tpu.memory_space<vmem>>[vector<16xi32>, vector<16xi32>], vector<16xf32>,
      %mul3A_3012 = arith.constant 16 : i32
      %mul3A_3013 = vector.broadcast %mul3A_3012 : i32 to vector<16xi32>
      %mul3A_3014 = arith.muli %iota3A, %mul3A_3013 : vector<16xi32>
      %add3A_3015 = arith.constant 1806 : i32
      %add3A_3016 = vector.broadcast %add3A_3015 : i32 to vector<16xi32>
      %add3A_3017 = arith.addi %mul3A_3014, %add3A_3016 : vector<16xi32>
      tpu.vector_store_idx %arg16[%add3A_3017], %gather3A_3011 : memref<2048xf32, #tpu.memory_space<vmem>>[vector<16xi32>], vector<16xf32>,
      %add3A_3018 = arith.constant 15 : i32
      %add3A_3019 = vector.broadcast %add3A_3018 : i32 to vector<16xi32>
      %add3A_3020 = arith.addi %mul3A_2867, %add3A_3019 : vector<16xi32>
      %gather3A_3021 = tpu.vector_load_idx %arg13[%add3A_2858, %add3A_3020] : memref<128x128xf32, #tpu.memory_space<vmem>>[vector<16xi32>, vector<16xi32>], vector<16xf32>,
      %mul3A_3022 = arith.constant 16 : i32
      %mul3A_3023 = vector.broadcast %mul3A_3022 : i32 to vector<16xi32>
      %mul3A_3024 = arith.muli %iota3A, %mul3A_3023 : vector<16xi32>
      %add3A_3025 = arith.constant 1807 : i32
      %add3A_3026 = vector.broadcast %add3A_3025 : i32 to vector<16xi32>
      %add3A_3027 = arith.addi %mul3A_3024, %add3A_3026 : vector<16xi32>
      tpu.vector_store_idx %arg16[%add3A_3027], %gather3A_3021 : memref<2048xf32, #tpu.memory_space<vmem>>[vector<16xi32>], vector<16xf32>,
      %and3A_3028 = arith.constant 127 : i32
      %and3A_3029 = vector.broadcast %and3A_3028 : i32 to vector<16xi32>
      %and3A_3030 = arith.andi %get3A_2855, %and3A_3029 : vector<16xi32>
      %gather3A_3031 = tpu.vector_load_idx %arg15[%add3A_2858, %and3A_3030] : memref<128x128xf32, #tpu.memory_space<vmem>>[vector<16xi32>, vector<16xi32>], vector<16xf32>,
      %mul3A_3032 = arith.constant 128 : i32
      %mul3A_3033 = arith.muli %add3A_1557, %mul3A_3032 : i32
      %add3A_3034 = arith.constant 112 : i32
      %add3A_3035 = arith.addi %mul3A_3033, %add3A_3034 : i32
      %add3A_3036 = vector.broadcast %add3A_3035 : i32 to vector<16xi32>
      %add3A_3037 = arith.addi %add3A_3036, %iota3A : vector<16xi32>
      tpu.vector_store_idx %arg17[%add3A_3037], %gather3A_3031 : memref<13312xf32, #tpu.memory_space<vmem>>[vector<16xi32>], vector<16xf32>,
      %mul3A_3038 = arith.constant 128 : i32
      %mul3A_3039 = arith.muli %add3A_1557, %mul3A_3038 : i32
      %add3A_3040 = arith.addi %mul3A_10, %mul3A_3039 : i32
      %mul3A_3041 = arith.constant 16 : i32
      %mul3A_3042 = arith.muli %add3A_3040, %mul3A_3041 : i32
      "tpu.region"() ({
        %run_scoped3A = tpu.sem_alloc : memref<!tpu.dma_semaphore, #tpu.memory_space<semaphore_mem>>
        %dma_start3A_3043 = tpu.memref_slice %arg7[%mul3A_3042] : memref<6815744xf32, #tpu.memory_space<hbm>> -> memref<2048xf32, #tpu.memory_space<hbm>>
        %dma_start3A_3044 = tpu.memref_slice %arg7[%mul3A_3042] : memref<6815744xf32, #tpu.memory_space<hbm>> -> memref<2048xf32, #tpu.memory_space<hbm>>
        tpu.enqueue_dma source(%arg16 : memref<2048xf32, #tpu.memory_space<vmem>>) target(%dma_start3A_3044 : memref<2048xf32, #tpu.memory_space<hbm>>) target_semaphore(%run_scoped3A : memref<!tpu.dma_semaphore, #tpu.memory_space<semaphore_mem>>)
        %dma_wait3A_3045 = tpu.memref_slice %arg7[%mul3A_3042] : memref<6815744xf32, #tpu.memory_space<hbm>> -> memref<2048xf32, #tpu.memory_space<hbm>>
        %dma_wait3A_3046 = tpu.memref_slice %arg7[%mul3A_3042] : memref<6815744xf32, #tpu.memory_space<hbm>> -> memref<2048xf32, #tpu.memory_space<hbm>>
        tpu.wait_dma2 semaphore(%run_scoped3A : memref<!tpu.dma_semaphore, #tpu.memory_space<semaphore_mem>>) src(%arg16 : memref<2048xf32, #tpu.memory_space<vmem>>) dst(%dma_wait3A_3046 : memref<2048xf32, #tpu.memory_space<hbm>>)
        tpu.yield
      }) : () -> ()
    }
    %scan3A_28 = arith.constant 52 : i32
    "tpu.region"() ({
      %run_scoped3A = tpu.sem_alloc : memref<!tpu.dma_semaphore, #tpu.memory_space<semaphore_mem>>
      %dma_start3A_29 = tpu.memref_slice %arg8[%mul3A_10] : memref<425984xf32, #tpu.memory_space<hbm>> -> memref<13312xf32, #tpu.memory_space<hbm>>
      %dma_start3A_30 = tpu.memref_slice %arg8[%mul3A_10] : memref<425984xf32, #tpu.memory_space<hbm>> -> memref<13312xf32, #tpu.memory_space<hbm>>
      tpu.enqueue_dma source(%arg17 : memref<13312xf32, #tpu.memory_space<vmem>>) target(%dma_start3A_30 : memref<13312xf32, #tpu.memory_space<hbm>>) target_semaphore(%run_scoped3A : memref<!tpu.dma_semaphore, #tpu.memory_space<semaphore_mem>>)
      %dma_wait3A = tpu.memref_slice %arg8[%mul3A_10] : memref<425984xf32, #tpu.memory_space<hbm>> -> memref<13312xf32, #tpu.memory_space<hbm>>
      %dma_wait3A_31 = tpu.memref_slice %arg8[%mul3A_10] : memref<425984xf32, #tpu.memory_space<hbm>> -> memref<13312xf32, #tpu.memory_space<hbm>>
      tpu.wait_dma2 semaphore(%run_scoped3A : memref<!tpu.dma_semaphore, #tpu.memory_space<semaphore_mem>>) src(%arg17 : memref<13312xf32, #tpu.memory_space<vmem>>) dst(%dma_wait3A_31 : memref<13312xf32, #tpu.memory_space<hbm>>)
      tpu.yield
    }) : () -> ()
    return
  }
}

module attributes {stable_mosaic.version = 14 : i64} {
  func.func @_pack_body(%arg0: i32, %arg1: memref<16x32768xf32, #tpu.memory_space<vmem>>, %arg2: memref<4096x128xf32, #tpu.memory_space<vmem>>) attributes {dimension_semantics = [#tpu.dimension_semantics<arbitrary>], iteration_bounds = array<i64: 80>, scalar_prefetch = 0 : i64, scratch_operands = 0 : i64, tpu.core_type = #tpu.core_type<tc>, window_params = [{transform_indices = @transform_0, window_bounds = array<i64: 16, 32768>}, {transform_indices = @transform_1, window_bounds = array<i64: 4096, 128>}]} {
    %get3A = arith.constant 0 : index
    %get3A_0 = arith.constant 0 : index
    %get3A_1 = vector.load %arg1[%get3A, %get3A_0] : memref<16x32768xf32, #tpu.memory_space<vmem>>, vector<16x4096xf32>
    %get3A_2 = arith.constant 0 : index
    %get3A_3 = arith.constant 4096 : index
    %get3A_4 = vector.load %arg1[%get3A_2, %get3A_3] : memref<16x32768xf32, #tpu.memory_space<vmem>>, vector<16x4096xf32>
    %get3A_5 = arith.constant 0 : index
    %get3A_6 = arith.constant 8192 : index
    %get3A_7 = vector.load %arg1[%get3A_5, %get3A_6] : memref<16x32768xf32, #tpu.memory_space<vmem>>, vector<16x4096xf32>
    %get3A_8 = arith.constant 0 : index
    %get3A_9 = arith.constant 12288 : index
    %get3A_10 = vector.load %arg1[%get3A_8, %get3A_9] : memref<16x32768xf32, #tpu.memory_space<vmem>>, vector<16x4096xf32>
    %get3A_11 = arith.constant 0 : index
    %get3A_12 = arith.constant 16384 : index
    %get3A_13 = vector.load %arg1[%get3A_11, %get3A_12] : memref<16x32768xf32, #tpu.memory_space<vmem>>, vector<16x4096xf32>
    %get3A_14 = arith.constant 0 : index
    %get3A_15 = arith.constant 20480 : index
    %get3A_16 = vector.load %arg1[%get3A_14, %get3A_15] : memref<16x32768xf32, #tpu.memory_space<vmem>>, vector<16x4096xf32>
    %get3A_17 = arith.constant 0 : index
    %get3A_18 = arith.constant 24576 : index
    %get3A_19 = vector.load %arg1[%get3A_17, %get3A_18] : memref<16x32768xf32, #tpu.memory_space<vmem>>, vector<16x4096xf32>
    %get3A_20 = arith.constant 0 : index
    %get3A_21 = arith.constant 28672 : index
    %get3A_22 = vector.load %arg1[%get3A_20, %get3A_21] : memref<16x32768xf32, #tpu.memory_space<vmem>>, vector<16x4096xf32>
    %concatenate3A = tpu.concatenate %get3A_1, %get3A_4, %get3A_7, %get3A_10, %get3A_13, %get3A_16, %get3A_19, %get3A_22 in 0 : vector<16x4096xf32>, vector<16x4096xf32>, vector<16x4096xf32>, vector<16x4096xf32>, vector<16x4096xf32>, vector<16x4096xf32>, vector<16x4096xf32>, vector<16x4096xf32> -> vector<128x4096xf32>
    %transpose3A = tpu.transpose %concatenate3A, [1, 0] : vector<128x4096xf32> -> vector<4096x128xf32>
    %swap3A = arith.constant 0 : index
    %swap3A_23 = arith.constant 0 : index
    %swap3A_24 = vector.load %arg2[%swap3A, %swap3A_23] : memref<4096x128xf32, #tpu.memory_space<vmem>>, vector<4096x128xf32>
    tpu.vector_store %arg2[%swap3A, %swap3A_23], %transpose3A {strides = array<i32>} : memref<4096x128xf32, #tpu.memory_space<vmem>>, vector<4096x128xf32>,
    return
  }
  func.func @transform_0(%arg0: i32) -> (i32, i32) {
    %c0_i32 = arith.constant 0 : i32
    %c0_i32_0 = arith.constant 0 : i32
    return %c0_i32, %arg0 : i32, i32
  }
  func.func @transform_1(%arg0: i32) -> (i32, i32) {
    %c0_i32 = arith.constant 0 : i32
    %c0_i32_0 = arith.constant 0 : i32
    return %arg0, %c0_i32 : i32, i32
  }
}

module attributes {stable_mosaic.version = 14 : i64} {
  func.func @_tc_body(%arg0: i32, %arg1: memref<512x200xi32, #tpu.memory_space<vmem>>, %arg2: memref<512x416xf32, #tpu.memory_space<vmem>>, %arg3: memref<512x26xf32, #tpu.memory_space<vmem>>, %arg4: memref<200x16xf32, #tpu.memory_space<vmem>>, %arg5: memref<200x1xf32, #tpu.memory_space<vmem>>, %arg6: memref<1x16xf32, #tpu.memory_space<vmem>>, %arg7: memref<1x1xf32, #tpu.memory_space<vmem>>, %arg8: memref<416x16xf32, #tpu.memory_space<vmem>>, %arg9: memref<416x512xf32, #tpu.memory_space<vmem>>, %arg10: memref<16x512xf32, #tpu.memory_space<vmem>>, %arg11: memref<1x512xf32, #tpu.memory_space<vmem>>, %arg12: memref<512x256xf32, #tpu.memory_space<vmem>>, %arg13: memref<1x256xf32, #tpu.memory_space<vmem>>, %arg14: memref<256x128xf32, #tpu.memory_space<vmem>>, %arg15: memref<1x128xf32, #tpu.memory_space<vmem>>, %arg16: memref<128x1xf32, #tpu.memory_space<vmem>>, %arg17: memref<1x1xf32, #tpu.memory_space<vmem>>, %arg18: memref<512x1xf32, #tpu.memory_space<vmem>>) attributes {dimension_semantics = [#tpu.dimension_semantics<arbitrary>], iteration_bounds = array<i64: 32>, scalar_prefetch = 0 : i64, scratch_operands = 0 : i64, tpu.core_type = #tpu.core_type<tc>, window_params = [{transform_indices = @transform_0, window_bounds = array<i64: 512, 200>}, {transform_indices = @transform_1, window_bounds = array<i64: 512, 416>}, {transform_indices = @transform_2, window_bounds = array<i64: 512, 26>}, {pipeline_mode = #tpu.pipeline_mode<synchronous>, transform_indices = @transform_3, window_bounds = array<i64: 200, 16>}, {pipeline_mode = #tpu.pipeline_mode<synchronous>, transform_indices = @transform_4, window_bounds = array<i64: 200, 1>}, {pipeline_mode = #tpu.pipeline_mode<synchronous>, transform_indices = @transform_5, window_bounds = array<i64: 1, 16>}, {pipeline_mode = #tpu.pipeline_mode<synchronous>, transform_indices = @transform_6, window_bounds = array<i64: 1, 1>}, {pipeline_mode = #tpu.pipeline_mode<synchronous>, transform_indices = @transform_7, window_bounds = array<i64: 416, 16>}, {pipeline_mode = #tpu.pipeline_mode<synchronous>, transform_indices = @transform_8, window_bounds = array<i64: 416, 512>}, {pipeline_mode = #tpu.pipeline_mode<synchronous>, transform_indices = @transform_9, window_bounds = array<i64: 16, 512>}, {pipeline_mode = #tpu.pipeline_mode<synchronous>, transform_indices = @transform_10, window_bounds = array<i64: 1, 512>}, {pipeline_mode = #tpu.pipeline_mode<synchronous>, transform_indices = @transform_11, window_bounds = array<i64: 512, 256>}, {pipeline_mode = #tpu.pipeline_mode<synchronous>, transform_indices = @transform_12, window_bounds = array<i64: 1, 256>}, {pipeline_mode = #tpu.pipeline_mode<synchronous>, transform_indices = @transform_13, window_bounds = array<i64: 256, 128>}, {pipeline_mode = #tpu.pipeline_mode<synchronous>, transform_indices = @transform_14, window_bounds = array<i64: 1, 128>}, {pipeline_mode = #tpu.pipeline_mode<synchronous>, transform_indices = @transform_15, window_bounds = array<i64: 128, 1>}, {pipeline_mode = #tpu.pipeline_mode<synchronous>, transform_indices = @transform_16, window_bounds = array<i64: 1, 1>}, {transform_indices = @transform_17, window_bounds = array<i64: 512, 1>}]} {
    %get3A = arith.constant 0 : index
    %get3A_0 = arith.constant 0 : index
    %get3A_1 = vector.load %arg1[%get3A, %get3A_0] : memref<512x200xi32, #tpu.memory_space<vmem>>, vector<512x200xi32>
    %ne3A = arith.constant 0 : i32
    %ne3A_2 = vector.broadcast %ne3A : i32 to vector<512x200xi32>
    %ne3A_3 = arith.cmpi ne, %get3A_1, %ne3A_2 : vector<512x200xi32>
    %convert_element_type3A = arith.extui %ne3A_3 : vector<512x200xi1> to vector<512x200xi32>
    %convert_element_type3A_4 = arith.sitofp %convert_element_type3A : vector<512x200xi32> to vector<512x200xf32>
    %get3A_5 = arith.constant 0 : index
    %get3A_6 = arith.constant 0 : index
    %get3A_7 = vector.load %arg4[%get3A_5, %get3A_6] : memref<200x16xf32, #tpu.memory_space<vmem>>, vector<200x16xf32>
    %dot_general3A = arith.constant dense<0.000000e+00> : vector<512x16xf32>
    %dot_general3A_8 = tpu.matmul %convert_element_type3A_4, %get3A_7, %dot_general3A {dimension_numbers = #tpu.dot_dimension_numbers<[1], [0], [0], [1], [0, 0, 1, 1], [], []>, transpose_lhs_hint = false} : vector<512x200xf32>, vector<200x16xf32>, vector<512x16xf32> -> vector<512x16xf32>
    %get3A_9 = arith.constant 0 : index
    %get3A_10 = arith.constant 0 : index
    %get3A_11 = vector.load %arg5[%get3A_9, %get3A_10] : memref<200x1xf32, #tpu.memory_space<vmem>>, vector<200x1xf32>
    %dot_general3A_12 = arith.constant dense<0.000000e+00> : vector<512x1xf32>
    %dot_general3A_13 = tpu.matmul %convert_element_type3A_4, %get3A_11, %dot_general3A_12 {dimension_numbers = #tpu.dot_dimension_numbers<[1], [0], [0], [1], [0, 0, 1, 1], [], []>, transpose_lhs_hint = false} : vector<512x200xf32>, vector<200x1xf32>, vector<512x1xf32> -> vector<512x1xf32>
    %reduce_sum3A = arith.constant dense<0.000000e+00> : vector<512xf32>
    %reduce_sum3A_14 = vector.multi_reduction <add>, %convert_element_type3A_4, %reduce_sum3A [1] : vector<512x200xf32> to vector<512xf32>
    %broadcast_in_dim3A = vector.shape_cast %reduce_sum3A_14 : vector<512xf32> to vector<512x1xf32>
    %sub3A = arith.constant 2.000000e+02 : f32
    %sub3A_15 = vector.broadcast %sub3A : f32 to vector<512x1xf32>
    %sub3A_16 = arith.subf %sub3A_15, %broadcast_in_dim3A : vector<512x1xf32>
    %get3A_17 = arith.constant 0 : index
    %get3A_18 = arith.constant 0 : index
    %get3A_19 = vector.load %arg6[%get3A_17, %get3A_18] : memref<1x16xf32, #tpu.memory_space<vmem>>, vector<1x16xf32>
    %mul3A = vector.broadcast %sub3A_16 : vector<512x1xf32> to vector<512x16xf32>
    %mul3A_20 = vector.broadcast %get3A_19 : vector<1x16xf32> to vector<512x16xf32>
    %mul3A_21 = arith.mulf %mul3A, %mul3A_20 : vector<512x16xf32>
    %add3A = arith.addf %dot_general3A_8, %mul3A_21 : vector<512x16xf32>
    %get3A_22 = arith.constant 0 : index
    %get3A_23 = arith.constant 0 : index
    %get3A_24 = vector.load %arg7[%get3A_22, %get3A_23] : memref<1x1xf32, #tpu.memory_space<vmem>>, vector<1x1xf32>
    %mul3A_25 = vector.broadcast %get3A_24 : vector<1x1xf32> to vector<512x1xf32>
    %mul3A_26 = arith.mulf %sub3A_16, %mul3A_25 : vector<512x1xf32>
    %add3A_27 = arith.addf %dot_general3A_13, %mul3A_26 : vector<512x1xf32>
    %get3A_28 = arith.constant 0 : index
    %get3A_29 = arith.constant 0 : index
    %get3A_30 = vector.load %arg2[%get3A_28, %get3A_29] : memref<512x416xf32, #tpu.memory_space<vmem>>, vector<512x416xf32>
    %get3A_31 = arith.constant 0 : index
    %get3A_32 = arith.constant 0 : index
    %get3A_33 = vector.load %arg8[%get3A_31, %get3A_32] : memref<416x16xf32, #tpu.memory_space<vmem>>, vector<416x16xf32>
    %dot_general3A_34 = arith.constant dense<0.000000e+00> : vector<512x16xf32>
    %dot_general3A_35 = tpu.matmul %get3A_30, %get3A_33, %dot_general3A_34 {dimension_numbers = #tpu.dot_dimension_numbers<[1], [0], [0], [1], [0, 0, 1, 1], [], []>, transpose_lhs_hint = false} : vector<512x416xf32>, vector<416x16xf32>, vector<512x16xf32> -> vector<512x16xf32>
    %add3A_36 = arith.addf %dot_general3A_35, %add3A : vector<512x16xf32>
    %mul3A_37 = arith.mulf %get3A_30, %get3A_30 : vector<512x416xf32>
    %dot_general3A_38 = arith.constant dense<0.000000e+00> : vector<512x16xf32>
    %dot_general3A_39 = tpu.matmul %mul3A_37, %get3A_33, %dot_general3A_38 {dimension_numbers = #tpu.dot_dimension_numbers<[1], [0], [0], [1], [0, 0, 1, 1], [], []>, transpose_lhs_hint = false} : vector<512x416xf32>, vector<416x16xf32>, vector<512x16xf32> -> vector<512x16xf32>
    %mul3A_40 = arith.mulf %add3A, %add3A : vector<512x16xf32>
    %add3A_41 = arith.addf %dot_general3A_39, %mul3A_40 : vector<512x16xf32>
    %get3A_42 = arith.constant 0 : index
    %get3A_43 = arith.constant 0 : index
    %get3A_44 = vector.load %arg3[%get3A_42, %get3A_43] : memref<512x26xf32, #tpu.memory_space<vmem>>, vector<512x26xf32>
    %reduce_sum3A_45 = arith.constant dense<0.000000e+00> : vector<512xf32>
    %reduce_sum3A_46 = vector.multi_reduction <add>, %get3A_44, %reduce_sum3A_45 [1] : vector<512x26xf32> to vector<512xf32>
    %broadcast_in_dim3A_47 = vector.shape_cast %reduce_sum3A_46 : vector<512xf32> to vector<512x1xf32>
    %add3A_48 = arith.addf %broadcast_in_dim3A_47, %add3A_27 : vector<512x1xf32>
    %mul3A_49 = arith.mulf %add3A_36, %add3A_36 : vector<512x16xf32>
    %sub3A_50 = arith.subf %mul3A_49, %add3A_41 : vector<512x16xf32>
    %reduce_sum3A_51 = arith.constant dense<0.000000e+00> : vector<512xf32>
    %reduce_sum3A_52 = vector.multi_reduction <add>, %sub3A_50, %reduce_sum3A_51 [1] : vector<512x16xf32> to vector<512xf32>
    %broadcast_in_dim3A_53 = vector.shape_cast %reduce_sum3A_52 : vector<512xf32> to vector<512x1xf32>
    %mul3A_54 = arith.constant 5.000000e-01 : f32
    %mul3A_55 = vector.broadcast %mul3A_54 : f32 to vector<512x1xf32>
    %mul3A_56 = arith.mulf %mul3A_55, %broadcast_in_dim3A_53 : vector<512x1xf32>
    %add3A_57 = arith.addf %add3A_48, %mul3A_56 : vector<512x1xf32>
    %get3A_58 = arith.constant 0 : index
    %get3A_59 = arith.constant 0 : index
    %get3A_60 = vector.load %arg9[%get3A_58, %get3A_59] : memref<416x512xf32, #tpu.memory_space<vmem>>, vector<416x512xf32>
    %dot_general3A_61 = arith.constant dense<0.000000e+00> : vector<512x512xf32>
    %dot_general3A_62 = tpu.matmul %get3A_30, %get3A_60, %dot_general3A_61 {dimension_numbers = #tpu.dot_dimension_numbers<[1], [0], [0], [1], [0, 0, 1, 1], [], []>, transpose_lhs_hint = false} : vector<512x416xf32>, vector<416x512xf32>, vector<512x512xf32> -> vector<512x512xf32>
    %get3A_63 = arith.constant 0 : index
    %get3A_64 = arith.constant 0 : index
    %get3A_65 = vector.load %arg10[%get3A_63, %get3A_64] : memref<16x512xf32, #tpu.memory_space<vmem>>, vector<16x512xf32>
    %dot_general3A_66 = arith.constant dense<0.000000e+00> : vector<512x512xf32>
    %dot_general3A_67 = tpu.matmul %add3A, %get3A_65, %dot_general3A_66 {dimension_numbers = #tpu.dot_dimension_numbers<[1], [0], [0], [1], [0, 0, 1, 1], [], []>, transpose_lhs_hint = false} : vector<512x16xf32>, vector<16x512xf32>, vector<512x512xf32> -> vector<512x512xf32>
    %add3A_68 = arith.addf %dot_general3A_62, %dot_general3A_67 : vector<512x512xf32>
    %get3A_69 = arith.constant 0 : index
    %get3A_70 = arith.constant 0 : index
    %get3A_71 = vector.load %arg11[%get3A_69, %get3A_70] : memref<1x512xf32, #tpu.memory_space<vmem>>, vector<1x512xf32>
    %add3A_72 = vector.broadcast %get3A_71 : vector<1x512xf32> to vector<512x512xf32>
    %add3A_73 = arith.addf %add3A_68, %add3A_72 : vector<512x512xf32>
    %max3A = arith.constant 0.000000e+00 : f32
    %max3A_74 = vector.broadcast %max3A : f32 to vector<512x512xf32>
    %max3A_75 = arith.maximumf %add3A_73, %max3A_74 : vector<512x512xf32>
    %get3A_76 = arith.constant 0 : index
    %get3A_77 = arith.constant 0 : index
    %get3A_78 = vector.load %arg12[%get3A_76, %get3A_77] : memref<512x256xf32, #tpu.memory_space<vmem>>, vector<512x256xf32>
    %dot_general3A_79 = arith.constant dense<0.000000e+00> : vector<512x256xf32>
    %dot_general3A_80 = tpu.matmul %max3A_75, %get3A_78, %dot_general3A_79 {dimension_numbers = #tpu.dot_dimension_numbers<[1], [0], [0], [1], [0, 0, 1, 1], [], []>, transpose_lhs_hint = false} : vector<512x512xf32>, vector<512x256xf32>, vector<512x256xf32> -> vector<512x256xf32>
    %get3A_81 = arith.constant 0 : index
    %get3A_82 = arith.constant 0 : index
    %get3A_83 = vector.load %arg13[%get3A_81, %get3A_82] : memref<1x256xf32, #tpu.memory_space<vmem>>, vector<1x256xf32>
    %add3A_84 = vector.broadcast %get3A_83 : vector<1x256xf32> to vector<512x256xf32>
    %add3A_85 = arith.addf %dot_general3A_80, %add3A_84 : vector<512x256xf32>
    %max3A_86 = arith.constant 0.000000e+00 : f32
    %max3A_87 = vector.broadcast %max3A_86 : f32 to vector<512x256xf32>
    %max3A_88 = arith.maximumf %add3A_85, %max3A_87 : vector<512x256xf32>
    %get3A_89 = arith.constant 0 : index
    %get3A_90 = arith.constant 0 : index
    %get3A_91 = vector.load %arg14[%get3A_89, %get3A_90] : memref<256x128xf32, #tpu.memory_space<vmem>>, vector<256x128xf32>
    %dot_general3A_92 = arith.constant dense<0.000000e+00> : vector<512x128xf32>
    %dot_general3A_93 = tpu.matmul %max3A_88, %get3A_91, %dot_general3A_92 {dimension_numbers = #tpu.dot_dimension_numbers<[1], [0], [0], [1], [0, 0, 1, 1], [], []>, transpose_lhs_hint = false} : vector<512x256xf32>, vector<256x128xf32>, vector<512x128xf32> -> vector<512x128xf32>
    %get3A_94 = arith.constant 0 : index
    %get3A_95 = arith.constant 0 : index
    %get3A_96 = vector.load %arg15[%get3A_94, %get3A_95] : memref<1x128xf32, #tpu.memory_space<vmem>>, vector<1x128xf32>
    %add3A_97 = vector.broadcast %get3A_96 : vector<1x128xf32> to vector<512x128xf32>
    %add3A_98 = arith.addf %dot_general3A_93, %add3A_97 : vector<512x128xf32>
    %max3A_99 = arith.constant 0.000000e+00 : f32
    %max3A_100 = vector.broadcast %max3A_99 : f32 to vector<512x128xf32>
    %max3A_101 = arith.maximumf %add3A_98, %max3A_100 : vector<512x128xf32>
    %get3A_102 = arith.constant 0 : index
    %get3A_103 = arith.constant 0 : index
    %get3A_104 = vector.load %arg16[%get3A_102, %get3A_103] : memref<128x1xf32, #tpu.memory_space<vmem>>, vector<128x1xf32>
    %dot_general3A_105 = arith.constant dense<0.000000e+00> : vector<512x1xf32>
    %dot_general3A_106 = tpu.matmul %max3A_101, %get3A_104, %dot_general3A_105 {dimension_numbers = #tpu.dot_dimension_numbers<[1], [0], [0], [1], [0, 0, 1, 1], [], []>, transpose_lhs_hint = false} : vector<512x128xf32>, vector<128x1xf32>, vector<512x1xf32> -> vector<512x1xf32>
    %get3A_107 = arith.constant 0 : index
    %get3A_108 = arith.constant 0 : index
    %get3A_109 = vector.load %arg17[%get3A_107, %get3A_108] : memref<1x1xf32, #tpu.memory_space<vmem>>, vector<1x1xf32>
    %add3A_110 = vector.broadcast %get3A_109 : vector<1x1xf32> to vector<512x1xf32>
    %add3A_111 = arith.addf %dot_general3A_106, %add3A_110 : vector<512x1xf32>
    %add3A_112 = arith.addf %add3A_57, %add3A_111 : vector<512x1xf32>
    %logistic3A = arith.negf %add3A_112 : vector<512x1xf32>
    %logistic3A_113 = math.exp %logistic3A : vector<512x1xf32>
    %logistic3A_114 = arith.constant 1.000000e+00 : f32
    %logistic3A_115 = vector.broadcast %logistic3A_114 : f32 to vector<512x1xf32>
    %logistic3A_116 = arith.addf %logistic3A_115, %logistic3A_113 : vector<512x1xf32>
    %logistic3A_117 = arith.divf %logistic3A_115, %logistic3A_116 : vector<512x1xf32>
    %swap3A = arith.constant 0 : index
    %swap3A_118 = arith.constant 0 : index
    %swap3A_119 = vector.load %arg18[%swap3A, %swap3A_118] : memref<512x1xf32, #tpu.memory_space<vmem>>, vector<512x1xf32>
    tpu.vector_store %arg18[%swap3A, %swap3A_118], %logistic3A_117 {strides = array<i32>} : memref<512x1xf32, #tpu.memory_space<vmem>>, vector<512x1xf32>,
    return
  }
  func.func @transform_0(%arg0: i32) -> (i32, i32) {
    %c0_i32 = arith.constant 0 : i32
    %c0_i32_0 = arith.constant 0 : i32
    return %arg0, %c0_i32 : i32, i32
  }
  func.func @transform_1(%arg0: i32) -> (i32, i32) {
    %c0_i32 = arith.constant 0 : i32
    %c0_i32_0 = arith.constant 0 : i32
    return %arg0, %c0_i32 : i32, i32
  }
  func.func @transform_2(%arg0: i32) -> (i32, i32) {
    %c0_i32 = arith.constant 0 : i32
    %c0_i32_0 = arith.constant 0 : i32
    return %arg0, %c0_i32 : i32, i32
  }
  func.func @transform_3(%arg0: i32) -> (i32, i32) {
    %c0_i32 = arith.constant 0 : i32
    %c0_i32_0 = arith.constant 0 : i32
    %c0_i32_1 = arith.constant 0 : i32
    return %c0_i32, %c0_i32_0 : i32, i32
  }
  func.func @transform_4(%arg0: i32) -> (i32, i32) {
    %c0_i32 = arith.constant 0 : i32
    %c0_i32_0 = arith.constant 0 : i32
    %c0_i32_1 = arith.constant 0 : i32
    return %c0_i32, %c0_i32_0 : i32, i32
  }
  func.func @transform_5(%arg0: i32) -> (i32, i32) {
    %c0_i32 = arith.constant 0 : i32
    %c0_i32_0 = arith.constant 0 : i32
    %c0_i32_1 = arith.constant 0 : i32
    return %c0_i32, %c0_i32_0 : i32, i32
  }
  func.func @transform_6(%arg0: i32) -> (i32, i32) {
    %c0_i32 = arith.constant 0 : i32
    %c0_i32_0 = arith.constant 0 : i32
    %c0_i32_1 = arith.constant 0 : i32
    return %c0_i32, %c0_i32_0 : i32, i32
  }
  func.func @transform_7(%arg0: i32) -> (i32, i32) {
    %c0_i32 = arith.constant 0 : i32
    %c0_i32_0 = arith.constant 0 : i32
    %c0_i32_1 = arith.constant 0 : i32
    return %c0_i32, %c0_i32_0 : i32, i32
  }
  func.func @transform_8(%arg0: i32) -> (i32, i32) {
    %c0_i32 = arith.constant 0 : i32
    %c0_i32_0 = arith.constant 0 : i32
    %c0_i32_1 = arith.constant 0 : i32
    return %c0_i32, %c0_i32_0 : i32, i32
  }
  func.func @transform_9(%arg0: i32) -> (i32, i32) {
    %c0_i32 = arith.constant 0 : i32
    %c0_i32_0 = arith.constant 0 : i32
    %c0_i32_1 = arith.constant 0 : i32
    return %c0_i32, %c0_i32_0 : i32, i32
  }
  func.func @transform_10(%arg0: i32) -> (i32, i32) {
    %c0_i32 = arith.constant 0 : i32
    %c0_i32_0 = arith.constant 0 : i32
    %c0_i32_1 = arith.constant 0 : i32
    return %c0_i32, %c0_i32_0 : i32, i32
  }
  func.func @transform_11(%arg0: i32) -> (i32, i32) {
    %c0_i32 = arith.constant 0 : i32
    %c0_i32_0 = arith.constant 0 : i32
    %c0_i32_1 = arith.constant 0 : i32
    return %c0_i32, %c0_i32_0 : i32, i32
  }
  func.func @transform_12(%arg0: i32) -> (i32, i32) {
    %c0_i32 = arith.constant 0 : i32
    %c0_i32_0 = arith.constant 0 : i32
    %c0_i32_1 = arith.constant 0 : i32
    return %c0_i32, %c0_i32_0 : i32, i32
  }
  func.func @transform_13(%arg0: i32) -> (i32, i32) {
    %c0_i32 = arith.constant 0 : i32
    %c0_i32_0 = arith.constant 0 : i32
    %c0_i32_1 = arith.constant 0 : i32
    return %c0_i32, %c0_i32_0 : i32, i32
  }
  func.func @transform_14(%arg0: i32) -> (i32, i32) {
    %c0_i32 = arith.constant 0 : i32
    %c0_i32_0 = arith.constant 0 : i32
    %c0_i32_1 = arith.constant 0 : i32
    return %c0_i32, %c0_i32_0 : i32, i32
  }
  func.func @transform_15(%arg0: i32) -> (i32, i32) {
    %c0_i32 = arith.constant 0 : i32
    %c0_i32_0 = arith.constant 0 : i32
    %c0_i32_1 = arith.constant 0 : i32
    return %c0_i32, %c0_i32_0 : i32, i32
  }
  func.func @transform_16(%arg0: i32) -> (i32, i32) {
    %c0_i32 = arith.constant 0 : i32
    %c0_i32_0 = arith.constant 0 : i32
    %c0_i32_1 = arith.constant 0 : i32
    return %c0_i32, %c0_i32_0 : i32, i32
  }
  func.func @transform_17(%arg0: i32) -> (i32, i32) {
    %c0_i32 = arith.constant 0 : i32
    %c0_i32_0 = arith.constant 0 : i32
    return %arg0, %c0_i32 : i32, i32
  }
}

</mosaic_0001>

<sc_bundles>
// kernel: kernel.5.cloned.1.call-start
scs
__scs_entry_jumppad:
0x0: {  	(pc) =	sbr.rel $0x88, $3  }
0x1: {  	(tag) =	ssettag $0x0;
	lr =	simm.s32 $0x1  }
0x2: {  	[smem:$0x3F95] =	sst lr;
	_ =	strace $0xD0000000  }
0x3: {  	_ = 	snop  }
0x4: {  	_ = 	snop  }
0x5: {  	_ = 	snop  }
0x6: {  	_ = 	snop  }
0x7: {  	_ = 	snop  }
__scs_overlays_trampoline_lowered:
0x8: {  	[smem:$0x3FA4] =	sst s0  }
0x9: {  	[smem:$0x3FA5] =	sst s1  }
0xa: {  	[smem:$0x3FA6] =	sst s2  }
0xb: {  	[smem:$0x3FA7] =	sst s3  }
0xc: {  	[smem:$0x3FA8] =	sst s4  }
0xd: {  	[smem:$0x3FA9] =	sst s5  }
0xe: {  	[smem:$0x3FAA] =	sst s6  }
0xf: {  	[smem:$0x3FAB] =	sst s7  }
0x10: {  	[smem:$0x3FAC] =	sst s8  }
0x11: {  	[smem:$0x3FAD] =	sst s9;
	s0 =	simm.s32 @!p0 $0x0  }
0x12: {  	s1 =	sld [smem:$0x3F93];
	s0 =	simm.s32 @p0 $0x1  }
0x13: {  	[smem:$0x3FAE] =	sst s0;
	s0 =	simm.s32 @!p1 $0x0  }
0x14: {  	s2 =	sld [smem:$0x3F92];
	s0 =	simm.s32 @p1 $0x1  }
0x15: {  	[smem:$0x3FAF] =	sst s0;
	s0 =	simm.s32 @!p2 $0x0  }
0x16: {  	s3 =	sld [smem:$0x3FDB];
	s0 =	simm.s32 @p2 $0x1  }
0x17: {  	s4 =	simm.s32 $0x1BF5;
	[smem:$0x3FB1] =	sst s0  }
0x18: {  	s0 =	sld [smem:$0x3F94];
	_ =	swait.ge [sflag:s4], $0x0  }
0x19: {  	s7 =	sld [smem:$0x3F95]  }
0x1a: {  	s8 =	sadd.s32 $0xFFFFE003, lr  }
0x1b: {  	s9 =	sadd.s32 $0xFFFFFEF7, lr;
	s5 =	simm.s32 $0xFFFFFFFF;
	p2 =	slt.u32 s8, $0xFFFFF086  }
0x1c: {  	p1 =	slt.u32 s9, $0xF7A;
	s5 =	simm.s32 @!p2 $0x0  }
0x1d: {  	s5 =	simm.s32 @p1 $0x1;
	p0 =	seq.s32 s7, s2  }
0x1e: {  	s7 =	smul.u32 @!p0 $0xF7A, s2;
	p2 =	seq.s32 @!p0 s5, $0x0  }
0x1f: {  	s9 =	smul.u32 $0xF7A, s1;
	s8 =	simm.s32 @!p0 $0x1BF5;
	p2 =	por !p2, p0  }
0x20: {  	[sflag:s8] =	ssyncset.s32 @!p0 $0xFFFFF086;
	s6 =	sadd.s32 @!p0 s3, s7;
	s7 =	simm.s32 @!p0 $0x108  }
0x21: {  	s3 =	sadd.s32 s3, s9;
	s6 =	sadd.s32 @!p0 $0x88, s6;
	s7 =	simm.s32 @p2 $0x1082  }
0x22: {  	[simem:s7], [sflag:s8] =	dma.local @!p0 [hbm:s6], $0xF7A  }
0x23: {  	s9 =	sor.u32 $0xD0000000, s2;
	s6 =	simm.s32 $0x108;
	_ =	swait.ge @!p0 [sflag:s8], $0x0  }
0x24: {  	s3 =	sadd.s32 $0x88, s3;
	s6 =	simm.s32 @!p1 $0x1082;
	[sflag:s4] =	ssyncset.s32 $0xFFFFF086  }
0x25: {  	[simem:s6], [sflag:s4] =	dma.local [hbm:s3], $0xF7A  }
0x26: {  	[smem:$0x3F95] =	sst s1;
	(tag) =	ssettag s2;
	_ =	strace s9  }
0x27: {  	s1 =	sld [smem:$0x3FA5]  }
0x28: {  	s2 =	sld [smem:$0x3FA6]  }
0x29: {  	s4 =	sld [smem:$0x3FA8]  }
0x2a: {  	p0 =	seq.s32 s5, $0x0;
	s5 =	sld [smem:$0x3FA9]  }
0x2b: {  	s6 =	sld [smem:$0x3FAA]  }
0x2c: {  	s7 =	sld [smem:$0x3FAB]  }
0x2d: {  	s3 =	simm.s32 $0x108;
	s8 =	sld [smem:$0x3FAC]  }
0x2e: {  	s3 =	simm.s32 @!p0 $0x1082;
	s9 =	sld [smem:$0x3FAD]  }
0x2f: {  	lr =	sadd.s32 s0, s3;
	s0 =	sld [smem:$0x3FA4]  }
0x30: {  	s3 =	sld [smem:$0x3FA7]  }
0x31: {  	[smem:$0x3FB0] =	sst s10  }
0x32: {  	s10 =	sld [smem:$0x3FAE];
	_ =	sdelay $0x3  }
0x33: {  	p0 =	seq.s32 s10, $0x1;
	s10 =	sld [smem:$0x3FB0];
	_ =	sdelay $0x3  }
0x34: {  	[smem:$0x3FB0] =	sst s10  }
0x35: {  	s10 =	sld [smem:$0x3FAF];
	_ =	sdelay $0x3  }
0x36: {  	p1 =	seq.s32 s10, $0x1;
	s10 =	sld [smem:$0x3FB0];
	_ =	sdelay $0x3  }
0x37: {  	[smem:$0x3FB0] =	sst s10  }
0x38: {  	s10 =	sld [smem:$0x3FB1]  }
0x39: {  	_ = 	snop;
	(pc) =	sbr.ind lr, $3  }
0x3a: {  	_ = 	snop  }
0x3b: {  	_ = 	snop  }
0x3c: {  	p2 =	seq.s32 s10, $0x1;
	s10 =	sld [smem:$0x3FB0]  }
0x3d: {  	_ =	shalt  }
0x3e: {  	_ =	shalt  }
0x3f: {  	_ =	shalt  }
0x40: {  	_ =	shalt  }
0x41: {  	_ =	shalt  }
0x42: {  	_ =	shalt  }
0x43: {  	_ =	shalt  }
0x44: {  	_ =	shalt  }
0x45: {  	_ =	shalt  }
0x46: {  	_ =	shalt  }
0x47: {  	_ =	shalt  }
0x48: {  	_ =	shalt  }
0x49: {  	_ =	shalt  }
0x4a: {  	_ =	shalt  }
0x4b: {  	_ =	shalt  }
0x4c: {  	_ =	shalt  }
0x4d: {  	_ =	shalt  }
0x4e: {  	_ =	shalt  }
0x4f: {  	_ =	shalt  }
0x50: {  	_ =	shalt  }
0x51: {  	_ =	shalt  }
0x52: {  	_ =	shalt  }
0x53: {  	_ =	shalt  }
0x54: {  	_ =	shalt  }
0x55: {  	_ =	shalt  }
0x56: {  	_ =	shalt  }
0x57: {  	_ =	shalt  }
0x58: {  	_ =	shalt  }
0x59: {  	_ =	shalt  }
0x5a: {  	_ =	shalt  }
0x5b: {  	_ =	shalt  }
0x5c: {  	_ =	shalt  }
0x5d: {  	_ =	shalt  }
0x5e: {  	_ =	shalt  }
0x5f: {  	_ =	shalt  }
0x60: {  	_ =	shalt  }
0x61: {  	_ =	shalt  }
0x62: {  	_ =	shalt  }
0x63: {  	_ =	shalt  }
0x64: {  	_ =	shalt  }
0x65: {  	_ =	shalt  }
0x66: {  	_ =	shalt  }
0x67: {  	_ =	shalt  }
0x68: {  	_ =	shalt  }
0x69: {  	_ =	shalt  }
0x6a: {  	_ =	shalt  }
0x6b: {  	_ =	shalt  }
0x6c: {  	_ =	shalt  }
0x6d: {  	_ =	shalt  }
0x6e: {  	_ =	shalt  }
0x6f: {  	_ =	shalt  }
0x70: {  	_ =	shalt  }
0x71: {  	_ =	shalt  }
0x72: {  	_ =	shalt  }
0x73: {  	_ =	shalt  }
0x74: {  	_ =	shalt  }
0x75: {  	_ =	shalt  }
0x76: {  	_ =	shalt  }
0x77: {  	_ =	shalt  }
0x78: {  	_ =	shalt  }
0x79: {  	_ =	shalt  }
0x7a: {  	_ =	shalt  }
0x7b: {  	_ =	shalt  }
0x7c: {  	_ =	shalt  }
0x7d: {  	_ =	shalt  }
0x7e: {  	_ =	shalt  }
0x7f: {  	_ =	shalt  }
0x80: {  	_ =	shalt  }
0x81: {  	_ =	shalt  }
0x82: {  	_ =	shalt  }
0x83: {  	_ =	shalt  }
0x84: {  	_ =	shalt  }
0x85: {  	_ =	shalt  }
0x86: {  	_ =	shalt  }
0x87: {  	_ =	shalt  }
.Lfunc_end0:
.L_simem_size_0:
called_computation_lowered:
.L_overlay_start_0:
0x88: {  	s2 =	sld [smem:$0x3FD9]  }
0x89: {  	s3 =	sld [smem:$0x3FFE];
	_ =	sdelay $0x1  }
0x8a: {  	s1 =	srdreg.scid  }
0x8b: {  	s0 =	sand.u32 $0x1, s1  }
0x8c: {  	s16 =	sshll.u32 s0, $0xA;
	s2 =	sadd.s32 s3, s2  }
0x8d: {  	s2 =	sadd.s32 s2, s16  }
0x8e: {  	[smem:$0x3FBC] =	sst s2  }
0x8f: {  	_ = 	snop  }
0x90: {  	(tm) =	ssettm $0x1  }
0x91: {  	s17 =	sld [smem:$0x3FFB];
	_ =	sdelay $0x3  }
0x92: {  	_ =	strace s17  }
0x93: {  	s2 =	sld [smem:$0x3FFC];
	_ =	sdelay $0x3  }
0x94: {  	_ =	strace s2  }
0x95: {  	s2 =	sld [smem:$0x3FFD];
	_ =	sdelay $0x3  }
0x96: {  	_ =	strace s2  }
0x97: {  	_ =	strace $0x8FFFFFFF  }
0x98: {  	s18 =	sld [smem:$0x3FDB];
	_ =	sdelay $0x1  }
0x99: {  	s19 =	simm.s32 $_scs_section_size  }
0x9a: {  	s4 =	simm.s32 $_size__tile_overlayer_lowered;
	s5 =	simm.s32 $_tile_overlayer_lowered  }
0x9b: {  	s22 =	simm.s32 $0x1BFF;
	s21 =	sshll.u32 s5, $0x1;
	s2 =	sadd.s32 s19, s18  }
0x9c: {  	s6 =	simm.s32 $0x0;
	s20 =	sshll.u32 s4, $0x1;
	s4 =	sadd.s32 s21, s2  }
0x9d: {  	[timem:s6], [sflag:s22] =	dma.local [hbm:s4], s20  }
0x9e: {  	_ =	swait.ge [sflag:s22], s20  }
0x9f: {  	s3 =	ssub.s32 $0x0, s20;
	[sflag:s22] =	ssyncset.done $0x0  }
0xa0: {  	[sflag:s22] =	ssyncadd.s32 s3;
	_ =	sdelay $0x1  }
0xa1: {  	s23 =	simm.s32 $0x1B8B  }
0xa2: {  	_ =	swait.ge [sflag:s23], $0x1  }
0xa3: {  	[sflag:s23] =	ssyncset.done $0x0  }
0xa4: {  	s25 =	simm.s32 $0x1B8E;
	s24 =	sld [smem:$0x3FFE];
	[sflag:s23] =	ssyncadd.s32 $0xFFFFFFFF  }
0xa5: {  	s26 =	simm.s32 $execute0_lowered;
	[smem:$0x3FD2] =	sst s25  }
0xa6: {  	s4 =	sshll.u32 s26, $0x1;
	_ =	strace $0x80000046;
	[dreg:$0x1] =	wrdreg $0xFFFFFFFF  }
0xa7: {  	s28 =	simm.s32 $_size_execute0_lowered;
	s2 =	sadd.s32 s2, s4;
	[dreg:$0x0] =	wrdreg $0x0  }
0xa8: {  	s4 =	sshll.u32 s28, $0x1;
	[dreg:$0x2] =	wrdreg s2  }
0xa9: {  	[dreg:$0x3] =	wrdreg s4  }
0xaa: {  	[dreg:$0x4] =	wrdreg $0xC0  }
0xab: {  	_ =	task [dreg:s6], $0x5FFFF  }
0xac: {  	[dreg:$0x1] =	wrdreg $0xFFFFFFFF  }
0xad: {  	[dreg:$0x0] =	wrdreg $0x60  }
0xae: {  	[dreg:$0x2] =	wrdreg s24  }
0xaf: {  	[dreg:$0x3] =	wrdreg $0x9  }
0xb0: {  	_ =	task.clear_ibuf [dreg:s6], $0x4FFFF;
	_ =	strace $0x90000046  }
0xb1: {  	s29 =	simm.s32 $0x9;
	_ =	strace $0x80000048  }
0xb2: {  	_ =	swait.ge [sflag:s29], $0x1  }
0xb3: {  	[sflag:s29] =	ssyncadd.s32 $0xFFFFFFFF  }
0xb4: {  	_ =	strace $0x90000048  }
0xb5: {  	_ =	sfence  }
0xb6: {  	s30 =	sld [smem:$0x0];
	_ =	sdelay $0x2  }
0xb7: {  	s31 =	sshll.u32 s1, $0xD;
	s1 =	sshrl.u32 s1, $0x2  }
0xb8: {  	s3 =	sand.u32 $0x4000, s31;
	s1 =	sadd.s32 s1, s30  }
0xb9: {  	s0 =	sor.u32 s3, s0;
	s1 =	sshll.u32 s1, $0x11  }
0xba: {  	s0 =	sor.u32 s1, s0  }
0xbb: {  	s0 =	sadd.s32 $0x8F2B, s0  }
0xbc: {  	[sflag:s0] =	ssyncadd.remote.s32 $0x1  }
0xbd: {  	_ =	sfence.sel $0xFFFF  }
0xbe: {  	[dreg:$0x0] =	wrdreg $0xFFFFFFFF;
	(pc) =	sbr.abs _section_cstart, $3  }
0xbf: {  	[dreg:$0x1] =	wrdreg $0xFFFFFFFF  }
0xc0: {  	_ =	task.clear_ibuf [dreg:s6], $0x2FFFF;
	_ =	strace $0x9FFFFFFF  }
0xc1: {  	(tm) =	ssettm $0x7FFFFFFF  }
tec
execute0_lowered:
.L_overlay_start_1:
0x0: {  	(tag) =	ssettag $0x1  }
0x1: {  	v6 =	vlaneseq.u32  }
0x2: {  	v1 =	vmul.u32 $0x80, v6;
	v2 =	vmul.u32 $0x10, v6  }
0x3: {  	vm0 =	vcmask $0x300  }
0x4: {  	v62 =	vor.u32 $0x1, v1;
	v7 =	vor.u32 $0x1, v2;
	v56 =	vor.u32 $0x2, v1  }
0x5: {  	v58 =	vor.u32 $0x2, v2;
	v57 =	vor.u32 $0x3, v1;
	v54 =	vor.u32 $0x3, v2  }
0x6: {  	v55 =	vor.u32 $0x4, v1;
	v52 =	vor.u32 $0x4, v2;
	v53 =	vor.u32 $0x5, v1  }
0x7: {  	s1 =	srdreg.scid;
	s0 =	stileid.u32;
	v50 =	vor.u32 $0x5, v2;
	v51 =	vor.u32 $0x6, v1;
	v47 =	vor.u32 $0x6, v2  }
0x8: {  	s1 =	sand.u32 $0x1, s1;
	s2 =	sshll.u32 s0, $0x1;
	v48 =	vor.u32 $0x7, v1;
	v46 =	vor.u32 $0x7, v2;
	v43 =	vor.u32 $0x8, v1  }
0x9: {  	s6 =	sor.u32 s1, s2;
	s2 =	simm.s32 $0x0;
	v45 =	vor.u32 $0x9, v1;
	v39 =	vor.u32 $0x9, v2;
	v40 =	vor.u32 $0xA, v1  }
0xa: {  	s16 =	simm.s32 $0x9C00;
	s17 =	simm.s32 $0x11C00;
	[smem:$0x7FF] =	sst s2;
	v42 =	vor.u32 $0xA, v2;
	v36 =	vor.u32 $0xB, v1;
	v0 =	vor.u32 $0x80D, v1  }
0xb: {  	s5 =	rddreg [dreg:$0x0];
	s15 =	simm.s32 $0x80;
	v37 =	vor.u32 $0xB, v2;
	v38 =	vor.u32 $0xC, v1;
	v3 =	vor.u32 $0x10E, v2;
	_ =	strace $0x80000047;
	[tilespmem:$0x1FF20] =	vst v0  }
0xc: {  	s18 =	simm.s32 $0xDC00;
	s19 =	simm.s32 $0x15C00;
	s10 =	smul.u32 $0x6800, s0;
	v34 =	vor.u32 $0xC, v2;
	v35 =	vor.u32 $0xD, v1;
	v32 =	vor.u32 $0xD, v2;
	[tilespmem:$0x1FF50] =	vst v3  }
0xd: {  	s20 =	simm.s32 $0x1;
	s4 =	sadd.s32 $0x529200, s5;
	s14 =	smul.u32 $0xD000, s0;
	v33 =	vor.u32 $0xE, v1;
	v30 =	vor.u32 $0xE, v2;
	v9 =	vor.u32 $0x800, v1;
	[tilespmem:$0x1FF70] =	vst v7  }
0xe: {  	s21 =	simm.s32 $0x3;
	s9 =	sadd.s32 $0x578800, s5;
	s12 =	smul.u32 $0x3400, s1;
	v31 =	vor.u32 $0xF, v1;
	v28 =	vor.u32 $0xF, v2;
	v8 =	vor.u32 $0x809, v1;
	[tilespmem:$0x1FF80] =	vst v9  }
0xf: {  	s22 =	simm.s32 $0x19C00;
	s8 =	ssub.s32 $0x2, s1;
	s1 =	smul.u32 $0x6800, s1;
	v29 =	vor.u32 $0x100, v2;
	v26 =	vor.u32 $0x801, v1;
	v11 =	vor.u32 $0x109, v2;
	[tilespmem:$0x1FF90] =	vst v8  }
0x10: {  	s23 =	simm.s32 $0x1A400;
	s24 =	simm.s32 $0x2;
	s3 =	smul.u32 $0x680, s6;
	v27 =	vor.u32 $0x101, v2;
	v24 =	vor.u32 $0x802, v1;
	v15 =	vor.u32 $0x80A, v1;
	[tilespmem:$0x1FFA0] =	vst v11  }
0x11: {  	s25 =	simm.s32 $0x4;
	s6 =	smul.u32 $0x3400, s6;
	s11 =	sshrl.u32 s8, $0x1;
	v25 =	vor.u32 $0x102, v2;
	v22 =	vor.u32 $0x803, v1;
	v41 =	vor.u32 $0x10A, v2;
	[tilespmem:$0x1FFB0] =	vst v15  }
0x12: {  	v23 =	vor.u32 $0x103, v2;
	v20 =	vor.u32 $0x804, v1;
	s30 =	sadd.s32 s14, s9;
	v49 =	vor.u32 $0x80B, v1;
	s11 =	ssub.s32 s8, s11;
	s29 =	sadd.s32 s12, s10;
	[tilespmem:$0x1FFC0] =	vst v41  }
0x13: {  	v21 =	vor.u32 $0x104, v2;
	v18 =	vor.u32 $0x805, v1;
	s12 =	simm.s32 $0x5;
	v0 =	vor.u32 $0x10D, v2;
	[tilespmem:$0x1FFD0] =	vst v49;
	s7 =	sadd.s32 s3, s5;
	s3 =	sadd.s32 $0x2200, s5  }
0x14: {  	v19 =	vor.u32 $0x105, v2;
	v16 =	vor.u32 $0x806, v1;
	s6 =	sshrl.u32 s6, $0x3;
	s10 =	sshll.u32 s29, $0x1;
	[tilespmem:$0x1FF30] =	vst v0;
	v0 =	vor.u32 $0x80E, v1;
	s26 =	sadd.s32 $0x51C200, s7  }
0x15: {  	v44 =	vor.u32 $0x8, v2;
	v59 =	vor.u32 $0x10B, v2;
	s13 =	sadd.s32 s6, s5;
	s28 =	sadd.s32 $0x50F200, s7;
	s7 =	sadd.s32 $0x502200, s7;
	[tilespmem:$0x1FF40] =	vst v0;
	v0 =	vimm.s32 $0x0  }
0x16: {  	v17 =	vor.u32 $0x106, v2;
	[tilespmem:$0x1FFE0] =	vst v59;
	s31 =	sadd.s32 s10, s9;
	s9 =	smax.u32 s11, $0x1;
	[dreg:$0x2] =	wrdreg s26;
	v5 =	vsel vm0, $0x7, v0;
	v0 =	vor.u32 $0x80F, v1  }
0x17: {  	v13 =	vor.u32 $0x807, v1;
	v14 =	vor.u32 $0x107, v2;
	v10 =	vor.u32 $0x808, v1;
	s10 =	sadd.s32 s1, s30;
	[dreg:$0x3] =	wrdreg s28;
	s8 =	sadd.s32 $0x648800, s13;
	[tilespmem:$0x1FF60] =	vst v0  }
0x18: {  	v12 =	vor.u32 $0x108, v2;
	v60 =	vor.u32 $0x80C, v1;
	v61 =	vor.u32 $0x10C, v2;
	s11 =	sadd.s32 $0x100, s31;
	s13 =	simm.s32 $0x3400;
	s26 =	simm.s32 $0x0;
	[tilespmem:$0x1FFF0] =	vst v5  }
.LBB2_1:
0x19: {  	s0 =	rddreg [dreg:$0x2]  }
0x1a: {  	[tilespmem:s2], [sflag:$0x5] =	stream.linear.gather [hbm4b:s0+s2], $0x3400, $0x38;
	[tilespmem:$0x1D800] =	vst v63  }
0x1b: {  	_ =	swait.ge [sflag:s12], $0x3400  }
0x1c: {  	[sflag:s12] =	ssyncset.done $0x0  }
0x1d: {  	s6 =	rddreg [dreg:$0x3];
	[sflag:s12] =	ssyncadd.s32 $0xFFFFCC00  }
0x1e: {  	[tilespmem:s13], [sflag:$0x5] =	stream.linear.gather [hbm4b:s6+s2], $0x3400, $0x38;
	[tilespmem:$0x1D800] =	vst v63  }
0x1f: {  	_ =	swait.ge [sflag:s12], $0x3400  }
0x20: {  	[sflag:s12] =	ssyncset.done $0x0  }
0x21: {  	s14 =	simm.s32 $0x6800;
	[sflag:s12] =	ssyncadd.s32 $0xFFFFCC00  }
0x22: {  	[tilespmem:s14], [sflag:$0x5] =	stream.linear.gather [hbm4b:s7+s2], $0x3400, $0x38;
	[tilespmem:$0x1D800] =	vst v63  }
0x23: {  	_ =	swait.ge [sflag:s12], $0x3400  }
0x24: {  	[sflag:s12] =	ssyncset.done $0x0  }
0x25: {  	s28 =	smov.u32 s11;
	[sflag:s12] =	ssyncadd.s32 $0xFFFFCC00  }
0x26: {  	[tilespmem:s16], [sflag:$0x1] =	stream.indirect.gather [hbm4b:s3+s15], $0x80, s2, s15, $0xb8;
	[tilespmem:$0x1D800] =	vst v63  }
0x27: {  	s29 =	smov.u32 s10;
	s30 =	simm.s32 $0x0;
	s31 =	simm.s32 $0x0  }
0x28: {  	[tilespmem:s17], [sflag:$0x3] =	stream.indirect.gather [hbm4b:s4+s15], $0x80, s13, s15, $0xb8;
	[tilespmem:$0x1D800] =	vst v63  }
.LBB2_2:
0x29: {  	s1 =	sshra.s32 s30, $0x2  }
0x2a: {  	s0 =	sadd.s32 $0x80, s1  }
0x2b: {  	[tilespmem:s18], [sflag:$0x2] =	stream.indirect.gather [hbm4b:s3+s15], $0x80, s0, s15, $0xb8;
	[tilespmem:$0x1D800] =	vst v63  }
0x2c: {  	s5 =	sadd.s32 $0x3480, s1  }
0x2d: {  	[tilespmem:s19], [sflag:$0x4] =	stream.indirect.gather [hbm4b:s4+s15], $0x80, s5, s15, $0xb8;
	[tilespmem:$0x1D800] =	vst v63  }
0x2e: {  	_ =	swait.ge [sflag:s20], $0x4000  }
0x2f: {  	[sflag:s20] =	ssyncset.done $0x0  }
0x30: {  	[sflag:s20] =	ssyncadd.s32 $0xFFFFC000  }
0x31: {  	_ =	swait.ge [sflag:s21], $0x4000  }
0x32: {  	[sflag:s21] =	ssyncset.done $0x0  }
0x33: {  	[sflag:s21] =	ssyncadd.s32 $0xFFFFC000  }
0x34: {  	v0 =	vld [tilespmem:s1+$0x6800];
	_ =	sdelay $0x4  }
0x35: {  	v3 =	vshrl.u32 v0, $0x8  }
0x36: {  	v3 =	vand.u32 $0x70, v3  }
0x37: {  	v4 =	vor.u32 v1, v3;
	_ =	sdelay $0x4  }
0x38: {  	v4 =	vld.idx.msk [tilespmem:v4+s16+$0x0], $0xffff  }
0x39: {  	v5 =	vor.u32 v62, v3;
	_ =	sdelay $0x3  }
0x3a: {  	[tilespmem:v2+s22+$0x0] =	vst.idx.msk $0xffff, v4  }
0x3b: {  	v4 =	vld.idx.msk [tilespmem:v5+s16+$0x0], $0xffff  }
0x3c: {  	v5 =	vor.u32 v56, v3;
	_ =	sdelay $0x3  }
0x3d: {  	[tilespmem:v7+s22+$0x0] =	vst.idx.msk $0xffff, v4  }
0x3e: {  	v4 =	vld.idx.msk [tilespmem:v5+s16+$0x0], $0xffff  }
0x3f: {  	v5 =	vor.u32 v57, v3;
	_ =	sdelay $0x3  }
0x40: {  	[tilespmem:v58+s22+$0x0] =	vst.idx.msk $0xffff, v4  }
0x41: {  	v4 =	vld.idx.msk [tilespmem:v5+s16+$0x0], $0xffff  }
0x42: {  	v5 =	vor.u32 v55, v3;
	_ =	sdelay $0x3  }
0x43: {  	[tilespmem:v54+s22+$0x0] =	vst.idx.msk $0xffff, v4  }
0x44: {  	v4 =	vld.idx.msk [tilespmem:v5+s16+$0x0], $0xffff  }
0x45: {  	v5 =	vor.u32 v53, v3;
	_ =	sdelay $0x3  }
0x46: {  	[tilespmem:v52+s22+$0x0] =	vst.idx.msk $0xffff, v4  }
0x47: {  	v4 =	vld.idx.msk [tilespmem:v5+s16+$0x0], $0xffff  }
0x48: {  	v5 =	vor.u32 v51, v3;
	_ =	sdelay $0x3  }
0x49: {  	[tilespmem:v50+s22+$0x0] =	vst.idx.msk $0xffff, v4  }
0x4a: {  	v4 =	vld.idx.msk [tilespmem:v5+s16+$0x0], $0xffff  }
0x4b: {  	v5 =	vor.u32 v48, v3;
	_ =	sdelay $0x3  }
0x4c: {  	[tilespmem:v47+s22+$0x0] =	vst.idx.msk $0xffff, v4  }
0x4d: {  	v4 =	vld.idx.msk [tilespmem:v5+s16+$0x0], $0xffff  }
0x4e: {  	v5 =	vor.u32 v43, v3;
	_ =	sdelay $0x3  }
0x4f: {  	[tilespmem:v46+s22+$0x0] =	vst.idx.msk $0xffff, v4  }
0x50: {  	v4 =	vld.idx.msk [tilespmem:v5+s16+$0x0], $0xffff  }
0x51: {  	v5 =	vor.u32 v45, v3;
	_ =	sdelay $0x3  }
0x52: {  	[tilespmem:v44+s22+$0x0] =	vst.idx.msk $0xffff, v4  }
0x53: {  	v4 =	vld.idx.msk [tilespmem:v5+s16+$0x0], $0xffff  }
0x54: {  	v5 =	vor.u32 v40, v3;
	_ =	sdelay $0x3  }
0x55: {  	[tilespmem:v39+s22+$0x0] =	vst.idx.msk $0xffff, v4  }
0x56: {  	v4 =	vld.idx.msk [tilespmem:v5+s16+$0x0], $0xffff  }
0x57: {  	v5 =	vor.u32 v36, v3;
	_ =	sdelay $0x3  }
0x58: {  	[tilespmem:v42+s22+$0x0] =	vst.idx.msk $0xffff, v4  }
0x59: {  	v4 =	vld.idx.msk [tilespmem:v5+s16+$0x0], $0xffff  }
0x5a: {  	v5 =	vor.u32 v38, v3;
	_ =	sdelay $0x3  }
0x5b: {  	[tilespmem:v37+s22+$0x0] =	vst.idx.msk $0xffff, v4  }
0x5c: {  	v4 =	vld.idx.msk [tilespmem:v5+s16+$0x0], $0xffff  }
0x5d: {  	v5 =	vor.u32 v35, v3;
	_ =	sdelay $0x3  }
0x5e: {  	[tilespmem:v34+s22+$0x0] =	vst.idx.msk $0xffff, v4  }
0x5f: {  	v4 =	vld.idx.msk [tilespmem:v5+s16+$0x0], $0xffff  }
0x60: {  	v5 =	vor.u32 v33, v3;
	_ =	sdelay $0x3  }
0x61: {  	[tilespmem:v32+s22+$0x0] =	vst.idx.msk $0xffff, v4  }
0x62: {  	v4 =	vld.idx.msk [tilespmem:v5+s16+$0x0], $0xffff  }
0x63: {  	v3 =	vor.u32 v31, v3;
	_ =	sdelay $0x3  }
0x64: {  	[tilespmem:v30+s22+$0x0] =	vst.idx.msk $0xffff, v4  }
0x65: {  	v0 =	vand.u32 $0x7F, v0;
	v3 =	vld.idx.msk [tilespmem:v3+s16+$0x0], $0xffff  }
0x66: {  	v0 =	vor.u32 v1, v0;
	v4 =	vmov s31  }
0x67: {  	v4 =	vshrl.u32 v4, $0x7  }
0x68: {  	v4 =	vshll.u32 v4, $0x7  }
0x69: {  	v63 =	vbroadcast v4, $0x0  }
0x6a: {  	[tilespmem:v28+s22+$0x0] =	vst.idx.msk $0xffff, v3  }
0x6b: {  	v3 =	vor.u32 v6, v63;
	v0 =	vld.idx.msk [tilespmem:v0+s17+$0x0], $0xffff;
	_ =	sdelay $0x4  }
0x6c: {  	[tilespmem:v3+s23+$0x0] =	vst.idx.msk $0xffff, v0  }
0x6d: {  	v0 =	vld [tilespmem:s1+$0x6810];
	_ =	sdelay $0x4  }
0x6e: {  	v3 =	vshrl.u32 v0, $0x8  }
0x6f: {  	v3 =	vand.u32 $0x70, v3  }
0x70: {  	v4 =	vor.u32 v9, v3;
	_ =	sdelay $0x4  }
0x71: {  	v4 =	vld.idx.msk [tilespmem:v4+s16+$0x0], $0xffff  }
0x72: {  	v5 =	vor.u32 v26, v3;
	_ =	sdelay $0x3  }
0x73: {  	[tilespmem:v29+s22+$0x0] =	vst.idx.msk $0xffff, v4  }
0x74: {  	v4 =	vld.idx.msk [tilespmem:v5+s16+$0x0], $0xffff  }
0x75: {  	v5 =	vor.u32 v24, v3;
	_ =	sdelay $0x3  }
0x76: {  	[tilespmem:v27+s22+$0x0] =	vst.idx.msk $0xffff, v4  }
0x77: {  	v4 =	vld.idx.msk [tilespmem:v5+s16+$0x0], $0xffff  }
0x78: {  	v5 =	vor.u32 v22, v3;
	_ =	sdelay $0x3  }
0x79: {  	[tilespmem:v25+s22+$0x0] =	vst.idx.msk $0xffff, v4  }
0x7a: {  	v4 =	vld.idx.msk [tilespmem:v5+s16+$0x0], $0xffff  }
0x7b: {  	v5 =	vor.u32 v20, v3;
	_ =	sdelay $0x3  }
0x7c: {  	[tilespmem:v23+s22+$0x0] =	vst.idx.msk $0xffff, v4  }
0x7d: {  	v4 =	vld.idx.msk [tilespmem:v5+s16+$0x0], $0xffff  }
0x7e: {  	v5 =	vor.u32 v18, v3;
	_ =	sdelay $0x3  }
0x7f: {  	[tilespmem:v21+s22+$0x0] =	vst.idx.msk $0xffff, v4  }
0x80: {  	v4 =	vld.idx.msk [tilespmem:v5+s16+$0x0], $0xffff  }
0x81: {  	v5 =	vor.u32 v16, v3;
	_ =	sdelay $0x3  }
0x82: {  	[tilespmem:v19+s22+$0x0] =	vst.idx.msk $0xffff, v4  }
0x83: {  	v4 =	vld.idx.msk [tilespmem:v5+s16+$0x0], $0xffff  }
0x84: {  	v5 =	vor.u32 v13, v3;
	_ =	sdelay $0x3  }
0x85: {  	[tilespmem:v17+s22+$0x0] =	vst.idx.msk $0xffff, v4  }
0x86: {  	v4 =	vld.idx.msk [tilespmem:v5+s16+$0x0], $0xffff  }
0x87: {  	v5 =	vor.u32 v10, v3;
	_ =	sdelay $0x3  }
0x88: {  	[tilespmem:v14+s22+$0x0] =	vst.idx.msk $0xffff, v4  }
0x89: {  	v4 =	vld.idx.msk [tilespmem:v5+s16+$0x0], $0xffff  }
0x8a: {  	v5 =	vor.u32 v8, v3;
	_ =	sdelay $0x3  }
0x8b: {  	[tilespmem:v12+s22+$0x0] =	vst.idx.msk $0xffff, v4  }
0x8c: {  	v4 =	vld.idx.msk [tilespmem:v5+s16+$0x0], $0xffff  }
0x8d: {  	v5 =	vor.u32 v15, v3;
	_ =	sdelay $0x3  }
0x8e: {  	[tilespmem:v11+s22+$0x0] =	vst.idx.msk $0xffff, v4  }
0x8f: {  	v4 =	vld.idx.msk [tilespmem:v5+s16+$0x0], $0xffff  }
0x90: {  	v5 =	vor.u32 v49, v3;
	_ =	sdelay $0x3  }
0x91: {  	[tilespmem:v41+s22+$0x0] =	vst.idx.msk $0xffff, v4  }
0x92: {  	v4 =	vld.idx.msk [tilespmem:v5+s16+$0x0], $0xffff  }
0x93: {  	v5 =	vor.u32 v60, v3;
	_ =	sdelay $0x3  }
0x94: {  	[tilespmem:v59+s22+$0x0] =	vst.idx.msk $0xffff, v4  }
0x95: {  	v4 =	vld.idx.msk [tilespmem:v5+s16+$0x0], $0xffff  }
0x96: {  	v5 =	vld [tilespmem:$0x1FF20];
	_ =	sdelay $0x4  }
0x97: {  	v5 =	vor.u32 v5, v3;
	_ =	sdelay $0x3  }
0x98: {  	[tilespmem:v61+s22+$0x0] =	vst.idx.msk $0xffff, v4  }
0x99: {  	v4 =	vld.idx.msk [tilespmem:v5+s16+$0x0], $0xffff  }
0x9a: {  	v5 =	vld [tilespmem:$0x1FF40]  }
0x9b: {  	v7 =	vld [tilespmem:$0x1FF30];
	_ =	sdelay $0x3  }
0x9c: {  	v5 =	vor.u32 v5, v3;
	_ =	sdelay $0x3  }
0x9d: {  	[tilespmem:v7+s22+$0x0] =	vst.idx.msk $0xffff, v4  }
0x9e: {  	v4 =	vld.idx.msk [tilespmem:v5+s16+$0x0], $0xffff  }
0x9f: {  	v5 =	vld [tilespmem:$0x1FF60];
	_ =	sdelay $0x4  }
0xa0: {  	v3 =	vor.u32 v5, v3;
	v5 =	vld [tilespmem:$0x1FF50];
	_ =	sdelay $0x7  }
0xa1: {  	[tilespmem:v5+s22+$0x0] =	vst.idx.msk $0xffff, v4  }
0xa2: {  	v0 =	vand.u32 $0x7F, v0;
	v4 =	vor.u32 $0x10F, v2;
	v3 =	vld.idx.msk [tilespmem:v3+s16+$0x0], $0xffff  }
0xa3: {  	v0 =	vor.u32 v9, v0;
	_ =	sdelay $0x3  }
0xa4: {  	[tilespmem:v4+s22+$0x0] =	vst.idx.msk $0xffff, v3;
	v3 =	vor.u32 $0x10, v6  }
0xa5: {  	[tilespmem:$0x1F330] =	vst v3;
	v0 =	vld.idx.msk [tilespmem:v0+s17+$0x0], $0xffff;
	v3 =	vor.u32 v3, v63;
	_ =	sdelay $0x4  }
0xa6: {  	[tilespmem:v3+s23+$0x0] =	vst.idx.msk $0xffff, v0  }
0xa7: {  	v0 =	vld [tilespmem:s1+$0x6820];
	_ =	sdelay $0x4  }
0xa8: {  	v3 =	vshrl.u32 v0, $0x8  }
0xa9: {  	[tilespmem:$0x1F320] =	vst v4;
	v4 =	vor.u32 $0x1000, v1;
	v3 =	vand.u32 $0x70, v3  }
0xaa: {  	v5 =	vor.u32 v4, v3;
	_ =	sdelay $0x4  }
0xab: {  	v7 =	vor.u32 $0x200, v2;
	v6 =	vor.u32 $0x1001, v1;
	v5 =	vld.idx.msk [tilespmem:v5+s16+$0x0], $0xffff  }
0xac: {  	[tilespmem:$0x1F340] =	vst v6;
	v6 =	vor.u32 v6, v3;
	_ =	sdelay $0x3  }
0xad: {  	[tilespmem:v7+s22+$0x0] =	vst.idx.msk $0xffff, v5  }
0xae: {  	[tilespmem:$0x1F350] =	vst v7;
	v7 =	vor.u32 $0x201, v2;
	v5 =	vld.idx.msk [tilespmem:v6+s16+$0x0], $0xffff;
	v6 =	vor.u32 $0x1002, v1  }
0xaf: {  	[tilespmem:$0x1F360] =	vst v6;
	v6 =	vor.u32 v6, v3;
	_ =	sdelay $0x3  }
0xb0: {  	[tilespmem:v7+s22+$0x0] =	vst.idx.msk $0xffff, v5  }
0xb1: {  	[tilespmem:$0x1F370] =	vst v7;
	v7 =	vor.u32 $0x202, v2;
	v5 =	vld.idx.msk [tilespmem:v6+s16+$0x0], $0xffff;
	v6 =	vor.u32 $0x1003, v1  }
0xb2: {  	[tilespmem:$0x1F380] =	vst v6;
	v6 =	vor.u32 v6, v3;
	_ =	sdelay $0x3  }
0xb3: {  	[tilespmem:v7+s22+$0x0] =	vst.idx.msk $0xffff, v5  }
0xb4: {  	[tilespmem:$0x1F390] =	vst v7;
	v7 =	vor.u32 $0x203, v2;
	v5 =	vld.idx.msk [tilespmem:v6+s16+$0x0], $0xffff;
	v6 =	vor.u32 $0x1004, v1  }
0xb5: {  	[tilespmem:$0x1F3A0] =	vst v6;
	v6 =	vor.u32 v6, v3;
	_ =	sdelay $0x3  }
0xb6: {  	[tilespmem:v7+s22+$0x0] =	vst.idx.msk $0xffff, v5  }
0xb7: {  	[tilespmem:$0x1F3B0] =	vst v7;
	v7 =	vor.u32 $0x204, v2;
	v5 =	vld.idx.msk [tilespmem:v6+s16+$0x0], $0xffff;
	v6 =	vor.u32 $0x1005, v1  }
0xb8: {  	[tilespmem:$0x1F3C0] =	vst v6;
	v6 =	vor.u32 v6, v3;
	_ =	sdelay $0x3  }
0xb9: {  	[tilespmem:v7+s22+$0x0] =	vst.idx.msk $0xffff, v5  }
0xba: {  	[tilespmem:$0x1F3D0] =	vst v7;
	v7 =	vor.u32 $0x205, v2;
	v5 =	vld.idx.msk [tilespmem:v6+s16+$0x0], $0xffff;
	v6 =	vor.u32 $0x1006, v1  }
0xbb: {  	[tilespmem:$0x1F3E0] =	vst v6;
	v6 =	vor.u32 v6, v3;
	_ =	sdelay $0x3  }
0xbc: {  	[tilespmem:v7+s22+$0x0] =	vst.idx.msk $0xffff, v5  }
0xbd: {  	[tilespmem:$0x1F3F0] =	vst v7;
	v7 =	vor.u32 $0x206, v2;
	v5 =	vld.idx.msk [tilespmem:v6+s16+$0x0], $0xffff;
	v6 =	vor.u32 $0x1007, v1  }
0xbe: {  	[tilespmem:$0x1F400] =	vst v6;
	v6 =	vor.u32 v6, v3;
	_ =	sdelay $0x3  }
0xbf: {  	[tilespmem:v7+s22+$0x0] =	vst.idx.msk $0xffff, v5  }
0xc0: {  	[tilespmem:$0x1F410] =	vst v7;
	v7 =	vor.u32 $0x207, v2;
	v5 =	vld.idx.msk [tilespmem:v6+s16+$0x0], $0xffff;
	v6 =	vor.u32 $0x1008, v1  }
0xc1: {  	[tilespmem:$0x1F420] =	vst v6;
	v6 =	vor.u32 v6, v3;
	_ =	sdelay $0x3  }
0xc2: {  	[tilespmem:v7+s22+$0x0] =	vst.idx.msk $0xffff, v5  }
0xc3: {  	[tilespmem:$0x1F430] =	vst v7;
	v7 =	vor.u32 $0x208, v2;
	v5 =	vld.idx.msk [tilespmem:v6+s16+$0x0], $0xffff;
	v6 =	vor.u32 $0x1009, v1  }
0xc4: {  	[tilespmem:$0x1F440] =	vst v6;
	v6 =	vor.u32 v6, v3;
	_ =	sdelay $0x3  }
0xc5: {  	[tilespmem:v7+s22+$0x0] =	vst.idx.msk $0xffff, v5  }
0xc6: {  	[tilespmem:$0x1F450] =	vst v7;
	v7 =	vor.u32 $0x209, v2;
	v5 =	vld.idx.msk [tilespmem:v6+s16+$0x0], $0xffff;
	v6 =	vor.u32 $0x100A, v1  }
0xc7: {  	[tilespmem:$0x1F460] =	vst v6;
	v6 =	vor.u32 v6, v3;
	_ =	sdelay $0x3  }
0xc8: {  	[tilespmem:v7+s22+$0x0] =	vst.idx.msk $0xffff, v5  }
0xc9: {  	[tilespmem:$0x1F470] =	vst v7;
	v7 =	vor.u32 $0x20A, v2;
	v5 =	vld.idx.msk [tilespmem:v6+s16+$0x0], $0xffff;
	v6 =	vor.u32 $0x100B, v1  }
0xca: {  	[tilespmem:$0x1F480] =	vst v6;
	v6 =	vor.u32 v6, v3;
	_ =	sdelay $0x3  }
0xcb: {  	[tilespmem:v7+s22+$0x0] =	vst.idx.msk $0xffff, v5  }
0xcc: {  	[tilespmem:$0x1F490] =	vst v7;
	v7 =	vor.u32 $0x20B, v2;
	v5 =	vld.idx.msk [tilespmem:v6+s16+$0x0], $0xffff;
	v6 =	vor.u32 $0x100C, v1  }
0xcd: {  	[tilespmem:$0x1F4A0] =	vst v6;
	v6 =	vor.u32 v6, v3;
	_ =	sdelay $0x3  }
0xce: {  	[tilespmem:v7+s22+$0x0] =	vst.idx.msk $0xffff, v5  }
0xcf: {  	[tilespmem:$0x1F4B0] =	vst v7;
	v7 =	vor.u32 $0x20C, v2;
	v5 =	vld.idx.msk [tilespmem:v6+s16+$0x0], $0xffff;
	v6 =	vor.u32 $0x100D, v1  }
0xd0: {  	[tilespmem:$0x1F4C0] =	vst v6;
	v6 =	vor.u32 v6, v3;
	_ =	sdelay $0x3  }
0xd1: {  	[tilespmem:v7+s22+$0x0] =	vst.idx.msk $0xffff, v5  }
0xd2: {  	[tilespmem:$0x1F4D0] =	vst v7;
	v7 =	vor.u32 $0x20D, v2;
	v5 =	vld.idx.msk [tilespmem:v6+s16+$0x0], $0xffff;
	v6 =	vor.u32 $0x100E, v1  }
0xd3: {  	[tilespmem:$0x1F4E0] =	vst v6;
	v6 =	vor.u32 v6, v3;
	_ =	sdelay $0x3  }
0xd4: {  	[tilespmem:v7+s22+$0x0] =	vst.idx.msk $0xffff, v5  }
0xd5: {  	[tilespmem:$0x1F4F0] =	vst v7;
	v7 =	vor.u32 $0x100F, v1;
	v5 =	vld.idx.msk [tilespmem:v6+s16+$0x0], $0xffff;
	v6 =	vor.u32 $0x20E, v2  }
0xd6: {  	v3 =	vor.u32 v7, v3;
	_ =	sdelay $0x3  }
0xd7: {  	[tilespmem:v6+s22+$0x0] =	vst.idx.msk $0xffff, v5  }
0xd8: {  	v0 =	vand.u32 $0x7F, v0;
	v5 =	vor.u32 $0x20F, v2;
	v3 =	vld.idx.msk [tilespmem:v3+s16+$0x0], $0xffff  }
0xd9: {  	v0 =	vor.u32 v4, v0;
	_ =	sdelay $0x2  }
0xda: {  	v9 =	vlaneseq.u32  }
0xdb: {  	[tilespmem:v5+s22+$0x0] =	vst.idx.msk $0xffff, v3;
	v3 =	vor.u32 $0x20, v9  }
0xdc: {  	[tilespmem:$0x1F530] =	vst v3;
	v0 =	vld.idx.msk [tilespmem:v0+s17+$0x0], $0xffff;
	v3 =	vor.u32 v3, v63;
	_ =	sdelay $0x4  }
0xdd: {  	[tilespmem:v3+s23+$0x0] =	vst.idx.msk $0xffff, v0  }
0xde: {  	v0 =	vld [tilespmem:s1+$0x6830];
	_ =	sdelay $0x4  }
0xdf: {  	v3 =	vshrl.u32 v0, $0x8  }
0xe0: {  	[tilespmem:$0x1F520] =	vst v5;
	v5 =	vor.u32 $0x1800, v1;
	v3 =	vand.u32 $0x70, v3  }
0xe1: {  	[tilespmem:$0x1F510] =	vst v6;
	v6 =	vor.u32 v5, v3;
	_ =	sdelay $0x4  }
0xe2: {  	v8 =	vor.u32 $0x300, v2;
	[tilespmem:$0x1F500] =	vst v7;
	v7 =	vor.u32 $0x1801, v1;
	v6 =	vld.idx.msk [tilespmem:v6+s16+$0x0], $0xffff  }
0xe3: {  	[tilespmem:$0x1F540] =	vst v7;
	v7 =	vor.u32 v7, v3;
	_ =	sdelay $0x3  }
0xe4: {  	[tilespmem:v8+s22+$0x0] =	vst.idx.msk $0xffff, v6  }
0xe5: {  	[tilespmem:$0x1F550] =	vst v8;
	v8 =	vor.u32 $0x301, v2;
	v6 =	vld.idx.msk [tilespmem:v7+s16+$0x0], $0xffff;
	v7 =	vor.u32 $0x1802, v1  }
0xe6: {  	[tilespmem:$0x1F560] =	vst v7;
	v7 =	vor.u32 v7, v3;
	_ =	sdelay $0x3  }
0xe7: {  	[tilespmem:v8+s22+$0x0] =	vst.idx.msk $0xffff, v6  }
0xe8: {  	[tilespmem:$0x1F570] =	vst v8;
	v8 =	vor.u32 $0x302, v2;
	v6 =	vld.idx.msk [tilespmem:v7+s16+$0x0], $0xffff;
	v7 =	vor.u32 $0x1803, v1  }
0xe9: {  	[tilespmem:$0x1F580] =	vst v7;
	v7 =	vor.u32 v7, v3;
	_ =	sdelay $0x3  }
0xea: {  	[tilespmem:v8+s22+$0x0] =	vst.idx.msk $0xffff, v6  }
0xeb: {  	[tilespmem:$0x1F590] =	vst v8;
	v8 =	vor.u32 $0x303, v2;
	v6 =	vld.idx.msk [tilespmem:v7+s16+$0x0], $0xffff;
	v7 =	vor.u32 $0x1804, v1  }
0xec: {  	[tilespmem:$0x1F5A0] =	vst v7;
	v7 =	vor.u32 v7, v3;
	_ =	sdelay $0x3  }
0xed: {  	[tilespmem:v8+s22+$0x0] =	vst.idx.msk $0xffff, v6  }
0xee: {  	[tilespmem:$0x1F5B0] =	vst v8;
	v8 =	vor.u32 $0x304, v2;
	v6 =	vld.idx.msk [tilespmem:v7+s16+$0x0], $0xffff;
	v7 =	vor.u32 $0x1805, v1  }
0xef: {  	[tilespmem:$0x1F5C0] =	vst v7;
	v7 =	vor.u32 v7, v3;
	_ =	sdelay $0x3  }
0xf0: {  	[tilespmem:v8+s22+$0x0] =	vst.idx.msk $0xffff, v6  }
0xf1: {  	[tilespmem:$0x1F5D0] =	vst v8;
	v8 =	vor.u32 $0x305, v2;
	v6 =	vld.idx.msk [tilespmem:v7+s16+$0x0], $0xffff;
	v7 =	vor.u32 $0x1806, v1  }
0xf2: {  	[tilespmem:$0x1F5E0] =	vst v7;
	v7 =	vor.u32 v7, v3;
	_ =	sdelay $0x3  }
0xf3: {  	[tilespmem:v8+s22+$0x0] =	vst.idx.msk $0xffff, v6  }
0xf4: {  	[tilespmem:$0x1F5F0] =	vst v8;
	v8 =	vor.u32 $0x306, v2;
	v6 =	vld.idx.msk [tilespmem:v7+s16+$0x0], $0xffff;
	v7 =	vor.u32 $0x1807, v1  }
0xf5: {  	[tilespmem:$0x1F600] =	vst v7;
	v7 =	vor.u32 v7, v3;
	_ =	sdelay $0x3  }
0xf6: {  	[tilespmem:v8+s22+$0x0] =	vst.idx.msk $0xffff, v6  }
0xf7: {  	[tilespmem:$0x1F610] =	vst v8;
	v8 =	vor.u32 $0x307, v2;
	v6 =	vld.idx.msk [tilespmem:v7+s16+$0x0], $0xffff;
	v7 =	vor.u32 $0x1808, v1  }
0xf8: {  	[tilespmem:$0x1F620] =	vst v7;
	v7 =	vor.u32 v7, v3;
	_ =	sdelay $0x3  }
0xf9: {  	[tilespmem:v8+s22+$0x0] =	vst.idx.msk $0xffff, v6  }
0xfa: {  	[tilespmem:$0x1F630] =	vst v8;
	v8 =	vor.u32 $0x308, v2;
	v6 =	vld.idx.msk [tilespmem:v7+s16+$0x0], $0xffff;
	v7 =	vor.u32 $0x1809, v1  }
0xfb: {  	[tilespmem:$0x1F640] =	vst v7;
	v7 =	vor.u32 v7, v3;
	_ =	sdelay $0x3  }
0xfc: {  	[tilespmem:v8+s22+$0x0] =	vst.idx.msk $0xffff, v6  }
0xfd: {  	[tilespmem:$0x1F650] =	vst v8;
	v8 =	vor.u32 $0x309, v2;
	v6 =	vld.idx.msk [tilespmem:v7+s16+$0x0], $0xffff;
	v7 =	vor.u32 $0x180A, v1  }
0xfe: {  	[tilespmem:$0x1F660] =	vst v7;
	v7 =	vor.u32 v7, v3;
	_ =	sdelay $0x3  }
0xff: {  	[tilespmem:v8+s22+$0x0] =	vst.idx.msk $0xffff, v6  }
0x100: {  	[tilespmem:$0x1F670] =	vst v8;
	v8 =	vor.u32 $0x30A, v2;
	v6 =	vld.idx.msk [tilespmem:v7+s16+$0x0], $0xffff;
	v7 =	vor.u32 $0x180B, v1  }
0x101: {  	[tilespmem:$0x1F680] =	vst v7;
	v7 =	vor.u32 v7, v3;
	_ =	sdelay $0x3  }
0x102: {  	[tilespmem:v8+s22+$0x0] =	vst.idx.msk $0xffff, v6  }
0x103: {  	[tilespmem:$0x1F690] =	vst v8;
	v8 =	vor.u32 $0x30B, v2;
	v6 =	vld.idx.msk [tilespmem:v7+s16+$0x0], $0xffff;
	v7 =	vor.u32 $0x180C, v1  }
0x104: {  	[tilespmem:$0x1F6A0] =	vst v7;
	v7 =	vor.u32 v7, v3;
	_ =	sdelay $0x3  }
0x105: {  	[tilespmem:v8+s22+$0x0] =	vst.idx.msk $0xffff, v6  }
0x106: {  	[tilespmem:$0x1F6B0] =	vst v8;
	v8 =	vor.u32 $0x30C, v2;
	v6 =	vld.idx.msk [tilespmem:v7+s16+$0x0], $0xffff;
	v7 =	vor.u32 $0x180D, v1  }
0x107: {  	[tilespmem:$0x1F6C0] =	vst v7;
	v7 =	vor.u32 v7, v3;
	_ =	sdelay $0x3  }
0x108: {  	[tilespmem:v8+s22+$0x0] =	vst.idx.msk $0xffff, v6  }
0x109: {  	[tilespmem:$0x1F6D0] =	vst v8;
	v8 =	vor.u32 $0x30D, v2;
	v6 =	vld.idx.msk [tilespmem:v7+s16+$0x0], $0xffff;
	v7 =	vor.u32 $0x180E, v1  }
0x10a: {  	[tilespmem:$0x1F6E0] =	vst v7;
	v7 =	vor.u32 v7, v3;
	_ =	sdelay $0x3  }
0x10b: {  	[tilespmem:v8+s22+$0x0] =	vst.idx.msk $0xffff, v6  }
0x10c: {  	[tilespmem:$0x1F6F0] =	vst v8;
	v8 =	vor.u32 $0x180F, v1;
	v6 =	vld.idx.msk [tilespmem:v7+s16+$0x0], $0xffff;
	v7 =	vor.u32 $0x30E, v2  }
0x10d: {  	v3 =	vor.u32 v8, v3;
	_ =	sdelay $0x3  }
0x10e: {  	[tilespmem:v7+s22+$0x0] =	vst.idx.msk $0xffff, v6  }
0x10f: {  	v0 =	vand.u32 $0x7F, v0;
	v6 =	vor.u32 $0x30F, v2;
	v3 =	vld.idx.msk [tilespmem:v3+s16+$0x0], $0xffff  }
0x110: {  	v0 =	vor.u32 v5, v0;
	_ =	sdelay $0x3  }
0x111: {  	[tilespmem:v6+s22+$0x0] =	vst.idx.msk $0xffff, v3;
	v3 =	vor.u32 $0x30, v9  }
0x112: {  	[tilespmem:$0x1F730] =	vst v3;
	v0 =	vld.idx.msk [tilespmem:v0+s17+$0x0], $0xffff;
	v3 =	vor.u32 v3, v63;
	_ =	sdelay $0x4  }
0x113: {  	[tilespmem:v3+s23+$0x0] =	vst.idx.msk $0xffff, v0  }
0x114: {  	v0 =	vld [tilespmem:s1+$0x6840];
	_ =	sdelay $0x4  }
0x115: {  	v3 =	vshrl.u32 v0, $0x8  }
0x116: {  	v15 =	vor.u32 $0x2000, v1;
	v3 =	vand.u32 $0x70, v3  }
0x117: {  	[tilespmem:$0x1F720] =	vst v6;
	v6 =	vor.u32 v15, v3;
	_ =	sdelay $0x3  }
0x118: {  	[tilespmem:$0x1F700] =	vst v8  }
0x119: {  	v8 =	vor.u32 $0x400, v2;
	[tilespmem:$0x1F710] =	vst v7;
	v7 =	vor.u32 $0x2001, v1;
	v6 =	vld.idx.msk [tilespmem:v6+s16+$0x0], $0xffff  }
0x11a: {  	[tilespmem:$0x1F740] =	vst v7;
	v7 =	vor.u32 v7, v3;
	_ =	sdelay $0x3  }
0x11b: {  	[tilespmem:v8+s22+$0x0] =	vst.idx.msk $0xffff, v6  }
0x11c: {  	[tilespmem:$0x1F750] =	vst v8;
	v8 =	vor.u32 $0x401, v2;
	v6 =	vld.idx.msk [tilespmem:v7+s16+$0x0], $0xffff;
	v7 =	vor.u32 $0x2002, v1  }
0x11d: {  	[tilespmem:$0x1F760] =	vst v7;
	v7 =	vor.u32 v7, v3;
	_ =	sdelay $0x3  }
0x11e: {  	[tilespmem:v8+s22+$0x0] =	vst.idx.msk $0xffff, v6  }
0x11f: {  	[tilespmem:$0x1F770] =	vst v8;
	v8 =	vor.u32 $0x402, v2;
	v6 =	vld.idx.msk [tilespmem:v7+s16+$0x0], $0xffff;
	v7 =	vor.u32 $0x2003, v1  }
0x120: {  	[tilespmem:$0x1F780] =	vst v7;
	v7 =	vor.u32 v7, v3;
	_ =	sdelay $0x3  }
0x121: {  	[tilespmem:v8+s22+$0x0] =	vst.idx.msk $0xffff, v6  }
0x122: {  	[tilespmem:$0x1F790] =	vst v8;
	v8 =	vor.u32 $0x403, v2;
	v6 =	vld.idx.msk [tilespmem:v7+s16+$0x0], $0xffff;
	v7 =	vor.u32 $0x2004, v1  }
0x123: {  	[tilespmem:$0x1F7A0] =	vst v7;
	v7 =	vor.u32 v7, v3;
	_ =	sdelay $0x3  }
0x124: {  	[tilespmem:v8+s22+$0x0] =	vst.idx.msk $0xffff, v6  }
0x125: {  	[tilespmem:$0x1F7B0] =	vst v8;
	v8 =	vor.u32 $0x404, v2;
	v6 =	vld.idx.msk [tilespmem:v7+s16+$0x0], $0xffff;
	v7 =	vor.u32 $0x2005, v1  }
0x126: {  	[tilespmem:$0x1F7C0] =	vst v7;
	v7 =	vor.u32 v7, v3;
	_ =	sdelay $0x3  }
0x127: {  	[tilespmem:v8+s22+$0x0] =	vst.idx.msk $0xffff, v6  }
0x128: {  	[tilespmem:$0x1F7D0] =	vst v8;
	v8 =	vor.u32 $0x405, v2;
	v6 =	vld.idx.msk [tilespmem:v7+s16+$0x0], $0xffff;
	v7 =	vor.u32 $0x2006, v1  }
0x129: {  	[tilespmem:$0x1F7E0] =	vst v7;
	v7 =	vor.u32 v7, v3;
	_ =	sdelay $0x3  }
0x12a: {  	[tilespmem:v8+s22+$0x0] =	vst.idx.msk $0xffff, v6  }
0x12b: {  	[tilespmem:$0x1F7F0] =	vst v8;
	v8 =	vor.u32 $0x406, v2;
	v6 =	vld.idx.msk [tilespmem:v7+s16+$0x0], $0xffff;
	v7 =	vor.u32 $0x2007, v1  }
0x12c: {  	[tilespmem:$0x1F800] =	vst v7;
	v7 =	vor.u32 v7, v3;
	_ =	sdelay $0x3  }
0x12d: {  	[tilespmem:v8+s22+$0x0] =	vst.idx.msk $0xffff, v6  }
0x12e: {  	[tilespmem:$0x1F810] =	vst v8;
	v8 =	vor.u32 $0x407, v2;
	v6 =	vld.idx.msk [tilespmem:v7+s16+$0x0], $0xffff;
	v7 =	vor.u32 $0x2008, v1  }
0x12f: {  	[tilespmem:$0x1F820] =	vst v7;
	v7 =	vor.u32 v7, v3;
	_ =	sdelay $0x3  }
0x130: {  	[tilespmem:v8+s22+$0x0] =	vst.idx.msk $0xffff, v6  }
0x131: {  	[tilespmem:$0x1F830] =	vst v8;
	v8 =	vor.u32 $0x408, v2;
	v6 =	vld.idx.msk [tilespmem:v7+s16+$0x0], $0xffff;
	v7 =	vor.u32 $0x2009, v1  }
0x132: {  	[tilespmem:$0x1F840] =	vst v7;
	v7 =	vor.u32 v7, v3;
	_ =	sdelay $0x3  }
0x133: {  	[tilespmem:v8+s22+$0x0] =	vst.idx.msk $0xffff, v6  }
0x134: {  	[tilespmem:$0x1F850] =	vst v8;
	v8 =	vor.u32 $0x409, v2;
	v6 =	vld.idx.msk [tilespmem:v7+s16+$0x0], $0xffff;
	v7 =	vor.u32 $0x200A, v1  }
0x135: {  	[tilespmem:$0x1F860] =	vst v7;
	v7 =	vor.u32 v7, v3;
	_ =	sdelay $0x3  }
0x136: {  	[tilespmem:v8+s22+$0x0] =	vst.idx.msk $0xffff, v6  }
0x137: {  	[tilespmem:$0x1F870] =	vst v8;
	v8 =	vor.u32 $0x40A, v2;
	v6 =	vld.idx.msk [tilespmem:v7+s16+$0x0], $0xffff;
	v7 =	vor.u32 $0x200B, v1  }
0x138: {  	[tilespmem:$0x1F880] =	vst v7;
	v7 =	vor.u32 v7, v3;
	_ =	sdelay $0x3  }
0x139: {  	[tilespmem:v8+s22+$0x0] =	vst.idx.msk $0xffff, v6  }
0x13a: {  	[tilespmem:$0x1F890] =	vst v8;
	v8 =	vor.u32 $0x40B, v2;
	v6 =	vld.idx.msk [tilespmem:v7+s16+$0x0], $0xffff;
	v7 =	vor.u32 $0x200C, v1  }
0x13b: {  	[tilespmem:$0x1F8A0] =	vst v7;
	v7 =	vor.u32 v7, v3;
	_ =	sdelay $0x3  }
0x13c: {  	[tilespmem:v8+s22+$0x0] =	vst.idx.msk $0xffff, v6  }
0x13d: {  	[tilespmem:$0x1F8B0] =	vst v8;
	v8 =	vor.u32 $0x40C, v2;
	v6 =	vld.idx.msk [tilespmem:v7+s16+$0x0], $0xffff;
	v7 =	vor.u32 $0x200D, v1  }
0x13e: {  	[tilespmem:$0x1F8C0] =	vst v7;
	v7 =	vor.u32 v7, v3;
	_ =	sdelay $0x3  }
0x13f: {  	[tilespmem:v8+s22+$0x0] =	vst.idx.msk $0xffff, v6  }
0x140: {  	[tilespmem:$0x1F8D0] =	vst v8;
	v8 =	vor.u32 $0x40D, v2;
	v6 =	vld.idx.msk [tilespmem:v7+s16+$0x0], $0xffff;
	v7 =	vor.u32 $0x200E, v1  }
0x141: {  	[tilespmem:$0x1F8E0] =	vst v7;
	v7 =	vor.u32 v7, v3;
	_ =	sdelay $0x3  }
0x142: {  	[tilespmem:v8+s22+$0x0] =	vst.idx.msk $0xffff, v6  }
0x143: {  	[tilespmem:$0x1F8F0] =	vst v8;
	v8 =	vor.u32 $0x200F, v1;
	v6 =	vld.idx.msk [tilespmem:v7+s16+$0x0], $0xffff;
	v7 =	vor.u32 $0x40E, v2  }
0x144: {  	v3 =	vor.u32 v8, v3;
	_ =	sdelay $0x3  }
0x145: {  	[tilespmem:v7+s22+$0x0] =	vst.idx.msk $0xffff, v6  }
0x146: {  	v0 =	vand.u32 $0x7F, v0;
	v6 =	vor.u32 $0x40F, v2;
	v3 =	vld.idx.msk [tilespmem:v3+s16+$0x0], $0xffff  }
0x147: {  	v0 =	vor.u32 v15, v0;
	_ =	sdelay $0x3  }
0x148: {  	[tilespmem:v6+s22+$0x0] =	vst.idx.msk $0xffff, v3;
	v3 =	vor.u32 $0x40, v9  }
0x149: {  	[tilespmem:$0x1F930] =	vst v3;
	v0 =	vld.idx.msk [tilespmem:v0+s17+$0x0], $0xffff;
	v3 =	vor.u32 v3, v63;
	_ =	sdelay $0x4  }
0x14a: {  	[tilespmem:v3+s23+$0x0] =	vst.idx.msk $0xffff, v0  }
0x14b: {  	v0 =	vld [tilespmem:s1+$0x6850];
	_ =	sdelay $0x4  }
0x14c: {  	v3 =	vshrl.u32 v0, $0x8  }
0x14d: {  	v11 =	vor.u32 $0x2800, v1;
	v3 =	vand.u32 $0x70, v3  }
0x14e: {  	[tilespmem:$0x1F920] =	vst v6;
	v6 =	vor.u32 v11, v3;
	_ =	sdelay $0x3  }
0x14f: {  	[tilespmem:$0x1F900] =	vst v8  }
0x150: {  	v8 =	vor.u32 $0x500, v2;
	[tilespmem:$0x1F910] =	vst v7;
	v7 =	vor.u32 $0x2801, v1;
	v6 =	vld.idx.msk [tilespmem:v6+s16+$0x0], $0xffff  }
0x151: {  	[tilespmem:$0x1F950] =	vst v7;
	v7 =	vor.u32 v7, v3;
	_ =	sdelay $0x3  }
0x152: {  	[tilespmem:v8+s22+$0x0] =	vst.idx.msk $0xffff, v6  }
0x153: {  	[tilespmem:$0x1F960] =	vst v8;
	v8 =	vor.u32 $0x501, v2;
	v6 =	vld.idx.msk [tilespmem:v7+s16+$0x0], $0xffff;
	v7 =	vor.u32 $0x2802, v1  }
0x154: {  	[tilespmem:$0x1F970] =	vst v7;
	v7 =	vor.u32 v7, v3;
	_ =	sdelay $0x3  }
0x155: {  	[tilespmem:v8+s22+$0x0] =	vst.idx.msk $0xffff, v6  }
0x156: {  	[tilespmem:$0x1F980] =	vst v8;
	v8 =	vor.u32 $0x502, v2;
	v6 =	vld.idx.msk [tilespmem:v7+s16+$0x0], $0xffff;
	v7 =	vor.u32 $0x2803, v1  }
0x157: {  	[tilespmem:$0x1F990] =	vst v7;
	v7 =	vor.u32 v7, v3;
	_ =	sdelay $0x3  }
0x158: {  	[tilespmem:v8+s22+$0x0] =	vst.idx.msk $0xffff, v6  }
0x159: {  	[tilespmem:$0x1F9A0] =	vst v8;
	v8 =	vor.u32 $0x503, v2;
	v6 =	vld.idx.msk [tilespmem:v7+s16+$0x0], $0xffff;
	v7 =	vor.u32 $0x2804, v1  }
0x15a: {  	[tilespmem:$0x1F9B0] =	vst v7;
	v7 =	vor.u32 v7, v3;
	_ =	sdelay $0x3  }
0x15b: {  	[tilespmem:v8+s22+$0x0] =	vst.idx.msk $0xffff, v6  }
0x15c: {  	[tilespmem:$0x1F9C0] =	vst v8;
	v8 =	vor.u32 $0x504, v2;
	v6 =	vld.idx.msk [tilespmem:v7+s16+$0x0], $0xffff;
	v7 =	vor.u32 $0x2805, v1  }
0x15d: {  	[tilespmem:$0x1F9D0] =	vst v7;
	v7 =	vor.u32 v7, v3;
	_ =	sdelay $0x3  }
0x15e: {  	[tilespmem:v8+s22+$0x0] =	vst.idx.msk $0xffff, v6  }
0x15f: {  	[tilespmem:$0x1F9E0] =	vst v8;
	v8 =	vor.u32 $0x505, v2;
	v6 =	vld.idx.msk [tilespmem:v7+s16+$0x0], $0xffff;
	v7 =	vor.u32 $0x2806, v1  }
0x160: {  	[tilespmem:$0x1F9F0] =	vst v7;
	v7 =	vor.u32 v7, v3;
	_ =	sdelay $0x3  }
0x161: {  	[tilespmem:v8+s22+$0x0] =	vst.idx.msk $0xffff, v6  }
0x162: {  	[tilespmem:$0x1FA00] =	vst v8;
	v8 =	vor.u32 $0x506, v2;
	v6 =	vld.idx.msk [tilespmem:v7+s16+$0x0], $0xffff;
	v7 =	vor.u32 $0x2807, v1  }
0x163: {  	[tilespmem:$0x1FA10] =	vst v7;
	v7 =	vor.u32 v7, v3;
	_ =	sdelay $0x3  }
0x164: {  	[tilespmem:v8+s22+$0x0] =	vst.idx.msk $0xffff, v6  }
0x165: {  	[tilespmem:$0x1FA20] =	vst v8;
	v8 =	vor.u32 $0x507, v2;
	v6 =	vld.idx.msk [tilespmem:v7+s16+$0x0], $0xffff;
	v7 =	vor.u32 $0x2808, v1  }
0x166: {  	[tilespmem:$0x1FA30] =	vst v7;
	v7 =	vor.u32 v7, v3;
	_ =	sdelay $0x3  }
0x167: {  	[tilespmem:v8+s22+$0x0] =	vst.idx.msk $0xffff, v6  }
0x168: {  	[tilespmem:$0x1FA40] =	vst v8;
	v8 =	vor.u32 $0x508, v2;
	v6 =	vld.idx.msk [tilespmem:v7+s16+$0x0], $0xffff;
	v7 =	vor.u32 $0x2809, v1  }
0x169: {  	[tilespmem:$0x1FA50] =	vst v7;
	v7 =	vor.u32 v7, v3;
	_ =	sdelay $0x3  }
0x16a: {  	[tilespmem:v8+s22+$0x0] =	vst.idx.msk $0xffff, v6  }
0x16b: {  	[tilespmem:$0x1FA60] =	vst v8;
	v8 =	vor.u32 $0x509, v2;
	v6 =	vld.idx.msk [tilespmem:v7+s16+$0x0], $0xffff;
	v7 =	vor.u32 $0x280A, v1  }
0x16c: {  	[tilespmem:$0x1FA70] =	vst v7;
	v7 =	vor.u32 v7, v3;
	_ =	sdelay $0x3  }
0x16d: {  	[tilespmem:v8+s22+$0x0] =	vst.idx.msk $0xffff, v6  }
0x16e: {  	[tilespmem:$0x1FA80] =	vst v8;
	v8 =	vor.u32 $0x50A, v2;
	v6 =	vld.idx.msk [tilespmem:v7+s16+$0x0], $0xffff;
	v7 =	vor.u32 $0x280B, v1  }
0x16f: {  	[tilespmem:$0x1FA90] =	vst v7;
	v7 =	vor.u32 v7, v3;
	_ =	sdelay $0x3  }
0x170: {  	[tilespmem:v8+s22+$0x0] =	vst.idx.msk $0xffff, v6  }
0x171: {  	[tilespmem:$0x1FAA0] =	vst v8;
	v8 =	vor.u32 $0x50B, v2;
	v6 =	vld.idx.msk [tilespmem:v7+s16+$0x0], $0xffff;
	v7 =	vor.u32 $0x280C, v1  }
0x172: {  	[tilespmem:$0x1FAB0] =	vst v7;
	v7 =	vor.u32 v7, v3;
	_ =	sdelay $0x3  }
0x173: {  	[tilespmem:v8+s22+$0x0] =	vst.idx.msk $0xffff, v6  }
0x174: {  	[tilespmem:$0x1FAC0] =	vst v8;
	v8 =	vor.u32 $0x50C, v2;
	v6 =	vld.idx.msk [tilespmem:v7+s16+$0x0], $0xffff;
	v7 =	vor.u32 $0x280D, v1  }
0x175: {  	[tilespmem:$0x1FAD0] =	vst v7;
	v7 =	vor.u32 v7, v3;
	_ =	sdelay $0x3  }
0x176: {  	[tilespmem:v8+s22+$0x0] =	vst.idx.msk $0xffff, v6  }
0x177: {  	[tilespmem:$0x1FAE0] =	vst v8;
	v8 =	vor.u32 $0x50D, v2;
	v6 =	vld.idx.msk [tilespmem:v7+s16+$0x0], $0xffff;
	v7 =	vor.u32 $0x280E, v1  }
0x178: {  	[tilespmem:$0x1FAF0] =	vst v7;
	v7 =	vor.u32 v7, v3;
	_ =	sdelay $0x3  }
0x179: {  	[tilespmem:v8+s22+$0x0] =	vst.idx.msk $0xffff, v6  }
0x17a: {  	[tilespmem:$0x1FB00] =	vst v8;
	v8 =	vor.u32 $0x280F, v1;
	v6 =	vld.idx.msk [tilespmem:v7+s16+$0x0], $0xffff;
	v7 =	vor.u32 $0x50E, v2  }
0x17b: {  	v3 =	vor.u32 v8, v3;
	_ =	sdelay $0x3  }
0x17c: {  	[tilespmem:v7+s22+$0x0] =	vst.idx.msk $0xffff, v6  }
0x17d: {  	v0 =	vand.u32 $0x7F, v0;
	v6 =	vor.u32 $0x50F, v2;
	v3 =	vld.idx.msk [tilespmem:v3+s16+$0x0], $0xffff  }
0x17e: {  	v0 =	vor.u32 v11, v0;
	_ =	sdelay $0x3  }
0x17f: {  	[tilespmem:v6+s22+$0x0] =	vst.idx.msk $0xffff, v3;
	v3 =	vor.u32 $0x50, v9  }
0x180: {  	[tilespmem:$0x1FB40] =	vst v3;
	v0 =	vld.idx.msk [tilespmem:v0+s17+$0x0], $0xffff;
	v3 =	vor.u32 v3, v63;
	_ =	sdelay $0x4  }
0x181: {  	[tilespmem:v3+s23+$0x0] =	vst.idx.msk $0xffff, v0  }
0x182: {  	v3 =	vld [tilespmem:s1+$0x6860];
	_ =	sdelay $0x4  }
0x183: {  	v0 =	vshrl.u32 v3, $0x8  }
0x184: {  	v49 =	vor.u32 $0x3000, v1;
	[tilespmem:$0x1FB30] =	vst v6;
	v6 =	vand.u32 $0x70, v0  }
0x185: {  	[tilespmem:$0x1FB20] =	vst v7;
	v7 =	vor.u32 v49, v6;
	_ =	sdelay $0x4  }
0x186: {  	[tilespmem:$0x1FB10] =	vst v8;
	v8 =	vor.u32 $0x3001, v1;
	v0 =	vor.u32 $0x600, v2;
	v7 =	vld.idx.msk [tilespmem:v7+s16+$0x0], $0xffff  }
0x187: {  	[tilespmem:$0x1FB50] =	vst v8;
	v8 =	vor.u32 v8, v6;
	_ =	sdelay $0x3  }
0x188: {  	[tilespmem:v0+s22+$0x0] =	vst.idx.msk $0xffff, v7  }
0x189: {  	[tilespmem:$0x1FB60] =	vst v0;
	v0 =	vor.u32 $0x601, v2;
	v7 =	vld.idx.msk [tilespmem:v8+s16+$0x0], $0xffff;
	v8 =	vor.u32 $0x3002, v1  }
0x18a: {  	[tilespmem:$0x1FB70] =	vst v8;
	v8 =	vor.u32 v8, v6;
	_ =	sdelay $0x3  }
0x18b: {  	[tilespmem:v0+s22+$0x0] =	vst.idx.msk $0xffff, v7  }
0x18c: {  	[tilespmem:$0x1FB80] =	vst v0;
	v0 =	vor.u32 $0x602, v2;
	v7 =	vld.idx.msk [tilespmem:v8+s16+$0x0], $0xffff;
	v8 =	vor.u32 $0x3003, v1  }
0x18d: {  	[tilespmem:$0x1FB90] =	vst v8;
	v8 =	vor.u32 v8, v6;
	_ =	sdelay $0x3  }
0x18e: {  	[tilespmem:v0+s22+$0x0] =	vst.idx.msk $0xffff, v7  }
0x18f: {  	[tilespmem:$0x1FBA0] =	vst v0;
	v0 =	vor.u32 $0x603, v2;
	v7 =	vld.idx.msk [tilespmem:v8+s16+$0x0], $0xffff;
	v8 =	vor.u32 $0x3004, v1  }
0x190: {  	[tilespmem:$0x1FBB0] =	vst v8;
	v8 =	vor.u32 v8, v6;
	_ =	sdelay $0x3  }
0x191: {  	[tilespmem:v0+s22+$0x0] =	vst.idx.msk $0xffff, v7  }
0x192: {  	[tilespmem:$0x1FBC0] =	vst v0;
	v0 =	vor.u32 $0x604, v2;
	v7 =	vld.idx.msk [tilespmem:v8+s16+$0x0], $0xffff;
	v8 =	vor.u32 $0x3005, v1  }
0x193: {  	[tilespmem:$0x1FBD0] =	vst v8;
	v8 =	vor.u32 v8, v6;
	_ =	sdelay $0x3  }
0x194: {  	[tilespmem:v0+s22+$0x0] =	vst.idx.msk $0xffff, v7  }
0x195: {  	[tilespmem:$0x1FBE0] =	vst v0;
	v0 =	vor.u32 $0x605, v2;
	v7 =	vld.idx.msk [tilespmem:v8+s16+$0x0], $0xffff;
	v8 =	vor.u32 $0x3006, v1  }
0x196: {  	[tilespmem:$0x1FBF0] =	vst v8;
	v8 =	vor.u32 v8, v6;
	_ =	sdelay $0x3  }
0x197: {  	[tilespmem:v0+s22+$0x0] =	vst.idx.msk $0xffff, v7  }
0x198: {  	[tilespmem:$0x1FC00] =	vst v0;
	v0 =	vor.u32 $0x606, v2;
	v7 =	vld.idx.msk [tilespmem:v8+s16+$0x0], $0xffff;
	v8 =	vor.u32 $0x3007, v1  }
0x199: {  	[tilespmem:$0x1FC10] =	vst v8;
	v8 =	vor.u32 v8, v6;
	_ =	sdelay $0x3  }
0x19a: {  	[tilespmem:v0+s22+$0x0] =	vst.idx.msk $0xffff, v7  }
0x19b: {  	[tilespmem:$0x1FC20] =	vst v0;
	v0 =	vor.u32 $0x607, v2;
	v7 =	vld.idx.msk [tilespmem:v8+s16+$0x0], $0xffff;
	v8 =	vor.u32 $0x3008, v1  }
0x19c: {  	[tilespmem:$0x1FC30] =	vst v8;
	v8 =	vor.u32 v8, v6;
	_ =	sdelay $0x3  }
0x19d: {  	[tilespmem:v0+s22+$0x0] =	vst.idx.msk $0xffff, v7  }
0x19e: {  	[tilespmem:$0x1FC40] =	vst v0;
	v0 =	vor.u32 $0x608, v2;
	v7 =	vld.idx.msk [tilespmem:v8+s16+$0x0], $0xffff;
	v8 =	vor.u32 $0x3009, v1  }
0x19f: {  	[tilespmem:$0x1FC50] =	vst v8;
	v8 =	vor.u32 v8, v6;
	_ =	sdelay $0x3  }
0x1a0: {  	[tilespmem:v0+s22+$0x0] =	vst.idx.msk $0xffff, v7  }
0x1a1: {  	[tilespmem:$0x1FC60] =	vst v0;
	v0 =	vor.u32 $0x609, v2;
	v7 =	vld.idx.msk [tilespmem:v8+s16+$0x0], $0xffff;
	v8 =	vor.u32 $0x300A, v1  }
0x1a2: {  	[tilespmem:$0x1FC70] =	vst v8;
	v8 =	vor.u32 v8, v6;
	_ =	sdelay $0x3  }
0x1a3: {  	[tilespmem:v0+s22+$0x0] =	vst.idx.msk $0xffff, v7  }
0x1a4: {  	[tilespmem:$0x1FC80] =	vst v0;
	v0 =	vor.u32 $0x60A, v2;
	v7 =	vld.idx.msk [tilespmem:v8+s16+$0x0], $0xffff;
	v8 =	vor.u32 $0x300B, v1  }
0x1a5: {  	[tilespmem:$0x1FC90] =	vst v8;
	v8 =	vor.u32 v8, v6;
	_ =	sdelay $0x3  }
0x1a6: {  	[tilespmem:v0+s22+$0x0] =	vst.idx.msk $0xffff, v7  }
0x1a7: {  	[tilespmem:$0x1FCA0] =	vst v0;
	v0 =	vor.u32 $0x60B, v2;
	v7 =	vld.idx.msk [tilespmem:v8+s16+$0x0], $0xffff;
	v8 =	vor.u32 $0x300C, v1  }
0x1a8: {  	[tilespmem:$0x1FCB0] =	vst v8;
	v8 =	vor.u32 v8, v6;
	_ =	sdelay $0x3  }
0x1a9: {  	[tilespmem:v0+s22+$0x0] =	vst.idx.msk $0xffff, v7  }
0x1aa: {  	[tilespmem:$0x1FCC0] =	vst v0;
	v0 =	vor.u32 $0x60C, v2;
	v7 =	vld.idx.msk [tilespmem:v8+s16+$0x0], $0xffff;
	v8 =	vor.u32 $0x300D, v1  }
0x1ab: {  	[tilespmem:$0x1FCD0] =	vst v8;
	v8 =	vor.u32 v8, v6;
	_ =	sdelay $0x3  }
0x1ac: {  	[tilespmem:v0+s22+$0x0] =	vst.idx.msk $0xffff, v7  }
0x1ad: {  	[tilespmem:$0x1FCE0] =	vst v0;
	v0 =	vor.u32 $0x60D, v2;
	v7 =	vld.idx.msk [tilespmem:v8+s16+$0x0], $0xffff;
	v8 =	vor.u32 $0x300E, v1  }
0x1ae: {  	[tilespmem:$0x1FCF0] =	vst v8;
	v8 =	vor.u32 v8, v6;
	_ =	sdelay $0x3  }
0x1af: {  	[tilespmem:v0+s22+$0x0] =	vst.idx.msk $0xffff, v7  }
0x1b0: {  	[tilespmem:$0x1FD00] =	vst v0;
	v0 =	vor.u32 $0x60E, v2;
	v7 =	vld.idx.msk [tilespmem:v8+s16+$0x0], $0xffff;
	v8 =	vor.u32 $0x300F, v1  }
0x1b1: {  	v6 =	vor.u32 v8, v6;
	_ =	sdelay $0x3  }
0x1b2: {  	[tilespmem:v0+s22+$0x0] =	vst.idx.msk $0xffff, v7  }
0x1b3: {  	v3 =	vand.u32 $0x7F, v3;
	[tilespmem:$0x1FD20] =	vst v0;
	v0 =	vor.u32 $0x60F, v2;
	v6 =	vld.idx.msk [tilespmem:v6+s16+$0x0], $0xffff  }
0x1b4: {  	v3 =	vor.u32 v49, v3;
	_ =	sdelay $0x2  }
0x1b5: {  	[tilespmem:$0x1FD30] =	vst v0  }
0x1b6: {  	[tilespmem:v0+s22+$0x0] =	vst.idx.msk $0xffff, v6;
	v0 =	vor.u32 $0x60, v9  }
0x1b7: {  	v3 =	vld.idx.msk [tilespmem:v3+s17+$0x0], $0xffff;
	v6 =	vor.u32 v0, v63;
	_ =	sdelay $0x4  }
0x1b8: {  	[tilespmem:v6+s23+$0x0] =	vst.idx.msk $0xffff, v3  }
0x1b9: {  	[tilespmem:$0x1FD10] =	vst v8;
	v8 =	vld [tilespmem:s1+$0x6870];
	_ =	sdelay $0x4  }
0x1ba: {  	v3 =	vshrl.u32 v8, $0x8  }
0x1bb: {  	[tilespmem:$0x1F940] =	vst v11;
	v41 =	vor.u32 $0x3800, v1;
	v11 =	vand.u32 $0x70, v3  }
0x1bc: {  	v3 =	vor.u32 v41, v11;
	_ =	sdelay $0x4  }
0x1bd: {  	[tilespmem:$0x1FD40] =	vst v0;
	v0 =	vor.u32 $0x700, v2;
	v6 =	vor.u32 $0x3801, v1;
	v3 =	vld.idx.msk [tilespmem:v3+s16+$0x0], $0xffff  }
0x1be: {  	[tilespmem:$0x1FD50] =	vst v6;
	v6 =	vor.u32 v6, v11;
	_ =	sdelay $0x3  }
0x1bf: {  	[tilespmem:v0+s22+$0x0] =	vst.idx.msk $0xffff, v3  }
0x1c0: {  	[tilespmem:$0x1FD60] =	vst v0;
	v0 =	vor.u32 $0x701, v2;
	v3 =	vld.idx.msk [tilespmem:v6+s16+$0x0], $0xffff;
	v6 =	vor.u32 $0x3802, v1  }
0x1c1: {  	[tilespmem:$0x1FD70] =	vst v6;
	v6 =	vor.u32 v6, v11;
	_ =	sdelay $0x3  }
0x1c2: {  	[tilespmem:v0+s22+$0x0] =	vst.idx.msk $0xffff, v3  }
0x1c3: {  	[tilespmem:$0x1FD80] =	vst v0;
	v0 =	vor.u32 $0x702, v2;
	v3 =	vld.idx.msk [tilespmem:v6+s16+$0x0], $0xffff;
	v6 =	vor.u32 $0x3803, v1  }
0x1c4: {  	[tilespmem:$0x1FD90] =	vst v6;
	v6 =	vor.u32 v6, v11;
	_ =	sdelay $0x3  }
0x1c5: {  	[tilespmem:v0+s22+$0x0] =	vst.idx.msk $0xffff, v3  }
0x1c6: {  	[tilespmem:$0x1FDA0] =	vst v0;
	v0 =	vor.u32 $0x703, v2;
	v3 =	vld.idx.msk [tilespmem:v6+s16+$0x0], $0xffff;
	v6 =	vor.u32 $0x3804, v1  }
0x1c7: {  	[tilespmem:$0x1FDB0] =	vst v6;
	v6 =	vor.u32 v6, v11;
	_ =	sdelay $0x3  }
0x1c8: {  	[tilespmem:v0+s22+$0x0] =	vst.idx.msk $0xffff, v3  }
0x1c9: {  	[tilespmem:$0x1FDC0] =	vst v0;
	v0 =	vor.u32 $0x704, v2;
	v3 =	vld.idx.msk [tilespmem:v6+s16+$0x0], $0xffff;
	v6 =	vor.u32 $0x3805, v1  }
0x1ca: {  	[tilespmem:$0x1FDD0] =	vst v6;
	v6 =	vor.u32 v6, v11;
	_ =	sdelay $0x3  }
0x1cb: {  	[tilespmem:v0+s22+$0x0] =	vst.idx.msk $0xffff, v3  }
0x1cc: {  	[tilespmem:$0x1FDE0] =	vst v0;
	v0 =	vor.u32 $0x705, v2;
	v3 =	vld.idx.msk [tilespmem:v6+s16+$0x0], $0xffff;
	v6 =	vor.u32 $0x3806, v1  }
0x1cd: {  	[tilespmem:$0x1FDF0] =	vst v6;
	v6 =	vor.u32 v6, v11;
	_ =	sdelay $0x3  }
0x1ce: {  	[tilespmem:v0+s22+$0x0] =	vst.idx.msk $0xffff, v3  }
0x1cf: {  	[tilespmem:$0x1FE00] =	vst v0;
	v0 =	vor.u32 $0x706, v2;
	v3 =	vld.idx.msk [tilespmem:v6+s16+$0x0], $0xffff;
	v6 =	vor.u32 $0x3807, v1  }
0x1d0: {  	[tilespmem:$0x1FE10] =	vst v6;
	v6 =	vor.u32 v6, v11;
	_ =	sdelay $0x3  }
0x1d1: {  	[tilespmem:v0+s22+$0x0] =	vst.idx.msk $0xffff, v3  }
0x1d2: {  	[tilespmem:$0x1FE20] =	vst v0;
	v0 =	vor.u32 $0x707, v2;
	v3 =	vld.idx.msk [tilespmem:v6+s16+$0x0], $0xffff;
	v6 =	vor.u32 $0x3808, v1  }
0x1d3: {  	[tilespmem:$0x1FE30] =	vst v6;
	v6 =	vor.u32 v6, v11;
	_ =	sdelay $0x3  }
0x1d4: {  	[tilespmem:v0+s22+$0x0] =	vst.idx.msk $0xffff, v3  }
0x1d5: {  	[tilespmem:$0x1FE40] =	vst v0;
	v0 =	vor.u32 $0x708, v2;
	v3 =	vld.idx.msk [tilespmem:v6+s16+$0x0], $0xffff;
	v6 =	vor.u32 $0x3809, v1  }
0x1d6: {  	[tilespmem:$0x1FE50] =	vst v6;
	v6 =	vor.u32 v6, v11;
	_ =	sdelay $0x3  }
0x1d7: {  	[tilespmem:v0+s22+$0x0] =	vst.idx.msk $0xffff, v3  }
0x1d8: {  	[tilespmem:$0x1FE60] =	vst v0;
	v0 =	vor.u32 $0x709, v2;
	v3 =	vld.idx.msk [tilespmem:v6+s16+$0x0], $0xffff;
	v6 =	vor.u32 $0x380A, v1  }
0x1d9: {  	[tilespmem:$0x1FE70] =	vst v6;
	v6 =	vor.u32 v6, v11;
	_ =	sdelay $0x3  }
0x1da: {  	[tilespmem:v0+s22+$0x0] =	vst.idx.msk $0xffff, v3  }
0x1db: {  	[tilespmem:$0x1FE80] =	vst v0;
	v0 =	vor.u32 $0x70A, v2;
	v3 =	vld.idx.msk [tilespmem:v6+s16+$0x0], $0xffff;
	v6 =	vor.u32 $0x380B, v1  }
0x1dc: {  	[tilespmem:$0x1FE90] =	vst v6;
	v6 =	vor.u32 v6, v11;
	_ =	sdelay $0x3  }
0x1dd: {  	[tilespmem:v0+s22+$0x0] =	vst.idx.msk $0xffff, v3  }
0x1de: {  	[tilespmem:$0x1FEA0] =	vst v0;
	v0 =	vor.u32 $0x70B, v2;
	v3 =	vld.idx.msk [tilespmem:v6+s16+$0x0], $0xffff;
	v6 =	vor.u32 $0x380C, v1  }
0x1df: {  	[tilespmem:$0x1FEB0] =	vst v6;
	v6 =	vor.u32 v6, v11;
	_ =	sdelay $0x3  }
0x1e0: {  	[tilespmem:v0+s22+$0x0] =	vst.idx.msk $0xffff, v3  }
0x1e1: {  	[tilespmem:$0x1FEC0] =	vst v0;
	v0 =	vor.u32 $0x70C, v2;
	v3 =	vld.idx.msk [tilespmem:v6+s16+$0x0], $0xffff;
	v6 =	vor.u32 $0x380D, v1  }
0x1e2: {  	[tilespmem:$0x1FED0] =	vst v6;
	v6 =	vor.u32 v6, v11;
	_ =	sdelay $0x3  }
0x1e3: {  	[tilespmem:v0+s22+$0x0] =	vst.idx.msk $0xffff, v3  }
0x1e4: {  	v7 =	vor.u32 $0x380E, v1;
	[tilespmem:$0x1FEE0] =	vst v0;
	v0 =	vor.u32 $0x70D, v2;
	v3 =	vld.idx.msk [tilespmem:v6+s16+$0x0], $0xffff  }
0x1e5: {  	v6 =	vor.u32 v7, v11;
	_ =	sdelay $0x3  }
0x1e6: {  	[tilespmem:v0+s22+$0x0] =	vst.idx.msk $0xffff, v3  }
0x1e7: {  	[tilespmem:$0x1FEF0] =	vst v0;
	v0 =	vor.u32 $0x70E, v2;
	v3 =	vor.u32 $0x380F, v1;
	v59 =	vld.idx.msk [tilespmem:v6+s16+$0x0], $0xffff  }
0x1e8: {  	v11 =	vor.u32 v3, v11;
	_ =	sdelay $0x3  }
0x1e9: {  	[tilespmem:v0+s22+$0x0] =	vst.idx.msk $0xffff, v59  }
0x1ea: {  	v8 =	vand.u32 $0x7F, v8;
	v59 =	vld.idx.msk [tilespmem:v11+s16+$0x0], $0xffff;
	v11 =	vor.u32 $0x70F, v2  }
0x1eb: {  	v8 =	vor.u32 v41, v8;
	_ =	sdelay $0x3  }
0x1ec: {  	[tilespmem:v11+s22+$0x0] =	vst.idx.msk $0xffff, v59;
	v59 =	vor.u32 $0x70, v9  }
0x1ed: {  	v8 =	vld.idx.msk [tilespmem:v8+s17+$0x0], $0xffff;
	v63 =	vor.u32 v59, v63;
	_ =	sdelay $0x2  }
0x1ee: {  	[tilespmem:$0x1FF10] =	vst v0  }
0x1ef: {  	[tilespmem:$0x1FF00] =	vst v3  }
0x1f0: {  	[tilespmem:v63+s23+$0x0] =	vst.idx.msk $0xffff, v8  }
0x1f1: {  	[hbm4b:s29+s2] =	stream.linear.scatter [tilespmem:s22], [sflag:$0x5], $0x800, $0x38;
	[tilespmem:$0x1D800] =	vst v63  }
0x1f2: {  	p0 =	seq.s32 s31, $0x3300;
	_ =	swait.ge [sflag:s12], $0x800  }
0x1f3: {  	s6 =	simm.s32 @!p0 $0x9C00;
	s0 =	sshra.s32 @!p0 s30, $0x2;
	[sflag:s12] =	ssyncset.done $0x0  }
0x1f4: {  	s14 =	sadd.s32 @!p0 $0x100, s0;
	s5 =	simm.s32 @!p0 $0x80;
	[sflag:s12] =	ssyncadd.s32 $0xFFFFF800  }
0x1f5: {  	[tilespmem:s6], [sflag:$0x1] =	stream.indirect.gather @!p0 [hbm4b:s3+s5], $0x80, s14, s5, $0xb8;
	[tilespmem:$0x1D800] =	vst v63  }
0x1f6: {  	s0 =	sadd.s32 @!p0 $0x3500, s0;
	s6 =	simm.s32 @!p0 $0x11C00  }
0x1f7: {  	[tilespmem:s6], [sflag:$0x3] =	stream.indirect.gather @!p0 [hbm4b:s4+s5], $0x80, s0, s5, $0xb8;
	[tilespmem:$0x1D800] =	vst v63  }
0x1f8: {  	_ =	swait.ge [sflag:s24], $0x4000  }
0x1f9: {  	[sflag:s24] =	ssyncset.done $0x0  }
0x1fa: {  	[sflag:s24] =	ssyncadd.s32 $0xFFFFC000  }
0x1fb: {  	_ =	swait.ge [sflag:s25], $0x4000  }
0x1fc: {  	[sflag:s25] =	ssyncset.done $0x0  }
0x1fd: {  	[sflag:s25] =	ssyncadd.s32 $0xFFFFC000  }
0x1fe: {  	v8 =	vld [tilespmem:s1+$0x6880];
	_ =	sdelay $0x4  }
0x1ff: {  	v63 =	vshrl.u32 v8, $0x8  }
0x200: {  	v63 =	vand.u32 $0x70, v63  }
0x201: {  	v6 =	vmov v60;
	v60 =	vor.u32 v1, v63;
	_ =	sdelay $0x2  }
0x202: {  	v3 =	vmovc v61;
	v61 =	vmov v62;
	v0 =	vmov v12;
	v12 =	vmov v10  }
0x203: {  	v10 =	vmovc v14;
	v14 =	vmovc v13;
	v13 =	vmov v17;
	v17 =	vmov v16;
	v16 =	vmov v19  }
0x204: {  	v19 =	vmovc v18;
	v18 =	vmovc v21;
	v21 =	vmov v20;
	v20 =	vmov v23;
	v23 =	vmov v22;
	v60 =	vld.idx.msk [tilespmem:v60+s18+$0x0], $0xffff  }
0x205: {  	v22 =	vmovc v25;
	v25 =	vmovc v24;
	v24 =	vmov v27;
	v27 =	vmov v26;
	v62 =	vor.u32 v62, v63  }
0x206: {  	v26 =	vmovc v29;
	v29 =	vmovc v28;
	v28 =	vmov v31;
	v31 =	vmov v30;
	v30 =	vmov v33  }
0x207: {  	v33 =	vmovc v32;
	v32 =	vmovc v35;
	v35 =	vmov v34;
	v34 =	vmov v38;
	v38 =	vmov v37  }
0x208: {  	v37 =	vmovc v36;
	v36 =	vmovc v42;
	v42 =	vmov v40;
	v40 =	vmov v39;
	v39 =	vmov v45  }
0x209: {  	v45 =	vmovc v44;
	v44 =	vmovc v43;
	v43 =	vmov v46;
	v46 =	vmov v48;
	v48 =	vmov v47;
	[tilespmem:v2+s22+$0x0] =	vst.idx.msk $0xffff, v60  }
0x20a: {  	v47 =	vmovc v51;
	v51 =	vmovc v50;
	v50 =	vmov v53;
	v53 =	vmov v52;
	v52 =	vmov v55;
	v60 =	vld.idx.msk [tilespmem:v62+s18+$0x0], $0xffff  }
0x20b: {  	v55 =	vmovc v54;
	v54 =	vmovc v57;
	v57 =	vmov v58;
	v58 =	vmov v56;
	v62 =	vor.u32 v56, v63;
	v56 =	vld [tilespmem:$0x1FF70];
	_ =	sdelay $0x7  }
0x20c: {  	[tilespmem:v56+s22+$0x0] =	vst.idx.msk $0xffff, v60  }
0x20d: {  	v56 =	vmov v58;
	v58 =	vmov v57;
	v57 =	vmov v54;
	v60 =	vld.idx.msk [tilespmem:v62+s18+$0x0], $0xffff  }
0x20e: {  	v62 =	vor.u32 v57, v63;
	_ =	sdelay $0x3  }
0x20f: {  	[tilespmem:v58+s22+$0x0] =	vst.idx.msk $0xffff, v60  }
0x210: {  	v54 =	vmov v55;
	v55 =	vmov v52;
	v60 =	vld.idx.msk [tilespmem:v62+s18+$0x0], $0xffff  }
0x211: {  	v62 =	vor.u32 v55, v63;
	_ =	sdelay $0x3  }
0x212: {  	[tilespmem:v54+s22+$0x0] =	vst.idx.msk $0xffff, v60  }
0x213: {  	v52 =	vmov v53;
	v53 =	vmov v50;
	v60 =	vld.idx.msk [tilespmem:v62+s18+$0x0], $0xffff  }
0x214: {  	v62 =	vor.u32 v53, v63;
	_ =	sdelay $0x3  }
0x215: {  	[tilespmem:v52+s22+$0x0] =	vst.idx.msk $0xffff, v60  }
0x216: {  	v50 =	vmov v51;
	v51 =	vmov v47;
	v60 =	vld.idx.msk [tilespmem:v62+s18+$0x0], $0xffff  }
0x217: {  	v62 =	vor.u32 v51, v63;
	_ =	sdelay $0x3  }
0x218: {  	[tilespmem:v50+s22+$0x0] =	vst.idx.msk $0xffff, v60  }
0x219: {  	v47 =	vmov v48;
	v48 =	vmov v46;
	v60 =	vld.idx.msk [tilespmem:v62+s18+$0x0], $0xffff  }
0x21a: {  	v62 =	vor.u32 v48, v63;
	_ =	sdelay $0x3  }
0x21b: {  	[tilespmem:v47+s22+$0x0] =	vst.idx.msk $0xffff, v60  }
0x21c: {  	v46 =	vmov v43;
	v43 =	vmov v44;
	v60 =	vld.idx.msk [tilespmem:v62+s18+$0x0], $0xffff  }
0x21d: {  	v62 =	vor.u32 v43, v63;
	_ =	sdelay $0x3  }
0x21e: {  	[tilespmem:v46+s22+$0x0] =	vst.idx.msk $0xffff, v60  }
0x21f: {  	v44 =	vmov v45;
	v45 =	vmov v39;
	v60 =	vld.idx.msk [tilespmem:v62+s18+$0x0], $0xffff  }
0x220: {  	v62 =	vor.u32 v45, v63;
	_ =	sdelay $0x3  }
0x221: {  	[tilespmem:v44+s22+$0x0] =	vst.idx.msk $0xffff, v60  }
0x222: {  	v39 =	vmov v40;
	v40 =	vmov v42;
	v60 =	vld.idx.msk [tilespmem:v62+s18+$0x0], $0xffff  }
0x223: {  	v62 =	vor.u32 v40, v63;
	_ =	sdelay $0x3  }
0x224: {  	[tilespmem:v39+s22+$0x0] =	vst.idx.msk $0xffff, v60  }
0x225: {  	v42 =	vmov v36;
	v36 =	vmov v37;
	v60 =	vld.idx.msk [tilespmem:v62+s18+$0x0], $0xffff  }
0x226: {  	v62 =	vor.u32 v36, v63;
	_ =	sdelay $0x3  }
0x227: {  	[tilespmem:v42+s22+$0x0] =	vst.idx.msk $0xffff, v60  }
0x228: {  	v37 =	vmov v38;
	v38 =	vmov v34;
	v60 =	vld.idx.msk [tilespmem:v62+s18+$0x0], $0xffff  }
0x229: {  	v62 =	vor.u32 v38, v63;
	_ =	sdelay $0x3  }
0x22a: {  	[tilespmem:v37+s22+$0x0] =	vst.idx.msk $0xffff, v60  }
0x22b: {  	v34 =	vmov v35;
	v35 =	vmov v32;
	v60 =	vld.idx.msk [tilespmem:v62+s18+$0x0], $0xffff  }
0x22c: {  	v62 =	vor.u32 v35, v63;
	_ =	sdelay $0x3  }
0x22d: {  	[tilespmem:v34+s22+$0x0] =	vst.idx.msk $0xffff, v60  }
0x22e: {  	v32 =	vmov v33;
	v33 =	vmov v30;
	v60 =	vld.idx.msk [tilespmem:v62+s18+$0x0], $0xffff  }
0x22f: {  	v62 =	vor.u32 v33, v63;
	_ =	sdelay $0x3  }
0x230: {  	[tilespmem:v32+s22+$0x0] =	vst.idx.msk $0xffff, v60  }
0x231: {  	v30 =	vmov v31;
	v31 =	vmov v28;
	v60 =	vld.idx.msk [tilespmem:v62+s18+$0x0], $0xffff  }
0x232: {  	v28 =	vmovc v29;
	v29 =	vmov v26;
	v26 =	vmov v27;
	v62 =	vor.u32 v31, v63  }
0x233: {  	v27 =	vmovc v24;
	v24 =	vmovc v25;
	v25 =	vmov v22;
	v22 =	vmov v23;
	v23 =	vmov v20  }
0x234: {  	v20 =	vmovc v21;
	v21 =	vmovc v18;
	v18 =	vmov v19;
	v19 =	vmov v16;
	v16 =	vmov v17  }
0x235: {  	v17 =	vmovc v13;
	v13 =	vmovc v14;
	v14 =	vmov v10;
	v10 =	vmov v12;
	v12 =	vmov v0;
	v0 =	vld [tilespmem:$0x1FFF0]  }
0x236: {  	[tilespmem:v30+s22+$0x0] =	vst.idx.msk $0xffff, v60  }
0x237: {  	s6 =	sadd.s32 $0x80, s31;
	v8 =	vand.u32 $0x7F, v8;
	v60 =	vld.idx.msk [tilespmem:v62+s18+$0x0], $0xffff  }
0x238: {  	v8 =	vor.u32 v1, v8;
	v62 =	vmov s6  }
0x239: {  	v62 =	vshrl.u32 v62, $0x7  }
0x23a: {  	v62 =	vshll.u32 v62, v0  }
0x23b: {  	v62 =	vbroadcast v62, $0x0  }
0x23c: {  	[tilespmem:v28+s22+$0x0] =	vst.idx.msk $0xffff, v60  }
0x23d: {  	v60 =	vor.u32 v9, v62;
	v8 =	vld.idx.msk [tilespmem:v8+s19+$0x0], $0xffff;
	_ =	sdelay $0x4  }
0x23e: {  	[tilespmem:v60+s23+$0x0] =	vst.idx.msk $0xffff, v8  }
0x23f: {  	v8 =	vld [tilespmem:s1+$0x6890];
	_ =	sdelay $0x1  }
0x240: {  	v9 =	vld [tilespmem:$0x1FF80];
	_ =	sdelay $0x2  }
0x241: {  	v60 =	vshrl.u32 v8, $0x8  }
0x242: {  	v60 =	vand.u32 $0x70, v60  }
0x243: {  	v62 =	vor.u32 v9, v60;
	_ =	sdelay $0x4  }
0x244: {  	v62 =	vld.idx.msk [tilespmem:v62+s18+$0x0], $0xffff  }
0x245: {  	v63 =	vor.u32 v26, v60;
	_ =	sdelay $0x3  }
0x246: {  	[tilespmem:v29+s22+$0x0] =	vst.idx.msk $0xffff, v62  }
0x247: {  	v62 =	vld.idx.msk [tilespmem:v63+s18+$0x0], $0xffff  }
0x248: {  	v63 =	vor.u32 v24, v60;
	_ =	sdelay $0x3  }
0x249: {  	[tilespmem:v27+s22+$0x0] =	vst.idx.msk $0xffff, v62  }
0x24a: {  	v62 =	vld.idx.msk [tilespmem:v63+s18+$0x0], $0xffff  }
0x24b: {  	v63 =	vor.u32 v22, v60;
	_ =	sdelay $0x3  }
0x24c: {  	[tilespmem:v25+s22+$0x0] =	vst.idx.msk $0xffff, v62  }
0x24d: {  	v62 =	vld.idx.msk [tilespmem:v63+s18+$0x0], $0xffff  }
0x24e: {  	v63 =	vor.u32 v20, v60;
	_ =	sdelay $0x3  }
0x24f: {  	[tilespmem:v23+s22+$0x0] =	vst.idx.msk $0xffff, v62  }
0x250: {  	v62 =	vld.idx.msk [tilespmem:v63+s18+$0x0], $0xffff  }
0x251: {  	v63 =	vor.u32 v18, v60;
	_ =	sdelay $0x3  }
0x252: {  	[tilespmem:v21+s22+$0x0] =	vst.idx.msk $0xffff, v62  }
0x253: {  	v62 =	vld.idx.msk [tilespmem:v63+s18+$0x0], $0xffff  }
0x254: {  	v63 =	vor.u32 v16, v60;
	_ =	sdelay $0x3  }
0x255: {  	[tilespmem:v19+s22+$0x0] =	vst.idx.msk $0xffff, v62  }
0x256: {  	v62 =	vld.idx.msk [tilespmem:v63+s18+$0x0], $0xffff  }
0x257: {  	v63 =	vor.u32 v13, v60;
	_ =	sdelay $0x3  }
0x258: {  	[tilespmem:v17+s22+$0x0] =	vst.idx.msk $0xffff, v62  }
0x259: {  	v62 =	vld.idx.msk [tilespmem:v63+s18+$0x0], $0xffff  }
0x25a: {  	v63 =	vor.u32 v10, v60  }
0x25b: {  	v0 =	vld [tilespmem:$0x1FF90];
	_ =	sdelay $0x2  }
0x25c: {  	[tilespmem:v14+s22+$0x0] =	vst.idx.msk $0xffff, v62  }
0x25d: {  	v62 =	vld.idx.msk [tilespmem:v63+s18+$0x0], $0xffff  }
0x25e: {  	v63 =	vor.u32 v0, v60  }
0x25f: {  	v0 =	vld [tilespmem:$0x1FFB0];
	_ =	sdelay $0x2  }
0x260: {  	[tilespmem:v12+s22+$0x0] =	vst.idx.msk $0xffff, v62  }
0x261: {  	v62 =	vld.idx.msk [tilespmem:v63+s18+$0x0], $0xffff  }
0x262: {  	v63 =	vor.u32 v0, v60;
	v0 =	vld [tilespmem:$0x1FFA0];
	_ =	sdelay $0x7  }
0x263: {  	[tilespmem:v0+s22+$0x0] =	vst.idx.msk $0xffff, v62;
	v0 =	vld [tilespmem:$0x1FFD0];
	_ =	sdelay $0x3  }
0x264: {  	v62 =	vld.idx.msk [tilespmem:v63+s18+$0x0], $0xffff  }
0x265: {  	v63 =	vor.u32 v0, v60;
	v0 =	vld [tilespmem:$0x1FFC0];
	_ =	sdelay $0x7  }
0x266: {  	[tilespmem:v0+s22+$0x0] =	vst.idx.msk $0xffff, v62;
	v0 =	vld [tilespmem:$0x1FFE0];
	_ =	sdelay $0x2  }
0x267: {  	v62 =	vld.idx.msk [tilespmem:v63+s18+$0x0], $0xffff;
	_ =	sdelay $0x3  }
0x268: {  	v63 =	vor.u32 v6, v60  }
0x269: {  	[tilespmem:v0+s22+$0x0] =	vst.idx.msk $0xffff, v62;
	v0 =	vld [tilespmem:$0x1FF20];
	_ =	sdelay $0x3  }
0x26a: {  	v62 =	vld.idx.msk [tilespmem:v63+s18+$0x0], $0xffff  }
0x26b: {  	v63 =	vor.u32 v0, v60  }
0x26c: {  	v0 =	vld [tilespmem:$0x1FF40];
	_ =	sdelay $0x2  }
0x26d: {  	[tilespmem:v3+s22+$0x0] =	vst.idx.msk $0xffff, v62  }
0x26e: {  	v62 =	vld.idx.msk [tilespmem:v63+s18+$0x0], $0xffff  }
0x26f: {  	v63 =	vor.u32 v0, v60;
	v0 =	vld [tilespmem:$0x1FF30];
	_ =	sdelay $0x7  }
0x270: {  	[tilespmem:v0+s22+$0x0] =	vst.idx.msk $0xffff, v62;
	v0 =	vld [tilespmem:$0x1FF60];
	_ =	sdelay $0x4  }
0x271: {  	v60 =	vor.u32 v0, v60;
	v0 =	vld [tilespmem:$0x1FF50];
	_ =	sdelay $0x2  }
0x272: {  	v62 =	vld.idx.msk [tilespmem:v63+s18+$0x0], $0xffff;
	_ =	sdelay $0x4  }
0x273: {  	[tilespmem:v0+s22+$0x0] =	vst.idx.msk $0xffff, v62;
	v0 =	vld [tilespmem:$0x1FFF0];
	_ =	sdelay $0x1  }
0x274: {  	s14 =	sadd.s32 $0x90, s31  }
0x275: {  	v62 =	vmov s14  }
0x276: {  	v62 =	vshrl.u32 v62, $0x7  }
0x277: {  	v62 =	vshll.u32 v62, v0;
	v0 =	vld [tilespmem:$0x1F320];
	_ =	sdelay $0x2  }
0x278: {  	v60 =	vld.idx.msk [tilespmem:v60+s18+$0x0], $0xffff;
	_ =	sdelay $0x3  }
0x279: {  	v8 =	vand.u32 $0x7F, v8  }
0x27a: {  	v8 =	vor.u32 v9, v8;
	[tilespmem:v0+s22+$0x0] =	vst.idx.msk $0xffff, v60;
	v0 =	vld [tilespmem:$0x1F330];
	_ =	sdelay $0x2  }
0x27b: {  	v62 =	vbroadcast v62, $0x0;
	_ =	sdelay $0x1  }
0x27c: {  	v8 =	vld.idx.msk [tilespmem:v8+s19+$0x0], $0xffff;
	v60 =	vor.u32 v0, v62;
	_ =	sdelay $0x4  }
0x27d: {  	[tilespmem:v60+s23+$0x0] =	vst.idx.msk $0xffff, v8  }
0x27e: {  	v8 =	vld [tilespmem:s1+$0x68A0];
	_ =	sdelay $0x3  }
0x27f: {  	v0 =	vld [tilespmem:$0x1F340]  }
0x280: {  	v60 =	vshrl.u32 v8, $0x8  }
0x281: {  	v60 =	vand.u32 $0x70, v60  }
0x282: {  	v62 =	vor.u32 v4, v60;
	_ =	sdelay $0x1  }
0x283: {  	v63 =	vor.u32 v0, v60;
	v0 =	vld [tilespmem:$0x1F350];
	_ =	sdelay $0x2  }
0x284: {  	v62 =	vld.idx.msk [tilespmem:v62+s18+$0x0], $0xffff;
	_ =	sdelay $0x4  }
0x285: {  	[tilespmem:v0+s22+$0x0] =	vst.idx.msk $0xffff, v62;
	v0 =	vld [tilespmem:$0x1F360];
	_ =	sdelay $0x3  }
0x286: {  	v62 =	vld.idx.msk [tilespmem:v63+s18+$0x0], $0xffff  }
0x287: {  	v63 =	vor.u32 v0, v60;
	v0 =	vld [tilespmem:$0x1F370];
	_ =	sdelay $0x7  }
0x288: {  	[tilespmem:v0+s22+$0x0] =	vst.idx.msk $0xffff, v62;
	v0 =	vld [tilespmem:$0x1F380];
	_ =	sdelay $0x3  }
0x289: {  	v62 =	vld.idx.msk [tilespmem:v63+s18+$0x0], $0xffff  }
0x28a: {  	v63 =	vor.u32 v0, v60;
	v0 =	vld [tilespmem:$0x1F390];
	_ =	sdelay $0x7  }
0x28b: {  	[tilespmem:v0+s22+$0x0] =	vst.idx.msk $0xffff, v62;
	v0 =	vld [tilespmem:$0x1F3A0];
	_ =	sdelay $0x3  }
0x28c: {  	v62 =	vld.idx.msk [tilespmem:v63+s18+$0x0], $0xffff  }
0x28d: {  	v63 =	vor.u32 v0, v60;
	v0 =	vld [tilespmem:$0x1F3B0];
	_ =	sdelay $0x7  }
0x28e: {  	[tilespmem:v0+s22+$0x0] =	vst.idx.msk $0xffff, v62;
	v0 =	vld [tilespmem:$0x1F3C0];
	_ =	sdelay $0x3  }
0x28f: {  	v62 =	vld.idx.msk [tilespmem:v63+s18+$0x0], $0xffff  }
0x290: {  	v63 =	vor.u32 v0, v60;
	v0 =	vld [tilespmem:$0x1F3D0];
	_ =	sdelay $0x7  }
0x291: {  	[tilespmem:v0+s22+$0x0] =	vst.idx.msk $0xffff, v62;
	v0 =	vld [tilespmem:$0x1F3E0];
	_ =	sdelay $0x3  }
0x292: {  	v62 =	vld.idx.msk [tilespmem:v63+s18+$0x0], $0xffff  }
0x293: {  	v63 =	vor.u32 v0, v60;
	v0 =	vld [tilespmem:$0x1F3F0];
	_ =	sdelay $0x7  }
0x294: {  	[tilespmem:v0+s22+$0x0] =	vst.idx.msk $0xffff, v62;
	v0 =	vld [tilespmem:$0x1F400];
	_ =	sdelay $0x3  }
0x295: {  	v62 =	vld.idx.msk [tilespmem:v63+s18+$0x0], $0xffff  }
0x296: {  	v63 =	vor.u32 v0, v60;
	v0 =	vld [tilespmem:$0x1F410];
	_ =	sdelay $0x7  }
0x297: {  	[tilespmem:v0+s22+$0x0] =	vst.idx.msk $0xffff, v62;
	v0 =	vld [tilespmem:$0x1F420];
	_ =	sdelay $0x3  }
0x298: {  	v62 =	vld.idx.msk [tilespmem:v63+s18+$0x0], $0xffff  }
0x299: {  	v63 =	vor.u32 v0, v60;
	v0 =	vld [tilespmem:$0x1F430];
	_ =	sdelay $0x7  }
0x29a: {  	[tilespmem:v0+s22+$0x0] =	vst.idx.msk $0xffff, v62;
	v0 =	vld [tilespmem:$0x1F440];
	_ =	sdelay $0x3  }
0x29b: {  	v62 =	vld.idx.msk [tilespmem:v63+s18+$0x0], $0xffff  }
0x29c: {  	v63 =	vor.u32 v0, v60;
	v0 =	vld [tilespmem:$0x1F450];
	_ =	sdelay $0x7  }
0x29d: {  	[tilespmem:v0+s22+$0x0] =	vst.idx.msk $0xffff, v62;
	v0 =	vld [tilespmem:$0x1F460];
	_ =	sdelay $0x3  }
0x29e: {  	v62 =	vld.idx.msk [tilespmem:v63+s18+$0x0], $0xffff  }
0x29f: {  	v63 =	vor.u32 v0, v60;
	v0 =	vld [tilespmem:$0x1F470];
	_ =	sdelay $0x7  }
0x2a0: {  	[tilespmem:v0+s22+$0x0] =	vst.idx.msk $0xffff, v62;
	v0 =	vld [tilespmem:$0x1F480];
	_ =	sdelay $0x3  }
0x2a1: {  	v62 =	vld.idx.msk [tilespmem:v63+s18+$0x0], $0xffff  }
0x2a2: {  	v63 =	vor.u32 v0, v60;
	v0 =	vld [tilespmem:$0x1F490];
	_ =	sdelay $0x7  }
0x2a3: {  	[tilespmem:v0+s22+$0x0] =	vst.idx.msk $0xffff, v62;
	v0 =	vld [tilespmem:$0x1F4A0];
	_ =	sdelay $0x3  }
0x2a4: {  	v62 =	vld.idx.msk [tilespmem:v63+s18+$0x0], $0xffff  }
0x2a5: {  	v63 =	vor.u32 v0, v60;
	v0 =	vld [tilespmem:$0x1F4B0];
	_ =	sdelay $0x7  }
0x2a6: {  	[tilespmem:v0+s22+$0x0] =	vst.idx.msk $0xffff, v62;
	v0 =	vld [tilespmem:$0x1F4C0];
	_ =	sdelay $0x3  }
0x2a7: {  	v62 =	vld.idx.msk [tilespmem:v63+s18+$0x0], $0xffff  }
0x2a8: {  	v63 =	vor.u32 v0, v60;
	v0 =	vld [tilespmem:$0x1F4D0];
	_ =	sdelay $0x7  }
0x2a9: {  	[tilespmem:v0+s22+$0x0] =	vst.idx.msk $0xffff, v62;
	v0 =	vld [tilespmem:$0x1F4E0];
	_ =	sdelay $0x3  }
0x2aa: {  	v62 =	vld.idx.msk [tilespmem:v63+s18+$0x0], $0xffff  }
0x2ab: {  	v63 =	vor.u32 v0, v60;
	v0 =	vld [tilespmem:$0x1F4F0];
	_ =	sdelay $0x7  }
0x2ac: {  	[tilespmem:v0+s22+$0x0] =	vst.idx.msk $0xffff, v62;
	v0 =	vld [tilespmem:$0x1F500];
	_ =	sdelay $0x4  }
0x2ad: {  	v60 =	vor.u32 v0, v60;
	v0 =	vld [tilespmem:$0x1F510];
	_ =	sdelay $0x2  }
0x2ae: {  	v62 =	vld.idx.msk [tilespmem:v63+s18+$0x0], $0xffff;
	_ =	sdelay $0x4  }
0x2af: {  	[tilespmem:v0+s22+$0x0] =	vst.idx.msk $0xffff, v62;
	v0 =	vld [tilespmem:$0x1FFF0];
	_ =	sdelay $0x1  }
0x2b0: {  	s5 =	sadd.s32 $0xA0, s31;
	v8 =	vand.u32 $0x7F, v8  }
0x2b1: {  	v4 =	vor.u32 v4, v8;
	v8 =	vmov s5  }
0x2b2: {  	v8 =	vshrl.u32 v8, $0x7  }
0x2b3: {  	v8 =	vshll.u32 v8, v0;
	v0 =	vld [tilespmem:$0x1F520];
	_ =	sdelay $0x2  }
0x2b4: {  	v60 =	vld.idx.msk [tilespmem:v60+s18+$0x0], $0xffff;
	_ =	sdelay $0x4  }
0x2b5: {  	[tilespmem:v0+s22+$0x0] =	vst.idx.msk $0xffff, v60;
	v0 =	vld [tilespmem:$0x1F530];
	_ =	sdelay $0x2  }
0x2b6: {  	v8 =	vbroadcast v8, $0x0;
	_ =	sdelay $0x1  }
0x2b7: {  	v4 =	vld.idx.msk [tilespmem:v4+s19+$0x0], $0xffff;
	v8 =	vor.u32 v0, v8;
	_ =	sdelay $0x4  }
0x2b8: {  	[tilespmem:v8+s23+$0x0] =	vst.idx.msk $0xffff, v4  }
0x2b9: {  	v4 =	vld [tilespmem:s1+$0x68B0];
	_ =	sdelay $0x3  }
0x2ba: {  	v0 =	vld [tilespmem:$0x1F540]  }
0x2bb: {  	v8 =	vshrl.u32 v4, $0x8  }
0x2bc: {  	v8 =	vand.u32 $0x70, v8  }
0x2bd: {  	v60 =	vor.u32 v5, v8;
	_ =	sdelay $0x1  }
0x2be: {  	v62 =	vor.u32 v0, v8;
	v0 =	vld [tilespmem:$0x1F550];
	_ =	sdelay $0x2  }
0x2bf: {  	v60 =	vld.idx.msk [tilespmem:v60+s18+$0x0], $0xffff;
	_ =	sdelay $0x4  }
0x2c0: {  	[tilespmem:v0+s22+$0x0] =	vst.idx.msk $0xffff, v60;
	v0 =	vld [tilespmem:$0x1F560];
	_ =	sdelay $0x3  }
0x2c1: {  	v60 =	vld.idx.msk [tilespmem:v62+s18+$0x0], $0xffff  }
0x2c2: {  	v62 =	vor.u32 v0, v8;
	v0 =	vld [tilespmem:$0x1F570];
	_ =	sdelay $0x7  }
0x2c3: {  	[tilespmem:v0+s22+$0x0] =	vst.idx.msk $0xffff, v60;
	v0 =	vld [tilespmem:$0x1F580];
	_ =	sdelay $0x3  }
0x2c4: {  	v60 =	vld.idx.msk [tilespmem:v62+s18+$0x0], $0xffff  }
0x2c5: {  	v62 =	vor.u32 v0, v8;
	v0 =	vld [tilespmem:$0x1F590];
	_ =	sdelay $0x7  }
0x2c6: {  	[tilespmem:v0+s22+$0x0] =	vst.idx.msk $0xffff, v60;
	v0 =	vld [tilespmem:$0x1F5A0];
	_ =	sdelay $0x3  }
0x2c7: {  	v60 =	vld.idx.msk [tilespmem:v62+s18+$0x0], $0xffff  }
0x2c8: {  	v62 =	vor.u32 v0, v8;
	v0 =	vld [tilespmem:$0x1F5B0];
	_ =	sdelay $0x7  }
0x2c9: {  	[tilespmem:v0+s22+$0x0] =	vst.idx.msk $0xffff, v60;
	v0 =	vld [tilespmem:$0x1F5C0];
	_ =	sdelay $0x3  }
0x2ca: {  	v60 =	vld.idx.msk [tilespmem:v62+s18+$0x0], $0xffff  }
0x2cb: {  	v62 =	vor.u32 v0, v8;
	v0 =	vld [tilespmem:$0x1F5D0];
	_ =	sdelay $0x7  }
0x2cc: {  	[tilespmem:v0+s22+$0x0] =	vst.idx.msk $0xffff, v60;
	v0 =	vld [tilespmem:$0x1F5E0];
	_ =	sdelay $0x3  }
0x2cd: {  	v60 =	vld.idx.msk [tilespmem:v62+s18+$0x0], $0xffff  }
0x2ce: {  	v62 =	vor.u32 v0, v8;
	v0 =	vld [tilespmem:$0x1F5F0];
	_ =	sdelay $0x7  }
0x2cf: {  	[tilespmem:v0+s22+$0x0] =	vst.idx.msk $0xffff, v60;
	v0 =	vld [tilespmem:$0x1F600];
	_ =	sdelay $0x3  }
0x2d0: {  	v60 =	vld.idx.msk [tilespmem:v62+s18+$0x0], $0xffff  }
0x2d1: {  	v62 =	vor.u32 v0, v8;
	v0 =	vld [tilespmem:$0x1F610];
	_ =	sdelay $0x7  }
0x2d2: {  	[tilespmem:v0+s22+$0x0] =	vst.idx.msk $0xffff, v60;
	v0 =	vld [tilespmem:$0x1F620];
	_ =	sdelay $0x3  }
0x2d3: {  	v60 =	vld.idx.msk [tilespmem:v62+s18+$0x0], $0xffff  }
0x2d4: {  	v62 =	vor.u32 v0, v8;
	v0 =	vld [tilespmem:$0x1F630];
	_ =	sdelay $0x7  }
0x2d5: {  	[tilespmem:v0+s22+$0x0] =	vst.idx.msk $0xffff, v60;
	v0 =	vld [tilespmem:$0x1F640];
	_ =	sdelay $0x3  }
0x2d6: {  	v60 =	vld.idx.msk [tilespmem:v62+s18+$0x0], $0xffff  }
0x2d7: {  	v62 =	vor.u32 v0, v8;
	v0 =	vld [tilespmem:$0x1F650];
	_ =	sdelay $0x7  }
0x2d8: {  	[tilespmem:v0+s22+$0x0] =	vst.idx.msk $0xffff, v60;
	v0 =	vld [tilespmem:$0x1F660];
	_ =	sdelay $0x3  }
0x2d9: {  	v60 =	vld.idx.msk [tilespmem:v62+s18+$0x0], $0xffff  }
0x2da: {  	v62 =	vor.u32 v0, v8;
	v0 =	vld [tilespmem:$0x1F670];
	_ =	sdelay $0x7  }
0x2db: {  	[tilespmem:v0+s22+$0x0] =	vst.idx.msk $0xffff, v60;
	v0 =	vld [tilespmem:$0x1F680];
	_ =	sdelay $0x3  }
0x2dc: {  	v60 =	vld.idx.msk [tilespmem:v62+s18+$0x0], $0xffff  }
0x2dd: {  	v62 =	vor.u32 v0, v8;
	v0 =	vld [tilespmem:$0x1F690];
	_ =	sdelay $0x7  }
0x2de: {  	[tilespmem:v0+s22+$0x0] =	vst.idx.msk $0xffff, v60;
	v0 =	vld [tilespmem:$0x1F6A0];
	_ =	sdelay $0x3  }
0x2df: {  	v60 =	vld.idx.msk [tilespmem:v62+s18+$0x0], $0xffff  }
0x2e0: {  	v62 =	vor.u32 v0, v8;
	v0 =	vld [tilespmem:$0x1F6B0];
	_ =	sdelay $0x7  }
0x2e1: {  	[tilespmem:v0+s22+$0x0] =	vst.idx.msk $0xffff, v60;
	v0 =	vld [tilespmem:$0x1F6C0];
	_ =	sdelay $0x3  }
0x2e2: {  	v60 =	vld.idx.msk [tilespmem:v62+s18+$0x0], $0xffff  }
0x2e3: {  	v62 =	vor.u32 v0, v8;
	v0 =	vld [tilespmem:$0x1F6D0];
	_ =	sdelay $0x7  }
0x2e4: {  	[tilespmem:v0+s22+$0x0] =	vst.idx.msk $0xffff, v60;
	v0 =	vld [tilespmem:$0x1F6E0];
	_ =	sdelay $0x3  }
0x2e5: {  	v60 =	vld.idx.msk [tilespmem:v62+s18+$0x0], $0xffff  }
0x2e6: {  	v62 =	vor.u32 v0, v8;
	v0 =	vld [tilespmem:$0x1F6F0];
	_ =	sdelay $0x7  }
0x2e7: {  	[tilespmem:v0+s22+$0x0] =	vst.idx.msk $0xffff, v60;
	v0 =	vld [tilespmem:$0x1F700];
	_ =	sdelay $0x4  }
0x2e8: {  	v8 =	vor.u32 v0, v8;
	v0 =	vld [tilespmem:$0x1F710];
	_ =	sdelay $0x2  }
0x2e9: {  	v60 =	vld.idx.msk [tilespmem:v62+s18+$0x0], $0xffff;
	_ =	sdelay $0x4  }
0x2ea: {  	[tilespmem:v0+s22+$0x0] =	vst.idx.msk $0xffff, v60;
	v0 =	vld [tilespmem:$0x1FFF0];
	_ =	sdelay $0x1  }
0x2eb: {  	s6 =	sadd.s32 $0xB0, s31;
	v4 =	vand.u32 $0x7F, v4  }
0x2ec: {  	v4 =	vor.u32 v5, v4;
	v5 =	vmov s6  }
0x2ed: {  	v5 =	vshrl.u32 v5, $0x7  }
0x2ee: {  	v5 =	vshll.u32 v5, v0;
	v0 =	vld [tilespmem:$0x1F720];
	_ =	sdelay $0x2  }
0x2ef: {  	v8 =	vld.idx.msk [tilespmem:v8+s18+$0x0], $0xffff;
	_ =	sdelay $0x4  }
0x2f0: {  	[tilespmem:v0+s22+$0x0] =	vst.idx.msk $0xffff, v8;
	v0 =	vld [tilespmem:$0x1F730];
	_ =	sdelay $0x2  }
0x2f1: {  	v5 =	vbroadcast v5, $0x0;
	_ =	sdelay $0x1  }
0x2f2: {  	v4 =	vld.idx.msk [tilespmem:v4+s19+$0x0], $0xffff;
	v5 =	vor.u32 v0, v5;
	_ =	sdelay $0x4  }
0x2f3: {  	[tilespmem:v5+s23+$0x0] =	vst.idx.msk $0xffff, v4  }
0x2f4: {  	v4 =	vld [tilespmem:s1+$0x68C0];
	_ =	sdelay $0x3  }
0x2f5: {  	v0 =	vld [tilespmem:$0x1F740]  }
0x2f6: {  	v5 =	vshrl.u32 v4, $0x8  }
0x2f7: {  	v5 =	vand.u32 $0x70, v5  }
0x2f8: {  	v8 =	vor.u32 v15, v5;
	_ =	sdelay $0x1  }
0x2f9: {  	v60 =	vor.u32 v0, v5;
	v0 =	vld [tilespmem:$0x1F750];
	_ =	sdelay $0x2  }
0x2fa: {  	v8 =	vld.idx.msk [tilespmem:v8+s18+$0x0], $0xffff;
	_ =	sdelay $0x4  }
0x2fb: {  	[tilespmem:v0+s22+$0x0] =	vst.idx.msk $0xffff, v8;
	v0 =	vld [tilespmem:$0x1F760];
	_ =	sdelay $0x3  }
0x2fc: {  	v8 =	vld.idx.msk [tilespmem:v60+s18+$0x0], $0xffff  }
0x2fd: {  	v60 =	vor.u32 v0, v5;
	v0 =	vld [tilespmem:$0x1F770];
	_ =	sdelay $0x7  }
0x2fe: {  	[tilespmem:v0+s22+$0x0] =	vst.idx.msk $0xffff, v8;
	v0 =	vld [tilespmem:$0x1F780];
	_ =	sdelay $0x3  }
0x2ff: {  	v8 =	vld.idx.msk [tilespmem:v60+s18+$0x0], $0xffff  }
0x300: {  	v60 =	vor.u32 v0, v5;
	v0 =	vld [tilespmem:$0x1F790];
	_ =	sdelay $0x7  }
0x301: {  	[tilespmem:v0+s22+$0x0] =	vst.idx.msk $0xffff, v8;
	v0 =	vld [tilespmem:$0x1F7A0];
	_ =	sdelay $0x3  }
0x302: {  	v8 =	vld.idx.msk [tilespmem:v60+s18+$0x0], $0xffff  }
0x303: {  	v60 =	vor.u32 v0, v5;
	v0 =	vld [tilespmem:$0x1F7B0];
	_ =	sdelay $0x7  }
0x304: {  	[tilespmem:v0+s22+$0x0] =	vst.idx.msk $0xffff, v8;
	v0 =	vld [tilespmem:$0x1F7C0];
	_ =	sdelay $0x3  }
0x305: {  	v8 =	vld.idx.msk [tilespmem:v60+s18+$0x0], $0xffff  }
0x306: {  	v60 =	vor.u32 v0, v5;
	v0 =	vld [tilespmem:$0x1F7D0];
	_ =	sdelay $0x7  }
0x307: {  	[tilespmem:v0+s22+$0x0] =	vst.idx.msk $0xffff, v8;
	v0 =	vld [tilespmem:$0x1F7E0];
	_ =	sdelay $0x3  }
0x308: {  	v8 =	vld.idx.msk [tilespmem:v60+s18+$0x0], $0xffff  }
0x309: {  	v60 =	vor.u32 v0, v5;
	v0 =	vld [tilespmem:$0x1F7F0];
	_ =	sdelay $0x7  }
0x30a: {  	[tilespmem:v0+s22+$0x0] =	vst.idx.msk $0xffff, v8;
	v0 =	vld [tilespmem:$0x1F800];
	_ =	sdelay $0x3  }
0x30b: {  	v8 =	vld.idx.msk [tilespmem:v60+s18+$0x0], $0xffff  }
0x30c: {  	v60 =	vor.u32 v0, v5;
	v0 =	vld [tilespmem:$0x1F810];
	_ =	sdelay $0x7  }
0x30d: {  	[tilespmem:v0+s22+$0x0] =	vst.idx.msk $0xffff, v8;
	v0 =	vld [tilespmem:$0x1F820];
	_ =	sdelay $0x3  }
0x30e: {  	v8 =	vld.idx.msk [tilespmem:v60+s18+$0x0], $0xffff  }
0x30f: {  	v60 =	vor.u32 v0, v5;
	v0 =	vld [tilespmem:$0x1F830];
	_ =	sdelay $0x7  }
0x310: {  	[tilespmem:v0+s22+$0x0] =	vst.idx.msk $0xffff, v8;
	v0 =	vld [tilespmem:$0x1F840];
	_ =	sdelay $0x3  }
0x311: {  	v8 =	vld.idx.msk [tilespmem:v60+s18+$0x0], $0xffff  }
0x312: {  	v60 =	vor.u32 v0, v5;
	v0 =	vld [tilespmem:$0x1F850];
	_ =	sdelay $0x7  }
0x313: {  	[tilespmem:v0+s22+$0x0] =	vst.idx.msk $0xffff, v8;
	v0 =	vld [tilespmem:$0x1F860];
	_ =	sdelay $0x3  }
0x314: {  	v8 =	vld.idx.msk [tilespmem:v60+s18+$0x0], $0xffff  }
0x315: {  	v60 =	vor.u32 v0, v5;
	v0 =	vld [tilespmem:$0x1F870];
	_ =	sdelay $0x7  }
0x316: {  	[tilespmem:v0+s22+$0x0] =	vst.idx.msk $0xffff, v8;
	v0 =	vld [tilespmem:$0x1F880];
	_ =	sdelay $0x3  }
0x317: {  	v8 =	vld.idx.msk [tilespmem:v60+s18+$0x0], $0xffff  }
0x318: {  	v60 =	vor.u32 v0, v5;
	v0 =	vld [tilespmem:$0x1F890];
	_ =	sdelay $0x7  }
0x319: {  	[tilespmem:v0+s22+$0x0] =	vst.idx.msk $0xffff, v8;
	v0 =	vld [tilespmem:$0x1F8A0];
	_ =	sdelay $0x3  }
0x31a: {  	v8 =	vld.idx.msk [tilespmem:v60+s18+$0x0], $0xffff  }
0x31b: {  	v60 =	vor.u32 v0, v5;
	v0 =	vld [tilespmem:$0x1F8B0];
	_ =	sdelay $0x7  }
0x31c: {  	[tilespmem:v0+s22+$0x0] =	vst.idx.msk $0xffff, v8;
	v0 =	vld [tilespmem:$0x1F8C0];
	_ =	sdelay $0x3  }
0x31d: {  	v8 =	vld.idx.msk [tilespmem:v60+s18+$0x0], $0xffff  }
0x31e: {  	v60 =	vor.u32 v0, v5;
	v0 =	vld [tilespmem:$0x1F8D0];
	_ =	sdelay $0x7  }
0x31f: {  	[tilespmem:v0+s22+$0x0] =	vst.idx.msk $0xffff, v8;
	v0 =	vld [tilespmem:$0x1F8E0];
	_ =	sdelay $0x3  }
0x320: {  	v8 =	vld.idx.msk [tilespmem:v60+s18+$0x0], $0xffff  }
0x321: {  	v60 =	vor.u32 v0, v5;
	v0 =	vld [tilespmem:$0x1F8F0];
	_ =	sdelay $0x7  }
0x322: {  	[tilespmem:v0+s22+$0x0] =	vst.idx.msk $0xffff, v8;
	v0 =	vld [tilespmem:$0x1F900];
	_ =	sdelay $0x4  }
0x323: {  	v5 =	vor.u32 v0, v5;
	v0 =	vld [tilespmem:$0x1F910];
	_ =	sdelay $0x2  }
0x324: {  	v8 =	vld.idx.msk [tilespmem:v60+s18+$0x0], $0xffff;
	_ =	sdelay $0x4  }
0x325: {  	[tilespmem:v0+s22+$0x0] =	vst.idx.msk $0xffff, v8;
	v0 =	vld [tilespmem:$0x1FFF0];
	_ =	sdelay $0x1  }
0x326: {  	s14 =	sadd.s32 $0xC0, s31  }
0x327: {  	v8 =	vmov s14  }
0x328: {  	v8 =	vshrl.u32 v8, $0x7  }
0x329: {  	v8 =	vshll.u32 v8, v0;
	v0 =	vld [tilespmem:$0x1F920];
	_ =	sdelay $0x2  }
0x32a: {  	v5 =	vld.idx.msk [tilespmem:v5+s18+$0x0], $0xffff;
	_ =	sdelay $0x3  }
0x32b: {  	v4 =	vand.u32 $0x7F, v4  }
0x32c: {  	v4 =	vor.u32 v15, v4;
	[tilespmem:v0+s22+$0x0] =	vst.idx.msk $0xffff, v5;
	v0 =	vld [tilespmem:$0x1F930];
	_ =	sdelay $0x2  }
0x32d: {  	v8 =	vbroadcast v8, $0x0;
	_ =	sdelay $0x1  }
0x32e: {  	v4 =	vld.idx.msk [tilespmem:v4+s19+$0x0], $0xffff;
	v5 =	vor.u32 v0, v8;
	_ =	sdelay $0x4  }
0x32f: {  	[tilespmem:v5+s23+$0x0] =	vst.idx.msk $0xffff, v4  }
0x330: {  	v4 =	vld [tilespmem:s1+$0x68D0];
	_ =	sdelay $0x1  }
0x331: {  	v0 =	vld [tilespmem:$0x1F940];
	_ =	sdelay $0x1  }
0x332: {  	v62 =	vmov v61;
	v61 =	vmov v3;
	v3 =	vld [tilespmem:$0x1F950]  }
0x333: {  	v5 =	vshrl.u32 v4, $0x8  }
0x334: {  	v5 =	vand.u32 $0x70, v5  }
0x335: {  	v8 =	vor.u32 v0, v5;
	_ =	sdelay $0x1  }
0x336: {  	v15 =	vor.u32 v3, v5;
	v3 =	vld [tilespmem:$0x1F960];
	_ =	sdelay $0x2  }
0x337: {  	v8 =	vld.idx.msk [tilespmem:v8+s18+$0x0], $0xffff;
	_ =	sdelay $0x4  }
0x338: {  	[tilespmem:v3+s22+$0x0] =	vst.idx.msk $0xffff, v8;
	v3 =	vld [tilespmem:$0x1F970];
	_ =	sdelay $0x3  }
0x339: {  	v8 =	vld.idx.msk [tilespmem:v15+s18+$0x0], $0xffff  }
0x33a: {  	v15 =	vor.u32 v3, v5;
	v3 =	vld [tilespmem:$0x1F980];
	_ =	sdelay $0x7  }
0x33b: {  	[tilespmem:v3+s22+$0x0] =	vst.idx.msk $0xffff, v8;
	v3 =	vld [tilespmem:$0x1F990];
	_ =	sdelay $0x3  }
0x33c: {  	v8 =	vld.idx.msk [tilespmem:v15+s18+$0x0], $0xffff  }
0x33d: {  	v15 =	vor.u32 v3, v5;
	v3 =	vld [tilespmem:$0x1F9A0];
	_ =	sdelay $0x7  }
0x33e: {  	[tilespmem:v3+s22+$0x0] =	vst.idx.msk $0xffff, v8;
	v3 =	vld [tilespmem:$0x1F9B0];
	_ =	sdelay $0x3  }
0x33f: {  	v8 =	vld.idx.msk [tilespmem:v15+s18+$0x0], $0xffff  }
0x340: {  	v15 =	vor.u32 v3, v5;
	v3 =	vld [tilespmem:$0x1F9C0];
	_ =	sdelay $0x7  }
0x341: {  	[tilespmem:v3+s22+$0x0] =	vst.idx.msk $0xffff, v8;
	v3 =	vld [tilespmem:$0x1F9D0];
	_ =	sdelay $0x3  }
0x342: {  	v8 =	vld.idx.msk [tilespmem:v15+s18+$0x0], $0xffff  }
0x343: {  	v15 =	vor.u32 v3, v5;
	v3 =	vld [tilespmem:$0x1F9E0];
	_ =	sdelay $0x7  }
0x344: {  	[tilespmem:v3+s22+$0x0] =	vst.idx.msk $0xffff, v8;
	v3 =	vld [tilespmem:$0x1F9F0];
	_ =	sdelay $0x3  }
0x345: {  	v8 =	vld.idx.msk [tilespmem:v15+s18+$0x0], $0xffff  }
0x346: {  	v15 =	vor.u32 v3, v5;
	v3 =	vld [tilespmem:$0x1FA00];
	_ =	sdelay $0x7  }
0x347: {  	[tilespmem:v3+s22+$0x0] =	vst.idx.msk $0xffff, v8;
	v3 =	vld [tilespmem:$0x1FA10];
	_ =	sdelay $0x3  }
0x348: {  	v8 =	vld.idx.msk [tilespmem:v15+s18+$0x0], $0xffff  }
0x349: {  	v15 =	vor.u32 v3, v5;
	v3 =	vld [tilespmem:$0x1FA20];
	_ =	sdelay $0x7  }
0x34a: {  	[tilespmem:v3+s22+$0x0] =	vst.idx.msk $0xffff, v8;
	v3 =	vld [tilespmem:$0x1FA30];
	_ =	sdelay $0x3  }
0x34b: {  	v8 =	vld.idx.msk [tilespmem:v15+s18+$0x0], $0xffff  }
0x34c: {  	v15 =	vor.u32 v3, v5;
	v3 =	vld [tilespmem:$0x1FA40];
	_ =	sdelay $0x7  }
0x34d: {  	[tilespmem:v3+s22+$0x0] =	vst.idx.msk $0xffff, v8;
	v3 =	vld [tilespmem:$0x1FA50];
	_ =	sdelay $0x3  }
0x34e: {  	v8 =	vld.idx.msk [tilespmem:v15+s18+$0x0], $0xffff  }
0x34f: {  	v15 =	vor.u32 v3, v5;
	v3 =	vld [tilespmem:$0x1FA60];
	_ =	sdelay $0x7  }
0x350: {  	[tilespmem:v3+s22+$0x0] =	vst.idx.msk $0xffff, v8;
	v3 =	vld [tilespmem:$0x1FA70];
	_ =	sdelay $0x3  }
0x351: {  	v8 =	vld.idx.msk [tilespmem:v15+s18+$0x0], $0xffff  }
0x352: {  	v15 =	vor.u32 v3, v5;
	v3 =	vld [tilespmem:$0x1FA80];
	_ =	sdelay $0x7  }
0x353: {  	[tilespmem:v3+s22+$0x0] =	vst.idx.msk $0xffff, v8;
	v3 =	vld [tilespmem:$0x1FA90];
	_ =	sdelay $0x3  }
0x354: {  	v8 =	vld.idx.msk [tilespmem:v15+s18+$0x0], $0xffff  }
0x355: {  	v15 =	vor.u32 v3, v5;
	v3 =	vld [tilespmem:$0x1FAA0];
	_ =	sdelay $0x7  }
0x356: {  	[tilespmem:v3+s22+$0x0] =	vst.idx.msk $0xffff, v8;
	v3 =	vld [tilespmem:$0x1FAB0];
	_ =	sdelay $0x3  }
0x357: {  	v8 =	vld.idx.msk [tilespmem:v15+s18+$0x0], $0xffff  }
0x358: {  	v15 =	vor.u32 v3, v5;
	v3 =	vld [tilespmem:$0x1FAC0];
	_ =	sdelay $0x7  }
0x359: {  	[tilespmem:v3+s22+$0x0] =	vst.idx.msk $0xffff, v8;
	v3 =	vld [tilespmem:$0x1FAD0];
	_ =	sdelay $0x3  }
0x35a: {  	v8 =	vld.idx.msk [tilespmem:v15+s18+$0x0], $0xffff  }
0x35b: {  	v15 =	vor.u32 v3, v5;
	v3 =	vld [tilespmem:$0x1FAE0];
	_ =	sdelay $0x7  }
0x35c: {  	[tilespmem:v3+s22+$0x0] =	vst.idx.msk $0xffff, v8;
	v3 =	vld [tilespmem:$0x1FAF0];
	_ =	sdelay $0x3  }
0x35d: {  	v8 =	vld.idx.msk [tilespmem:v15+s18+$0x0], $0xffff  }
0x35e: {  	v15 =	vor.u32 v3, v5;
	v3 =	vld [tilespmem:$0x1FB00];
	_ =	sdelay $0x7  }
0x35f: {  	[tilespmem:v3+s22+$0x0] =	vst.idx.msk $0xffff, v8;
	v3 =	vld [tilespmem:$0x1FB10];
	_ =	sdelay $0x4  }
0x360: {  	v5 =	vor.u32 v3, v5;
	v3 =	vld [tilespmem:$0x1FB20];
	_ =	sdelay $0x2  }
0x361: {  	v8 =	vld.idx.msk [tilespmem:v15+s18+$0x0], $0xffff  }
0x362: {  	v4 =	vand.u32 $0x7F, v4  }
0x363: {  	v4 =	vor.u32 v0, v4;
	v0 =	vld [tilespmem:$0x1FFF0];
	_ =	sdelay $0x1  }
0x364: {  	s5 =	sadd.s32 $0xD0, s31  }
0x365: {  	[tilespmem:v3+s22+$0x0] =	vst.idx.msk $0xffff, v8;
	v8 =	vmov s5  }
0x366: {  	v8 =	vshrl.u32 v8, $0x7  }
0x367: {  	v8 =	vshll.u32 v8, v0;
	v0 =	vld [tilespmem:$0x1FB30];
	_ =	sdelay $0x2  }
0x368: {  	v5 =	vld.idx.msk [tilespmem:v5+s18+$0x0], $0xffff;
	_ =	sdelay $0x4  }
0x369: {  	[tilespmem:v0+s22+$0x0] =	vst.idx.msk $0xffff, v5;
	v0 =	vld [tilespmem:$0x1FB40];
	_ =	sdelay $0x2  }
0x36a: {  	v8 =	vbroadcast v8, $0x0;
	_ =	sdelay $0x1  }
0x36b: {  	v4 =	vld.idx.msk [tilespmem:v4+s19+$0x0], $0xffff;
	v5 =	vor.u32 v0, v8;
	_ =	sdelay $0x4  }
0x36c: {  	[tilespmem:v5+s23+$0x0] =	vst.idx.msk $0xffff, v4  }
0x36d: {  	v4 =	vld [tilespmem:s1+$0x68E0];
	_ =	sdelay $0x3  }
0x36e: {  	v0 =	vld [tilespmem:$0x1FB50]  }
0x36f: {  	v5 =	vshrl.u32 v4, $0x8  }
0x370: {  	v5 =	vand.u32 $0x70, v5  }
0x371: {  	v8 =	vor.u32 v49, v5;
	_ =	sdelay $0x1  }
0x372: {  	v15 =	vor.u32 v0, v5;
	v0 =	vld [tilespmem:$0x1FB60];
	_ =	sdelay $0x2  }
0x373: {  	v8 =	vld.idx.msk [tilespmem:v8+s18+$0x0], $0xffff;
	_ =	sdelay $0x4  }
0x374: {  	[tilespmem:v0+s22+$0x0] =	vst.idx.msk $0xffff, v8;
	v0 =	vld [tilespmem:$0x1FB70];
	_ =	sdelay $0x3  }
0x375: {  	v8 =	vld.idx.msk [tilespmem:v15+s18+$0x0], $0xffff  }
0x376: {  	v15 =	vor.u32 v0, v5;
	v0 =	vld [tilespmem:$0x1FB80];
	_ =	sdelay $0x7  }
0x377: {  	[tilespmem:v0+s22+$0x0] =	vst.idx.msk $0xffff, v8;
	v0 =	vld [tilespmem:$0x1FB90];
	_ =	sdelay $0x3  }
0x378: {  	v8 =	vld.idx.msk [tilespmem:v15+s18+$0x0], $0xffff  }
0x379: {  	v15 =	vor.u32 v0, v5;
	v0 =	vld [tilespmem:$0x1FBA0];
	_ =	sdelay $0x7  }
0x37a: {  	[tilespmem:v0+s22+$0x0] =	vst.idx.msk $0xffff, v8;
	v0 =	vld [tilespmem:$0x1FBB0];
	_ =	sdelay $0x3  }
0x37b: {  	v8 =	vld.idx.msk [tilespmem:v15+s18+$0x0], $0xffff  }
0x37c: {  	v15 =	vor.u32 v0, v5;
	v0 =	vld [tilespmem:$0x1FBC0];
	_ =	sdelay $0x7  }
0x37d: {  	[tilespmem:v0+s22+$0x0] =	vst.idx.msk $0xffff, v8;
	v0 =	vld [tilespmem:$0x1FBD0];
	_ =	sdelay $0x3  }
0x37e: {  	v8 =	vld.idx.msk [tilespmem:v15+s18+$0x0], $0xffff  }
0x37f: {  	v15 =	vor.u32 v0, v5;
	v0 =	vld [tilespmem:$0x1FBE0];
	_ =	sdelay $0x7  }
0x380: {  	[tilespmem:v0+s22+$0x0] =	vst.idx.msk $0xffff, v8;
	v0 =	vld [tilespmem:$0x1FBF0];
	_ =	sdelay $0x3  }
0x381: {  	v8 =	vld.idx.msk [tilespmem:v15+s18+$0x0], $0xffff  }
0x382: {  	v15 =	vor.u32 v0, v5;
	v0 =	vld [tilespmem:$0x1FC00];
	_ =	sdelay $0x7  }
0x383: {  	[tilespmem:v0+s22+$0x0] =	vst.idx.msk $0xffff, v8;
	v0 =	vld [tilespmem:$0x1FC10];
	_ =	sdelay $0x3  }
0x384: {  	v8 =	vld.idx.msk [tilespmem:v15+s18+$0x0], $0xffff  }
0x385: {  	v15 =	vor.u32 v0, v5;
	v0 =	vld [tilespmem:$0x1FC20];
	_ =	sdelay $0x7  }
0x386: {  	[tilespmem:v0+s22+$0x0] =	vst.idx.msk $0xffff, v8;
	v0 =	vld [tilespmem:$0x1FC30];
	_ =	sdelay $0x3  }
0x387: {  	v8 =	vld.idx.msk [tilespmem:v15+s18+$0x0], $0xffff  }
0x388: {  	v15 =	vor.u32 v0, v5;
	v0 =	vld [tilespmem:$0x1FC40];
	_ =	sdelay $0x7  }
0x389: {  	[tilespmem:v0+s22+$0x0] =	vst.idx.msk $0xffff, v8;
	v0 =	vld [tilespmem:$0x1FC50];
	_ =	sdelay $0x3  }
0x38a: {  	v8 =	vld.idx.msk [tilespmem:v15+s18+$0x0], $0xffff  }
0x38b: {  	v15 =	vor.u32 v0, v5;
	v0 =	vld [tilespmem:$0x1FC60];
	_ =	sdelay $0x7  }
0x38c: {  	[tilespmem:v0+s22+$0x0] =	vst.idx.msk $0xffff, v8;
	v0 =	vld [tilespmem:$0x1FC70];
	_ =	sdelay $0x3  }
0x38d: {  	v8 =	vld.idx.msk [tilespmem:v15+s18+$0x0], $0xffff  }
0x38e: {  	v15 =	vor.u32 v0, v5;
	v0 =	vld [tilespmem:$0x1FC80];
	_ =	sdelay $0x7  }
0x38f: {  	[tilespmem:v0+s22+$0x0] =	vst.idx.msk $0xffff, v8;
	v0 =	vld [tilespmem:$0x1FC90];
	_ =	sdelay $0x3  }
0x390: {  	v8 =	vld.idx.msk [tilespmem:v15+s18+$0x0], $0xffff  }
0x391: {  	v15 =	vor.u32 v0, v5;
	v0 =	vld [tilespmem:$0x1FCA0];
	_ =	sdelay $0x7  }
0x392: {  	[tilespmem:v0+s22+$0x0] =	vst.idx.msk $0xffff, v8;
	v0 =	vld [tilespmem:$0x1FCB0];
	_ =	sdelay $0x3  }
0x393: {  	v8 =	vld.idx.msk [tilespmem:v15+s18+$0x0], $0xffff  }
0x394: {  	v15 =	vor.u32 v0, v5;
	v0 =	vld [tilespmem:$0x1FCC0];
	_ =	sdelay $0x7  }
0x395: {  	[tilespmem:v0+s22+$0x0] =	vst.idx.msk $0xffff, v8;
	v0 =	vld [tilespmem:$0x1FCD0];
	_ =	sdelay $0x3  }
0x396: {  	v8 =	vld.idx.msk [tilespmem:v15+s18+$0x0], $0xffff  }
0x397: {  	v15 =	vor.u32 v0, v5;
	v0 =	vld [tilespmem:$0x1FCE0];
	_ =	sdelay $0x7  }
0x398: {  	[tilespmem:v0+s22+$0x0] =	vst.idx.msk $0xffff, v8;
	v0 =	vld [tilespmem:$0x1FCF0];
	_ =	sdelay $0x3  }
0x399: {  	v8 =	vld.idx.msk [tilespmem:v15+s18+$0x0], $0xffff  }
0x39a: {  	v15 =	vor.u32 v0, v5;
	v0 =	vld [tilespmem:$0x1FD00];
	_ =	sdelay $0x7  }
0x39b: {  	[tilespmem:v0+s22+$0x0] =	vst.idx.msk $0xffff, v8;
	v0 =	vld [tilespmem:$0x1FD10];
	_ =	sdelay $0x4  }
0x39c: {  	v5 =	vor.u32 v0, v5;
	v0 =	vld [tilespmem:$0x1FD20];
	_ =	sdelay $0x2  }
0x39d: {  	v8 =	vld.idx.msk [tilespmem:v15+s18+$0x0], $0xffff;
	_ =	sdelay $0x1  }
0x39e: {  	v3 =	vld [tilespmem:$0x1FFF0];
	_ =	sdelay $0x1  }
0x39f: {  	s6 =	sadd.s32 $0xE0, s31;
	v4 =	vand.u32 $0x7F, v4  }
0x3a0: {  	[tilespmem:v0+s22+$0x0] =	vst.idx.msk $0xffff, v8;
	v0 =	vor.u32 v49, v4;
	v4 =	vmov s6  }
0x3a1: {  	v4 =	vshrl.u32 v4, $0x7  }
0x3a2: {  	v4 =	vshll.u32 v4, v3;
	v3 =	vld [tilespmem:$0x1FD30];
	_ =	sdelay $0x2  }
0x3a3: {  	v5 =	vld.idx.msk [tilespmem:v5+s18+$0x0], $0xffff;
	_ =	sdelay $0x4  }
0x3a4: {  	[tilespmem:v3+s22+$0x0] =	vst.idx.msk $0xffff, v5;
	v3 =	vld [tilespmem:$0x1FD40];
	_ =	sdelay $0x2  }
0x3a5: {  	v4 =	vbroadcast v4, $0x0;
	_ =	sdelay $0x1  }
0x3a6: {  	v0 =	vld.idx.msk [tilespmem:v0+s19+$0x0], $0xffff;
	v4 =	vor.u32 v3, v4;
	_ =	sdelay $0x4  }
0x3a7: {  	[tilespmem:v4+s23+$0x0] =	vst.idx.msk $0xffff, v0  }
0x3a8: {  	v0 =	vld [tilespmem:s1+$0x68F0];
	_ =	sdelay $0x3  }
0x3a9: {  	v3 =	vld [tilespmem:$0x1FD50]  }
0x3aa: {  	v4 =	vshrl.u32 v0, $0x8  }
0x3ab: {  	v4 =	vand.u32 $0x70, v4  }
0x3ac: {  	v5 =	vor.u32 v41, v4;
	_ =	sdelay $0x1  }
0x3ad: {  	v8 =	vor.u32 v3, v4;
	v3 =	vld [tilespmem:$0x1FD60];
	_ =	sdelay $0x2  }
0x3ae: {  	v5 =	vld.idx.msk [tilespmem:v5+s18+$0x0], $0xffff;
	_ =	sdelay $0x4  }
0x3af: {  	[tilespmem:v3+s22+$0x0] =	vst.idx.msk $0xffff, v5;
	v3 =	vld [tilespmem:$0x1FD70];
	_ =	sdelay $0x3  }
0x3b0: {  	v5 =	vld.idx.msk [tilespmem:v8+s18+$0x0], $0xffff  }
0x3b1: {  	v8 =	vor.u32 v3, v4;
	v3 =	vld [tilespmem:$0x1FD80];
	_ =	sdelay $0x7  }
0x3b2: {  	[tilespmem:v3+s22+$0x0] =	vst.idx.msk $0xffff, v5;
	v3 =	vld [tilespmem:$0x1FD90];
	_ =	sdelay $0x3  }
0x3b3: {  	v5 =	vld.idx.msk [tilespmem:v8+s18+$0x0], $0xffff  }
0x3b4: {  	v8 =	vor.u32 v3, v4;
	v3 =	vld [tilespmem:$0x1FDA0];
	_ =	sdelay $0x7  }
0x3b5: {  	[tilespmem:v3+s22+$0x0] =	vst.idx.msk $0xffff, v5;
	v3 =	vld [tilespmem:$0x1FDB0];
	_ =	sdelay $0x3  }
0x3b6: {  	v5 =	vld.idx.msk [tilespmem:v8+s18+$0x0], $0xffff  }
0x3b7: {  	v8 =	vor.u32 v3, v4;
	v3 =	vld [tilespmem:$0x1FDC0];
	_ =	sdelay $0x7  }
0x3b8: {  	[tilespmem:v3+s22+$0x0] =	vst.idx.msk $0xffff, v5;
	v3 =	vld [tilespmem:$0x1FDD0];
	_ =	sdelay $0x3  }
0x3b9: {  	v5 =	vld.idx.msk [tilespmem:v8+s18+$0x0], $0xffff  }
0x3ba: {  	v8 =	vor.u32 v3, v4;
	v3 =	vld [tilespmem:$0x1FDE0];
	_ =	sdelay $0x7  }
0x3bb: {  	[tilespmem:v3+s22+$0x0] =	vst.idx.msk $0xffff, v5;
	v3 =	vld [tilespmem:$0x1FDF0];
	_ =	sdelay $0x3  }
0x3bc: {  	v5 =	vld.idx.msk [tilespmem:v8+s18+$0x0], $0xffff  }
0x3bd: {  	v8 =	vor.u32 v3, v4;
	v3 =	vld [tilespmem:$0x1FE00];
	_ =	sdelay $0x7  }
0x3be: {  	[tilespmem:v3+s22+$0x0] =	vst.idx.msk $0xffff, v5;
	v3 =	vld [tilespmem:$0x1FE10];
	_ =	sdelay $0x3  }
0x3bf: {  	v5 =	vld.idx.msk [tilespmem:v8+s18+$0x0], $0xffff  }
0x3c0: {  	v8 =	vor.u32 v3, v4;
	v3 =	vld [tilespmem:$0x1FE20];
	_ =	sdelay $0x7  }
0x3c1: {  	[tilespmem:v3+s22+$0x0] =	vst.idx.msk $0xffff, v5;
	v3 =	vld [tilespmem:$0x1FE30];
	_ =	sdelay $0x3  }
0x3c2: {  	v5 =	vld.idx.msk [tilespmem:v8+s18+$0x0], $0xffff  }
0x3c3: {  	v8 =	vor.u32 v3, v4;
	v3 =	vld [tilespmem:$0x1FE40];
	_ =	sdelay $0x7  }
0x3c4: {  	[tilespmem:v3+s22+$0x0] =	vst.idx.msk $0xffff, v5;
	v3 =	vld [tilespmem:$0x1FE50];
	_ =	sdelay $0x3  }
0x3c5: {  	v5 =	vld.idx.msk [tilespmem:v8+s18+$0x0], $0xffff  }
0x3c6: {  	v8 =	vor.u32 v3, v4;
	v3 =	vld [tilespmem:$0x1FE60];
	_ =	sdelay $0x7  }
0x3c7: {  	[tilespmem:v3+s22+$0x0] =	vst.idx.msk $0xffff, v5;
	v3 =	vld [tilespmem:$0x1FE70];
	_ =	sdelay $0x3  }
0x3c8: {  	v5 =	vld.idx.msk [tilespmem:v8+s18+$0x0], $0xffff  }
0x3c9: {  	v8 =	vor.u32 v3, v4;
	v3 =	vld [tilespmem:$0x1FE80];
	_ =	sdelay $0x7  }
0x3ca: {  	[tilespmem:v3+s22+$0x0] =	vst.idx.msk $0xffff, v5;
	v3 =	vld [tilespmem:$0x1FE90];
	_ =	sdelay $0x3  }
0x3cb: {  	v5 =	vld.idx.msk [tilespmem:v8+s18+$0x0], $0xffff  }
0x3cc: {  	v8 =	vor.u32 v3, v4;
	v3 =	vld [tilespmem:$0x1FEA0];
	_ =	sdelay $0x7  }
0x3cd: {  	[tilespmem:v3+s22+$0x0] =	vst.idx.msk $0xffff, v5;
	v3 =	vld [tilespmem:$0x1FEB0];
	_ =	sdelay $0x3  }
0x3ce: {  	v5 =	vld.idx.msk [tilespmem:v8+s18+$0x0], $0xffff  }
0x3cf: {  	v8 =	vor.u32 v3, v4;
	v3 =	vld [tilespmem:$0x1FEC0];
	_ =	sdelay $0x7  }
0x3d0: {  	[tilespmem:v3+s22+$0x0] =	vst.idx.msk $0xffff, v5;
	v3 =	vld [tilespmem:$0x1FED0];
	_ =	sdelay $0x3  }
0x3d1: {  	v5 =	vld.idx.msk [tilespmem:v8+s18+$0x0], $0xffff  }
0x3d2: {  	v8 =	vor.u32 v3, v4;
	v3 =	vld [tilespmem:$0x1FEE0];
	_ =	sdelay $0x7  }
0x3d3: {  	[tilespmem:v3+s22+$0x0] =	vst.idx.msk $0xffff, v5;
	v3 =	vld [tilespmem:$0x1FEF0];
	_ =	sdelay $0x2  }
0x3d4: {  	v5 =	vld.idx.msk [tilespmem:v8+s18+$0x0], $0xffff;
	_ =	sdelay $0x4  }
0x3d5: {  	[tilespmem:v3+s22+$0x0] =	vst.idx.msk $0xffff, v5;
	v3 =	vld [tilespmem:$0x1FF00];
	_ =	sdelay $0x2  }
0x3d6: {  	v7 =	vor.u32 v7, v4;
	_ =	sdelay $0x1  }
0x3d7: {  	v3 =	vor.u32 v3, v4;
	v4 =	vld [tilespmem:$0x1FF10];
	_ =	sdelay $0x2  }
0x3d8: {  	v5 =	vld.idx.msk [tilespmem:v7+s18+$0x0], $0xffff;
	_ =	sdelay $0x4  }
0x3d9: {  	[tilespmem:v4+s22+$0x0] =	vst.idx.msk $0xffff, v5;
	v5 =	vld [tilespmem:$0x1FFF0];
	_ =	sdelay $0x1  }
0x3da: {  	s14 =	sadd.s32 $0xF0, s31;
	v0 =	vand.u32 $0x7F, v0;
	v3 =	vld.idx.msk [tilespmem:v3+s18+$0x0], $0xffff  }
0x3db: {  	v0 =	vor.u32 v41, v0;
	v4 =	vmov s14  }
0x3dc: {  	v4 =	vshrl.u32 v4, $0x7  }
0x3dd: {  	v4 =	vshll.u32 v4, v5  }
0x3de: {  	v4 =	vbroadcast v4, $0x0  }
0x3df: {  	[tilespmem:v11+s22+$0x0] =	vst.idx.msk $0xffff, v3  }
0x3e0: {  	v0 =	vld.idx.msk [tilespmem:v0+s19+$0x0], $0xffff;
	v3 =	vor.u32 v59, v4  }
0x3e1: {  	v15 =	vld [tilespmem:$0x1FFB0]  }
0x3e2: {  	v49 =	vld [tilespmem:$0x1FFD0]  }
0x3e3: {  	s31 =	sadd.s32 $0x100, s31;
	v41 =	vld [tilespmem:$0x1FFC0]  }
0x3e4: {  	p0 =	sne.s32 s31, $0x3400;
	v8 =	vld [tilespmem:$0x1FF90]  }
.Ltmp0:
0x3e5: {  	v7 =	vld [tilespmem:$0x1FF70];
	[tilespmem:v3+s23+$0x0] =	vst.idx.msk $0xffff, v0;
	(pc) =	sbr.rel @p0 .LBB2_2-.Ltmp0, $4  }
0x3e6: {  	v11 =	vld [tilespmem:$0x1FFA0];
	[hbm4b:s28+s2] =	stream.linear.scatter [tilespmem:s22], [sflag:$0x5], $0x800, $0x38  }
0x3e7: {  	v59 =	vld [tilespmem:$0x1FFE0];
	_ =	swait.ge [sflag:s12], $0x800  }
0x3e8: {  	s30 =	sadd.s32 $0x400, s30;
	[sflag:s12] =	ssyncset.done $0x0  }
0x3e9: {  	s29 =	sadd.s32 $0x200, s29;
	v60 =	vmov v6;
	v6 =	vlaneseq.u32;
	s28 =	sadd.s32 $0x200, s28;
	[sflag:s12] =	ssyncadd.s32 $0xFFFFF800  }
0x3ea: {  	s26 =	sadd.s32 $0x1, s26  }
0x3eb: {  	p0 =	sne.s32 s26, s9  }
.Ltmp1:
0x3ec: {  	_ = 	snop;
	(pc) =	sbr.rel @p0 .LBB2_1-.Ltmp1, $4  }
0x3ed: {  	[hbm4b:s8+s2] =	stream.linear.scatter [tilespmem:s23], [sflag:$0x5], $0x3400, $0x38;
	[tilespmem:$0x1D800] =	vst v63  }
0x3ee: {  	_ =	swait.ge [sflag:s12], $0x3400  }
0x3ef: {  	[sflag:s12] =	ssyncset.done $0x0  }
0x3f0: {  	[sflag:s12] =	ssyncadd.s32 $0xFFFFCC00  }
0x3f1: {  	_ =	sfence.sel $0x180000  }
0x3f2: {  	[bflag:$0x0] =	sbarrier.arrive $0xFFFF  }
0x3f3: {  	_ =	strace $0x90000047  }
0x3f4: {  	s0 =	stileid.u32;
	[bflag:$0x2] =	sbarrier.arrive $0xFFFF  }
0x3f5: {  	p0 =	sne.s32 s0, $0x0;
	s0 =	rddreg [dreg:$0x1]  }
0x3f6: {  	s0 =	sadd.s32 @!p0 $0x100000, s0  }
0x3f7: {  	[sflag:s0] =	ssyncadd.tile.s32 @!p0 $0x1;
	_ =	shalt  }
.Lfunc_end2:
_tile_overlayer_lowered:
.L_overlay_start_2:
0x3f8: {  	(tag) =	ssettag $0x2  }
0x3f9: {  	s0 =	rddreg [dreg:$0x0];
	s2 =	stileid.u32  }
0x3fa: {  	s1 =	rddreg [dreg:$0x1];
	p0 =	sne.s32 s2, $0x0  }
0x3fb: {  	s3 =	rddreg [dreg:$0x2];
	[bflag:$0x3] =	sbarrier.arrive $0xFFFF;
	s2 =	simm.s32 @!p0 $0x1C05  }
0x3fc: {  	[timem:s3], [sflag:s2] =	dma.local @!p0 [hbm:s0], s1  }
0x3fd: {  	s0 =	simm.s32 @!p0 $0x5  }
0x3fe: {  	_ =	swait.ge @!p0 [sflag:s0], s1  }
0x3ff: {  	s1 =	ssub.s32 @!p0 $0x0, s1;
	[sflag:s0] =	ssyncset.done @!p0 $0x0  }
0x400: {  	[sflag:s0] =	ssyncadd.s32 @!p0 s1  }
0x401: {  	[bflag:$0x3] =	sbarrier.arrive $0xFFFF  }
0x402: {  	_ =	shalt  }

</sc_bundles>
